<compile_context>
chip_gen: v7x
topology: tpu7x:2x2x1
jax: 0.10.2.dev20260603
libtpu: 0.0.44.dev20260713+nightly
codegen_flags: <defaults>
</compile_context>

<pallas_src>
import functools

import jax
import jax.numpy as jnp
from jax import lax
from jax.experimental import pallas as pl
from jax.experimental.pallas import tpu as pltpu
from jax.experimental.pallas import tpu_sc as plsc

N = 10000
E = 320000
D = 128
F32 = jnp.float32
I32 = jnp.int32

NW = 32
EPW = E // NW
CH3 = 2000
CW = 80
NCH = EPW // CW
BN_E = 2000
BU_E = 2560
BN_N = 2000
RPT = 624
EPS = 1e-5

_sc_mesh = plsc.VectorSubcoreMesh(core_axis_name="c", subcore_axis_name="s")
_sc_params = pltpu.CompilerParams(needs_layout_passes=False)


def _k1_body(h_ref, wh_ref, wsd_ref, wpq_ref, we_ref, wpe_ref, wue_ref,
             zh_ref, as_ref, ad_ref, pq_ref, me_ref, mu_ref):
    zh = jnp.dot(h_ref[...], wh_ref[...], preferred_element_type=F32)
    zh_ref[...] = zh
    as_ref[...] = jnp.dot(zh, wsd_ref[:D], preferred_element_type=F32)
    ad_ref[...] = jnp.dot(zh, wsd_ref[D:], preferred_element_type=F32)
    pq_ref[...] = lax.dot_general(wpq_ref[...], zh, (((0,), (1,)), ((), ())),
                                  preferred_element_type=F32)
    me_ref[...] = jnp.dot(we_ref[...], wpe_ref[...], preferred_element_type=F32)
    mu_ref[...] = jnp.dot(we_ref[...], wue_ref[...], preferred_element_type=F32)


_k1 = pl.pallas_call(
    _k1_body,
    out_shape=[
        jax.ShapeDtypeStruct((N, D), F32),
        jax.ShapeDtypeStruct((N, D), F32),
        jax.ShapeDtypeStruct((N, D), F32),
        jax.ShapeDtypeStruct((8, N), F32),
        jax.ShapeDtypeStruct((D, D), F32),
        jax.ShapeDtypeStruct((D, 8), F32),
    ],
)


def _k2_body(e_ref, me_ref, mu_ref, c_ref, u_ref):
    x = e_ref[...]
    c_ref[...] = jnp.dot(x, me_ref[...], preferred_element_type=F32)
    u_ref[...] = lax.dot_general(mu_ref[...], x, (((0,), (1,)), ((), ())),
                                 preferred_element_type=F32)


_k2 = pl.pallas_call(
    _k2_body,
    grid=(E // BU_E,),
    in_specs=[
        pl.BlockSpec((BU_E, D), lambda i: (i, 0)),
        pl.BlockSpec((D, D), lambda i: (0, 0)),
        pl.BlockSpec((D, 8), lambda i: (0, 0)),
    ],
    out_specs=[
        pl.BlockSpec((BU_E, D), lambda i: (i, 0)),
        pl.BlockSpec((8, BU_E), lambda i: (0, i)),
    ],
    out_shape=[
        jax.ShapeDtypeStruct((E, D), F32),
        jax.ShapeDtypeStruct((8, E), F32),
    ],
)


@functools.partial(
    pl.kernel,
    mesh=_sc_mesh,
    compiler_params=_sc_params,
    out_type=[
        jax.ShapeDtypeStruct((E,), F32),
        jax.ShapeDtypeStruct((NW * N,), F32),
    ],
    scratch_types=[
        pltpu.VMEM((N,), F32),
        pltpu.VMEM((N,), F32),
        pltpu.VMEM((N,), F32),
        pltpu.VMEM((CH3,), F32),
        pltpu.VMEM((CH3,), I32),
        pltpu.VMEM((CH3,), I32),
        pltpu.VMEM((CH3,), F32),
    ],
)
def _k3(u_hbm, pq_hbm, ei_hbm, ex_hbm, den_hbm,
        p_v, q_v, den_v, u_v, s_v, d_v, ex_v):
    wid = lax.axis_index("s") * 2 + lax.axis_index("c")
    pltpu.sync_copy(pq_hbm.at[pl.ds(0, N)], p_v)
    pltpu.sync_copy(pq_hbm.at[pl.ds(N, N)], q_v)

    def _zero(i, carry):
        den_v[pl.ds(i * 16, 16)] = jnp.zeros((16,), F32)
        return carry

    lax.fori_loop(0, N // 16, _zero, 0)

    def _chunk(c, carry):
        base = wid * EPW + c * CH3
        pltpu.sync_copy(u_hbm.at[pl.ds(base, CH3)], u_v)
        pltpu.sync_copy(ei_hbm.at[pl.ds(base, CH3)], s_v)
        pltpu.sync_copy(ei_hbm.at[pl.ds(E + base, CH3)], d_v)

        def _inner(j, icarry):
            off = j * 16
            s = s_v[pl.ds(off, 16)]
            dd = d_v[pl.ds(off, 16)]
            pg = plsc.load_gather(p_v, [s])
            qg = plsc.load_gather(q_v, [dd])
            a = jnp.maximum(u_v[pl.ds(off, 16)] + pg + qg, 0.0)
            ev = jnp.exp(a)
            ex_v[pl.ds(off, 16)] = ev
            plsc.addupdate_scatter(den_v, [dd], ev)
            return icarry

        lax.fori_loop(0, CH3 // 16, _inner, 0)
        pltpu.sync_copy(ex_v, ex_hbm.at[pl.ds(base, CH3)])
        return carry

    lax.fori_loop(0, EPW // CH3, _chunk, 0)
    pltpu.sync_copy(den_v, den_hbm.at[pl.ds(wid * N, N)])


@functools.partial(
    pl.kernel,
    mesh=_sc_mesh,
    compiler_params=_sc_params,
    out_type=jax.ShapeDtypeStruct((2, N, D), F32),
    scratch_types=[
        pltpu.VMEM((EPW,), I32),
        pltpu.VMEM((EPW,), I32),
        pltpu.VMEM((EPW,), F32),
        pltpu.VMEM((CW, D), F32),
        pltpu.VMEM((CW, D), F32),
        pltpu.VMEM_SHARED((N, D), F32),
        pltpu.SemaphoreType.DMA,
        pltpu.SemaphoreType.DMA,
    ],
)
def _k4(ex_hbm, ei_hbm, zh_hbm, out_hbm,
        s1d, d1d, e1d, rows0, rows1, hsh, semf0, semf1):
    cid = lax.axis_index("c")
    sid = lax.axis_index("s")
    wid = sid * 2 + cid

    for i in range(16):
        for g in range(D // 16):
            rows1[i, pl.ds(g * 16, 16)] = jnp.zeros((16,), F32)
    tstart = sid * RPT
    nz = (RPT // 16) + jnp.where(sid == 15, 1, 0)

    def _zfill(t, carry):
        pltpu.sync_copy(rows1.at[pl.ds(0, 16)], hsh.at[pl.ds(tstart + t * 16, 16)])
        return carry

    lax.fori_loop(0, nz, _zfill, 0)
    plsc.subcore_barrier()

    ebase = wid * EPW
    pltpu.sync_copy(ei_hbm.at[pl.ds(ebase, EPW)], s1d)
    pltpu.sync_copy(ei_hbm.at[pl.ds(E + ebase, EPW)], d1d)
    pltpu.sync_copy(ex_hbm.at[pl.ds(ebase, EPW)], e1d)

    bufs = (rows0, rows1)
    sems = (semf0, semf1)

    def _fetch(c, buf, sem):
        pltpu.async_copy(zh_hbm.at[s1d.at[pl.ds(c * CW, CW)]], buf, sem)

    def _waitf(buf, sem):
        pltpu.make_async_copy(zh_hbm.at[s1d.at[pl.ds(0, CW)]], buf, sem).wait()

    def _process(c, buf):
        jb = c * CW

        def _row(r, rcarry):
            a = plsc.load_gather(e1d, [jnp.full((16,), jb + r, I32)])
            for g in range(D // 16):
                sl = pl.ds(g * 16, 16)
                buf[r, sl] = buf[r, sl] * a
            return rcarry

        lax.fori_loop(0, CW, _row, 0, unroll=2)
        pltpu.sync_copy(buf, hsh.at[d1d.at[pl.ds(jb, CW)]], add=True)

    _fetch(0, rows0, semf0)
    _fetch(1, rows1, semf1)

    def _pair(k, carry):
        for b in range(2):
            c = k * 2 + b
            _waitf(bufs[b], sems[b])
            _process(c, bufs[b])
            if b == 0:
                _fetch(c + 2, bufs[b], sems[b])
            else:
                @pl.when(k != (NCH // 2) - 1)
                def _():
                    _fetch(c + 2, bufs[b], sems[b])
        return carry

    lax.fori_loop(0, NCH // 2, _pair, 0)
    _waitf(rows0, semf0)
    _process(NCH - 1, rows0)

    plsc.subcore_barrier()

    def _cpout(t, carry):
        roff = tstart + t * 16
        pltpu.sync_copy(hsh.at[pl.ds(roff, 16)], out_hbm.at[cid, pl.ds(roff, 16)])
        return carry

    lax.fori_loop(0, nz, _cpout, 0)


@functools.partial(
    pl.kernel,
    mesh=_sc_mesh,
    compiler_params=_sc_params,
    out_type=[
        jax.ShapeDtypeStruct((E, D), F32),
        jax.ShapeDtypeStruct((NW, 2, D), F32),
    ],
    scratch_types=[
        pltpu.VMEM((EPW,), I32),
        pltpu.VMEM((EPW,), I32),
        pltpu.VMEM((CW, D), F32),
        pltpu.VMEM((CW, D), F32),
        pltpu.VMEM((CW, D), F32),
        pltpu.VMEM((CW, D), F32),
        pltpu.VMEM((CW, D), F32),
        pltpu.VMEM((CW, D), F32),
        pltpu.VMEM((CW, D), F32),
        pltpu.VMEM((CW, D), F32),
        pltpu.VMEM((D,), F32),
        pltpu.VMEM((D,), F32),
        pltpu.SemaphoreType.DMA,
        pltpu.SemaphoreType.DMA,
        pltpu.SemaphoreType.DMA,
        pltpu.SemaphoreType.DMA,
    ],
)
def _k6a(c_hbm, as_hbm, ad_hbm, ei_hbm, ep_hbm, sums_hbm,
         s1d, d1d, cbuf0, cbuf1, rs0, rs1, rd0, rd1, obuf0, obuf1,
         st1, st2, semf0, semf1, sems0, sems1):
    cid = lax.axis_index("c")
    sid = lax.axis_index("s")
    wid = sid * 2 + cid

    ebase = wid * EPW
    pltpu.sync_copy(ei_hbm.at[pl.ds(ebase, EPW)], s1d)
    pltpu.sync_copy(ei_hbm.at[pl.ds(E + ebase, EPW)], d1d)

    ins = ((cbuf0, rs0, rd0), (cbuf1, rs1, rd1))
    outs = (obuf0, obuf1)
    fsems = (semf0, semf1)
    ssems = (sems0, sems1)
    zero16 = jnp.zeros((16,), F32)

    def _fetch(c, b):
        jb = c * CW
        cb, rsb, rdb = ins[b]
        pltpu.async_copy(c_hbm.at[pl.ds(ebase + jb, CW)], cb, fsems[b])
        pltpu.async_copy(as_hbm.at[s1d.at[pl.ds(jb, CW)]], rsb, fsems[b])
        pltpu.async_copy(ad_hbm.at[d1d.at[pl.ds(jb, CW)]], rdb, fsems[b])

    def _waitf(b):
        cb, rsb, rdb = ins[b]
        pltpu.make_async_copy(c_hbm.at[pl.ds(0, CW)], cb, fsems[b]).wait()
        pltpu.make_async_copy(as_hbm.at[pl.ds(0, CW)], rsb, fsems[b]).wait()
        pltpu.make_async_copy(ad_hbm.at[pl.ds(0, CW)], rdb, fsems[b]).wait()

    def _waits(b):
        pltpu.make_async_copy(outs[b], ep_hbm.at[pl.ds(0, CW)], ssems[b]).wait()

    def _compute(b, carry):
        cb, rsb, rdb = ins[b]
        ob = outs[b]

        def _row(r, rcarry):
            nxt = []
            for g in range(D // 16):
                sl = pl.ds(g * 16, 16)
                v = cb[r, sl] + rsb[r, sl] + rdb[r, sl]
                ob[r, sl] = v
                nxt.append(rcarry[g] + v)
                nxt.append(rcarry[8 + g] + v * v)
            return tuple(nxt[0::2]) + tuple(nxt[1::2])

        return lax.fori_loop(0, CW, _row, carry)

    _fetch(0, 0)
    _fetch(1, 1)
    init = tuple(zero16 for _ in range(16))

    def _pair(k, carry):
        for b in range(2):
            c = k * 2 + b
            _waitf(b)

            @pl.when(k != 0)
            def _():
                _waits(b)

            carry = _compute(b, carry)
            if b == 0:
                _fetch(c + 2, b)
            else:
                @pl.when(k != (NCH // 2) - 1)
                def _():
                    _fetch(c + 2, b)
            pltpu.async_copy(outs[b], ep_hbm.at[pl.ds(ebase + c * CW, CW)],
                             ssems[b])
        return carry

    carry = lax.fori_loop(0, NCH // 2, _pair, init)
    _waitf(0)
    _waits(0)
    carry = _compute(0, carry)
    pltpu.async_copy(outs[0], ep_hbm.at[pl.ds(ebase + (NCH - 1) * CW, CW)],
                     sems0)
    for g in range(D // 16):
        st1[pl.ds(g * 16, 16)] = carry[g]
        st2[pl.ds(g * 16, 16)] = carry[8 + g]
    _waits(1)
    _waits(0)
    pltpu.sync_copy(st1, sums_hbm.at[wid, 0])
    pltpu.sync_copy(st2, sums_hbm.at[wid, 1])


def _k5_body(hacc_ref, den_ref, g_ref, b_ref, out_ref):
    hacc = hacc_ref[0] + hacc_ref[1]
    den = jnp.sum(den_ref[...], axis=0)
    den = jnp.where(den == 0.0, 1.0, den)
    hn = hacc / den[:, None]
    mu = jnp.mean(hn, axis=0, keepdims=True)
    var = jnp.mean(hn * hn, axis=0, keepdims=True) - mu * mu
    scale = g_ref[...] * lax.rsqrt(var + EPS)
    out_ref[...] = jnp.maximum((hn - mu) * scale + b_ref[...], 0.0)


_k5 = pl.pallas_call(
    _k5_body,
    out_shape=jax.ShapeDtypeStruct((N, D), F32),
)


def _k6b_body(ep_ref, sums_ref, g_ref, b_ref, out_ref):
    s = sums_ref[...]
    s1 = jnp.sum(s[:, 0, :], axis=0, keepdims=True)
    s2 = jnp.sum(s[:, 1, :], axis=0, keepdims=True)
    mu = s1 * (1.0 / E)
    var = s2 * (1.0 / E) - mu * mu
    scale = g_ref[...] * lax.rsqrt(var + EPS)
    out_ref[...] = jnp.maximum((ep_ref[...] - mu) * scale + b_ref[...], 0.0)


_k6b = pl.pallas_call(
    _k6b_body,
    grid=(E // BN_E,),
    in_specs=[
        pl.BlockSpec((BN_E, D), lambda i: (i, 0)),
        pl.BlockSpec((NW, 2, D), lambda i: (0, 0, 0)),
        pl.BlockSpec((1, D), lambda i: (0, 0)),
        pl.BlockSpec((1, D), lambda i: (0, 0)),
    ],
    out_specs=pl.BlockSpec((BN_E, D), lambda i: (i, 0)),
    out_shape=jax.ShapeDtypeStruct((E, D), F32),
)


def kernel(h, e, edge_index, W_h, W_e, W_p, b_p, W_a,
           gamma_h, beta_h, gamma_e, beta_e):
    del b_p
    ei = edge_index.reshape(2 * E)
    wpq = jnp.zeros((D, 8), F32)
    wpq = wpq.at[:, 0].set(W_a[D:2 * D, 0]).at[:, 1].set(W_a[2 * D:, 0])
    wue = jnp.zeros((D, 8), F32).at[:, 0].set(W_a[:D, 0])

    z_h, a_s, a_d, pqt, m_e, mu8 = _k1(h, W_h, W_p[D:], wpq, W_e, W_p[:D], wue)
    c, ut = _k2(e, m_e, mu8)

    ex, den_flat = _k3(ut.reshape(8 * E), pqt.reshape(8 * N), ei)

    eproj, sums = _k6a(c, a_s, a_d, ei)
    hacc2 = _k4(ex, ei, z_h)

    h_out = _k5(hacc2, den_flat.reshape(NW, N), gamma_h.reshape(1, D),
                beta_h.reshape(1, D))
    e_out = _k6b(eproj, sums, gamma_e.reshape(1, D), beta_e.reshape(1, D))
    return h_out, e_out

# --- scband reference (transcript-rebuilt; emitter-appended) ---
"""Pipeline reference for scband-gatsingle-head-layer-edge-repr-feat-11914239279934 (READ-ONLY COPY).

The authoritative reference and input builder live on the scoring server;
editing this copy changes nothing except your own understanding.
"""

import jax, jax.numpy as jnp
import numpy as np

N = 10000
E = 320000
D = 128


def setup_inputs(seed: int = 0) -> dict:
    key = jax.random.key(seed)
    ks = jax.random.split(key, 10)
    h = jax.random.normal(ks[0], (N, D), dtype=jnp.float32)
    e = jax.random.normal(ks[1], (E, D), dtype=jnp.float32)
    edge_index = jax.random.randint(ks[2], (2, E), 0, N, dtype=jnp.int32)
    s = 1.0 / np.sqrt(D)
    s3 = 1.0 / np.sqrt(3 * D)
    W_h = jax.random.normal(ks[3], (D, D), dtype=jnp.float32) * s
    W_e = jax.random.normal(ks[4], (D, D), dtype=jnp.float32) * s
    W_p = jax.random.normal(ks[5], (3 * D, D), dtype=jnp.float32) * s3
    b_p = jnp.zeros((D,), dtype=jnp.float32)
    W_a = jax.random.normal(ks[6], (3 * D, 1), dtype=jnp.float32) * s3
    gamma_h = jnp.ones((D,), dtype=jnp.float32)
    beta_h = jnp.zeros((D,), dtype=jnp.float32)
    gamma_e = jnp.ones((D,), dtype=jnp.float32)
    beta_e = jnp.zeros((D,), dtype=jnp.float32)
    return {"h": h, "e": e, "edge_index": edge_index, "W_h": W_h, "W_e": W_e,
            "W_p": W_p, "b_p": b_p, "W_a": W_a,
            "gamma_h": gamma_h, "beta_h": beta_h,
            "gamma_e": gamma_e, "beta_e": beta_e}


def _batchnorm(x, gamma, beta, eps=1e-5):
    mu = jnp.mean(x, axis=0)
    var = jnp.var(x, axis=0)
    return gamma * (x - mu) / jnp.sqrt(var + eps) + beta


def reference(h, e, edge_index, W_h, W_e, W_p, b_p, W_a,
              gamma_h, beta_h, gamma_e, beta_e):
    # linear_h / linear_e (n_mlp_layer=1 -> single linear, no bias)
    z_h = h @ W_h
    z_e = e @ W_e
    src = edge_index[0]
    dst = edge_index[1]
    # edge_attention: z = [z_e, z_h[src], z_h[dst]]
    z = jnp.concatenate([z_e, jnp.take(z_h, src, axis=0), jnp.take(z_h, dst, axis=0)], axis=1)
    e_proj = z @ W_p + b_p
    attn = jax.nn.relu(z @ W_a)[:, 0]  # attn_activation = relu
    # reduce: softmax over incoming edges per dst node
    m = jax.ops.segment_max(attn, dst, num_segments=N)
    m = jax.lax.stop_gradient(m)
    ex = jnp.exp(attn - jnp.take(m, dst))
    denom = jax.ops.segment_sum(ex, dst, num_segments=N)
    alpha = ex / jnp.take(denom, dst)
    h_new = jax.ops.segment_sum(alpha[:, None] * jnp.take(z_h, src, axis=0), dst, num_segments=N)
    # batch_norm (training-mode batch stats) + activation; dropout p=0 is identity
    h_out = jax.nn.relu(_batchnorm(h_new, gamma_h, beta_h))
    e_out = jax.nn.relu(_batchnorm(e_proj, gamma_e, beta_e))
    return h_out, e_out

if __name__ == "__main__":
    import jax
    _d = setup_inputs()
    print(jax.jit(kernel)(*tuple(_d.values())))

</pallas_src>

<mosaic_0001>
#map = affine_map<(d0, d1) -> (0)>
module attributes {stable_mosaic.version = 14 : i64} {
  func.func @_k3(%arg0: i32, %arg1: i32, %arg2: memref<2560000xf32, #tpu.memory_space<hbm>>, %arg3: memref<80000xf32, #tpu.memory_space<hbm>>, %arg4: memref<640000xi32, #tpu.memory_space<hbm>>, %arg5: memref<320000xf32, #tpu.memory_space<hbm>>, %arg6: memref<320000xf32, #tpu.memory_space<hbm>>, %arg7: memref<10000xf32, #tpu.memory_space<vmem>>, %arg8: memref<10000xf32, #tpu.memory_space<vmem>>, %arg9: memref<10000xf32, #tpu.memory_space<vmem>>, %arg10: memref<2000xf32, #tpu.memory_space<vmem>>, %arg11: memref<2000xi32, #tpu.memory_space<vmem>>, %arg12: memref<2000xi32, #tpu.memory_space<vmem>>, %arg13: memref<2000xf32, #tpu.memory_space<vmem>>) attributes {dimension_semantics = [#tpu.dimension_semantics<core_parallel>, #tpu.dimension_semantics<subcore_parallel>], iteration_bounds = array<i64: 2, 16>, scalar_prefetch = 0 : i64, scratch_operands = 7 : i64, tpu.core_type = #tpu.core_type<sc_vector_subcore>, window_params = [{transform_indices = #map}, {transform_indices = #map}, {transform_indices = #map}, {transform_indices = #map}, {transform_indices = #map}]} {
    %mul3A = arith.constant 2 : i32
    %mul3A_0 = arith.muli %arg1, %mul3A : i32
    %add3A = arith.addi %mul3A_0, %arg0 : i32
    "tpu.region"() ({
      %run_scoped3A = tpu.sem_alloc : memref<!tpu.dma_semaphore, #tpu.memory_space<semaphore_mem>>
      %dma_start3A = arith.constant 0 : i32
      %dma_start3A_14 = tpu.memref_slice %arg3[%dma_start3A] : memref<80000xf32, #tpu.memory_space<hbm>> -> memref<10000xf32, #tpu.memory_space<hbm>>
      %dma_start3A_15 = arith.constant 0 : i32
      %dma_start3A_16 = tpu.memref_slice %arg3[%dma_start3A_15] : memref<80000xf32, #tpu.memory_space<hbm>> -> memref<10000xf32, #tpu.memory_space<hbm>>
      tpu.enqueue_dma source(%dma_start3A_16 : memref<10000xf32, #tpu.memory_space<hbm>>) target(%arg7 : memref<10000xf32, #tpu.memory_space<vmem>>) target_semaphore(%run_scoped3A : memref<!tpu.dma_semaphore, #tpu.memory_space<semaphore_mem>>)
      %dma_wait3A = arith.constant 0 : i32
      %dma_wait3A_17 = tpu.memref_slice %arg3[%dma_wait3A] : memref<80000xf32, #tpu.memory_space<hbm>> -> memref<10000xf32, #tpu.memory_space<hbm>>
      %dma_wait3A_18 = arith.constant 0 : i32
      %dma_wait3A_19 = tpu.memref_slice %arg3[%dma_wait3A_18] : memref<80000xf32, #tpu.memory_space<hbm>> -> memref<10000xf32, #tpu.memory_space<hbm>>
      tpu.wait_dma2 semaphore(%run_scoped3A : memref<!tpu.dma_semaphore, #tpu.memory_space<semaphore_mem>>) src(%dma_wait3A_19 : memref<10000xf32, #tpu.memory_space<hbm>>) dst(%arg7 : memref<10000xf32, #tpu.memory_space<vmem>>)
      tpu.yield
    }) : () -> ()
    "tpu.region"() ({
      %run_scoped3A = tpu.sem_alloc : memref<!tpu.dma_semaphore, #tpu.memory_space<semaphore_mem>>
      %dma_start3A = arith.constant 10000 : i32
      %dma_start3A_14 = tpu.memref_slice %arg3[%dma_start3A] : memref<80000xf32, #tpu.memory_space<hbm>> -> memref<10000xf32, #tpu.memory_space<hbm>>
      %dma_start3A_15 = arith.constant 10000 : i32
      %dma_start3A_16 = tpu.memref_slice %arg3[%dma_start3A_15] : memref<80000xf32, #tpu.memory_space<hbm>> -> memref<10000xf32, #tpu.memory_space<hbm>>
      tpu.enqueue_dma source(%dma_start3A_16 : memref<10000xf32, #tpu.memory_space<hbm>>) target(%arg8 : memref<10000xf32, #tpu.memory_space<vmem>>) target_semaphore(%run_scoped3A : memref<!tpu.dma_semaphore, #tpu.memory_space<semaphore_mem>>)
      %dma_wait3A = arith.constant 10000 : i32
      %dma_wait3A_17 = tpu.memref_slice %arg3[%dma_wait3A] : memref<80000xf32, #tpu.memory_space<hbm>> -> memref<10000xf32, #tpu.memory_space<hbm>>
      %dma_wait3A_18 = arith.constant 10000 : i32
      %dma_wait3A_19 = tpu.memref_slice %arg3[%dma_wait3A_18] : memref<80000xf32, #tpu.memory_space<hbm>> -> memref<10000xf32, #tpu.memory_space<hbm>>
      tpu.wait_dma2 semaphore(%run_scoped3A : memref<!tpu.dma_semaphore, #tpu.memory_space<semaphore_mem>>) src(%dma_wait3A_19 : memref<10000xf32, #tpu.memory_space<hbm>>) dst(%arg8 : memref<10000xf32, #tpu.memory_space<vmem>>)
      tpu.yield
    }) : () -> ()
    %scan3A = arith.constant 0 : i32
    %scan3A_1 = arith.constant 0 : i32
    %scan3A_2 = arith.constant 625 : i32
    %scan3A_3 = arith.addi %scan3A_1, %scan3A_2 : i32
    %scan3A_4 = arith.constant 1 : i32
    scf.for %scan3A_14 = %scan3A_1 to %scan3A_3 step %scan3A_4  : i32 {
      %broadcast_in_dim3A = arith.constant 0.000000e+00 : f32
      %broadcast_in_dim3A_15 = vector.broadcast %broadcast_in_dim3A : f32 to vector<16xf32>
      %mul3A_16 = arith.constant 16 : i32
      %mul3A_17 = arith.muli %scan3A_14, %mul3A_16 : i32
      %swap3A = arith.index_cast %mul3A_17 : i32 to index
      %swap3A_18 = tpu.vector_load %arg9[%swap3A] {strides = array<i32>} : memref<10000xf32, #tpu.memory_space<vmem>>, vector<16xf32>,
      tpu.vector_store %arg9[%swap3A], %broadcast_in_dim3A_15 {strides = array<i32>} : memref<10000xf32, #tpu.memory_space<vmem>>, vector<16xf32>,
    }
    %scan3A_5 = arith.constant 625 : i32
    %scan3A_6 = arith.constant 0 : i32
    %scan3A_7 = arith.constant 0 : i32
    %scan3A_8 = arith.constant 5 : i32
    %scan3A_9 = arith.addi %scan3A_7, %scan3A_8 : i32
    %scan3A_10 = arith.constant 1 : i32
    scf.for %scan3A_14 = %scan3A_7 to %scan3A_9 step %scan3A_10  : i32 {
      %mul3A_15 = arith.constant 10000 : i32
      %mul3A_16 = arith.muli %add3A, %mul3A_15 : i32
      %mul3A_17 = arith.constant 2000 : i32
      %mul3A_18 = arith.muli %scan3A_14, %mul3A_17 : i32
      %add3A_19 = arith.addi %mul3A_16, %mul3A_18 : i32
      "tpu.region"() ({
        %run_scoped3A = tpu.sem_alloc : memref<!tpu.dma_semaphore, #tpu.memory_space<semaphore_mem>>
        %dma_start3A = tpu.memref_slice %arg2[%add3A_19] : memref<2560000xf32, #tpu.memory_space<hbm>> -> memref<2000xf32, #tpu.memory_space<hbm>>
        %dma_start3A_28 = tpu.memref_slice %arg2[%add3A_19] : memref<2560000xf32, #tpu.memory_space<hbm>> -> memref<2000xf32, #tpu.memory_space<hbm>>
        tpu.enqueue_dma source(%dma_start3A_28 : memref<2000xf32, #tpu.memory_space<hbm>>) target(%arg10 : memref<2000xf32, #tpu.memory_space<vmem>>) target_semaphore(%run_scoped3A : memref<!tpu.dma_semaphore, #tpu.memory_space<semaphore_mem>>)
        %dma_wait3A = tpu.memref_slice %arg2[%add3A_19] : memref<2560000xf32, #tpu.memory_space<hbm>> -> memref<2000xf32, #tpu.memory_space<hbm>>
        %dma_wait3A_29 = tpu.memref_slice %arg2[%add3A_19] : memref<2560000xf32, #tpu.memory_space<hbm>> -> memref<2000xf32, #tpu.memory_space<hbm>>
        tpu.wait_dma2 semaphore(%run_scoped3A : memref<!tpu.dma_semaphore, #tpu.memory_space<semaphore_mem>>) src(%dma_wait3A_29 : memref<2000xf32, #tpu.memory_space<hbm>>) dst(%arg10 : memref<2000xf32, #tpu.memory_space<vmem>>)
        tpu.yield
      }) : () -> ()
      "tpu.region"() ({
        %run_scoped3A = tpu.sem_alloc : memref<!tpu.dma_semaphore, #tpu.memory_space<semaphore_mem>>
        %dma_start3A = tpu.memref_slice %arg4[%add3A_19] : memref<640000xi32, #tpu.memory_space<hbm>> -> memref<2000xi32, #tpu.memory_space<hbm>>
        %dma_start3A_28 = tpu.memref_slice %arg4[%add3A_19] : memref<640000xi32, #tpu.memory_space<hbm>> -> memref<2000xi32, #tpu.memory_space<hbm>>
        tpu.enqueue_dma source(%dma_start3A_28 : memref<2000xi32, #tpu.memory_space<hbm>>) target(%arg11 : memref<2000xi32, #tpu.memory_space<vmem>>) target_semaphore(%run_scoped3A : memref<!tpu.dma_semaphore, #tpu.memory_space<semaphore_mem>>)
        %dma_wait3A = tpu.memref_slice %arg4[%add3A_19] : memref<640000xi32, #tpu.memory_space<hbm>> -> memref<2000xi32, #tpu.memory_space<hbm>>
        %dma_wait3A_29 = tpu.memref_slice %arg4[%add3A_19] : memref<640000xi32, #tpu.memory_space<hbm>> -> memref<2000xi32, #tpu.memory_space<hbm>>
        tpu.wait_dma2 semaphore(%run_scoped3A : memref<!tpu.dma_semaphore, #tpu.memory_space<semaphore_mem>>) src(%dma_wait3A_29 : memref<2000xi32, #tpu.memory_space<hbm>>) dst(%arg11 : memref<2000xi32, #tpu.memory_space<vmem>>)
        tpu.yield
      }) : () -> ()
      %add3A_20 = arith.constant 320000 : i32
      %add3A_21 = arith.addi %add3A_20, %add3A_19 : i32
      "tpu.region"() ({
        %run_scoped3A = tpu.sem_alloc : memref<!tpu.dma_semaphore, #tpu.memory_space<semaphore_mem>>
        %dma_start3A = tpu.memref_slice %arg4[%add3A_21] : memref<640000xi32, #tpu.memory_space<hbm>> -> memref<2000xi32, #tpu.memory_space<hbm>>
        %dma_start3A_28 = tpu.memref_slice %arg4[%add3A_21] : memref<640000xi32, #tpu.memory_space<hbm>> -> memref<2000xi32, #tpu.memory_space<hbm>>
        tpu.enqueue_dma source(%dma_start3A_28 : memref<2000xi32, #tpu.memory_space<hbm>>) target(%arg12 : memref<2000xi32, #tpu.memory_space<vmem>>) target_semaphore(%run_scoped3A : memref<!tpu.dma_semaphore, #tpu.memory_space<semaphore_mem>>)
        %dma_wait3A = tpu.memref_slice %arg4[%add3A_21] : memref<640000xi32, #tpu.memory_space<hbm>> -> memref<2000xi32, #tpu.memory_space<hbm>>
        %dma_wait3A_29 = tpu.memref_slice %arg4[%add3A_21] : memref<640000xi32, #tpu.memory_space<hbm>> -> memref<2000xi32, #tpu.memory_space<hbm>>
        tpu.wait_dma2 semaphore(%run_scoped3A : memref<!tpu.dma_semaphore, #tpu.memory_space<semaphore_mem>>) src(%dma_wait3A_29 : memref<2000xi32, #tpu.memory_space<hbm>>) dst(%arg12 : memref<2000xi32, #tpu.memory_space<vmem>>)
        tpu.yield
      }) : () -> ()
      %scan3A_22 = arith.constant 0 : i32
      %scan3A_23 = arith.constant 0 : i32
      %scan3A_24 = arith.constant 125 : i32
      %scan3A_25 = arith.addi %scan3A_23, %scan3A_24 : i32
      %scan3A_26 = arith.constant 1 : i32
      scf.for %scan3A_28 = %scan3A_23 to %scan3A_25 step %scan3A_26  : i32 {
        %mul3A_29 = arith.constant 16 : i32
        %mul3A_30 = arith.muli %scan3A_28, %mul3A_29 : i32
        %get3A = arith.index_cast %mul3A_30 : i32 to index
        %get3A_31 = tpu.vector_load %arg11[%get3A] {strides = array<i32>} : memref<2000xi32, #tpu.memory_space<vmem>>, vector<16xi32>,
        %get3A_32 = arith.index_cast %mul3A_30 : i32 to index
        %get3A_33 = tpu.vector_load %arg12[%get3A_32] {strides = array<i32>} : memref<2000xi32, #tpu.memory_space<vmem>>, vector<16xi32>,
        %gather3A = tpu.vector_load_idx %arg7[%get3A_31] : memref<10000xf32, #tpu.memory_space<vmem>>[vector<16xi32>], vector<16xf32>,
        %gather3A_34 = tpu.vector_load_idx %arg8[%get3A_33] : memref<10000xf32, #tpu.memory_space<vmem>>[vector<16xi32>], vector<16xf32>,
        %get3A_35 = arith.index_cast %mul3A_30 : i32 to index
        %get3A_36 = tpu.vector_load %arg10[%get3A_35] {strides = array<i32>} : memref<2000xf32, #tpu.memory_space<vmem>>, vector<16xf32>,
        %add3A_37 = arith.addf %get3A_36, %gather3A : vector<16xf32>
        %add3A_38 = arith.addf %add3A_37, %gather3A_34 : vector<16xf32>
        %max3A = arith.constant 0.000000e+00 : f32
        %max3A_39 = vector.broadcast %max3A : f32 to vector<16xf32>
        %max3A_40 = arith.maximumf %add3A_38, %max3A_39 : vector<16xf32>
        %exp3A = math.exp %max3A_40 : vector<16xf32>
        %swap3A = arith.index_cast %mul3A_30 : i32 to index
        %swap3A_41 = tpu.vector_load %arg13[%swap3A] {strides = array<i32>} : memref<2000xf32, #tpu.memory_space<vmem>>, vector<16xf32>,
        tpu.vector_store %arg13[%swap3A], %exp3A {strides = array<i32>} : memref<2000xf32, #tpu.memory_space<vmem>>, vector<16xf32>,
        tpu.vector_store_idx %arg9[%get3A_33], %exp3A {add = true} : memref<10000xf32, #tpu.memory_space<vmem>>[vector<16xi32>], vector<16xf32>,
      }
      %scan3A_27 = arith.constant 125 : i32
      "tpu.region"() ({
        %run_scoped3A = tpu.sem_alloc : memref<!tpu.dma_semaphore, #tpu.memory_space<semaphore_mem>>
        %dma_start3A = tpu.memref_slice %arg5[%add3A_19] : memref<320000xf32, #tpu.memory_space<hbm>> -> memref<2000xf32, #tpu.memory_space<hbm>>
        %dma_start3A_28 = tpu.memref_slice %arg5[%add3A_19] : memref<320000xf32, #tpu.memory_space<hbm>> -> memref<2000xf32, #tpu.memory_space<hbm>>
        tpu.enqueue_dma source(%arg13 : memref<2000xf32, #tpu.memory_space<vmem>>) target(%dma_start3A_28 : memref<2000xf32, #tpu.memory_space<hbm>>) target_semaphore(%run_scoped3A : memref<!tpu.dma_semaphore, #tpu.memory_space<semaphore_mem>>)
        %dma_wait3A = tpu.memref_slice %arg5[%add3A_19] : memref<320000xf32, #tpu.memory_space<hbm>> -> memref<2000xf32, #tpu.memory_space<hbm>>
        %dma_wait3A_29 = tpu.memref_slice %arg5[%add3A_19] : memref<320000xf32, #tpu.memory_space<hbm>> -> memref<2000xf32, #tpu.memory_space<hbm>>
        tpu.wait_dma2 semaphore(%run_scoped3A : memref<!tpu.dma_semaphore, #tpu.memory_space<semaphore_mem>>) src(%arg13 : memref<2000xf32, #tpu.memory_space<vmem>>) dst(%dma_wait3A_29 : memref<2000xf32, #tpu.memory_space<hbm>>)
        tpu.yield
      }) : () -> ()
    }
    %scan3A_11 = arith.constant 5 : i32
    %mul3A_12 = arith.constant 10000 : i32
    %mul3A_13 = arith.muli %add3A, %mul3A_12 : i32
    "tpu.region"() ({
      %run_scoped3A = tpu.sem_alloc : memref<!tpu.dma_semaphore, #tpu.memory_space<semaphore_mem>>
      %dma_start3A = tpu.memref_slice %arg6[%mul3A_13] : memref<320000xf32, #tpu.memory_space<hbm>> -> memref<10000xf32, #tpu.memory_space<hbm>>
      %dma_start3A_14 = tpu.memref_slice %arg6[%mul3A_13] : memref<320000xf32, #tpu.memory_space<hbm>> -> memref<10000xf32, #tpu.memory_space<hbm>>
      tpu.enqueue_dma source(%arg9 : memref<10000xf32, #tpu.memory_space<vmem>>) target(%dma_start3A_14 : memref<10000xf32, #tpu.memory_space<hbm>>) target_semaphore(%run_scoped3A : memref<!tpu.dma_semaphore, #tpu.memory_space<semaphore_mem>>)
      %dma_wait3A = tpu.memref_slice %arg6[%mul3A_13] : memref<320000xf32, #tpu.memory_space<hbm>> -> memref<10000xf32, #tpu.memory_space<hbm>>
      %dma_wait3A_15 = tpu.memref_slice %arg6[%mul3A_13] : memref<320000xf32, #tpu.memory_space<hbm>> -> memref<10000xf32, #tpu.memory_space<hbm>>
      tpu.wait_dma2 semaphore(%run_scoped3A : memref<!tpu.dma_semaphore, #tpu.memory_space<semaphore_mem>>) src(%arg9 : memref<10000xf32, #tpu.memory_space<vmem>>) dst(%dma_wait3A_15 : memref<10000xf32, #tpu.memory_space<hbm>>)
      tpu.yield
    }) : () -> ()
    return
  }
}

#map = affine_map<(d0, d1) -> (0)>
#map1 = affine_map<(d0, d1) -> (0, 0)>
#map2 = affine_map<(d0, d1) -> (0, 0, 0)>
module attributes {stable_mosaic.version = 14 : i64} {
  func.func @_k4(%arg0: i32, %arg1: i32, %arg2: memref<320000xf32, #tpu.memory_space<hbm>>, %arg3: memref<640000xi32, #tpu.memory_space<hbm>>, %arg4: memref<10000x128xf32, #tpu.memory_space<hbm>>, %arg5: memref<2x10000x128xf32, #tpu.memory_space<hbm>>, %arg6: memref<10000xi32, #tpu.memory_space<vmem>>, %arg7: memref<10000xi32, #tpu.memory_space<vmem>>, %arg8: memref<10000xf32, #tpu.memory_space<vmem>>, %arg9: memref<80x128xf32, #tpu.memory_space<vmem>>, %arg10: memref<80x128xf32, #tpu.memory_space<vmem>>, %arg11: memref<10000x128xf32, #tpu.memory_space<vmem_shared>>, %arg12: memref<!tpu.dma_semaphore, #tpu.memory_space<semaphore_mem>>, %arg13: memref<!tpu.dma_semaphore, #tpu.memory_space<semaphore_mem>>) attributes {dimension_semantics = [#tpu.dimension_semantics<core_parallel>, #tpu.dimension_semantics<subcore_parallel>], iteration_bounds = array<i64: 2, 16>, scalar_prefetch = 0 : i64, scratch_operands = 8 : i64, tpu.core_type = #tpu.core_type<sc_vector_subcore>, window_params = [{transform_indices = #map}, {transform_indices = #map}, {transform_indices = #map1}, {transform_indices = #map2}]} {
    %mul3A = arith.constant 2 : i32
    %mul3A_0 = arith.muli %arg1, %mul3A : i32
    %add3A = arith.addi %mul3A_0, %arg0 : i32
    %broadcast_in_dim3A = arith.constant 0.000000e+00 : f32
    %broadcast_in_dim3A_1 = vector.broadcast %broadcast_in_dim3A : f32 to vector<16xf32>
    %swap3A = arith.constant 0 : i32
    %swap3A_2 = arith.index_cast %swap3A : i32 to index
    %swap3A_3 = arith.constant 0 : index
    %swap3A_4 = tpu.vector_load %arg10[%swap3A_2, %swap3A_3] {strides = array<i32>} : memref<80x128xf32, #tpu.memory_space<vmem>>, vector<16xf32>,
    tpu.vector_store %arg10[%swap3A_2, %swap3A_3], %broadcast_in_dim3A_1 {strides = array<i32>} : memref<80x128xf32, #tpu.memory_space<vmem>>, vector<16xf32>,
    %broadcast_in_dim3A_5 = arith.constant 0.000000e+00 : f32
    %broadcast_in_dim3A_6 = vector.broadcast %broadcast_in_dim3A_5 : f32 to vector<16xf32>
    %swap3A_7 = arith.constant 0 : i32
    %swap3A_8 = arith.index_cast %swap3A_7 : i32 to index
    %swap3A_9 = arith.constant 16 : index
    %swap3A_10 = tpu.vector_load %arg10[%swap3A_8, %swap3A_9] {strides = array<i32>} : memref<80x128xf32, #tpu.memory_space<vmem>>, vector<16xf32>,
    tpu.vector_store %arg10[%swap3A_8, %swap3A_9], %broadcast_in_dim3A_6 {strides = array<i32>} : memref<80x128xf32, #tpu.memory_space<vmem>>, vector<16xf32>,
    %broadcast_in_dim3A_11 = arith.constant 0.000000e+00 : f32
    %broadcast_in_dim3A_12 = vector.broadcast %broadcast_in_dim3A_11 : f32 to vector<16xf32>
    %swap3A_13 = arith.constant 0 : i32
    %swap3A_14 = arith.index_cast %swap3A_13 : i32 to index
    %swap3A_15 = arith.constant 32 : index
    %swap3A_16 = tpu.vector_load %arg10[%swap3A_14, %swap3A_15] {strides = array<i32>} : memref<80x128xf32, #tpu.memory_space<vmem>>, vector<16xf32>,
    tpu.vector_store %arg10[%swap3A_14, %swap3A_15], %broadcast_in_dim3A_12 {strides = array<i32>} : memref<80x128xf32, #tpu.memory_space<vmem>>, vector<16xf32>,
    %broadcast_in_dim3A_17 = arith.constant 0.000000e+00 : f32
    %broadcast_in_dim3A_18 = vector.broadcast %broadcast_in_dim3A_17 : f32 to vector<16xf32>
    %swap3A_19 = arith.constant 0 : i32
    %swap3A_20 = arith.index_cast %swap3A_19 : i32 to index
    %swap3A_21 = arith.constant 48 : index
    %swap3A_22 = tpu.vector_load %arg10[%swap3A_20, %swap3A_21] {strides = array<i32>} : memref<80x128xf32, #tpu.memory_space<vmem>>, vector<16xf32>,
    tpu.vector_store %arg10[%swap3A_20, %swap3A_21], %broadcast_in_dim3A_18 {strides = array<i32>} : memref<80x128xf32, #tpu.memory_space<vmem>>, vector<16xf32>,
    %broadcast_in_dim3A_23 = arith.constant 0.000000e+00 : f32
    %broadcast_in_dim3A_24 = vector.broadcast %broadcast_in_dim3A_23 : f32 to vector<16xf32>
    %swap3A_25 = arith.constant 0 : i32
    %swap3A_26 = arith.index_cast %swap3A_25 : i32 to index
    %swap3A_27 = arith.constant 64 : index
    %swap3A_28 = tpu.vector_load %arg10[%swap3A_26, %swap3A_27] {strides = array<i32>} : memref<80x128xf32, #tpu.memory_space<vmem>>, vector<16xf32>,
    tpu.vector_store %arg10[%swap3A_26, %swap3A_27], %broadcast_in_dim3A_24 {strides = array<i32>} : memref<80x128xf32, #tpu.memory_space<vmem>>, vector<16xf32>,
    %broadcast_in_dim3A_29 = arith.constant 0.000000e+00 : f32
    %broadcast_in_dim3A_30 = vector.broadcast %broadcast_in_dim3A_29 : f32 to vector<16xf32>
    %swap3A_31 = arith.constant 0 : i32
    %swap3A_32 = arith.index_cast %swap3A_31 : i32 to index
    %swap3A_33 = arith.constant 80 : index
    %swap3A_34 = tpu.vector_load %arg10[%swap3A_32, %swap3A_33] {strides = array<i32>} : memref<80x128xf32, #tpu.memory_space<vmem>>, vector<16xf32>,
    tpu.vector_store %arg10[%swap3A_32, %swap3A_33], %broadcast_in_dim3A_30 {strides = array<i32>} : memref<80x128xf32, #tpu.memory_space<vmem>>, vector<16xf32>,
    %broadcast_in_dim3A_35 = arith.constant 0.000000e+00 : f32
    %broadcast_in_dim3A_36 = vector.broadcast %broadcast_in_dim3A_35 : f32 to vector<16xf32>
    %swap3A_37 = arith.constant 0 : i32
    %swap3A_38 = arith.index_cast %swap3A_37 : i32 to index
    %swap3A_39 = arith.constant 96 : index
    %swap3A_40 = tpu.vector_load %arg10[%swap3A_38, %swap3A_39] {strides = array<i32>} : memref<80x128xf32, #tpu.memory_space<vmem>>, vector<16xf32>,
    tpu.vector_store %arg10[%swap3A_38, %swap3A_39], %broadcast_in_dim3A_36 {strides = array<i32>} : memref<80x128xf32, #tpu.memory_space<vmem>>, vector<16xf32>,
    %broadcast_in_dim3A_41 = arith.constant 0.000000e+00 : f32
    %broadcast_in_dim3A_42 = vector.broadcast %broadcast_in_dim3A_41 : f32 to vector<16xf32>
    %swap3A_43 = arith.constant 0 : i32
    %swap3A_44 = arith.index_cast %swap3A_43 : i32 to index
    %swap3A_45 = arith.constant 112 : index
    %swap3A_46 = tpu.vector_load %arg10[%swap3A_44, %swap3A_45] {strides = array<i32>} : memref<80x128xf32, #tpu.memory_space<vmem>>, vector<16xf32>,
    tpu.vector_store %arg10[%swap3A_44, %swap3A_45], %broadcast_in_dim3A_42 {strides = array<i32>} : memref<80x128xf32, #tpu.memory_space<vmem>>, vector<16xf32>,
    %broadcast_in_dim3A_47 = arith.constant 0.000000e+00 : f32
    %broadcast_in_dim3A_48 = vector.broadcast %broadcast_in_dim3A_47 : f32 to vector<16xf32>
    %swap3A_49 = arith.constant 1 : i32
    %swap3A_50 = arith.index_cast %swap3A_49 : i32 to index
    %swap3A_51 = arith.constant 0 : index
    %swap3A_52 = tpu.vector_load %arg10[%swap3A_50, %swap3A_51] {strides = array<i32>} : memref<80x128xf32, #tpu.memory_space<vmem>>, vector<16xf32>,
    tpu.vector_store %arg10[%swap3A_50, %swap3A_51], %broadcast_in_dim3A_48 {strides = array<i32>} : memref<80x128xf32, #tpu.memory_space<vmem>>, vector<16xf32>,
    %broadcast_in_dim3A_53 = arith.constant 0.000000e+00 : f32
    %broadcast_in_dim3A_54 = vector.broadcast %broadcast_in_dim3A_53 : f32 to vector<16xf32>
    %swap3A_55 = arith.constant 1 : i32
    %swap3A_56 = arith.index_cast %swap3A_55 : i32 to index
    %swap3A_57 = arith.constant 16 : index
    %swap3A_58 = tpu.vector_load %arg10[%swap3A_56, %swap3A_57] {strides = array<i32>} : memref<80x128xf32, #tpu.memory_space<vmem>>, vector<16xf32>,
    tpu.vector_store %arg10[%swap3A_56, %swap3A_57], %broadcast_in_dim3A_54 {strides = array<i32>} : memref<80x128xf32, #tpu.memory_space<vmem>>, vector<16xf32>,
    %broadcast_in_dim3A_59 = arith.constant 0.000000e+00 : f32
    %broadcast_in_dim3A_60 = vector.broadcast %broadcast_in_dim3A_59 : f32 to vector<16xf32>
    %swap3A_61 = arith.constant 1 : i32
    %swap3A_62 = arith.index_cast %swap3A_61 : i32 to index
    %swap3A_63 = arith.constant 32 : index
    %swap3A_64 = tpu.vector_load %arg10[%swap3A_62, %swap3A_63] {strides = array<i32>} : memref<80x128xf32, #tpu.memory_space<vmem>>, vector<16xf32>,
    tpu.vector_store %arg10[%swap3A_62, %swap3A_63], %broadcast_in_dim3A_60 {strides = array<i32>} : memref<80x128xf32, #tpu.memory_space<vmem>>, vector<16xf32>,
    %broadcast_in_dim3A_65 = arith.constant 0.000000e+00 : f32
    %broadcast_in_dim3A_66 = vector.broadcast %broadcast_in_dim3A_65 : f32 to vector<16xf32>
    %swap3A_67 = arith.constant 1 : i32
    %swap3A_68 = arith.index_cast %swap3A_67 : i32 to index
    %swap3A_69 = arith.constant 48 : index
    %swap3A_70 = tpu.vector_load %arg10[%swap3A_68, %swap3A_69] {strides = array<i32>} : memref<80x128xf32, #tpu.memory_space<vmem>>, vector<16xf32>,
    tpu.vector_store %arg10[%swap3A_68, %swap3A_69], %broadcast_in_dim3A_66 {strides = array<i32>} : memref<80x128xf32, #tpu.memory_space<vmem>>, vector<16xf32>,
    %broadcast_in_dim3A_71 = arith.constant 0.000000e+00 : f32
    %broadcast_in_dim3A_72 = vector.broadcast %broadcast_in_dim3A_71 : f32 to vector<16xf32>
    %swap3A_73 = arith.constant 1 : i32
    %swap3A_74 = arith.index_cast %swap3A_73 : i32 to index
    %swap3A_75 = arith.constant 64 : index
    %swap3A_76 = tpu.vector_load %arg10[%swap3A_74, %swap3A_75] {strides = array<i32>} : memref<80x128xf32, #tpu.memory_space<vmem>>, vector<16xf32>,
    tpu.vector_store %arg10[%swap3A_74, %swap3A_75], %broadcast_in_dim3A_72 {strides = array<i32>} : memref<80x128xf32, #tpu.memory_space<vmem>>, vector<16xf32>,
    %broadcast_in_dim3A_77 = arith.constant 0.000000e+00 : f32
    %broadcast_in_dim3A_78 = vector.broadcast %broadcast_in_dim3A_77 : f32 to vector<16xf32>
    %swap3A_79 = arith.constant 1 : i32
    %swap3A_80 = arith.index_cast %swap3A_79 : i32 to index
    %swap3A_81 = arith.constant 80 : index
    %swap3A_82 = tpu.vector_load %arg10[%swap3A_80, %swap3A_81] {strides = array<i32>} : memref<80x128xf32, #tpu.memory_space<vmem>>, vector<16xf32>,
    tpu.vector_store %arg10[%swap3A_80, %swap3A_81], %broadcast_in_dim3A_78 {strides = array<i32>} : memref<80x128xf32, #tpu.memory_space<vmem>>, vector<16xf32>,
    %broadcast_in_dim3A_83 = arith.constant 0.000000e+00 : f32
    %broadcast_in_dim3A_84 = vector.broadcast %broadcast_in_dim3A_83 : f32 to vector<16xf32>
    %swap3A_85 = arith.constant 1 : i32
    %swap3A_86 = arith.index_cast %swap3A_85 : i32 to index
    %swap3A_87 = arith.constant 96 : index
    %swap3A_88 = tpu.vector_load %arg10[%swap3A_86, %swap3A_87] {strides = array<i32>} : memref<80x128xf32, #tpu.memory_space<vmem>>, vector<16xf32>,
    tpu.vector_store %arg10[%swap3A_86, %swap3A_87], %broadcast_in_dim3A_84 {strides = array<i32>} : memref<80x128xf32, #tpu.memory_space<vmem>>, vector<16xf32>,
    %broadcast_in_dim3A_89 = arith.constant 0.000000e+00 : f32
    %broadcast_in_dim3A_90 = vector.broadcast %broadcast_in_dim3A_89 : f32 to vector<16xf32>
    %swap3A_91 = arith.constant 1 : i32
    %swap3A_92 = arith.index_cast %swap3A_91 : i32 to index
    %swap3A_93 = arith.constant 112 : index
    %swap3A_94 = tpu.vector_load %arg10[%swap3A_92, %swap3A_93] {strides = array<i32>} : memref<80x128xf32, #tpu.memory_space<vmem>>, vector<16xf32>,
    tpu.vector_store %arg10[%swap3A_92, %swap3A_93], %broadcast_in_dim3A_90 {strides = array<i32>} : memref<80x128xf32, #tpu.memory_space<vmem>>, vector<16xf32>,
    %broadcast_in_dim3A_95 = arith.constant 0.000000e+00 : f32
    %broadcast_in_dim3A_96 = vector.broadcast %broadcast_in_dim3A_95 : f32 to vector<16xf32>
    %swap3A_97 = arith.constant 2 : i32
    %swap3A_98 = arith.index_cast %swap3A_97 : i32 to index
    %swap3A_99 = arith.constant 0 : index
    %swap3A_100 = tpu.vector_load %arg10[%swap3A_98, %swap3A_99] {strides = array<i32>} : memref<80x128xf32, #tpu.memory_space<vmem>>, vector<16xf32>,
    tpu.vector_store %arg10[%swap3A_98, %swap3A_99], %broadcast_in_dim3A_96 {strides = array<i32>} : memref<80x128xf32, #tpu.memory_space<vmem>>, vector<16xf32>,
    %broadcast_in_dim3A_101 = arith.constant 0.000000e+00 : f32
    %broadcast_in_dim3A_102 = vector.broadcast %broadcast_in_dim3A_101 : f32 to vector<16xf32>
    %swap3A_103 = arith.constant 2 : i32
    %swap3A_104 = arith.index_cast %swap3A_103 : i32 to index
    %swap3A_105 = arith.constant 16 : index
    %swap3A_106 = tpu.vector_load %arg10[%swap3A_104, %swap3A_105] {strides = array<i32>} : memref<80x128xf32, #tpu.memory_space<vmem>>, vector<16xf32>,
    tpu.vector_store %arg10[%swap3A_104, %swap3A_105], %broadcast_in_dim3A_102 {strides = array<i32>} : memref<80x128xf32, #tpu.memory_space<vmem>>, vector<16xf32>,
    %broadcast_in_dim3A_107 = arith.constant 0.000000e+00 : f32
    %broadcast_in_dim3A_108 = vector.broadcast %broadcast_in_dim3A_107 : f32 to vector<16xf32>
    %swap3A_109 = arith.constant 2 : i32
    %swap3A_110 = arith.index_cast %swap3A_109 : i32 to index
    %swap3A_111 = arith.constant 32 : index
    %swap3A_112 = tpu.vector_load %arg10[%swap3A_110, %swap3A_111] {strides = array<i32>} : memref<80x128xf32, #tpu.memory_space<vmem>>, vector<16xf32>,
    tpu.vector_store %arg10[%swap3A_110, %swap3A_111], %broadcast_in_dim3A_108 {strides = array<i32>} : memref<80x128xf32, #tpu.memory_space<vmem>>, vector<16xf32>,
    %broadcast_in_dim3A_113 = arith.constant 0.000000e+00 : f32
    %broadcast_in_dim3A_114 = vector.broadcast %broadcast_in_dim3A_113 : f32 to vector<16xf32>
    %swap3A_115 = arith.constant 2 : i32
    %swap3A_116 = arith.index_cast %swap3A_115 : i32 to index
    %swap3A_117 = arith.constant 48 : index
    %swap3A_118 = tpu.vector_load %arg10[%swap3A_116, %swap3A_117] {strides = array<i32>} : memref<80x128xf32, #tpu.memory_space<vmem>>, vector<16xf32>,
    tpu.vector_store %arg10[%swap3A_116, %swap3A_117], %broadcast_in_dim3A_114 {strides = array<i32>} : memref<80x128xf32, #tpu.memory_space<vmem>>, vector<16xf32>,
    %broadcast_in_dim3A_119 = arith.constant 0.000000e+00 : f32
    %broadcast_in_dim3A_120 = vector.broadcast %broadcast_in_dim3A_119 : f32 to vector<16xf32>
    %swap3A_121 = arith.constant 2 : i32
    %swap3A_122 = arith.index_cast %swap3A_121 : i32 to index
    %swap3A_123 = arith.constant 64 : index
    %swap3A_124 = tpu.vector_load %arg10[%swap3A_122, %swap3A_123] {strides = array<i32>} : memref<80x128xf32, #tpu.memory_space<vmem>>, vector<16xf32>,
    tpu.vector_store %arg10[%swap3A_122, %swap3A_123], %broadcast_in_dim3A_120 {strides = array<i32>} : memref<80x128xf32, #tpu.memory_space<vmem>>, vector<16xf32>,
    %broadcast_in_dim3A_125 = arith.constant 0.000000e+00 : f32
    %broadcast_in_dim3A_126 = vector.broadcast %broadcast_in_dim3A_125 : f32 to vector<16xf32>
    %swap3A_127 = arith.constant 2 : i32
    %swap3A_128 = arith.index_cast %swap3A_127 : i32 to index
    %swap3A_129 = arith.constant 80 : index
    %swap3A_130 = tpu.vector_load %arg10[%swap3A_128, %swap3A_129] {strides = array<i32>} : memref<80x128xf32, #tpu.memory_space<vmem>>, vector<16xf32>,
    tpu.vector_store %arg10[%swap3A_128, %swap3A_129], %broadcast_in_dim3A_126 {strides = array<i32>} : memref<80x128xf32, #tpu.memory_space<vmem>>, vector<16xf32>,
    %broadcast_in_dim3A_131 = arith.constant 0.000000e+00 : f32
    %broadcast_in_dim3A_132 = vector.broadcast %broadcast_in_dim3A_131 : f32 to vector<16xf32>
    %swap3A_133 = arith.constant 2 : i32
    %swap3A_134 = arith.index_cast %swap3A_133 : i32 to index
    %swap3A_135 = arith.constant 96 : index
    %swap3A_136 = tpu.vector_load %arg10[%swap3A_134, %swap3A_135] {strides = array<i32>} : memref<80x128xf32, #tpu.memory_space<vmem>>, vector<16xf32>,
    tpu.vector_store %arg10[%swap3A_134, %swap3A_135], %broadcast_in_dim3A_132 {strides = array<i32>} : memref<80x128xf32, #tpu.memory_space<vmem>>, vector<16xf32>,
    %broadcast_in_dim3A_137 = arith.constant 0.000000e+00 : f32
    %broadcast_in_dim3A_138 = vector.broadcast %broadcast_in_dim3A_137 : f32 to vector<16xf32>
    %swap3A_139 = arith.constant 2 : i32
    %swap3A_140 = arith.index_cast %swap3A_139 : i32 to index
    %swap3A_141 = arith.constant 112 : index
    %swap3A_142 = tpu.vector_load %arg10[%swap3A_140, %swap3A_141] {strides = array<i32>} : memref<80x128xf32, #tpu.memory_space<vmem>>, vector<16xf32>,
    tpu.vector_store %arg10[%swap3A_140, %swap3A_141], %broadcast_in_dim3A_138 {strides = array<i32>} : memref<80x128xf32, #tpu.memory_space<vmem>>, vector<16xf32>,
    %broadcast_in_dim3A_143 = arith.constant 0.000000e+00 : f32
    %broadcast_in_dim3A_144 = vector.broadcast %broadcast_in_dim3A_143 : f32 to vector<16xf32>
    %swap3A_145 = arith.constant 3 : i32
    %swap3A_146 = arith.index_cast %swap3A_145 : i32 to index
    %swap3A_147 = arith.constant 0 : index
    %swap3A_148 = tpu.vector_load %arg10[%swap3A_146, %swap3A_147] {strides = array<i32>} : memref<80x128xf32, #tpu.memory_space<vmem>>, vector<16xf32>,
    tpu.vector_store %arg10[%swap3A_146, %swap3A_147], %broadcast_in_dim3A_144 {strides = array<i32>} : memref<80x128xf32, #tpu.memory_space<vmem>>, vector<16xf32>,
    %broadcast_in_dim3A_149 = arith.constant 0.000000e+00 : f32
    %broadcast_in_dim3A_150 = vector.broadcast %broadcast_in_dim3A_149 : f32 to vector<16xf32>
    %swap3A_151 = arith.constant 3 : i32
    %swap3A_152 = arith.index_cast %swap3A_151 : i32 to index
    %swap3A_153 = arith.constant 16 : index
    %swap3A_154 = tpu.vector_load %arg10[%swap3A_152, %swap3A_153] {strides = array<i32>} : memref<80x128xf32, #tpu.memory_space<vmem>>, vector<16xf32>,
    tpu.vector_store %arg10[%swap3A_152, %swap3A_153], %broadcast_in_dim3A_150 {strides = array<i32>} : memref<80x128xf32, #tpu.memory_space<vmem>>, vector<16xf32>,
    %broadcast_in_dim3A_155 = arith.constant 0.000000e+00 : f32
    %broadcast_in_dim3A_156 = vector.broadcast %broadcast_in_dim3A_155 : f32 to vector<16xf32>
    %swap3A_157 = arith.constant 3 : i32
    %swap3A_158 = arith.index_cast %swap3A_157 : i32 to index
    %swap3A_159 = arith.constant 32 : index
    %swap3A_160 = tpu.vector_load %arg10[%swap3A_158, %swap3A_159] {strides = array<i32>} : memref<80x128xf32, #tpu.memory_space<vmem>>, vector<16xf32>,
    tpu.vector_store %arg10[%swap3A_158, %swap3A_159], %broadcast_in_dim3A_156 {strides = array<i32>} : memref<80x128xf32, #tpu.memory_space<vmem>>, vector<16xf32>,
    %broadcast_in_dim3A_161 = arith.constant 0.000000e+00 : f32
    %broadcast_in_dim3A_162 = vector.broadcast %broadcast_in_dim3A_161 : f32 to vector<16xf32>
    %swap3A_163 = arith.constant 3 : i32
    %swap3A_164 = arith.index_cast %swap3A_163 : i32 to index
    %swap3A_165 = arith.constant 48 : index
    %swap3A_166 = tpu.vector_load %arg10[%swap3A_164, %swap3A_165] {strides = array<i32>} : memref<80x128xf32, #tpu.memory_space<vmem>>, vector<16xf32>,
    tpu.vector_store %arg10[%swap3A_164, %swap3A_165], %broadcast_in_dim3A_162 {strides = array<i32>} : memref<80x128xf32, #tpu.memory_space<vmem>>, vector<16xf32>,
    %broadcast_in_dim3A_167 = arith.constant 0.000000e+00 : f32
    %broadcast_in_dim3A_168 = vector.broadcast %broadcast_in_dim3A_167 : f32 to vector<16xf32>
    %swap3A_169 = arith.constant 3 : i32
    %swap3A_170 = arith.index_cast %swap3A_169 : i32 to index
    %swap3A_171 = arith.constant 64 : index
    %swap3A_172 = tpu.vector_load %arg10[%swap3A_170, %swap3A_171] {strides = array<i32>} : memref<80x128xf32, #tpu.memory_space<vmem>>, vector<16xf32>,
    tpu.vector_store %arg10[%swap3A_170, %swap3A_171], %broadcast_in_dim3A_168 {strides = array<i32>} : memref<80x128xf32, #tpu.memory_space<vmem>>, vector<16xf32>,
    %broadcast_in_dim3A_173 = arith.constant 0.000000e+00 : f32
    %broadcast_in_dim3A_174 = vector.broadcast %broadcast_in_dim3A_173 : f32 to vector<16xf32>
    %swap3A_175 = arith.constant 3 : i32
    %swap3A_176 = arith.index_cast %swap3A_175 : i32 to index
    %swap3A_177 = arith.constant 80 : index
    %swap3A_178 = tpu.vector_load %arg10[%swap3A_176, %swap3A_177] {strides = array<i32>} : memref<80x128xf32, #tpu.memory_space<vmem>>, vector<16xf32>,
    tpu.vector_store %arg10[%swap3A_176, %swap3A_177], %broadcast_in_dim3A_174 {strides = array<i32>} : memref<80x128xf32, #tpu.memory_space<vmem>>, vector<16xf32>,
    %broadcast_in_dim3A_179 = arith.constant 0.000000e+00 : f32
    %broadcast_in_dim3A_180 = vector.broadcast %broadcast_in_dim3A_179 : f32 to vector<16xf32>
    %swap3A_181 = arith.constant 3 : i32
    %swap3A_182 = arith.index_cast %swap3A_181 : i32 to index
    %swap3A_183 = arith.constant 96 : index
    %swap3A_184 = tpu.vector_load %arg10[%swap3A_182, %swap3A_183] {strides = array<i32>} : memref<80x128xf32, #tpu.memory_space<vmem>>, vector<16xf32>,
    tpu.vector_store %arg10[%swap3A_182, %swap3A_183], %broadcast_in_dim3A_180 {strides = array<i32>} : memref<80x128xf32, #tpu.memory_space<vmem>>, vector<16xf32>,
    %broadcast_in_dim3A_185 = arith.constant 0.000000e+00 : f32
    %broadcast_in_dim3A_186 = vector.broadcast %broadcast_in_dim3A_185 : f32 to vector<16xf32>
    %swap3A_187 = arith.constant 3 : i32
    %swap3A_188 = arith.index_cast %swap3A_187 : i32 to index
    %swap3A_189 = arith.constant 112 : index
    %swap3A_190 = tpu.vector_load %arg10[%swap3A_188, %swap3A_189] {strides = array<i32>} : memref<80x128xf32, #tpu.memory_space<vmem>>, vector<16xf32>,
    tpu.vector_store %arg10[%swap3A_188, %swap3A_189], %broadcast_in_dim3A_186 {strides = array<i32>} : memref<80x128xf32, #tpu.memory_space<vmem>>, vector<16xf32>,
    %broadcast_in_dim3A_191 = arith.constant 0.000000e+00 : f32
    %broadcast_in_dim3A_192 = vector.broadcast %broadcast_in_dim3A_191 : f32 to vector<16xf32>
    %swap3A_193 = arith.constant 4 : i32
    %swap3A_194 = arith.index_cast %swap3A_193 : i32 to index
    %swap3A_195 = arith.constant 0 : index
    %swap3A_196 = tpu.vector_load %arg10[%swap3A_194, %swap3A_195] {strides = array<i32>} : memref<80x128xf32, #tpu.memory_space<vmem>>, vector<16xf32>,
    tpu.vector_store %arg10[%swap3A_194, %swap3A_195], %broadcast_in_dim3A_192 {strides = array<i32>} : memref<80x128xf32, #tpu.memory_space<vmem>>, vector<16xf32>,
    %broadcast_in_dim3A_197 = arith.constant 0.000000e+00 : f32
    %broadcast_in_dim3A_198 = vector.broadcast %broadcast_in_dim3A_197 : f32 to vector<16xf32>
    %swap3A_199 = arith.constant 4 : i32
    %swap3A_200 = arith.index_cast %swap3A_199 : i32 to index
    %swap3A_201 = arith.constant 16 : index
    %swap3A_202 = tpu.vector_load %arg10[%swap3A_200, %swap3A_201] {strides = array<i32>} : memref<80x128xf32, #tpu.memory_space<vmem>>, vector<16xf32>,
    tpu.vector_store %arg10[%swap3A_200, %swap3A_201], %broadcast_in_dim3A_198 {strides = array<i32>} : memref<80x128xf32, #tpu.memory_space<vmem>>, vector<16xf32>,
    %broadcast_in_dim3A_203 = arith.constant 0.000000e+00 : f32
    %broadcast_in_dim3A_204 = vector.broadcast %broadcast_in_dim3A_203 : f32 to vector<16xf32>
    %swap3A_205 = arith.constant 4 : i32
    %swap3A_206 = arith.index_cast %swap3A_205 : i32 to index
    %swap3A_207 = arith.constant 32 : index
    %swap3A_208 = tpu.vector_load %arg10[%swap3A_206, %swap3A_207] {strides = array<i32>} : memref<80x128xf32, #tpu.memory_space<vmem>>, vector<16xf32>,
    tpu.vector_store %arg10[%swap3A_206, %swap3A_207], %broadcast_in_dim3A_204 {strides = array<i32>} : memref<80x128xf32, #tpu.memory_space<vmem>>, vector<16xf32>,
    %broadcast_in_dim3A_209 = arith.constant 0.000000e+00 : f32
    %broadcast_in_dim3A_210 = vector.broadcast %broadcast_in_dim3A_209 : f32 to vector<16xf32>
    %swap3A_211 = arith.constant 4 : i32
    %swap3A_212 = arith.index_cast %swap3A_211 : i32 to index
    %swap3A_213 = arith.constant 48 : index
    %swap3A_214 = tpu.vector_load %arg10[%swap3A_212, %swap3A_213] {strides = array<i32>} : memref<80x128xf32, #tpu.memory_space<vmem>>, vector<16xf32>,
    tpu.vector_store %arg10[%swap3A_212, %swap3A_213], %broadcast_in_dim3A_210 {strides = array<i32>} : memref<80x128xf32, #tpu.memory_space<vmem>>, vector<16xf32>,
    %broadcast_in_dim3A_215 = arith.constant 0.000000e+00 : f32
    %broadcast_in_dim3A_216 = vector.broadcast %broadcast_in_dim3A_215 : f32 to vector<16xf32>
    %swap3A_217 = arith.constant 4 : i32
    %swap3A_218 = arith.index_cast %swap3A_217 : i32 to index
    %swap3A_219 = arith.constant 64 : index
    %swap3A_220 = tpu.vector_load %arg10[%swap3A_218, %swap3A_219] {strides = array<i32>} : memref<80x128xf32, #tpu.memory_space<vmem>>, vector<16xf32>,
    tpu.vector_store %arg10[%swap3A_218, %swap3A_219], %broadcast_in_dim3A_216 {strides = array<i32>} : memref<80x128xf32, #tpu.memory_space<vmem>>, vector<16xf32>,
    %broadcast_in_dim3A_221 = arith.constant 0.000000e+00 : f32
    %broadcast_in_dim3A_222 = vector.broadcast %broadcast_in_dim3A_221 : f32 to vector<16xf32>
    %swap3A_223 = arith.constant 4 : i32
    %swap3A_224 = arith.index_cast %swap3A_223 : i32 to index
    %swap3A_225 = arith.constant 80 : index
    %swap3A_226 = tpu.vector_load %arg10[%swap3A_224, %swap3A_225] {strides = array<i32>} : memref<80x128xf32, #tpu.memory_space<vmem>>, vector<16xf32>,
    tpu.vector_store %arg10[%swap3A_224, %swap3A_225], %broadcast_in_dim3A_222 {strides = array<i32>} : memref<80x128xf32, #tpu.memory_space<vmem>>, vector<16xf32>,
    %broadcast_in_dim3A_227 = arith.constant 0.000000e+00 : f32
    %broadcast_in_dim3A_228 = vector.broadcast %broadcast_in_dim3A_227 : f32 to vector<16xf32>
    %swap3A_229 = arith.constant 4 : i32
    %swap3A_230 = arith.index_cast %swap3A_229 : i32 to index
    %swap3A_231 = arith.constant 96 : index
    %swap3A_232 = tpu.vector_load %arg10[%swap3A_230, %swap3A_231] {strides = array<i32>} : memref<80x128xf32, #tpu.memory_space<vmem>>, vector<16xf32>,
    tpu.vector_store %arg10[%swap3A_230, %swap3A_231], %broadcast_in_dim3A_228 {strides = array<i32>} : memref<80x128xf32, #tpu.memory_space<vmem>>, vector<16xf32>,
    %broadcast_in_dim3A_233 = arith.constant 0.000000e+00 : f32
    %broadcast_in_dim3A_234 = vector.broadcast %broadcast_in_dim3A_233 : f32 to vector<16xf32>
    %swap3A_235 = arith.constant 4 : i32
    %swap3A_236 = arith.index_cast %swap3A_235 : i32 to index
    %swap3A_237 = arith.constant 112 : index
    %swap3A_238 = tpu.vector_load %arg10[%swap3A_236, %swap3A_237] {strides = array<i32>} : memref<80x128xf32, #tpu.memory_space<vmem>>, vector<16xf32>,
    tpu.vector_store %arg10[%swap3A_236, %swap3A_237], %broadcast_in_dim3A_234 {strides = array<i32>} : memref<80x128xf32, #tpu.memory_space<vmem>>, vector<16xf32>,
    %broadcast_in_dim3A_239 = arith.constant 0.000000e+00 : f32
    %broadcast_in_dim3A_240 = vector.broadcast %broadcast_in_dim3A_239 : f32 to vector<16xf32>
    %swap3A_241 = arith.constant 5 : i32
    %swap3A_242 = arith.index_cast %swap3A_241 : i32 to index
    %swap3A_243 = arith.constant 0 : index
    %swap3A_244 = tpu.vector_load %arg10[%swap3A_242, %swap3A_243] {strides = array<i32>} : memref<80x128xf32, #tpu.memory_space<vmem>>, vector<16xf32>,
    tpu.vector_store %arg10[%swap3A_242, %swap3A_243], %broadcast_in_dim3A_240 {strides = array<i32>} : memref<80x128xf32, #tpu.memory_space<vmem>>, vector<16xf32>,
    %broadcast_in_dim3A_245 = arith.constant 0.000000e+00 : f32
    %broadcast_in_dim3A_246 = vector.broadcast %broadcast_in_dim3A_245 : f32 to vector<16xf32>
    %swap3A_247 = arith.constant 5 : i32
    %swap3A_248 = arith.index_cast %swap3A_247 : i32 to index
    %swap3A_249 = arith.constant 16 : index
    %swap3A_250 = tpu.vector_load %arg10[%swap3A_248, %swap3A_249] {strides = array<i32>} : memref<80x128xf32, #tpu.memory_space<vmem>>, vector<16xf32>,
    tpu.vector_store %arg10[%swap3A_248, %swap3A_249], %broadcast_in_dim3A_246 {strides = array<i32>} : memref<80x128xf32, #tpu.memory_space<vmem>>, vector<16xf32>,
    %broadcast_in_dim3A_251 = arith.constant 0.000000e+00 : f32
    %broadcast_in_dim3A_252 = vector.broadcast %broadcast_in_dim3A_251 : f32 to vector<16xf32>
    %swap3A_253 = arith.constant 5 : i32
    %swap3A_254 = arith.index_cast %swap3A_253 : i32 to index
    %swap3A_255 = arith.constant 32 : index
    %swap3A_256 = tpu.vector_load %arg10[%swap3A_254, %swap3A_255] {strides = array<i32>} : memref<80x128xf32, #tpu.memory_space<vmem>>, vector<16xf32>,
    tpu.vector_store %arg10[%swap3A_254, %swap3A_255], %broadcast_in_dim3A_252 {strides = array<i32>} : memref<80x128xf32, #tpu.memory_space<vmem>>, vector<16xf32>,
    %broadcast_in_dim3A_257 = arith.constant 0.000000e+00 : f32
    %broadcast_in_dim3A_258 = vector.broadcast %broadcast_in_dim3A_257 : f32 to vector<16xf32>
    %swap3A_259 = arith.constant 5 : i32
    %swap3A_260 = arith.index_cast %swap3A_259 : i32 to index
    %swap3A_261 = arith.constant 48 : index
    %swap3A_262 = tpu.vector_load %arg10[%swap3A_260, %swap3A_261] {strides = array<i32>} : memref<80x128xf32, #tpu.memory_space<vmem>>, vector<16xf32>,
    tpu.vector_store %arg10[%swap3A_260, %swap3A_261], %broadcast_in_dim3A_258 {strides = array<i32>} : memref<80x128xf32, #tpu.memory_space<vmem>>, vector<16xf32>,
    %broadcast_in_dim3A_263 = arith.constant 0.000000e+00 : f32
    %broadcast_in_dim3A_264 = vector.broadcast %broadcast_in_dim3A_263 : f32 to vector<16xf32>
    %swap3A_265 = arith.constant 5 : i32
    %swap3A_266 = arith.index_cast %swap3A_265 : i32 to index
    %swap3A_267 = arith.constant 64 : index
    %swap3A_268 = tpu.vector_load %arg10[%swap3A_266, %swap3A_267] {strides = array<i32>} : memref<80x128xf32, #tpu.memory_space<vmem>>, vector<16xf32>,
    tpu.vector_store %arg10[%swap3A_266, %swap3A_267], %broadcast_in_dim3A_264 {strides = array<i32>} : memref<80x128xf32, #tpu.memory_space<vmem>>, vector<16xf32>,
    %broadcast_in_dim3A_269 = arith.constant 0.000000e+00 : f32
    %broadcast_in_dim3A_270 = vector.broadcast %broadcast_in_dim3A_269 : f32 to vector<16xf32>
    %swap3A_271 = arith.constant 5 : i32
    %swap3A_272 = arith.index_cast %swap3A_271 : i32 to index
    %swap3A_273 = arith.constant 80 : index
    %swap3A_274 = tpu.vector_load %arg10[%swap3A_272, %swap3A_273] {strides = array<i32>} : memref<80x128xf32, #tpu.memory_space<vmem>>, vector<16xf32>,
    tpu.vector_store %arg10[%swap3A_272, %swap3A_273], %broadcast_in_dim3A_270 {strides = array<i32>} : memref<80x128xf32, #tpu.memory_space<vmem>>, vector<16xf32>,
    %broadcast_in_dim3A_275 = arith.constant 0.000000e+00 : f32
    %broadcast_in_dim3A_276 = vector.broadcast %broadcast_in_dim3A_275 : f32 to vector<16xf32>
    %swap3A_277 = arith.constant 5 : i32
    %swap3A_278 = arith.index_cast %swap3A_277 : i32 to index
    %swap3A_279 = arith.constant 96 : index
    %swap3A_280 = tpu.vector_load %arg10[%swap3A_278, %swap3A_279] {strides = array<i32>} : memref<80x128xf32, #tpu.memory_space<vmem>>, vector<16xf32>,
    tpu.vector_store %arg10[%swap3A_278, %swap3A_279], %broadcast_in_dim3A_276 {strides = array<i32>} : memref<80x128xf32, #tpu.memory_space<vmem>>, vector<16xf32>,
    %broadcast_in_dim3A_281 = arith.constant 0.000000e+00 : f32
    %broadcast_in_dim3A_282 = vector.broadcast %broadcast_in_dim3A_281 : f32 to vector<16xf32>
    %swap3A_283 = arith.constant 5 : i32
    %swap3A_284 = arith.index_cast %swap3A_283 : i32 to index
    %swap3A_285 = arith.constant 112 : index
    %swap3A_286 = tpu.vector_load %arg10[%swap3A_284, %swap3A_285] {strides = array<i32>} : memref<80x128xf32, #tpu.memory_space<vmem>>, vector<16xf32>,
    tpu.vector_store %arg10[%swap3A_284, %swap3A_285], %broadcast_in_dim3A_282 {strides = array<i32>} : memref<80x128xf32, #tpu.memory_space<vmem>>, vector<16xf32>,
    %broadcast_in_dim3A_287 = arith.constant 0.000000e+00 : f32
    %broadcast_in_dim3A_288 = vector.broadcast %broadcast_in_dim3A_287 : f32 to vector<16xf32>
    %swap3A_289 = arith.constant 6 : i32
    %swap3A_290 = arith.index_cast %swap3A_289 : i32 to index
    %swap3A_291 = arith.constant 0 : index
    %swap3A_292 = tpu.vector_load %arg10[%swap3A_290, %swap3A_291] {strides = array<i32>} : memref<80x128xf32, #tpu.memory_space<vmem>>, vector<16xf32>,
    tpu.vector_store %arg10[%swap3A_290, %swap3A_291], %broadcast_in_dim3A_288 {strides = array<i32>} : memref<80x128xf32, #tpu.memory_space<vmem>>, vector<16xf32>,
    %broadcast_in_dim3A_293 = arith.constant 0.000000e+00 : f32
    %broadcast_in_dim3A_294 = vector.broadcast %broadcast_in_dim3A_293 : f32 to vector<16xf32>
    %swap3A_295 = arith.constant 6 : i32
    %swap3A_296 = arith.index_cast %swap3A_295 : i32 to index
    %swap3A_297 = arith.constant 16 : index
    %swap3A_298 = tpu.vector_load %arg10[%swap3A_296, %swap3A_297] {strides = array<i32>} : memref<80x128xf32, #tpu.memory_space<vmem>>, vector<16xf32>,
    tpu.vector_store %arg10[%swap3A_296, %swap3A_297], %broadcast_in_dim3A_294 {strides = array<i32>} : memref<80x128xf32, #tpu.memory_space<vmem>>, vector<16xf32>,
    %broadcast_in_dim3A_299 = arith.constant 0.000000e+00 : f32
    %broadcast_in_dim3A_300 = vector.broadcast %broadcast_in_dim3A_299 : f32 to vector<16xf32>
    %swap3A_301 = arith.constant 6 : i32
    %swap3A_302 = arith.index_cast %swap3A_301 : i32 to index
    %swap3A_303 = arith.constant 32 : index
    %swap3A_304 = tpu.vector_load %arg10[%swap3A_302, %swap3A_303] {strides = array<i32>} : memref<80x128xf32, #tpu.memory_space<vmem>>, vector<16xf32>,
    tpu.vector_store %arg10[%swap3A_302, %swap3A_303], %broadcast_in_dim3A_300 {strides = array<i32>} : memref<80x128xf32, #tpu.memory_space<vmem>>, vector<16xf32>,
    %broadcast_in_dim3A_305 = arith.constant 0.000000e+00 : f32
    %broadcast_in_dim3A_306 = vector.broadcast %broadcast_in_dim3A_305 : f32 to vector<16xf32>
    %swap3A_307 = arith.constant 6 : i32
    %swap3A_308 = arith.index_cast %swap3A_307 : i32 to index
    %swap3A_309 = arith.constant 48 : index
    %swap3A_310 = tpu.vector_load %arg10[%swap3A_308, %swap3A_309] {strides = array<i32>} : memref<80x128xf32, #tpu.memory_space<vmem>>, vector<16xf32>,
    tpu.vector_store %arg10[%swap3A_308, %swap3A_309], %broadcast_in_dim3A_306 {strides = array<i32>} : memref<80x128xf32, #tpu.memory_space<vmem>>, vector<16xf32>,
    %broadcast_in_dim3A_311 = arith.constant 0.000000e+00 : f32
    %broadcast_in_dim3A_312 = vector.broadcast %broadcast_in_dim3A_311 : f32 to vector<16xf32>
    %swap3A_313 = arith.constant 6 : i32
    %swap3A_314 = arith.index_cast %swap3A_313 : i32 to index
    %swap3A_315 = arith.constant 64 : index
    %swap3A_316 = tpu.vector_load %arg10[%swap3A_314, %swap3A_315] {strides = array<i32>} : memref<80x128xf32, #tpu.memory_space<vmem>>, vector<16xf32>,
    tpu.vector_store %arg10[%swap3A_314, %swap3A_315], %broadcast_in_dim3A_312 {strides = array<i32>} : memref<80x128xf32, #tpu.memory_space<vmem>>, vector<16xf32>,
    %broadcast_in_dim3A_317 = arith.constant 0.000000e+00 : f32
    %broadcast_in_dim3A_318 = vector.broadcast %broadcast_in_dim3A_317 : f32 to vector<16xf32>
    %swap3A_319 = arith.constant 6 : i32
    %swap3A_320 = arith.index_cast %swap3A_319 : i32 to index
    %swap3A_321 = arith.constant 80 : index
    %swap3A_322 = tpu.vector_load %arg10[%swap3A_320, %swap3A_321] {strides = array<i32>} : memref<80x128xf32, #tpu.memory_space<vmem>>, vector<16xf32>,
    tpu.vector_store %arg10[%swap3A_320, %swap3A_321], %broadcast_in_dim3A_318 {strides = array<i32>} : memref<80x128xf32, #tpu.memory_space<vmem>>, vector<16xf32>,
    %broadcast_in_dim3A_323 = arith.constant 0.000000e+00 : f32
    %broadcast_in_dim3A_324 = vector.broadcast %broadcast_in_dim3A_323 : f32 to vector<16xf32>
    %swap3A_325 = arith.constant 6 : i32
    %swap3A_326 = arith.index_cast %swap3A_325 : i32 to index
    %swap3A_327 = arith.constant 96 : index
    %swap3A_328 = tpu.vector_load %arg10[%swap3A_326, %swap3A_327] {strides = array<i32>} : memref<80x128xf32, #tpu.memory_space<vmem>>, vector<16xf32>,
    tpu.vector_store %arg10[%swap3A_326, %swap3A_327], %broadcast_in_dim3A_324 {strides = array<i32>} : memref<80x128xf32, #tpu.memory_space<vmem>>, vector<16xf32>,
    %broadcast_in_dim3A_329 = arith.constant 0.000000e+00 : f32
    %broadcast_in_dim3A_330 = vector.broadcast %broadcast_in_dim3A_329 : f32 to vector<16xf32>
    %swap3A_331 = arith.constant 6 : i32
    %swap3A_332 = arith.index_cast %swap3A_331 : i32 to index
    %swap3A_333 = arith.constant 112 : index
    %swap3A_334 = tpu.vector_load %arg10[%swap3A_332, %swap3A_333] {strides = array<i32>} : memref<80x128xf32, #tpu.memory_space<vmem>>, vector<16xf32>,
    tpu.vector_store %arg10[%swap3A_332, %swap3A_333], %broadcast_in_dim3A_330 {strides = array<i32>} : memref<80x128xf32, #tpu.memory_space<vmem>>, vector<16xf32>,
    %broadcast_in_dim3A_335 = arith.constant 0.000000e+00 : f32
    %broadcast_in_dim3A_336 = vector.broadcast %broadcast_in_dim3A_335 : f32 to vector<16xf32>
    %swap3A_337 = arith.constant 7 : i32
    %swap3A_338 = arith.index_cast %swap3A_337 : i32 to index
    %swap3A_339 = arith.constant 0 : index
    %swap3A_340 = tpu.vector_load %arg10[%swap3A_338, %swap3A_339] {strides = array<i32>} : memref<80x128xf32, #tpu.memory_space<vmem>>, vector<16xf32>,
    tpu.vector_store %arg10[%swap3A_338, %swap3A_339], %broadcast_in_dim3A_336 {strides = array<i32>} : memref<80x128xf32, #tpu.memory_space<vmem>>, vector<16xf32>,
    %broadcast_in_dim3A_341 = arith.constant 0.000000e+00 : f32
    %broadcast_in_dim3A_342 = vector.broadcast %broadcast_in_dim3A_341 : f32 to vector<16xf32>
    %swap3A_343 = arith.constant 7 : i32
    %swap3A_344 = arith.index_cast %swap3A_343 : i32 to index
    %swap3A_345 = arith.constant 16 : index
    %swap3A_346 = tpu.vector_load %arg10[%swap3A_344, %swap3A_345] {strides = array<i32>} : memref<80x128xf32, #tpu.memory_space<vmem>>, vector<16xf32>,
    tpu.vector_store %arg10[%swap3A_344, %swap3A_345], %broadcast_in_dim3A_342 {strides = array<i32>} : memref<80x128xf32, #tpu.memory_space<vmem>>, vector<16xf32>,
    %broadcast_in_dim3A_347 = arith.constant 0.000000e+00 : f32
    %broadcast_in_dim3A_348 = vector.broadcast %broadcast_in_dim3A_347 : f32 to vector<16xf32>
    %swap3A_349 = arith.constant 7 : i32
    %swap3A_350 = arith.index_cast %swap3A_349 : i32 to index
    %swap3A_351 = arith.constant 32 : index
    %swap3A_352 = tpu.vector_load %arg10[%swap3A_350, %swap3A_351] {strides = array<i32>} : memref<80x128xf32, #tpu.memory_space<vmem>>, vector<16xf32>,
    tpu.vector_store %arg10[%swap3A_350, %swap3A_351], %broadcast_in_dim3A_348 {strides = array<i32>} : memref<80x128xf32, #tpu.memory_space<vmem>>, vector<16xf32>,
    %broadcast_in_dim3A_353 = arith.constant 0.000000e+00 : f32
    %broadcast_in_dim3A_354 = vector.broadcast %broadcast_in_dim3A_353 : f32 to vector<16xf32>
    %swap3A_355 = arith.constant 7 : i32
    %swap3A_356 = arith.index_cast %swap3A_355 : i32 to index
    %swap3A_357 = arith.constant 48 : index
    %swap3A_358 = tpu.vector_load %arg10[%swap3A_356, %swap3A_357] {strides = array<i32>} : memref<80x128xf32, #tpu.memory_space<vmem>>, vector<16xf32>,
    tpu.vector_store %arg10[%swap3A_356, %swap3A_357], %broadcast_in_dim3A_354 {strides = array<i32>} : memref<80x128xf32, #tpu.memory_space<vmem>>, vector<16xf32>,
    %broadcast_in_dim3A_359 = arith.constant 0.000000e+00 : f32
    %broadcast_in_dim3A_360 = vector.broadcast %broadcast_in_dim3A_359 : f32 to vector<16xf32>
    %swap3A_361 = arith.constant 7 : i32
    %swap3A_362 = arith.index_cast %swap3A_361 : i32 to index
    %swap3A_363 = arith.constant 64 : index
    %swap3A_364 = tpu.vector_load %arg10[%swap3A_362, %swap3A_363] {strides = array<i32>} : memref<80x128xf32, #tpu.memory_space<vmem>>, vector<16xf32>,
    tpu.vector_store %arg10[%swap3A_362, %swap3A_363], %broadcast_in_dim3A_360 {strides = array<i32>} : memref<80x128xf32, #tpu.memory_space<vmem>>, vector<16xf32>,
    %broadcast_in_dim3A_365 = arith.constant 0.000000e+00 : f32
    %broadcast_in_dim3A_366 = vector.broadcast %broadcast_in_dim3A_365 : f32 to vector<16xf32>
    %swap3A_367 = arith.constant 7 : i32
    %swap3A_368 = arith.index_cast %swap3A_367 : i32 to index
    %swap3A_369 = arith.constant 80 : index
    %swap3A_370 = tpu.vector_load %arg10[%swap3A_368, %swap3A_369] {strides = array<i32>} : memref<80x128xf32, #tpu.memory_space<vmem>>, vector<16xf32>,
    tpu.vector_store %arg10[%swap3A_368, %swap3A_369], %broadcast_in_dim3A_366 {strides = array<i32>} : memref<80x128xf32, #tpu.memory_space<vmem>>, vector<16xf32>,
    %broadcast_in_dim3A_371 = arith.constant 0.000000e+00 : f32
    %broadcast_in_dim3A_372 = vector.broadcast %broadcast_in_dim3A_371 : f32 to vector<16xf32>
    %swap3A_373 = arith.constant 7 : i32
    %swap3A_374 = arith.index_cast %swap3A_373 : i32 to index
    %swap3A_375 = arith.constant 96 : index
    %swap3A_376 = tpu.vector_load %arg10[%swap3A_374, %swap3A_375] {strides = array<i32>} : memref<80x128xf32, #tpu.memory_space<vmem>>, vector<16xf32>,
    tpu.vector_store %arg10[%swap3A_374, %swap3A_375], %broadcast_in_dim3A_372 {strides = array<i32>} : memref<80x128xf32, #tpu.memory_space<vmem>>, vector<16xf32>,
    %broadcast_in_dim3A_377 = arith.constant 0.000000e+00 : f32
    %broadcast_in_dim3A_378 = vector.broadcast %broadcast_in_dim3A_377 : f32 to vector<16xf32>
    %swap3A_379 = arith.constant 7 : i32
    %swap3A_380 = arith.index_cast %swap3A_379 : i32 to index
    %swap3A_381 = arith.constant 112 : index
    %swap3A_382 = tpu.vector_load %arg10[%swap3A_380, %swap3A_381] {strides = array<i32>} : memref<80x128xf32, #tpu.memory_space<vmem>>, vector<16xf32>,
    tpu.vector_store %arg10[%swap3A_380, %swap3A_381], %broadcast_in_dim3A_378 {strides = array<i32>} : memref<80x128xf32, #tpu.memory_space<vmem>>, vector<16xf32>,
    %broadcast_in_dim3A_383 = arith.constant 0.000000e+00 : f32
    %broadcast_in_dim3A_384 = vector.broadcast %broadcast_in_dim3A_383 : f32 to vector<16xf32>
    %swap3A_385 = arith.constant 8 : i32
    %swap3A_386 = arith.index_cast %swap3A_385 : i32 to index
    %swap3A_387 = arith.constant 0 : index
    %swap3A_388 = tpu.vector_load %arg10[%swap3A_386, %swap3A_387] {strides = array<i32>} : memref<80x128xf32, #tpu.memory_space<vmem>>, vector<16xf32>,
    tpu.vector_store %arg10[%swap3A_386, %swap3A_387], %broadcast_in_dim3A_384 {strides = array<i32>} : memref<80x128xf32, #tpu.memory_space<vmem>>, vector<16xf32>,
    %broadcast_in_dim3A_389 = arith.constant 0.000000e+00 : f32
    %broadcast_in_dim3A_390 = vector.broadcast %broadcast_in_dim3A_389 : f32 to vector<16xf32>
    %swap3A_391 = arith.constant 8 : i32
    %swap3A_392 = arith.index_cast %swap3A_391 : i32 to index
    %swap3A_393 = arith.constant 16 : index
    %swap3A_394 = tpu.vector_load %arg10[%swap3A_392, %swap3A_393] {strides = array<i32>} : memref<80x128xf32, #tpu.memory_space<vmem>>, vector<16xf32>,
    tpu.vector_store %arg10[%swap3A_392, %swap3A_393], %broadcast_in_dim3A_390 {strides = array<i32>} : memref<80x128xf32, #tpu.memory_space<vmem>>, vector<16xf32>,
    %broadcast_in_dim3A_395 = arith.constant 0.000000e+00 : f32
    %broadcast_in_dim3A_396 = vector.broadcast %broadcast_in_dim3A_395 : f32 to vector<16xf32>
    %swap3A_397 = arith.constant 8 : i32
    %swap3A_398 = arith.index_cast %swap3A_397 : i32 to index
    %swap3A_399 = arith.constant 32 : index
    %swap3A_400 = tpu.vector_load %arg10[%swap3A_398, %swap3A_399] {strides = array<i32>} : memref<80x128xf32, #tpu.memory_space<vmem>>, vector<16xf32>,
    tpu.vector_store %arg10[%swap3A_398, %swap3A_399], %broadcast_in_dim3A_396 {strides = array<i32>} : memref<80x128xf32, #tpu.memory_space<vmem>>, vector<16xf32>,
    %broadcast_in_dim3A_401 = arith.constant 0.000000e+00 : f32
    %broadcast_in_dim3A_402 = vector.broadcast %broadcast_in_dim3A_401 : f32 to vector<16xf32>
    %swap3A_403 = arith.constant 8 : i32
    %swap3A_404 = arith.index_cast %swap3A_403 : i32 to index
    %swap3A_405 = arith.constant 48 : index
    %swap3A_406 = tpu.vector_load %arg10[%swap3A_404, %swap3A_405] {strides = array<i32>} : memref<80x128xf32, #tpu.memory_space<vmem>>, vector<16xf32>,
    tpu.vector_store %arg10[%swap3A_404, %swap3A_405], %broadcast_in_dim3A_402 {strides = array<i32>} : memref<80x128xf32, #tpu.memory_space<vmem>>, vector<16xf32>,
    %broadcast_in_dim3A_407 = arith.constant 0.000000e+00 : f32
    %broadcast_in_dim3A_408 = vector.broadcast %broadcast_in_dim3A_407 : f32 to vector<16xf32>
    %swap3A_409 = arith.constant 8 : i32
    %swap3A_410 = arith.index_cast %swap3A_409 : i32 to index
    %swap3A_411 = arith.constant 64 : index
    %swap3A_412 = tpu.vector_load %arg10[%swap3A_410, %swap3A_411] {strides = array<i32>} : memref<80x128xf32, #tpu.memory_space<vmem>>, vector<16xf32>,
    tpu.vector_store %arg10[%swap3A_410, %swap3A_411], %broadcast_in_dim3A_408 {strides = array<i32>} : memref<80x128xf32, #tpu.memory_space<vmem>>, vector<16xf32>,
    %broadcast_in_dim3A_413 = arith.constant 0.000000e+00 : f32
    %broadcast_in_dim3A_414 = vector.broadcast %broadcast_in_dim3A_413 : f32 to vector<16xf32>
    %swap3A_415 = arith.constant 8 : i32
    %swap3A_416 = arith.index_cast %swap3A_415 : i32 to index
    %swap3A_417 = arith.constant 80 : index
    %swap3A_418 = tpu.vector_load %arg10[%swap3A_416, %swap3A_417] {strides = array<i32>} : memref<80x128xf32, #tpu.memory_space<vmem>>, vector<16xf32>,
    tpu.vector_store %arg10[%swap3A_416, %swap3A_417], %broadcast_in_dim3A_414 {strides = array<i32>} : memref<80x128xf32, #tpu.memory_space<vmem>>, vector<16xf32>,
    %broadcast_in_dim3A_419 = arith.constant 0.000000e+00 : f32
    %broadcast_in_dim3A_420 = vector.broadcast %broadcast_in_dim3A_419 : f32 to vector<16xf32>
    %swap3A_421 = arith.constant 8 : i32
    %swap3A_422 = arith.index_cast %swap3A_421 : i32 to index
    %swap3A_423 = arith.constant 96 : index
    %swap3A_424 = tpu.vector_load %arg10[%swap3A_422, %swap3A_423] {strides = array<i32>} : memref<80x128xf32, #tpu.memory_space<vmem>>, vector<16xf32>,
    tpu.vector_store %arg10[%swap3A_422, %swap3A_423], %broadcast_in_dim3A_420 {strides = array<i32>} : memref<80x128xf32, #tpu.memory_space<vmem>>, vector<16xf32>,
    %broadcast_in_dim3A_425 = arith.constant 0.000000e+00 : f32
    %broadcast_in_dim3A_426 = vector.broadcast %broadcast_in_dim3A_425 : f32 to vector<16xf32>
    %swap3A_427 = arith.constant 8 : i32
    %swap3A_428 = arith.index_cast %swap3A_427 : i32 to index
    %swap3A_429 = arith.constant 112 : index
    %swap3A_430 = tpu.vector_load %arg10[%swap3A_428, %swap3A_429] {strides = array<i32>} : memref<80x128xf32, #tpu.memory_space<vmem>>, vector<16xf32>,
    tpu.vector_store %arg10[%swap3A_428, %swap3A_429], %broadcast_in_dim3A_426 {strides = array<i32>} : memref<80x128xf32, #tpu.memory_space<vmem>>, vector<16xf32>,
    %broadcast_in_dim3A_431 = arith.constant 0.000000e+00 : f32
    %broadcast_in_dim3A_432 = vector.broadcast %broadcast_in_dim3A_431 : f32 to vector<16xf32>
    %swap3A_433 = arith.constant 9 : i32
    %swap3A_434 = arith.index_cast %swap3A_433 : i32 to index
    %swap3A_435 = arith.constant 0 : index
    %swap3A_436 = tpu.vector_load %arg10[%swap3A_434, %swap3A_435] {strides = array<i32>} : memref<80x128xf32, #tpu.memory_space<vmem>>, vector<16xf32>,
    tpu.vector_store %arg10[%swap3A_434, %swap3A_435], %broadcast_in_dim3A_432 {strides = array<i32>} : memref<80x128xf32, #tpu.memory_space<vmem>>, vector<16xf32>,
    %broadcast_in_dim3A_437 = arith.constant 0.000000e+00 : f32
    %broadcast_in_dim3A_438 = vector.broadcast %broadcast_in_dim3A_437 : f32 to vector<16xf32>
    %swap3A_439 = arith.constant 9 : i32
    %swap3A_440 = arith.index_cast %swap3A_439 : i32 to index
    %swap3A_441 = arith.constant 16 : index
    %swap3A_442 = tpu.vector_load %arg10[%swap3A_440, %swap3A_441] {strides = array<i32>} : memref<80x128xf32, #tpu.memory_space<vmem>>, vector<16xf32>,
    tpu.vector_store %arg10[%swap3A_440, %swap3A_441], %broadcast_in_dim3A_438 {strides = array<i32>} : memref<80x128xf32, #tpu.memory_space<vmem>>, vector<16xf32>,
    %broadcast_in_dim3A_443 = arith.constant 0.000000e+00 : f32
    %broadcast_in_dim3A_444 = vector.broadcast %broadcast_in_dim3A_443 : f32 to vector<16xf32>
    %swap3A_445 = arith.constant 9 : i32
    %swap3A_446 = arith.index_cast %swap3A_445 : i32 to index
    %swap3A_447 = arith.constant 32 : index
    %swap3A_448 = tpu.vector_load %arg10[%swap3A_446, %swap3A_447] {strides = array<i32>} : memref<80x128xf32, #tpu.memory_space<vmem>>, vector<16xf32>,
    tpu.vector_store %arg10[%swap3A_446, %swap3A_447], %broadcast_in_dim3A_444 {strides = array<i32>} : memref<80x128xf32, #tpu.memory_space<vmem>>, vector<16xf32>,
    %broadcast_in_dim3A_449 = arith.constant 0.000000e+00 : f32
    %broadcast_in_dim3A_450 = vector.broadcast %broadcast_in_dim3A_449 : f32 to vector<16xf32>
    %swap3A_451 = arith.constant 9 : i32
    %swap3A_452 = arith.index_cast %swap3A_451 : i32 to index
    %swap3A_453 = arith.constant 48 : index
    %swap3A_454 = tpu.vector_load %arg10[%swap3A_452, %swap3A_453] {strides = array<i32>} : memref<80x128xf32, #tpu.memory_space<vmem>>, vector<16xf32>,
    tpu.vector_store %arg10[%swap3A_452, %swap3A_453], %broadcast_in_dim3A_450 {strides = array<i32>} : memref<80x128xf32, #tpu.memory_space<vmem>>, vector<16xf32>,
    %broadcast_in_dim3A_455 = arith.constant 0.000000e+00 : f32
    %broadcast_in_dim3A_456 = vector.broadcast %broadcast_in_dim3A_455 : f32 to vector<16xf32>
    %swap3A_457 = arith.constant 9 : i32
    %swap3A_458 = arith.index_cast %swap3A_457 : i32 to index
    %swap3A_459 = arith.constant 64 : index
    %swap3A_460 = tpu.vector_load %arg10[%swap3A_458, %swap3A_459] {strides = array<i32>} : memref<80x128xf32, #tpu.memory_space<vmem>>, vector<16xf32>,
    tpu.vector_store %arg10[%swap3A_458, %swap3A_459], %broadcast_in_dim3A_456 {strides = array<i32>} : memref<80x128xf32, #tpu.memory_space<vmem>>, vector<16xf32>,
    %broadcast_in_dim3A_461 = arith.constant 0.000000e+00 : f32
    %broadcast_in_dim3A_462 = vector.broadcast %broadcast_in_dim3A_461 : f32 to vector<16xf32>
    %swap3A_463 = arith.constant 9 : i32
    %swap3A_464 = arith.index_cast %swap3A_463 : i32 to index
    %swap3A_465 = arith.constant 80 : index
    %swap3A_466 = tpu.vector_load %arg10[%swap3A_464, %swap3A_465] {strides = array<i32>} : memref<80x128xf32, #tpu.memory_space<vmem>>, vector<16xf32>,
    tpu.vector_store %arg10[%swap3A_464, %swap3A_465], %broadcast_in_dim3A_462 {strides = array<i32>} : memref<80x128xf32, #tpu.memory_space<vmem>>, vector<16xf32>,
    %broadcast_in_dim3A_467 = arith.constant 0.000000e+00 : f32
    %broadcast_in_dim3A_468 = vector.broadcast %broadcast_in_dim3A_467 : f32 to vector<16xf32>
    %swap3A_469 = arith.constant 9 : i32
    %swap3A_470 = arith.index_cast %swap3A_469 : i32 to index
    %swap3A_471 = arith.constant 96 : index
    %swap3A_472 = tpu.vector_load %arg10[%swap3A_470, %swap3A_471] {strides = array<i32>} : memref<80x128xf32, #tpu.memory_space<vmem>>, vector<16xf32>,
    tpu.vector_store %arg10[%swap3A_470, %swap3A_471], %broadcast_in_dim3A_468 {strides = array<i32>} : memref<80x128xf32, #tpu.memory_space<vmem>>, vector<16xf32>,
    %broadcast_in_dim3A_473 = arith.constant 0.000000e+00 : f32
    %broadcast_in_dim3A_474 = vector.broadcast %broadcast_in_dim3A_473 : f32 to vector<16xf32>
    %swap3A_475 = arith.constant 9 : i32
    %swap3A_476 = arith.index_cast %swap3A_475 : i32 to index
    %swap3A_477 = arith.constant 112 : index
    %swap3A_478 = tpu.vector_load %arg10[%swap3A_476, %swap3A_477] {strides = array<i32>} : memref<80x128xf32, #tpu.memory_space<vmem>>, vector<16xf32>,
    tpu.vector_store %arg10[%swap3A_476, %swap3A_477], %broadcast_in_dim3A_474 {strides = array<i32>} : memref<80x128xf32, #tpu.memory_space<vmem>>, vector<16xf32>,
    %broadcast_in_dim3A_479 = arith.constant 0.000000e+00 : f32
    %broadcast_in_dim3A_480 = vector.broadcast %broadcast_in_dim3A_479 : f32 to vector<16xf32>
    %swap3A_481 = arith.constant 10 : i32
    %swap3A_482 = arith.index_cast %swap3A_481 : i32 to index
    %swap3A_483 = arith.constant 0 : index
    %swap3A_484 = tpu.vector_load %arg10[%swap3A_482, %swap3A_483] {strides = array<i32>} : memref<80x128xf32, #tpu.memory_space<vmem>>, vector<16xf32>,
    tpu.vector_store %arg10[%swap3A_482, %swap3A_483], %broadcast_in_dim3A_480 {strides = array<i32>} : memref<80x128xf32, #tpu.memory_space<vmem>>, vector<16xf32>,
    %broadcast_in_dim3A_485 = arith.constant 0.000000e+00 : f32
    %broadcast_in_dim3A_486 = vector.broadcast %broadcast_in_dim3A_485 : f32 to vector<16xf32>
    %swap3A_487 = arith.constant 10 : i32
    %swap3A_488 = arith.index_cast %swap3A_487 : i32 to index
    %swap3A_489 = arith.constant 16 : index
    %swap3A_490 = tpu.vector_load %arg10[%swap3A_488, %swap3A_489] {strides = array<i32>} : memref<80x128xf32, #tpu.memory_space<vmem>>, vector<16xf32>,
    tpu.vector_store %arg10[%swap3A_488, %swap3A_489], %broadcast_in_dim3A_486 {strides = array<i32>} : memref<80x128xf32, #tpu.memory_space<vmem>>, vector<16xf32>,
    %broadcast_in_dim3A_491 = arith.constant 0.000000e+00 : f32
    %broadcast_in_dim3A_492 = vector.broadcast %broadcast_in_dim3A_491 : f32 to vector<16xf32>
    %swap3A_493 = arith.constant 10 : i32
    %swap3A_494 = arith.index_cast %swap3A_493 : i32 to index
    %swap3A_495 = arith.constant 32 : index
    %swap3A_496 = tpu.vector_load %arg10[%swap3A_494, %swap3A_495] {strides = array<i32>} : memref<80x128xf32, #tpu.memory_space<vmem>>, vector<16xf32>,
    tpu.vector_store %arg10[%swap3A_494, %swap3A_495], %broadcast_in_dim3A_492 {strides = array<i32>} : memref<80x128xf32, #tpu.memory_space<vmem>>, vector<16xf32>,
    %broadcast_in_dim3A_497 = arith.constant 0.000000e+00 : f32
    %broadcast_in_dim3A_498 = vector.broadcast %broadcast_in_dim3A_497 : f32 to vector<16xf32>
    %swap3A_499 = arith.constant 10 : i32
    %swap3A_500 = arith.index_cast %swap3A_499 : i32 to index
    %swap3A_501 = arith.constant 48 : index
    %swap3A_502 = tpu.vector_load %arg10[%swap3A_500, %swap3A_501] {strides = array<i32>} : memref<80x128xf32, #tpu.memory_space<vmem>>, vector<16xf32>,
    tpu.vector_store %arg10[%swap3A_500, %swap3A_501], %broadcast_in_dim3A_498 {strides = array<i32>} : memref<80x128xf32, #tpu.memory_space<vmem>>, vector<16xf32>,
    %broadcast_in_dim3A_503 = arith.constant 0.000000e+00 : f32
    %broadcast_in_dim3A_504 = vector.broadcast %broadcast_in_dim3A_503 : f32 to vector<16xf32>
    %swap3A_505 = arith.constant 10 : i32
    %swap3A_506 = arith.index_cast %swap3A_505 : i32 to index
    %swap3A_507 = arith.constant 64 : index
    %swap3A_508 = tpu.vector_load %arg10[%swap3A_506, %swap3A_507] {strides = array<i32>} : memref<80x128xf32, #tpu.memory_space<vmem>>, vector<16xf32>,
    tpu.vector_store %arg10[%swap3A_506, %swap3A_507], %broadcast_in_dim3A_504 {strides = array<i32>} : memref<80x128xf32, #tpu.memory_space<vmem>>, vector<16xf32>,
    %broadcast_in_dim3A_509 = arith.constant 0.000000e+00 : f32
    %broadcast_in_dim3A_510 = vector.broadcast %broadcast_in_dim3A_509 : f32 to vector<16xf32>
    %swap3A_511 = arith.constant 10 : i32
    %swap3A_512 = arith.index_cast %swap3A_511 : i32 to index
    %swap3A_513 = arith.constant 80 : index
    %swap3A_514 = tpu.vector_load %arg10[%swap3A_512, %swap3A_513] {strides = array<i32>} : memref<80x128xf32, #tpu.memory_space<vmem>>, vector<16xf32>,
    tpu.vector_store %arg10[%swap3A_512, %swap3A_513], %broadcast_in_dim3A_510 {strides = array<i32>} : memref<80x128xf32, #tpu.memory_space<vmem>>, vector<16xf32>,
    %broadcast_in_dim3A_515 = arith.constant 0.000000e+00 : f32
    %broadcast_in_dim3A_516 = vector.broadcast %broadcast_in_dim3A_515 : f32 to vector<16xf32>
    %swap3A_517 = arith.constant 10 : i32
    %swap3A_518 = arith.index_cast %swap3A_517 : i32 to index
    %swap3A_519 = arith.constant 96 : index
    %swap3A_520 = tpu.vector_load %arg10[%swap3A_518, %swap3A_519] {strides = array<i32>} : memref<80x128xf32, #tpu.memory_space<vmem>>, vector<16xf32>,
    tpu.vector_store %arg10[%swap3A_518, %swap3A_519], %broadcast_in_dim3A_516 {strides = array<i32>} : memref<80x128xf32, #tpu.memory_space<vmem>>, vector<16xf32>,
    %broadcast_in_dim3A_521 = arith.constant 0.000000e+00 : f32
    %broadcast_in_dim3A_522 = vector.broadcast %broadcast_in_dim3A_521 : f32 to vector<16xf32>
    %swap3A_523 = arith.constant 10 : i32
    %swap3A_524 = arith.index_cast %swap3A_523 : i32 to index
    %swap3A_525 = arith.constant 112 : index
    %swap3A_526 = tpu.vector_load %arg10[%swap3A_524, %swap3A_525] {strides = array<i32>} : memref<80x128xf32, #tpu.memory_space<vmem>>, vector<16xf32>,
    tpu.vector_store %arg10[%swap3A_524, %swap3A_525], %broadcast_in_dim3A_522 {strides = array<i32>} : memref<80x128xf32, #tpu.memory_space<vmem>>, vector<16xf32>,
    %broadcast_in_dim3A_527 = arith.constant 0.000000e+00 : f32
    %broadcast_in_dim3A_528 = vector.broadcast %broadcast_in_dim3A_527 : f32 to vector<16xf32>
    %swap3A_529 = arith.constant 11 : i32
    %swap3A_530 = arith.index_cast %swap3A_529 : i32 to index
    %swap3A_531 = arith.constant 0 : index
    %swap3A_532 = tpu.vector_load %arg10[%swap3A_530, %swap3A_531] {strides = array<i32>} : memref<80x128xf32, #tpu.memory_space<vmem>>, vector<16xf32>,
    tpu.vector_store %arg10[%swap3A_530, %swap3A_531], %broadcast_in_dim3A_528 {strides = array<i32>} : memref<80x128xf32, #tpu.memory_space<vmem>>, vector<16xf32>,
    %broadcast_in_dim3A_533 = arith.constant 0.000000e+00 : f32
    %broadcast_in_dim3A_534 = vector.broadcast %broadcast_in_dim3A_533 : f32 to vector<16xf32>
    %swap3A_535 = arith.constant 11 : i32
    %swap3A_536 = arith.index_cast %swap3A_535 : i32 to index
    %swap3A_537 = arith.constant 16 : index
    %swap3A_538 = tpu.vector_load %arg10[%swap3A_536, %swap3A_537] {strides = array<i32>} : memref<80x128xf32, #tpu.memory_space<vmem>>, vector<16xf32>,
    tpu.vector_store %arg10[%swap3A_536, %swap3A_537], %broadcast_in_dim3A_534 {strides = array<i32>} : memref<80x128xf32, #tpu.memory_space<vmem>>, vector<16xf32>,
    %broadcast_in_dim3A_539 = arith.constant 0.000000e+00 : f32
    %broadcast_in_dim3A_540 = vector.broadcast %broadcast_in_dim3A_539 : f32 to vector<16xf32>
    %swap3A_541 = arith.constant 11 : i32
    %swap3A_542 = arith.index_cast %swap3A_541 : i32 to index
    %swap3A_543 = arith.constant 32 : index
    %swap3A_544 = tpu.vector_load %arg10[%swap3A_542, %swap3A_543] {strides = array<i32>} : memref<80x128xf32, #tpu.memory_space<vmem>>, vector<16xf32>,
    tpu.vector_store %arg10[%swap3A_542, %swap3A_543], %broadcast_in_dim3A_540 {strides = array<i32>} : memref<80x128xf32, #tpu.memory_space<vmem>>, vector<16xf32>,
    %broadcast_in_dim3A_545 = arith.constant 0.000000e+00 : f32
    %broadcast_in_dim3A_546 = vector.broadcast %broadcast_in_dim3A_545 : f32 to vector<16xf32>
    %swap3A_547 = arith.constant 11 : i32
    %swap3A_548 = arith.index_cast %swap3A_547 : i32 to index
    %swap3A_549 = arith.constant 48 : index
    %swap3A_550 = tpu.vector_load %arg10[%swap3A_548, %swap3A_549] {strides = array<i32>} : memref<80x128xf32, #tpu.memory_space<vmem>>, vector<16xf32>,
    tpu.vector_store %arg10[%swap3A_548, %swap3A_549], %broadcast_in_dim3A_546 {strides = array<i32>} : memref<80x128xf32, #tpu.memory_space<vmem>>, vector<16xf32>,
    %broadcast_in_dim3A_551 = arith.constant 0.000000e+00 : f32
    %broadcast_in_dim3A_552 = vector.broadcast %broadcast_in_dim3A_551 : f32 to vector<16xf32>
    %swap3A_553 = arith.constant 11 : i32
    %swap3A_554 = arith.index_cast %swap3A_553 : i32 to index
    %swap3A_555 = arith.constant 64 : index
    %swap3A_556 = tpu.vector_load %arg10[%swap3A_554, %swap3A_555] {strides = array<i32>} : memref<80x128xf32, #tpu.memory_space<vmem>>, vector<16xf32>,
    tpu.vector_store %arg10[%swap3A_554, %swap3A_555], %broadcast_in_dim3A_552 {strides = array<i32>} : memref<80x128xf32, #tpu.memory_space<vmem>>, vector<16xf32>,
    %broadcast_in_dim3A_557 = arith.constant 0.000000e+00 : f32
    %broadcast_in_dim3A_558 = vector.broadcast %broadcast_in_dim3A_557 : f32 to vector<16xf32>
    %swap3A_559 = arith.constant 11 : i32
    %swap3A_560 = arith.index_cast %swap3A_559 : i32 to index
    %swap3A_561 = arith.constant 80 : index
    %swap3A_562 = tpu.vector_load %arg10[%swap3A_560, %swap3A_561] {strides = array<i32>} : memref<80x128xf32, #tpu.memory_space<vmem>>, vector<16xf32>,
    tpu.vector_store %arg10[%swap3A_560, %swap3A_561], %broadcast_in_dim3A_558 {strides = array<i32>} : memref<80x128xf32, #tpu.memory_space<vmem>>, vector<16xf32>,
    %broadcast_in_dim3A_563 = arith.constant 0.000000e+00 : f32
    %broadcast_in_dim3A_564 = vector.broadcast %broadcast_in_dim3A_563 : f32 to vector<16xf32>
    %swap3A_565 = arith.constant 11 : i32
    %swap3A_566 = arith.index_cast %swap3A_565 : i32 to index
    %swap3A_567 = arith.constant 96 : index
    %swap3A_568 = tpu.vector_load %arg10[%swap3A_566, %swap3A_567] {strides = array<i32>} : memref<80x128xf32, #tpu.memory_space<vmem>>, vector<16xf32>,
    tpu.vector_store %arg10[%swap3A_566, %swap3A_567], %broadcast_in_dim3A_564 {strides = array<i32>} : memref<80x128xf32, #tpu.memory_space<vmem>>, vector<16xf32>,
    %broadcast_in_dim3A_569 = arith.constant 0.000000e+00 : f32
    %broadcast_in_dim3A_570 = vector.broadcast %broadcast_in_dim3A_569 : f32 to vector<16xf32>
    %swap3A_571 = arith.constant 11 : i32
    %swap3A_572 = arith.index_cast %swap3A_571 : i32 to index
    %swap3A_573 = arith.constant 112 : index
    %swap3A_574 = tpu.vector_load %arg10[%swap3A_572, %swap3A_573] {strides = array<i32>} : memref<80x128xf32, #tpu.memory_space<vmem>>, vector<16xf32>,
    tpu.vector_store %arg10[%swap3A_572, %swap3A_573], %broadcast_in_dim3A_570 {strides = array<i32>} : memref<80x128xf32, #tpu.memory_space<vmem>>, vector<16xf32>,
    %broadcast_in_dim3A_575 = arith.constant 0.000000e+00 : f32
    %broadcast_in_dim3A_576 = vector.broadcast %broadcast_in_dim3A_575 : f32 to vector<16xf32>
    %swap3A_577 = arith.constant 12 : i32
    %swap3A_578 = arith.index_cast %swap3A_577 : i32 to index
    %swap3A_579 = arith.constant 0 : index
    %swap3A_580 = tpu.vector_load %arg10[%swap3A_578, %swap3A_579] {strides = array<i32>} : memref<80x128xf32, #tpu.memory_space<vmem>>, vector<16xf32>,
    tpu.vector_store %arg10[%swap3A_578, %swap3A_579], %broadcast_in_dim3A_576 {strides = array<i32>} : memref<80x128xf32, #tpu.memory_space<vmem>>, vector<16xf32>,
    %broadcast_in_dim3A_581 = arith.constant 0.000000e+00 : f32
    %broadcast_in_dim3A_582 = vector.broadcast %broadcast_in_dim3A_581 : f32 to vector<16xf32>
    %swap3A_583 = arith.constant 12 : i32
    %swap3A_584 = arith.index_cast %swap3A_583 : i32 to index
    %swap3A_585 = arith.constant 16 : index
    %swap3A_586 = tpu.vector_load %arg10[%swap3A_584, %swap3A_585] {strides = array<i32>} : memref<80x128xf32, #tpu.memory_space<vmem>>, vector<16xf32>,
    tpu.vector_store %arg10[%swap3A_584, %swap3A_585], %broadcast_in_dim3A_582 {strides = array<i32>} : memref<80x128xf32, #tpu.memory_space<vmem>>, vector<16xf32>,
    %broadcast_in_dim3A_587 = arith.constant 0.000000e+00 : f32
    %broadcast_in_dim3A_588 = vector.broadcast %broadcast_in_dim3A_587 : f32 to vector<16xf32>
    %swap3A_589 = arith.constant 12 : i32
    %swap3A_590 = arith.index_cast %swap3A_589 : i32 to index
    %swap3A_591 = arith.constant 32 : index
    %swap3A_592 = tpu.vector_load %arg10[%swap3A_590, %swap3A_591] {strides = array<i32>} : memref<80x128xf32, #tpu.memory_space<vmem>>, vector<16xf32>,
    tpu.vector_store %arg10[%swap3A_590, %swap3A_591], %broadcast_in_dim3A_588 {strides = array<i32>} : memref<80x128xf32, #tpu.memory_space<vmem>>, vector<16xf32>,
    %broadcast_in_dim3A_593 = arith.constant 0.000000e+00 : f32
    %broadcast_in_dim3A_594 = vector.broadcast %broadcast_in_dim3A_593 : f32 to vector<16xf32>
    %swap3A_595 = arith.constant 12 : i32
    %swap3A_596 = arith.index_cast %swap3A_595 : i32 to index
    %swap3A_597 = arith.constant 48 : index
    %swap3A_598 = tpu.vector_load %arg10[%swap3A_596, %swap3A_597] {strides = array<i32>} : memref<80x128xf32, #tpu.memory_space<vmem>>, vector<16xf32>,
    tpu.vector_store %arg10[%swap3A_596, %swap3A_597], %broadcast_in_dim3A_594 {strides = array<i32>} : memref<80x128xf32, #tpu.memory_space<vmem>>, vector<16xf32>,
    %broadcast_in_dim3A_599 = arith.constant 0.000000e+00 : f32
    %broadcast_in_dim3A_600 = vector.broadcast %broadcast_in_dim3A_599 : f32 to vector<16xf32>
    %swap3A_601 = arith.constant 12 : i32
    %swap3A_602 = arith.index_cast %swap3A_601 : i32 to index
    %swap3A_603 = arith.constant 64 : index
    %swap3A_604 = tpu.vector_load %arg10[%swap3A_602, %swap3A_603] {strides = array<i32>} : memref<80x128xf32, #tpu.memory_space<vmem>>, vector<16xf32>,
    tpu.vector_store %arg10[%swap3A_602, %swap3A_603], %broadcast_in_dim3A_600 {strides = array<i32>} : memref<80x128xf32, #tpu.memory_space<vmem>>, vector<16xf32>,
    %broadcast_in_dim3A_605 = arith.constant 0.000000e+00 : f32
    %broadcast_in_dim3A_606 = vector.broadcast %broadcast_in_dim3A_605 : f32 to vector<16xf32>
    %swap3A_607 = arith.constant 12 : i32
    %swap3A_608 = arith.index_cast %swap3A_607 : i32 to index
    %swap3A_609 = arith.constant 80 : index
    %swap3A_610 = tpu.vector_load %arg10[%swap3A_608, %swap3A_609] {strides = array<i32>} : memref<80x128xf32, #tpu.memory_space<vmem>>, vector<16xf32>,
    tpu.vector_store %arg10[%swap3A_608, %swap3A_609], %broadcast_in_dim3A_606 {strides = array<i32>} : memref<80x128xf32, #tpu.memory_space<vmem>>, vector<16xf32>,
    %broadcast_in_dim3A_611 = arith.constant 0.000000e+00 : f32
    %broadcast_in_dim3A_612 = vector.broadcast %broadcast_in_dim3A_611 : f32 to vector<16xf32>
    %swap3A_613 = arith.constant 12 : i32
    %swap3A_614 = arith.index_cast %swap3A_613 : i32 to index
    %swap3A_615 = arith.constant 96 : index
    %swap3A_616 = tpu.vector_load %arg10[%swap3A_614, %swap3A_615] {strides = array<i32>} : memref<80x128xf32, #tpu.memory_space<vmem>>, vector<16xf32>,
    tpu.vector_store %arg10[%swap3A_614, %swap3A_615], %broadcast_in_dim3A_612 {strides = array<i32>} : memref<80x128xf32, #tpu.memory_space<vmem>>, vector<16xf32>,
    %broadcast_in_dim3A_617 = arith.constant 0.000000e+00 : f32
    %broadcast_in_dim3A_618 = vector.broadcast %broadcast_in_dim3A_617 : f32 to vector<16xf32>
    %swap3A_619 = arith.constant 12 : i32
    %swap3A_620 = arith.index_cast %swap3A_619 : i32 to index
    %swap3A_621 = arith.constant 112 : index
    %swap3A_622 = tpu.vector_load %arg10[%swap3A_620, %swap3A_621] {strides = array<i32>} : memref<80x128xf32, #tpu.memory_space<vmem>>, vector<16xf32>,
    tpu.vector_store %arg10[%swap3A_620, %swap3A_621], %broadcast_in_dim3A_618 {strides = array<i32>} : memref<80x128xf32, #tpu.memory_space<vmem>>, vector<16xf32>,
    %broadcast_in_dim3A_623 = arith.constant 0.000000e+00 : f32
    %broadcast_in_dim3A_624 = vector.broadcast %broadcast_in_dim3A_623 : f32 to vector<16xf32>
    %swap3A_625 = arith.constant 13 : i32
    %swap3A_626 = arith.index_cast %swap3A_625 : i32 to index
    %swap3A_627 = arith.constant 0 : index
    %swap3A_628 = tpu.vector_load %arg10[%swap3A_626, %swap3A_627] {strides = array<i32>} : memref<80x128xf32, #tpu.memory_space<vmem>>, vector<16xf32>,
    tpu.vector_store %arg10[%swap3A_626, %swap3A_627], %broadcast_in_dim3A_624 {strides = array<i32>} : memref<80x128xf32, #tpu.memory_space<vmem>>, vector<16xf32>,
    %broadcast_in_dim3A_629 = arith.constant 0.000000e+00 : f32
    %broadcast_in_dim3A_630 = vector.broadcast %broadcast_in_dim3A_629 : f32 to vector<16xf32>
    %swap3A_631 = arith.constant 13 : i32
    %swap3A_632 = arith.index_cast %swap3A_631 : i32 to index
    %swap3A_633 = arith.constant 16 : index
    %swap3A_634 = tpu.vector_load %arg10[%swap3A_632, %swap3A_633] {strides = array<i32>} : memref<80x128xf32, #tpu.memory_space<vmem>>, vector<16xf32>,
    tpu.vector_store %arg10[%swap3A_632, %swap3A_633], %broadcast_in_dim3A_630 {strides = array<i32>} : memref<80x128xf32, #tpu.memory_space<vmem>>, vector<16xf32>,
    %broadcast_in_dim3A_635 = arith.constant 0.000000e+00 : f32
    %broadcast_in_dim3A_636 = vector.broadcast %broadcast_in_dim3A_635 : f32 to vector<16xf32>
    %swap3A_637 = arith.constant 13 : i32
    %swap3A_638 = arith.index_cast %swap3A_637 : i32 to index
    %swap3A_639 = arith.constant 32 : index
    %swap3A_640 = tpu.vector_load %arg10[%swap3A_638, %swap3A_639] {strides = array<i32>} : memref<80x128xf32, #tpu.memory_space<vmem>>, vector<16xf32>,
    tpu.vector_store %arg10[%swap3A_638, %swap3A_639], %broadcast_in_dim3A_636 {strides = array<i32>} : memref<80x128xf32, #tpu.memory_space<vmem>>, vector<16xf32>,
    %broadcast_in_dim3A_641 = arith.constant 0.000000e+00 : f32
    %broadcast_in_dim3A_642 = vector.broadcast %broadcast_in_dim3A_641 : f32 to vector<16xf32>
    %swap3A_643 = arith.constant 13 : i32
    %swap3A_644 = arith.index_cast %swap3A_643 : i32 to index
    %swap3A_645 = arith.constant 48 : index
    %swap3A_646 = tpu.vector_load %arg10[%swap3A_644, %swap3A_645] {strides = array<i32>} : memref<80x128xf32, #tpu.memory_space<vmem>>, vector<16xf32>,
    tpu.vector_store %arg10[%swap3A_644, %swap3A_645], %broadcast_in_dim3A_642 {strides = array<i32>} : memref<80x128xf32, #tpu.memory_space<vmem>>, vector<16xf32>,
    %broadcast_in_dim3A_647 = arith.constant 0.000000e+00 : f32
    %broadcast_in_dim3A_648 = vector.broadcast %broadcast_in_dim3A_647 : f32 to vector<16xf32>
    %swap3A_649 = arith.constant 13 : i32
    %swap3A_650 = arith.index_cast %swap3A_649 : i32 to index
    %swap3A_651 = arith.constant 64 : index
    %swap3A_652 = tpu.vector_load %arg10[%swap3A_650, %swap3A_651] {strides = array<i32>} : memref<80x128xf32, #tpu.memory_space<vmem>>, vector<16xf32>,
    tpu.vector_store %arg10[%swap3A_650, %swap3A_651], %broadcast_in_dim3A_648 {strides = array<i32>} : memref<80x128xf32, #tpu.memory_space<vmem>>, vector<16xf32>,
    %broadcast_in_dim3A_653 = arith.constant 0.000000e+00 : f32
    %broadcast_in_dim3A_654 = vector.broadcast %broadcast_in_dim3A_653 : f32 to vector<16xf32>
    %swap3A_655 = arith.constant 13 : i32
    %swap3A_656 = arith.index_cast %swap3A_655 : i32 to index
    %swap3A_657 = arith.constant 80 : index
    %swap3A_658 = tpu.vector_load %arg10[%swap3A_656, %swap3A_657] {strides = array<i32>} : memref<80x128xf32, #tpu.memory_space<vmem>>, vector<16xf32>,
    tpu.vector_store %arg10[%swap3A_656, %swap3A_657], %broadcast_in_dim3A_654 {strides = array<i32>} : memref<80x128xf32, #tpu.memory_space<vmem>>, vector<16xf32>,
    %broadcast_in_dim3A_659 = arith.constant 0.000000e+00 : f32
    %broadcast_in_dim3A_660 = vector.broadcast %broadcast_in_dim3A_659 : f32 to vector<16xf32>
    %swap3A_661 = arith.constant 13 : i32
    %swap3A_662 = arith.index_cast %swap3A_661 : i32 to index
    %swap3A_663 = arith.constant 96 : index
    %swap3A_664 = tpu.vector_load %arg10[%swap3A_662, %swap3A_663] {strides = array<i32>} : memref<80x128xf32, #tpu.memory_space<vmem>>, vector<16xf32>,
    tpu.vector_store %arg10[%swap3A_662, %swap3A_663], %broadcast_in_dim3A_660 {strides = array<i32>} : memref<80x128xf32, #tpu.memory_space<vmem>>, vector<16xf32>,
    %broadcast_in_dim3A_665 = arith.constant 0.000000e+00 : f32
    %broadcast_in_dim3A_666 = vector.broadcast %broadcast_in_dim3A_665 : f32 to vector<16xf32>
    %swap3A_667 = arith.constant 13 : i32
    %swap3A_668 = arith.index_cast %swap3A_667 : i32 to index
    %swap3A_669 = arith.constant 112 : index
    %swap3A_670 = tpu.vector_load %arg10[%swap3A_668, %swap3A_669] {strides = array<i32>} : memref<80x128xf32, #tpu.memory_space<vmem>>, vector<16xf32>,
    tpu.vector_store %arg10[%swap3A_668, %swap3A_669], %broadcast_in_dim3A_666 {strides = array<i32>} : memref<80x128xf32, #tpu.memory_space<vmem>>, vector<16xf32>,
    %broadcast_in_dim3A_671 = arith.constant 0.000000e+00 : f32
    %broadcast_in_dim3A_672 = vector.broadcast %broadcast_in_dim3A_671 : f32 to vector<16xf32>
    %swap3A_673 = arith.constant 14 : i32
    %swap3A_674 = arith.index_cast %swap3A_673 : i32 to index
    %swap3A_675 = arith.constant 0 : index
    %swap3A_676 = tpu.vector_load %arg10[%swap3A_674, %swap3A_675] {strides = array<i32>} : memref<80x128xf32, #tpu.memory_space<vmem>>, vector<16xf32>,
    tpu.vector_store %arg10[%swap3A_674, %swap3A_675], %broadcast_in_dim3A_672 {strides = array<i32>} : memref<80x128xf32, #tpu.memory_space<vmem>>, vector<16xf32>,
    %broadcast_in_dim3A_677 = arith.constant 0.000000e+00 : f32
    %broadcast_in_dim3A_678 = vector.broadcast %broadcast_in_dim3A_677 : f32 to vector<16xf32>
    %swap3A_679 = arith.constant 14 : i32
    %swap3A_680 = arith.index_cast %swap3A_679 : i32 to index
    %swap3A_681 = arith.constant 16 : index
    %swap3A_682 = tpu.vector_load %arg10[%swap3A_680, %swap3A_681] {strides = array<i32>} : memref<80x128xf32, #tpu.memory_space<vmem>>, vector<16xf32>,
    tpu.vector_store %arg10[%swap3A_680, %swap3A_681], %broadcast_in_dim3A_678 {strides = array<i32>} : memref<80x128xf32, #tpu.memory_space<vmem>>, vector<16xf32>,
    %broadcast_in_dim3A_683 = arith.constant 0.000000e+00 : f32
    %broadcast_in_dim3A_684 = vector.broadcast %broadcast_in_dim3A_683 : f32 to vector<16xf32>
    %swap3A_685 = arith.constant 14 : i32
    %swap3A_686 = arith.index_cast %swap3A_685 : i32 to index
    %swap3A_687 = arith.constant 32 : index
    %swap3A_688 = tpu.vector_load %arg10[%swap3A_686, %swap3A_687] {strides = array<i32>} : memref<80x128xf32, #tpu.memory_space<vmem>>, vector<16xf32>,
    tpu.vector_store %arg10[%swap3A_686, %swap3A_687], %broadcast_in_dim3A_684 {strides = array<i32>} : memref<80x128xf32, #tpu.memory_space<vmem>>, vector<16xf32>,
    %broadcast_in_dim3A_689 = arith.constant 0.000000e+00 : f32
    %broadcast_in_dim3A_690 = vector.broadcast %broadcast_in_dim3A_689 : f32 to vector<16xf32>
    %swap3A_691 = arith.constant 14 : i32
    %swap3A_692 = arith.index_cast %swap3A_691 : i32 to index
    %swap3A_693 = arith.constant 48 : index
    %swap3A_694 = tpu.vector_load %arg10[%swap3A_692, %swap3A_693] {strides = array<i32>} : memref<80x128xf32, #tpu.memory_space<vmem>>, vector<16xf32>,
    tpu.vector_store %arg10[%swap3A_692, %swap3A_693], %broadcast_in_dim3A_690 {strides = array<i32>} : memref<80x128xf32, #tpu.memory_space<vmem>>, vector<16xf32>,
    %broadcast_in_dim3A_695 = arith.constant 0.000000e+00 : f32
    %broadcast_in_dim3A_696 = vector.broadcast %broadcast_in_dim3A_695 : f32 to vector<16xf32>
    %swap3A_697 = arith.constant 14 : i32
    %swap3A_698 = arith.index_cast %swap3A_697 : i32 to index
    %swap3A_699 = arith.constant 64 : index
    %swap3A_700 = tpu.vector_load %arg10[%swap3A_698, %swap3A_699] {strides = array<i32>} : memref<80x128xf32, #tpu.memory_space<vmem>>, vector<16xf32>,
    tpu.vector_store %arg10[%swap3A_698, %swap3A_699], %broadcast_in_dim3A_696 {strides = array<i32>} : memref<80x128xf32, #tpu.memory_space<vmem>>, vector<16xf32>,
    %broadcast_in_dim3A_701 = arith.constant 0.000000e+00 : f32
    %broadcast_in_dim3A_702 = vector.broadcast %broadcast_in_dim3A_701 : f32 to vector<16xf32>
    %swap3A_703 = arith.constant 14 : i32
    %swap3A_704 = arith.index_cast %swap3A_703 : i32 to index
    %swap3A_705 = arith.constant 80 : index
    %swap3A_706 = tpu.vector_load %arg10[%swap3A_704, %swap3A_705] {strides = array<i32>} : memref<80x128xf32, #tpu.memory_space<vmem>>, vector<16xf32>,
    tpu.vector_store %arg10[%swap3A_704, %swap3A_705], %broadcast_in_dim3A_702 {strides = array<i32>} : memref<80x128xf32, #tpu.memory_space<vmem>>, vector<16xf32>,
    %broadcast_in_dim3A_707 = arith.constant 0.000000e+00 : f32
    %broadcast_in_dim3A_708 = vector.broadcast %broadcast_in_dim3A_707 : f32 to vector<16xf32>
    %swap3A_709 = arith.constant 14 : i32
    %swap3A_710 = arith.index_cast %swap3A_709 : i32 to index
    %swap3A_711 = arith.constant 96 : index
    %swap3A_712 = tpu.vector_load %arg10[%swap3A_710, %swap3A_711] {strides = array<i32>} : memref<80x128xf32, #tpu.memory_space<vmem>>, vector<16xf32>,
    tpu.vector_store %arg10[%swap3A_710, %swap3A_711], %broadcast_in_dim3A_708 {strides = array<i32>} : memref<80x128xf32, #tpu.memory_space<vmem>>, vector<16xf32>,
    %broadcast_in_dim3A_713 = arith.constant 0.000000e+00 : f32
    %broadcast_in_dim3A_714 = vector.broadcast %broadcast_in_dim3A_713 : f32 to vector<16xf32>
    %swap3A_715 = arith.constant 14 : i32
    %swap3A_716 = arith.index_cast %swap3A_715 : i32 to index
    %swap3A_717 = arith.constant 112 : index
    %swap3A_718 = tpu.vector_load %arg10[%swap3A_716, %swap3A_717] {strides = array<i32>} : memref<80x128xf32, #tpu.memory_space<vmem>>, vector<16xf32>,
    tpu.vector_store %arg10[%swap3A_716, %swap3A_717], %broadcast_in_dim3A_714 {strides = array<i32>} : memref<80x128xf32, #tpu.memory_space<vmem>>, vector<16xf32>,
    %broadcast_in_dim3A_719 = arith.constant 0.000000e+00 : f32
    %broadcast_in_dim3A_720 = vector.broadcast %broadcast_in_dim3A_719 : f32 to vector<16xf32>
    %swap3A_721 = arith.constant 15 : i32
    %swap3A_722 = arith.index_cast %swap3A_721 : i32 to index
    %swap3A_723 = arith.constant 0 : index
    %swap3A_724 = tpu.vector_load %arg10[%swap3A_722, %swap3A_723] {strides = array<i32>} : memref<80x128xf32, #tpu.memory_space<vmem>>, vector<16xf32>,
    tpu.vector_store %arg10[%swap3A_722, %swap3A_723], %broadcast_in_dim3A_720 {strides = array<i32>} : memref<80x128xf32, #tpu.memory_space<vmem>>, vector<16xf32>,
    %broadcast_in_dim3A_725 = arith.constant 0.000000e+00 : f32
    %broadcast_in_dim3A_726 = vector.broadcast %broadcast_in_dim3A_725 : f32 to vector<16xf32>
    %swap3A_727 = arith.constant 15 : i32
    %swap3A_728 = arith.index_cast %swap3A_727 : i32 to index
    %swap3A_729 = arith.constant 16 : index
    %swap3A_730 = tpu.vector_load %arg10[%swap3A_728, %swap3A_729] {strides = array<i32>} : memref<80x128xf32, #tpu.memory_space<vmem>>, vector<16xf32>,
    tpu.vector_store %arg10[%swap3A_728, %swap3A_729], %broadcast_in_dim3A_726 {strides = array<i32>} : memref<80x128xf32, #tpu.memory_space<vmem>>, vector<16xf32>,
    %broadcast_in_dim3A_731 = arith.constant 0.000000e+00 : f32
    %broadcast_in_dim3A_732 = vector.broadcast %broadcast_in_dim3A_731 : f32 to vector<16xf32>
    %swap3A_733 = arith.constant 15 : i32
    %swap3A_734 = arith.index_cast %swap3A_733 : i32 to index
    %swap3A_735 = arith.constant 32 : index
    %swap3A_736 = tpu.vector_load %arg10[%swap3A_734, %swap3A_735] {strides = array<i32>} : memref<80x128xf32, #tpu.memory_space<vmem>>, vector<16xf32>,
    tpu.vector_store %arg10[%swap3A_734, %swap3A_735], %broadcast_in_dim3A_732 {strides = array<i32>} : memref<80x128xf32, #tpu.memory_space<vmem>>, vector<16xf32>,
    %broadcast_in_dim3A_737 = arith.constant 0.000000e+00 : f32
    %broadcast_in_dim3A_738 = vector.broadcast %broadcast_in_dim3A_737 : f32 to vector<16xf32>
    %swap3A_739 = arith.constant 15 : i32
    %swap3A_740 = arith.index_cast %swap3A_739 : i32 to index
    %swap3A_741 = arith.constant 48 : index
    %swap3A_742 = tpu.vector_load %arg10[%swap3A_740, %swap3A_741] {strides = array<i32>} : memref<80x128xf32, #tpu.memory_space<vmem>>, vector<16xf32>,
    tpu.vector_store %arg10[%swap3A_740, %swap3A_741], %broadcast_in_dim3A_738 {strides = array<i32>} : memref<80x128xf32, #tpu.memory_space<vmem>>, vector<16xf32>,
    %broadcast_in_dim3A_743 = arith.constant 0.000000e+00 : f32
    %broadcast_in_dim3A_744 = vector.broadcast %broadcast_in_dim3A_743 : f32 to vector<16xf32>
    %swap3A_745 = arith.constant 15 : i32
    %swap3A_746 = arith.index_cast %swap3A_745 : i32 to index
    %swap3A_747 = arith.constant 64 : index
    %swap3A_748 = tpu.vector_load %arg10[%swap3A_746, %swap3A_747] {strides = array<i32>} : memref<80x128xf32, #tpu.memory_space<vmem>>, vector<16xf32>,
    tpu.vector_store %arg10[%swap3A_746, %swap3A_747], %broadcast_in_dim3A_744 {strides = array<i32>} : memref<80x128xf32, #tpu.memory_space<vmem>>, vector<16xf32>,
    %broadcast_in_dim3A_749 = arith.constant 0.000000e+00 : f32
    %broadcast_in_dim3A_750 = vector.broadcast %broadcast_in_dim3A_749 : f32 to vector<16xf32>
    %swap3A_751 = arith.constant 15 : i32
    %swap3A_752 = arith.index_cast %swap3A_751 : i32 to index
    %swap3A_753 = arith.constant 80 : index
    %swap3A_754 = tpu.vector_load %arg10[%swap3A_752, %swap3A_753] {strides = array<i32>} : memref<80x128xf32, #tpu.memory_space<vmem>>, vector<16xf32>,
    tpu.vector_store %arg10[%swap3A_752, %swap3A_753], %broadcast_in_dim3A_750 {strides = array<i32>} : memref<80x128xf32, #tpu.memory_space<vmem>>, vector<16xf32>,
    %broadcast_in_dim3A_755 = arith.constant 0.000000e+00 : f32
    %broadcast_in_dim3A_756 = vector.broadcast %broadcast_in_dim3A_755 : f32 to vector<16xf32>
    %swap3A_757 = arith.constant 15 : i32
    %swap3A_758 = arith.index_cast %swap3A_757 : i32 to index
    %swap3A_759 = arith.constant 96 : index
    %swap3A_760 = tpu.vector_load %arg10[%swap3A_758, %swap3A_759] {strides = array<i32>} : memref<80x128xf32, #tpu.memory_space<vmem>>, vector<16xf32>,
    tpu.vector_store %arg10[%swap3A_758, %swap3A_759], %broadcast_in_dim3A_756 {strides = array<i32>} : memref<80x128xf32, #tpu.memory_space<vmem>>, vector<16xf32>,
    %broadcast_in_dim3A_761 = arith.constant 0.000000e+00 : f32
    %broadcast_in_dim3A_762 = vector.broadcast %broadcast_in_dim3A_761 : f32 to vector<16xf32>
    %swap3A_763 = arith.constant 15 : i32
    %swap3A_764 = arith.index_cast %swap3A_763 : i32 to index
    %swap3A_765 = arith.constant 112 : index
    %swap3A_766 = tpu.vector_load %arg10[%swap3A_764, %swap3A_765] {strides = array<i32>} : memref<80x128xf32, #tpu.memory_space<vmem>>, vector<16xf32>,
    tpu.vector_store %arg10[%swap3A_764, %swap3A_765], %broadcast_in_dim3A_762 {strides = array<i32>} : memref<80x128xf32, #tpu.memory_space<vmem>>, vector<16xf32>,
    %mul3A_767 = arith.constant 624 : i32
    %mul3A_768 = arith.muli %arg1, %mul3A_767 : i32
    %eq3A = arith.constant 15 : i32
    %eq3A_769 = arith.cmpi eq, %arg1, %eq3A : i32
    %jit3A = arith.constant 1 : i32
    %jit3A_770 = arith.constant 0 : i32
    %select_n3A = arith.select %eq3A_769, %jit3A, %jit3A_770 : i32
    %add3A_771 = arith.constant 39 : i32
    %add3A_772 = arith.addi %add3A_771, %select_n3A : i32
    %while3A = arith.constant 0 : i32
    %while3A_773 = arith.constant 0 : i32
    %while3A_774 = arith.subi %add3A_772, %while3A_773 : i32
    %while3A_775 = arith.addi %while3A_773, %while3A_774 : i32
    %while3A_776 = arith.constant 1 : i32
    %while3A_777 = arith.divsi %while3A_774, %while3A_776 : i32
    %while3A_778 = arith.muli %while3A_777, %while3A_776 : i32
    %while3A_779 = arith.addi %while3A_773, %while3A_778 : i32
    %while3A_780 = arith.constant 1 : i32
    scf.for %while3A_821 = %while3A_773 to %while3A_779 step %while3A_780  : i32 {
      %mul3A_822 = arith.constant 16 : i32
      %mul3A_823 = arith.muli %while3A_821, %mul3A_822 : i32
      %add3A_824 = arith.addi %mul3A_768, %mul3A_823 : i32
      "tpu.region"() ({
        %run_scoped3A = tpu.sem_alloc : memref<!tpu.dma_semaphore, #tpu.memory_space<semaphore_mem>>
        %dma_start3A_825 = arith.constant 0 : i32
        %dma_start3A_826 = arith.constant 0 : i32
        %dma_start3A_827 = tpu.memref_slice %arg10[%dma_start3A_825, %dma_start3A_826] : memref<80x128xf32, #tpu.memory_space<vmem>> -> memref<16x128xf32, #tpu.memory_space<vmem>>
        %dma_start3A_828 = arith.constant 0 : i32
        %dma_start3A_829 = tpu.memref_slice %arg11[%add3A_824, %dma_start3A_828] : memref<10000x128xf32, #tpu.memory_space<vmem_shared>> -> memref<16x128xf32, #tpu.memory_space<vmem_shared>>
        %dma_start3A_830 = arith.constant 0 : i32
        %dma_start3A_831 = tpu.memref_slice %arg11[%add3A_824, %dma_start3A_830] : memref<10000x128xf32, #tpu.memory_space<vmem_shared>> -> memref<16x128xf32, #tpu.memory_space<vmem_shared>>
        %dma_start3A_832 = arith.constant 0 : i32
        %dma_start3A_833 = arith.constant 0 : i32
        %dma_start3A_834 = tpu.memref_slice %arg10[%dma_start3A_832, %dma_start3A_833] : memref<80x128xf32, #tpu.memory_space<vmem>> -> memref<16x128xf32, #tpu.memory_space<vmem>>
        tpu.enqueue_dma source(%dma_start3A_834 : memref<16x128xf32, #tpu.memory_space<vmem>>) target(%dma_start3A_831 : memref<16x128xf32, #tpu.memory_space<vmem_shared>>) target_semaphore(%run_scoped3A : memref<!tpu.dma_semaphore, #tpu.memory_space<semaphore_mem>>)
        %dma_wait3A_835 = arith.constant 0 : i32
        %dma_wait3A_836 = arith.constant 0 : i32
        %dma_wait3A_837 = tpu.memref_slice %arg10[%dma_wait3A_835, %dma_wait3A_836] : memref<80x128xf32, #tpu.memory_space<vmem>> -> memref<16x128xf32, #tpu.memory_space<vmem>>
        %dma_wait3A_838 = arith.constant 0 : i32
        %dma_wait3A_839 = tpu.memref_slice %arg11[%add3A_824, %dma_wait3A_838] : memref<10000x128xf32, #tpu.memory_space<vmem_shared>> -> memref<16x128xf32, #tpu.memory_space<vmem_shared>>
        %dma_wait3A_840 = arith.constant 0 : i32
        %dma_wait3A_841 = tpu.memref_slice %arg11[%add3A_824, %dma_wait3A_840] : memref<10000x128xf32, #tpu.memory_space<vmem_shared>> -> memref<16x128xf32, #tpu.memory_space<vmem_shared>>
        %dma_wait3A_842 = arith.constant 0 : i32
        %dma_wait3A_843 = arith.constant 0 : i32
        %dma_wait3A_844 = tpu.memref_slice %arg10[%dma_wait3A_842, %dma_wait3A_843] : memref<80x128xf32, #tpu.memory_space<vmem>> -> memref<16x128xf32, #tpu.memory_space<vmem>>
        tpu.wait_dma2 semaphore(%run_scoped3A : memref<!tpu.dma_semaphore, #tpu.memory_space<semaphore_mem>>) src(%dma_wait3A_844 : memref<16x128xf32, #tpu.memory_space<vmem>>) dst(%dma_wait3A_841 : memref<16x128xf32, #tpu.memory_space<vmem_shared>>)
        tpu.yield
      }) : () -> ()
    }
    %while3A_781 = arith.constant 1 : i32
    scf.for %while3A_821 = %while3A_779 to %while3A_775 step %while3A_781  : i32 {
      %mul3A_822 = arith.constant 16 : i32
      %mul3A_823 = arith.muli %while3A_821, %mul3A_822 : i32
      %add3A_824 = arith.addi %mul3A_768, %mul3A_823 : i32
      "tpu.region"() ({
        %run_scoped3A = tpu.sem_alloc : memref<!tpu.dma_semaphore, #tpu.memory_space<semaphore_mem>>
        %dma_start3A_825 = arith.constant 0 : i32
        %dma_start3A_826 = arith.constant 0 : i32
        %dma_start3A_827 = tpu.memref_slice %arg10[%dma_start3A_825, %dma_start3A_826] : memref<80x128xf32, #tpu.memory_space<vmem>> -> memref<16x128xf32, #tpu.memory_space<vmem>>
        %dma_start3A_828 = arith.constant 0 : i32
        %dma_start3A_829 = tpu.memref_slice %arg11[%add3A_824, %dma_start3A_828] : memref<10000x128xf32, #tpu.memory_space<vmem_shared>> -> memref<16x128xf32, #tpu.memory_space<vmem_shared>>
        %dma_start3A_830 = arith.constant 0 : i32
        %dma_start3A_831 = tpu.memref_slice %arg11[%add3A_824, %dma_start3A_830] : memref<10000x128xf32, #tpu.memory_space<vmem_shared>> -> memref<16x128xf32, #tpu.memory_space<vmem_shared>>
        %dma_start3A_832 = arith.constant 0 : i32
        %dma_start3A_833 = arith.constant 0 : i32
        %dma_start3A_834 = tpu.memref_slice %arg10[%dma_start3A_832, %dma_start3A_833] : memref<80x128xf32, #tpu.memory_space<vmem>> -> memref<16x128xf32, #tpu.memory_space<vmem>>
        tpu.enqueue_dma source(%dma_start3A_834 : memref<16x128xf32, #tpu.memory_space<vmem>>) target(%dma_start3A_831 : memref<16x128xf32, #tpu.memory_space<vmem_shared>>) target_semaphore(%run_scoped3A : memref<!tpu.dma_semaphore, #tpu.memory_space<semaphore_mem>>)
        %dma_wait3A_835 = arith.constant 0 : i32
        %dma_wait3A_836 = arith.constant 0 : i32
        %dma_wait3A_837 = tpu.memref_slice %arg10[%dma_wait3A_835, %dma_wait3A_836] : memref<80x128xf32, #tpu.memory_space<vmem>> -> memref<16x128xf32, #tpu.memory_space<vmem>>
        %dma_wait3A_838 = arith.constant 0 : i32
        %dma_wait3A_839 = tpu.memref_slice %arg11[%add3A_824, %dma_wait3A_838] : memref<10000x128xf32, #tpu.memory_space<vmem_shared>> -> memref<16x128xf32, #tpu.memory_space<vmem_shared>>
        %dma_wait3A_840 = arith.constant 0 : i32
        %dma_wait3A_841 = tpu.memref_slice %arg11[%add3A_824, %dma_wait3A_840] : memref<10000x128xf32, #tpu.memory_space<vmem_shared>> -> memref<16x128xf32, #tpu.memory_space<vmem_shared>>
        %dma_wait3A_842 = arith.constant 0 : i32
        %dma_wait3A_843 = arith.constant 0 : i32
        %dma_wait3A_844 = tpu.memref_slice %arg10[%dma_wait3A_842, %dma_wait3A_843] : memref<80x128xf32, #tpu.memory_space<vmem>> -> memref<16x128xf32, #tpu.memory_space<vmem>>
        tpu.wait_dma2 semaphore(%run_scoped3A : memref<!tpu.dma_semaphore, #tpu.memory_space<semaphore_mem>>) src(%dma_wait3A_844 : memref<16x128xf32, #tpu.memory_space<vmem>>) dst(%dma_wait3A_841 : memref<16x128xf32, #tpu.memory_space<vmem_shared>>)
        tpu.yield
      }) : () -> ()
    }
    %barrier3A = arith.constant 0 : index
    tpu.barrier barrier_id(%barrier3A)
    %mul3A_782 = arith.constant 10000 : i32
    %mul3A_783 = arith.muli %add3A, %mul3A_782 : i32
    "tpu.region"() ({
      %run_scoped3A = tpu.sem_alloc : memref<!tpu.dma_semaphore, #tpu.memory_space<semaphore_mem>>
      %dma_start3A_821 = tpu.memref_slice %arg3[%mul3A_783] : memref<640000xi32, #tpu.memory_space<hbm>> -> memref<10000xi32, #tpu.memory_space<hbm>>
      %dma_start3A_822 = tpu.memref_slice %arg3[%mul3A_783] : memref<640000xi32, #tpu.memory_space<hbm>> -> memref<10000xi32, #tpu.memory_space<hbm>>
      tpu.enqueue_dma source(%dma_start3A_822 : memref<10000xi32, #tpu.memory_space<hbm>>) target(%arg6 : memref<10000xi32, #tpu.memory_space<vmem>>) target_semaphore(%run_scoped3A : memref<!tpu.dma_semaphore, #tpu.memory_space<semaphore_mem>>)
      %dma_wait3A_823 = tpu.memref_slice %arg3[%mul3A_783] : memref<640000xi32, #tpu.memory_space<hbm>> -> memref<10000xi32, #tpu.memory_space<hbm>>
      %dma_wait3A_824 = tpu.memref_slice %arg3[%mul3A_783] : memref<640000xi32, #tpu.memory_space<hbm>> -> memref<10000xi32, #tpu.memory_space<hbm>>
      tpu.wait_dma2 semaphore(%run_scoped3A : memref<!tpu.dma_semaphore, #tpu.memory_space<semaphore_mem>>) src(%dma_wait3A_824 : memref<10000xi32, #tpu.memory_space<hbm>>) dst(%arg6 : memref<10000xi32, #tpu.memory_space<vmem>>)
      tpu.yield
    }) : () -> ()
    %add3A_784 = arith.constant 320000 : i32
    %add3A_785 = arith.addi %add3A_784, %mul3A_783 : i32
    "tpu.region"() ({
      %run_scoped3A = tpu.sem_alloc : memref<!tpu.dma_semaphore, #tpu.memory_space<semaphore_mem>>
      %dma_start3A_821 = tpu.memref_slice %arg3[%add3A_785] : memref<640000xi32, #tpu.memory_space<hbm>> -> memref<10000xi32, #tpu.memory_space<hbm>>
      %dma_start3A_822 = tpu.memref_slice %arg3[%add3A_785] : memref<640000xi32, #tpu.memory_space<hbm>> -> memref<10000xi32, #tpu.memory_space<hbm>>
      tpu.enqueue_dma source(%dma_start3A_822 : memref<10000xi32, #tpu.memory_space<hbm>>) target(%arg7 : memref<10000xi32, #tpu.memory_space<vmem>>) target_semaphore(%run_scoped3A : memref<!tpu.dma_semaphore, #tpu.memory_space<semaphore_mem>>)
      %dma_wait3A_823 = tpu.memref_slice %arg3[%add3A_785] : memref<640000xi32, #tpu.memory_space<hbm>> -> memref<10000xi32, #tpu.memory_space<hbm>>
      %dma_wait3A_824 = tpu.memref_slice %arg3[%add3A_785] : memref<640000xi32, #tpu.memory_space<hbm>> -> memref<10000xi32, #tpu.memory_space<hbm>>
      tpu.wait_dma2 semaphore(%run_scoped3A : memref<!tpu.dma_semaphore, #tpu.memory_space<semaphore_mem>>) src(%dma_wait3A_824 : memref<10000xi32, #tpu.memory_space<hbm>>) dst(%arg7 : memref<10000xi32, #tpu.memory_space<vmem>>)
      tpu.yield
    }) : () -> ()
    "tpu.region"() ({
      %run_scoped3A = tpu.sem_alloc : memref<!tpu.dma_semaphore, #tpu.memory_space<semaphore_mem>>
      %dma_start3A_821 = tpu.memref_slice %arg2[%mul3A_783] : memref<320000xf32, #tpu.memory_space<hbm>> -> memref<10000xf32, #tpu.memory_space<hbm>>
      %dma_start3A_822 = tpu.memref_slice %arg2[%mul3A_783] : memref<320000xf32, #tpu.memory_space<hbm>> -> memref<10000xf32, #tpu.memory_space<hbm>>
      tpu.enqueue_dma source(%dma_start3A_822 : memref<10000xf32, #tpu.memory_space<hbm>>) target(%arg8 : memref<10000xf32, #tpu.memory_space<vmem>>) target_semaphore(%run_scoped3A : memref<!tpu.dma_semaphore, #tpu.memory_space<semaphore_mem>>)
      %dma_wait3A_823 = tpu.memref_slice %arg2[%mul3A_783] : memref<320000xf32, #tpu.memory_space<hbm>> -> memref<10000xf32, #tpu.memory_space<hbm>>
      %dma_wait3A_824 = tpu.memref_slice %arg2[%mul3A_783] : memref<320000xf32, #tpu.memory_space<hbm>> -> memref<10000xf32, #tpu.memory_space<hbm>>
      tpu.wait_dma2 semaphore(%run_scoped3A : memref<!tpu.dma_semaphore, #tpu.memory_space<semaphore_mem>>) src(%dma_wait3A_824 : memref<10000xf32, #tpu.memory_space<hbm>>) dst(%arg8 : memref<10000xf32, #tpu.memory_space<vmem>>)
      tpu.yield
    }) : () -> ()
    %dma_start3A = arith.constant 0 : i32
    %dma_start3A_786 = tpu.memref_slice %arg6[%dma_start3A] : memref<10000xi32, #tpu.memory_space<vmem>> -> memref<80xi32, #tpu.memory_space<vmem>>
    %dma_start3A_787 = arith.constant 0 : i32
    %dma_start3A_788 = arith.constant 0 : i32
    %dma_start3A_789 = tpu.memref_slice %arg4[%dma_start3A_787, %dma_start3A_788] : memref<10000x128xf32, #tpu.memory_space<hbm>> -> memref<10000x128xf32, #tpu.memory_space<hbm>>
    tpu.enqueue_indirect_dma source(%dma_start3A_789 : memref<10000x128xf32, #tpu.memory_space<hbm>>) target(%arg9 : memref<80x128xf32, #tpu.memory_space<vmem>>) offsets(%dma_start3A_786 : memref<80xi32, #tpu.memory_space<vmem>>) semaphore(%arg12 : memref<!tpu.dma_semaphore, #tpu.memory_space<semaphore_mem>>)
    %dma_start3A_790 = arith.constant 80 : i32
    %dma_start3A_791 = tpu.memref_slice %arg6[%dma_start3A_790] : memref<10000xi32, #tpu.memory_space<vmem>> -> memref<80xi32, #tpu.memory_space<vmem>>
    %dma_start3A_792 = arith.constant 0 : i32
    %dma_start3A_793 = arith.constant 0 : i32
    %dma_start3A_794 = tpu.memref_slice %arg4[%dma_start3A_792, %dma_start3A_793] : memref<10000x128xf32, #tpu.memory_space<hbm>> -> memref<10000x128xf32, #tpu.memory_space<hbm>>
    tpu.enqueue_indirect_dma source(%dma_start3A_794 : memref<10000x128xf32, #tpu.memory_space<hbm>>) target(%arg10 : memref<80x128xf32, #tpu.memory_space<vmem>>) offsets(%dma_start3A_791 : memref<80xi32, #tpu.memory_space<vmem>>) semaphore(%arg13 : memref<!tpu.dma_semaphore, #tpu.memory_space<semaphore_mem>>)
    %scan3A = arith.constant 0 : i32
    %scan3A_795 = arith.constant 0 : i32
    %scan3A_796 = arith.constant 62 : i32
    %scan3A_797 = arith.addi %scan3A_795, %scan3A_796 : i32
    %scan3A_798 = arith.constant 1 : i32
    scf.for %scan3A_821 = %scan3A_795 to %scan3A_797 step %scan3A_798  : i32 {
      %mul3A_822 = arith.constant 2 : i32
      %mul3A_823 = arith.muli %scan3A_821, %mul3A_822 : i32
      %add3A_824 = arith.constant 0 : i32
      %add3A_825 = arith.addi %mul3A_823, %add3A_824 : i32
      %dma_wait3A_826 = arith.constant 0 : i32
      %dma_wait3A_827 = tpu.memref_slice %arg6[%dma_wait3A_826] : memref<10000xi32, #tpu.memory_space<vmem>> -> memref<80xi32, #tpu.memory_space<vmem>>
      %dma_wait3A_828 = arith.constant 0 : i32
      %dma_wait3A_829 = arith.constant 0 : i32
      %dma_wait3A_830 = tpu.memref_slice %arg4[%dma_wait3A_828, %dma_wait3A_829] : memref<10000x128xf32, #tpu.memory_space<hbm>> -> memref<10000x128xf32, #tpu.memory_space<hbm>>
      tpu.wait_indirect_dma semaphore(%arg12 : memref<!tpu.dma_semaphore, #tpu.memory_space<semaphore_mem>>) src(%dma_wait3A_830 : memref<10000x128xf32, #tpu.memory_space<hbm>>) dst(%arg9 : memref<80x128xf32, #tpu.memory_space<vmem>>)
      %mul3A_831 = arith.constant 80 : i32
      %mul3A_832 = arith.muli %add3A_825, %mul3A_831 : i32
      %scan3A_833 = arith.constant 0 : i32
      %scan3A_834 = arith.constant 0 : i32
      %scan3A_835 = arith.constant 80 : i32
      %scan3A_836 = arith.addi %scan3A_834, %scan3A_835 : i32
      %scan3A_837 = arith.constant 2 : i32
      scf.for %scan3A_866 = %scan3A_834 to %scan3A_836 step %scan3A_837  : i32 {
        %add3A_867 = arith.addi %mul3A_832, %scan3A_866 : i32
        %broadcast_in_dim3A_868 = vector.broadcast %add3A_867 : i32 to vector<16xi32>
        %gather3A = tpu.vector_load_idx %arg8[%broadcast_in_dim3A_868] : memref<10000xf32, #tpu.memory_space<vmem>>[vector<16xi32>], vector<16xf32>,
        %get3A = arith.index_cast %scan3A_866 : i32 to index
        %get3A_869 = arith.constant 0 : index
        %get3A_870 = tpu.vector_load %arg9[%get3A, %get3A_869] {strides = array<i32>} : memref<80x128xf32, #tpu.memory_space<vmem>>, vector<16xf32>,
        %mul3A_871 = arith.mulf %get3A_870, %gather3A : vector<16xf32>
        %swap3A_872 = arith.index_cast %scan3A_866 : i32 to index
        %swap3A_873 = arith.constant 0 : index
        %swap3A_874 = tpu.vector_load %arg9[%swap3A_872, %swap3A_873] {strides = array<i32>} : memref<80x128xf32, #tpu.memory_space<vmem>>, vector<16xf32>,
        tpu.vector_store %arg9[%swap3A_872, %swap3A_873], %mul3A_871 {strides = array<i32>} : memref<80x128xf32, #tpu.memory_space<vmem>>, vector<16xf32>,
        %get3A_875 = arith.index_cast %scan3A_866 : i32 to index
        %get3A_876 = arith.constant 16 : index
        %get3A_877 = tpu.vector_load %arg9[%get3A_875, %get3A_876] {strides = array<i32>} : memref<80x128xf32, #tpu.memory_space<vmem>>, vector<16xf32>,
        %mul3A_878 = arith.mulf %get3A_877, %gather3A : vector<16xf32>
        %swap3A_879 = arith.index_cast %scan3A_866 : i32 to index
        %swap3A_880 = arith.constant 16 : index
        %swap3A_881 = tpu.vector_load %arg9[%swap3A_879, %swap3A_880] {strides = array<i32>} : memref<80x128xf32, #tpu.memory_space<vmem>>, vector<16xf32>,
        tpu.vector_store %arg9[%swap3A_879, %swap3A_880], %mul3A_878 {strides = array<i32>} : memref<80x128xf32, #tpu.memory_space<vmem>>, vector<16xf32>,
        %get3A_882 = arith.index_cast %scan3A_866 : i32 to index
        %get3A_883 = arith.constant 32 : index
        %get3A_884 = tpu.vector_load %arg9[%get3A_882, %get3A_883] {strides = array<i32>} : memref<80x128xf32, #tpu.memory_space<vmem>>, vector<16xf32>,
        %mul3A_885 = arith.mulf %get3A_884, %gather3A : vector<16xf32>
        %swap3A_886 = arith.index_cast %scan3A_866 : i32 to index
        %swap3A_887 = arith.constant 32 : index
        %swap3A_888 = tpu.vector_load %arg9[%swap3A_886, %swap3A_887] {strides = array<i32>} : memref<80x128xf32, #tpu.memory_space<vmem>>, vector<16xf32>,
        tpu.vector_store %arg9[%swap3A_886, %swap3A_887], %mul3A_885 {strides = array<i32>} : memref<80x128xf32, #tpu.memory_space<vmem>>, vector<16xf32>,
        %get3A_889 = arith.index_cast %scan3A_866 : i32 to index
        %get3A_890 = arith.constant 48 : index
        %get3A_891 = tpu.vector_load %arg9[%get3A_889, %get3A_890] {strides = array<i32>} : memref<80x128xf32, #tpu.memory_space<vmem>>, vector<16xf32>,
        %mul3A_892 = arith.mulf %get3A_891, %gather3A : vector<16xf32>
        %swap3A_893 = arith.index_cast %scan3A_866 : i32 to index
        %swap3A_894 = arith.constant 48 : index
        %swap3A_895 = tpu.vector_load %arg9[%swap3A_893, %swap3A_894] {strides = array<i32>} : memref<80x128xf32, #tpu.memory_space<vmem>>, vector<16xf32>,
        tpu.vector_store %arg9[%swap3A_893, %swap3A_894], %mul3A_892 {strides = array<i32>} : memref<80x128xf32, #tpu.memory_space<vmem>>, vector<16xf32>,
        %get3A_896 = arith.index_cast %scan3A_866 : i32 to index
        %get3A_897 = arith.constant 64 : index
        %get3A_898 = tpu.vector_load %arg9[%get3A_896, %get3A_897] {strides = array<i32>} : memref<80x128xf32, #tpu.memory_space<vmem>>, vector<16xf32>,
        %mul3A_899 = arith.mulf %get3A_898, %gather3A : vector<16xf32>
        %swap3A_900 = arith.index_cast %scan3A_866 : i32 to index
        %swap3A_901 = arith.constant 64 : index
        %swap3A_902 = tpu.vector_load %arg9[%swap3A_900, %swap3A_901] {strides = array<i32>} : memref<80x128xf32, #tpu.memory_space<vmem>>, vector<16xf32>,
        tpu.vector_store %arg9[%swap3A_900, %swap3A_901], %mul3A_899 {strides = array<i32>} : memref<80x128xf32, #tpu.memory_space<vmem>>, vector<16xf32>,
        %get3A_903 = arith.index_cast %scan3A_866 : i32 to index
        %get3A_904 = arith.constant 80 : index
        %get3A_905 = tpu.vector_load %arg9[%get3A_903, %get3A_904] {strides = array<i32>} : memref<80x128xf32, #tpu.memory_space<vmem>>, vector<16xf32>,
        %mul3A_906 = arith.mulf %get3A_905, %gather3A : vector<16xf32>
        %swap3A_907 = arith.index_cast %scan3A_866 : i32 to index
        %swap3A_908 = arith.constant 80 : index
        %swap3A_909 = tpu.vector_load %arg9[%swap3A_907, %swap3A_908] {strides = array<i32>} : memref<80x128xf32, #tpu.memory_space<vmem>>, vector<16xf32>,
        tpu.vector_store %arg9[%swap3A_907, %swap3A_908], %mul3A_906 {strides = array<i32>} : memref<80x128xf32, #tpu.memory_space<vmem>>, vector<16xf32>,
        %get3A_910 = arith.index_cast %scan3A_866 : i32 to index
        %get3A_911 = arith.constant 96 : index
        %get3A_912 = tpu.vector_load %arg9[%get3A_910, %get3A_911] {strides = array<i32>} : memref<80x128xf32, #tpu.memory_space<vmem>>, vector<16xf32>,
        %mul3A_913 = arith.mulf %get3A_912, %gather3A : vector<16xf32>
        %swap3A_914 = arith.index_cast %scan3A_866 : i32 to index
        %swap3A_915 = arith.constant 96 : index
        %swap3A_916 = tpu.vector_load %arg9[%swap3A_914, %swap3A_915] {strides = array<i32>} : memref<80x128xf32, #tpu.memory_space<vmem>>, vector<16xf32>,
        tpu.vector_store %arg9[%swap3A_914, %swap3A_915], %mul3A_913 {strides = array<i32>} : memref<80x128xf32, #tpu.memory_space<vmem>>, vector<16xf32>,
        %get3A_917 = arith.index_cast %scan3A_866 : i32 to index
        %get3A_918 = arith.constant 112 : index
        %get3A_919 = tpu.vector_load %arg9[%get3A_917, %get3A_918] {strides = array<i32>} : memref<80x128xf32, #tpu.memory_space<vmem>>, vector<16xf32>,
        %mul3A_920 = arith.mulf %get3A_919, %gather3A : vector<16xf32>
        %swap3A_921 = arith.index_cast %scan3A_866 : i32 to index
        %swap3A_922 = arith.constant 112 : index
        %swap3A_923 = tpu.vector_load %arg9[%swap3A_921, %swap3A_922] {strides = array<i32>} : memref<80x128xf32, #tpu.memory_space<vmem>>, vector<16xf32>,
        tpu.vector_store %arg9[%swap3A_921, %swap3A_922], %mul3A_920 {strides = array<i32>} : memref<80x128xf32, #tpu.memory_space<vmem>>, vector<16xf32>,
        %scan3A_924 = arith.constant 1 : i32
        %scan3A_925 = arith.addi %scan3A_866, %scan3A_924 : i32
        %add3A_926 = arith.addi %mul3A_832, %scan3A_925 : i32
        %broadcast_in_dim3A_927 = vector.broadcast %add3A_926 : i32 to vector<16xi32>
        %gather3A_928 = tpu.vector_load_idx %arg8[%broadcast_in_dim3A_927] : memref<10000xf32, #tpu.memory_space<vmem>>[vector<16xi32>], vector<16xf32>,
        %get3A_929 = arith.index_cast %scan3A_925 : i32 to index
        %get3A_930 = arith.constant 0 : index
        %get3A_931 = tpu.vector_load %arg9[%get3A_929, %get3A_930] {strides = array<i32>} : memref<80x128xf32, #tpu.memory_space<vmem>>, vector<16xf32>,
        %mul3A_932 = arith.mulf %get3A_931, %gather3A_928 : vector<16xf32>
        %swap3A_933 = arith.index_cast %scan3A_925 : i32 to index
        %swap3A_934 = arith.constant 0 : index
        %swap3A_935 = tpu.vector_load %arg9[%swap3A_933, %swap3A_934] {strides = array<i32>} : memref<80x128xf32, #tpu.memory_space<vmem>>, vector<16xf32>,
        tpu.vector_store %arg9[%swap3A_933, %swap3A_934], %mul3A_932 {strides = array<i32>} : memref<80x128xf32, #tpu.memory_space<vmem>>, vector<16xf32>,
        %get3A_936 = arith.index_cast %scan3A_925 : i32 to index
        %get3A_937 = arith.constant 16 : index
        %get3A_938 = tpu.vector_load %arg9[%get3A_936, %get3A_937] {strides = array<i32>} : memref<80x128xf32, #tpu.memory_space<vmem>>, vector<16xf32>,
        %mul3A_939 = arith.mulf %get3A_938, %gather3A_928 : vector<16xf32>
        %swap3A_940 = arith.index_cast %scan3A_925 : i32 to index
        %swap3A_941 = arith.constant 16 : index
        %swap3A_942 = tpu.vector_load %arg9[%swap3A_940, %swap3A_941] {strides = array<i32>} : memref<80x128xf32, #tpu.memory_space<vmem>>, vector<16xf32>,
        tpu.vector_store %arg9[%swap3A_940, %swap3A_941], %mul3A_939 {strides = array<i32>} : memref<80x128xf32, #tpu.memory_space<vmem>>, vector<16xf32>,
        %get3A_943 = arith.index_cast %scan3A_925 : i32 to index
        %get3A_944 = arith.constant 32 : index
        %get3A_945 = tpu.vector_load %arg9[%get3A_943, %get3A_944] {strides = array<i32>} : memref<80x128xf32, #tpu.memory_space<vmem>>, vector<16xf32>,
        %mul3A_946 = arith.mulf %get3A_945, %gather3A_928 : vector<16xf32>
        %swap3A_947 = arith.index_cast %scan3A_925 : i32 to index
        %swap3A_948 = arith.constant 32 : index
        %swap3A_949 = tpu.vector_load %arg9[%swap3A_947, %swap3A_948] {strides = array<i32>} : memref<80x128xf32, #tpu.memory_space<vmem>>, vector<16xf32>,
        tpu.vector_store %arg9[%swap3A_947, %swap3A_948], %mul3A_946 {strides = array<i32>} : memref<80x128xf32, #tpu.memory_space<vmem>>, vector<16xf32>,
        %get3A_950 = arith.index_cast %scan3A_925 : i32 to index
        %get3A_951 = arith.constant 48 : index
        %get3A_952 = tpu.vector_load %arg9[%get3A_950, %get3A_951] {strides = array<i32>} : memref<80x128xf32, #tpu.memory_space<vmem>>, vector<16xf32>,
        %mul3A_953 = arith.mulf %get3A_952, %gather3A_928 : vector<16xf32>
        %swap3A_954 = arith.index_cast %scan3A_925 : i32 to index
        %swap3A_955 = arith.constant 48 : index
        %swap3A_956 = tpu.vector_load %arg9[%swap3A_954, %swap3A_955] {strides = array<i32>} : memref<80x128xf32, #tpu.memory_space<vmem>>, vector<16xf32>,
        tpu.vector_store %arg9[%swap3A_954, %swap3A_955], %mul3A_953 {strides = array<i32>} : memref<80x128xf32, #tpu.memory_space<vmem>>, vector<16xf32>,
        %get3A_957 = arith.index_cast %scan3A_925 : i32 to index
        %get3A_958 = arith.constant 64 : index
        %get3A_959 = tpu.vector_load %arg9[%get3A_957, %get3A_958] {strides = array<i32>} : memref<80x128xf32, #tpu.memory_space<vmem>>, vector<16xf32>,
        %mul3A_960 = arith.mulf %get3A_959, %gather3A_928 : vector<16xf32>
        %swap3A_961 = arith.index_cast %scan3A_925 : i32 to index
        %swap3A_962 = arith.constant 64 : index
        %swap3A_963 = tpu.vector_load %arg9[%swap3A_961, %swap3A_962] {strides = array<i32>} : memref<80x128xf32, #tpu.memory_space<vmem>>, vector<16xf32>,
        tpu.vector_store %arg9[%swap3A_961, %swap3A_962], %mul3A_960 {strides = array<i32>} : memref<80x128xf32, #tpu.memory_space<vmem>>, vector<16xf32>,
        %get3A_964 = arith.index_cast %scan3A_925 : i32 to index
        %get3A_965 = arith.constant 80 : index
        %get3A_966 = tpu.vector_load %arg9[%get3A_964, %get3A_965] {strides = array<i32>} : memref<80x128xf32, #tpu.memory_space<vmem>>, vector<16xf32>,
        %mul3A_967 = arith.mulf %get3A_966, %gather3A_928 : vector<16xf32>
        %swap3A_968 = arith.index_cast %scan3A_925 : i32 to index
        %swap3A_969 = arith.constant 80 : index
        %swap3A_970 = tpu.vector_load %arg9[%swap3A_968, %swap3A_969] {strides = array<i32>} : memref<80x128xf32, #tpu.memory_space<vmem>>, vector<16xf32>,
        tpu.vector_store %arg9[%swap3A_968, %swap3A_969], %mul3A_967 {strides = array<i32>} : memref<80x128xf32, #tpu.memory_space<vmem>>, vector<16xf32>,
        %get3A_971 = arith.index_cast %scan3A_925 : i32 to index
        %get3A_972 = arith.constant 96 : index
        %get3A_973 = tpu.vector_load %arg9[%get3A_971, %get3A_972] {strides = array<i32>} : memref<80x128xf32, #tpu.memory_space<vmem>>, vector<16xf32>,
        %mul3A_974 = arith.mulf %get3A_973, %gather3A_928 : vector<16xf32>
        %swap3A_975 = arith.index_cast %scan3A_925 : i32 to index
        %swap3A_976 = arith.constant 96 : index
        %swap3A_977 = tpu.vector_load %arg9[%swap3A_975, %swap3A_976] {strides = array<i32>} : memref<80x128xf32, #tpu.memory_space<vmem>>, vector<16xf32>,
        tpu.vector_store %arg9[%swap3A_975, %swap3A_976], %mul3A_974 {strides = array<i32>} : memref<80x128xf32, #tpu.memory_space<vmem>>, vector<16xf32>,
        %get3A_978 = arith.index_cast %scan3A_925 : i32 to index
        %get3A_979 = arith.constant 112 : index
        %get3A_980 = tpu.vector_load %arg9[%get3A_978, %get3A_979] {strides = array<i32>} : memref<80x128xf32, #tpu.memory_space<vmem>>, vector<16xf32>,
        %mul3A_981 = arith.mulf %get3A_980, %gather3A_928 : vector<16xf32>
        %swap3A_982 = arith.index_cast %scan3A_925 : i32 to index
        %swap3A_983 = arith.constant 112 : index
        %swap3A_984 = tpu.vector_load %arg9[%swap3A_982, %swap3A_983] {strides = array<i32>} : memref<80x128xf32, #tpu.memory_space<vmem>>, vector<16xf32>,
        tpu.vector_store %arg9[%swap3A_982, %swap3A_983], %mul3A_981 {strides = array<i32>} : memref<80x128xf32, #tpu.memory_space<vmem>>, vector<16xf32>,
      }
      %scan3A_838 = arith.constant 80 : i32
      "tpu.region"() ({
        %run_scoped3A = tpu.sem_alloc : memref<!tpu.dma_semaphore, #tpu.memory_space<semaphore_mem>>
        %dma_start3A_866 = tpu.memref_slice %arg7[%mul3A_832] : memref<10000xi32, #tpu.memory_space<vmem>> -> memref<80xi32, #tpu.memory_space<vmem>>
        %dma_start3A_867 = arith.constant 0 : i32
        %dma_start3A_868 = arith.constant 0 : i32
        %dma_start3A_869 = tpu.memref_slice %arg11[%dma_start3A_867, %dma_start3A_868] : memref<10000x128xf32, #tpu.memory_space<vmem_shared>> -> memref<10000x128xf32, #tpu.memory_space<vmem_shared>>
        tpu.enqueue_indirect_dma source(%arg9 : memref<80x128xf32, #tpu.memory_space<vmem>>) target(%dma_start3A_869 : memref<10000x128xf32, #tpu.memory_space<vmem_shared>>) offsets(%dma_start3A_866 : memref<80xi32, #tpu.memory_space<vmem>>) semaphore(%run_scoped3A : memref<!tpu.dma_semaphore, #tpu.memory_space<semaphore_mem>>) {add = true}
        %dma_wait3A_870 = tpu.memref_slice %arg7[%mul3A_832] : memref<10000xi32, #tpu.memory_space<vmem>> -> memref<80xi32, #tpu.memory_space<vmem>>
        %dma_wait3A_871 = arith.constant 0 : i32
        %dma_wait3A_872 = arith.constant 0 : i32
        %dma_wait3A_873 = tpu.memref_slice %arg11[%dma_wait3A_871, %dma_wait3A_872] : memref<10000x128xf32, #tpu.memory_space<vmem_shared>> -> memref<10000x128xf32, #tpu.memory_space<vmem_shared>>
        tpu.wait_indirect_dma semaphore(%run_scoped3A : memref<!tpu.dma_semaphore, #tpu.memory_space<semaphore_mem>>) src(%arg9 : memref<80x128xf32, #tpu.memory_space<vmem>>) dst(%dma_wait3A_873 : memref<10000x128xf32, #tpu.memory_space<vmem_shared>>)
        tpu.yield
      }) : () -> ()
      %add3A_839 = arith.constant 2 : i32
      %add3A_840 = arith.addi %add3A_825, %add3A_839 : i32
      %mul3A_841 = arith.constant 80 : i32
      %mul3A_842 = arith.muli %add3A_840, %mul3A_841 : i32
      %dma_start3A_843 = tpu.memref_slice %arg6[%mul3A_842] : memref<10000xi32, #tpu.memory_space<vmem>> -> memref<80xi32, #tpu.memory_space<vmem>>
      %dma_start3A_844 = arith.constant 0 : i32
      %dma_start3A_845 = arith.constant 0 : i32
      %dma_start3A_846 = tpu.memref_slice %arg4[%dma_start3A_844, %dma_start3A_845] : memref<10000x128xf32, #tpu.memory_space<hbm>> -> memref<10000x128xf32, #tpu.memory_space<hbm>>
      tpu.enqueue_indirect_dma source(%dma_start3A_846 : memref<10000x128xf32, #tpu.memory_space<hbm>>) target(%arg9 : memref<80x128xf32, #tpu.memory_space<vmem>>) offsets(%dma_start3A_843 : memref<80xi32, #tpu.memory_space<vmem>>) semaphore(%arg12 : memref<!tpu.dma_semaphore, #tpu.memory_space<semaphore_mem>>)
      %mul3A_847 = arith.constant 2 : i32
      %mul3A_848 = arith.muli %scan3A_821, %mul3A_847 : i32
      %add3A_849 = arith.constant 1 : i32
      %add3A_850 = arith.addi %mul3A_848, %add3A_849 : i32
      %dma_wait3A_851 = arith.constant 0 : i32
      %dma_wait3A_852 = tpu.memref_slice %arg6[%dma_wait3A_851] : memref<10000xi32, #tpu.memory_space<vmem>> -> memref<80xi32, #tpu.memory_space<vmem>>
      %dma_wait3A_853 = arith.constant 0 : i32
      %dma_wait3A_854 = arith.constant 0 : i32
      %dma_wait3A_855 = tpu.memref_slice %arg4[%dma_wait3A_853, %dma_wait3A_854] : memref<10000x128xf32, #tpu.memory_space<hbm>> -> memref<10000x128xf32, #tpu.memory_space<hbm>>
      tpu.wait_indirect_dma semaphore(%arg13 : memref<!tpu.dma_semaphore, #tpu.memory_space<semaphore_mem>>) src(%dma_wait3A_855 : memref<10000x128xf32, #tpu.memory_space<hbm>>) dst(%arg10 : memref<80x128xf32, #tpu.memory_space<vmem>>)
      %mul3A_856 = arith.constant 80 : i32
      %mul3A_857 = arith.muli %add3A_850, %mul3A_856 : i32
      %scan3A_858 = arith.constant 0 : i32
      %scan3A_859 = arith.constant 0 : i32
      %scan3A_860 = arith.constant 80 : i32
      %scan3A_861 = arith.addi %scan3A_859, %scan3A_860 : i32
      %scan3A_862 = arith.constant 2 : i32
      scf.for %scan3A_866 = %scan3A_859 to %scan3A_861 step %scan3A_862  : i32 {
        %add3A_867 = arith.addi %mul3A_857, %scan3A_866 : i32
        %broadcast_in_dim3A_868 = vector.broadcast %add3A_867 : i32 to vector<16xi32>
        %gather3A = tpu.vector_load_idx %arg8[%broadcast_in_dim3A_868] : memref<10000xf32, #tpu.memory_space<vmem>>[vector<16xi32>], vector<16xf32>,
        %get3A = arith.index_cast %scan3A_866 : i32 to index
        %get3A_869 = arith.constant 0 : index
        %get3A_870 = tpu.vector_load %arg10[%get3A, %get3A_869] {strides = array<i32>} : memref<80x128xf32, #tpu.memory_space<vmem>>, vector<16xf32>,
        %mul3A_871 = arith.mulf %get3A_870, %gather3A : vector<16xf32>
        %swap3A_872 = arith.index_cast %scan3A_866 : i32 to index
        %swap3A_873 = arith.constant 0 : index
        %swap3A_874 = tpu.vector_load %arg10[%swap3A_872, %swap3A_873] {strides = array<i32>} : memref<80x128xf32, #tpu.memory_space<vmem>>, vector<16xf32>,
        tpu.vector_store %arg10[%swap3A_872, %swap3A_873], %mul3A_871 {strides = array<i32>} : memref<80x128xf32, #tpu.memory_space<vmem>>, vector<16xf32>,
        %get3A_875 = arith.index_cast %scan3A_866 : i32 to index
        %get3A_876 = arith.constant 16 : index
        %get3A_877 = tpu.vector_load %arg10[%get3A_875, %get3A_876] {strides = array<i32>} : memref<80x128xf32, #tpu.memory_space<vmem>>, vector<16xf32>,
        %mul3A_878 = arith.mulf %get3A_877, %gather3A : vector<16xf32>
        %swap3A_879 = arith.index_cast %scan3A_866 : i32 to index
        %swap3A_880 = arith.constant 16 : index
        %swap3A_881 = tpu.vector_load %arg10[%swap3A_879, %swap3A_880] {strides = array<i32>} : memref<80x128xf32, #tpu.memory_space<vmem>>, vector<16xf32>,
        tpu.vector_store %arg10[%swap3A_879, %swap3A_880], %mul3A_878 {strides = array<i32>} : memref<80x128xf32, #tpu.memory_space<vmem>>, vector<16xf32>,
        %get3A_882 = arith.index_cast %scan3A_866 : i32 to index
        %get3A_883 = arith.constant 32 : index
        %get3A_884 = tpu.vector_load %arg10[%get3A_882, %get3A_883] {strides = array<i32>} : memref<80x128xf32, #tpu.memory_space<vmem>>, vector<16xf32>,
        %mul3A_885 = arith.mulf %get3A_884, %gather3A : vector<16xf32>
        %swap3A_886 = arith.index_cast %scan3A_866 : i32 to index
        %swap3A_887 = arith.constant 32 : index
        %swap3A_888 = tpu.vector_load %arg10[%swap3A_886, %swap3A_887] {strides = array<i32>} : memref<80x128xf32, #tpu.memory_space<vmem>>, vector<16xf32>,
        tpu.vector_store %arg10[%swap3A_886, %swap3A_887], %mul3A_885 {strides = array<i32>} : memref<80x128xf32, #tpu.memory_space<vmem>>, vector<16xf32>,
        %get3A_889 = arith.index_cast %scan3A_866 : i32 to index
        %get3A_890 = arith.constant 48 : index
        %get3A_891 = tpu.vector_load %arg10[%get3A_889, %get3A_890] {strides = array<i32>} : memref<80x128xf32, #tpu.memory_space<vmem>>, vector<16xf32>,
        %mul3A_892 = arith.mulf %get3A_891, %gather3A : vector<16xf32>
        %swap3A_893 = arith.index_cast %scan3A_866 : i32 to index
        %swap3A_894 = arith.constant 48 : index
        %swap3A_895 = tpu.vector_load %arg10[%swap3A_893, %swap3A_894] {strides = array<i32>} : memref<80x128xf32, #tpu.memory_space<vmem>>, vector<16xf32>,
        tpu.vector_store %arg10[%swap3A_893, %swap3A_894], %mul3A_892 {strides = array<i32>} : memref<80x128xf32, #tpu.memory_space<vmem>>, vector<16xf32>,
        %get3A_896 = arith.index_cast %scan3A_866 : i32 to index
        %get3A_897 = arith.constant 64 : index
        %get3A_898 = tpu.vector_load %arg10[%get3A_896, %get3A_897] {strides = array<i32>} : memref<80x128xf32, #tpu.memory_space<vmem>>, vector<16xf32>,
        %mul3A_899 = arith.mulf %get3A_898, %gather3A : vector<16xf32>
        %swap3A_900 = arith.index_cast %scan3A_866 : i32 to index
        %swap3A_901 = arith.constant 64 : index
        %swap3A_902 = tpu.vector_load %arg10[%swap3A_900, %swap3A_901] {strides = array<i32>} : memref<80x128xf32, #tpu.memory_space<vmem>>, vector<16xf32>,
        tpu.vector_store %arg10[%swap3A_900, %swap3A_901], %mul3A_899 {strides = array<i32>} : memref<80x128xf32, #tpu.memory_space<vmem>>, vector<16xf32>,
        %get3A_903 = arith.index_cast %scan3A_866 : i32 to index
        %get3A_904 = arith.constant 80 : index
        %get3A_905 = tpu.vector_load %arg10[%get3A_903, %get3A_904] {strides = array<i32>} : memref<80x128xf32, #tpu.memory_space<vmem>>, vector<16xf32>,
        %mul3A_906 = arith.mulf %get3A_905, %gather3A : vector<16xf32>
        %swap3A_907 = arith.index_cast %scan3A_866 : i32 to index
        %swap3A_908 = arith.constant 80 : index
        %swap3A_909 = tpu.vector_load %arg10[%swap3A_907, %swap3A_908] {strides = array<i32>} : memref<80x128xf32, #tpu.memory_space<vmem>>, vector<16xf32>,
        tpu.vector_store %arg10[%swap3A_907, %swap3A_908], %mul3A_906 {strides = array<i32>} : memref<80x128xf32, #tpu.memory_space<vmem>>, vector<16xf32>,
        %get3A_910 = arith.index_cast %scan3A_866 : i32 to index
        %get3A_911 = arith.constant 96 : index
        %get3A_912 = tpu.vector_load %arg10[%get3A_910, %get3A_911] {strides = array<i32>} : memref<80x128xf32, #tpu.memory_space<vmem>>, vector<16xf32>,
        %mul3A_913 = arith.mulf %get3A_912, %gather3A : vector<16xf32>
        %swap3A_914 = arith.index_cast %scan3A_866 : i32 to index
        %swap3A_915 = arith.constant 96 : index
        %swap3A_916 = tpu.vector_load %arg10[%swap3A_914, %swap3A_915] {strides = array<i32>} : memref<80x128xf32, #tpu.memory_space<vmem>>, vector<16xf32>,
        tpu.vector_store %arg10[%swap3A_914, %swap3A_915], %mul3A_913 {strides = array<i32>} : memref<80x128xf32, #tpu.memory_space<vmem>>, vector<16xf32>,
        %get3A_917 = arith.index_cast %scan3A_866 : i32 to index
        %get3A_918 = arith.constant 112 : index
        %get3A_919 = tpu.vector_load %arg10[%get3A_917, %get3A_918] {strides = array<i32>} : memref<80x128xf32, #tpu.memory_space<vmem>>, vector<16xf32>,
        %mul3A_920 = arith.mulf %get3A_919, %gather3A : vector<16xf32>
        %swap3A_921 = arith.index_cast %scan3A_866 : i32 to index
        %swap3A_922 = arith.constant 112 : index
        %swap3A_923 = tpu.vector_load %arg10[%swap3A_921, %swap3A_922] {strides = array<i32>} : memref<80x128xf32, #tpu.memory_space<vmem>>, vector<16xf32>,
        tpu.vector_store %arg10[%swap3A_921, %swap3A_922], %mul3A_920 {strides = array<i32>} : memref<80x128xf32, #tpu.memory_space<vmem>>, vector<16xf32>,
        %scan3A_924 = arith.constant 1 : i32
        %scan3A_925 = arith.addi %scan3A_866, %scan3A_924 : i32
        %add3A_926 = arith.addi %mul3A_857, %scan3A_925 : i32
        %broadcast_in_dim3A_927 = vector.broadcast %add3A_926 : i32 to vector<16xi32>
        %gather3A_928 = tpu.vector_load_idx %arg8[%broadcast_in_dim3A_927] : memref<10000xf32, #tpu.memory_space<vmem>>[vector<16xi32>], vector<16xf32>,
        %get3A_929 = arith.index_cast %scan3A_925 : i32 to index
        %get3A_930 = arith.constant 0 : index
        %get3A_931 = tpu.vector_load %arg10[%get3A_929, %get3A_930] {strides = array<i32>} : memref<80x128xf32, #tpu.memory_space<vmem>>, vector<16xf32>,
        %mul3A_932 = arith.mulf %get3A_931, %gather3A_928 : vector<16xf32>
        %swap3A_933 = arith.index_cast %scan3A_925 : i32 to index
        %swap3A_934 = arith.constant 0 : index
        %swap3A_935 = tpu.vector_load %arg10[%swap3A_933, %swap3A_934] {strides = array<i32>} : memref<80x128xf32, #tpu.memory_space<vmem>>, vector<16xf32>,
        tpu.vector_store %arg10[%swap3A_933, %swap3A_934], %mul3A_932 {strides = array<i32>} : memref<80x128xf32, #tpu.memory_space<vmem>>, vector<16xf32>,
        %get3A_936 = arith.index_cast %scan3A_925 : i32 to index
        %get3A_937 = arith.constant 16 : index
        %get3A_938 = tpu.vector_load %arg10[%get3A_936, %get3A_937] {strides = array<i32>} : memref<80x128xf32, #tpu.memory_space<vmem>>, vector<16xf32>,
        %mul3A_939 = arith.mulf %get3A_938, %gather3A_928 : vector<16xf32>
        %swap3A_940 = arith.index_cast %scan3A_925 : i32 to index
        %swap3A_941 = arith.constant 16 : index
        %swap3A_942 = tpu.vector_load %arg10[%swap3A_940, %swap3A_941] {strides = array<i32>} : memref<80x128xf32, #tpu.memory_space<vmem>>, vector<16xf32>,
        tpu.vector_store %arg10[%swap3A_940, %swap3A_941], %mul3A_939 {strides = array<i32>} : memref<80x128xf32, #tpu.memory_space<vmem>>, vector<16xf32>,
        %get3A_943 = arith.index_cast %scan3A_925 : i32 to index
        %get3A_944 = arith.constant 32 : index
        %get3A_945 = tpu.vector_load %arg10[%get3A_943, %get3A_944] {strides = array<i32>} : memref<80x128xf32, #tpu.memory_space<vmem>>, vector<16xf32>,
        %mul3A_946 = arith.mulf %get3A_945, %gather3A_928 : vector<16xf32>
        %swap3A_947 = arith.index_cast %scan3A_925 : i32 to index
        %swap3A_948 = arith.constant 32 : index
        %swap3A_949 = tpu.vector_load %arg10[%swap3A_947, %swap3A_948] {strides = array<i32>} : memref<80x128xf32, #tpu.memory_space<vmem>>, vector<16xf32>,
        tpu.vector_store %arg10[%swap3A_947, %swap3A_948], %mul3A_946 {strides = array<i32>} : memref<80x128xf32, #tpu.memory_space<vmem>>, vector<16xf32>,
        %get3A_950 = arith.index_cast %scan3A_925 : i32 to index
        %get3A_951 = arith.constant 48 : index
        %get3A_952 = tpu.vector_load %arg10[%get3A_950, %get3A_951] {strides = array<i32>} : memref<80x128xf32, #tpu.memory_space<vmem>>, vector<16xf32>,
        %mul3A_953 = arith.mulf %get3A_952, %gather3A_928 : vector<16xf32>
        %swap3A_954 = arith.index_cast %scan3A_925 : i32 to index
        %swap3A_955 = arith.constant 48 : index
        %swap3A_956 = tpu.vector_load %arg10[%swap3A_954, %swap3A_955] {strides = array<i32>} : memref<80x128xf32, #tpu.memory_space<vmem>>, vector<16xf32>,
        tpu.vector_store %arg10[%swap3A_954, %swap3A_955], %mul3A_953 {strides = array<i32>} : memref<80x128xf32, #tpu.memory_space<vmem>>, vector<16xf32>,
        %get3A_957 = arith.index_cast %scan3A_925 : i32 to index
        %get3A_958 = arith.constant 64 : index
        %get3A_959 = tpu.vector_load %arg10[%get3A_957, %get3A_958] {strides = array<i32>} : memref<80x128xf32, #tpu.memory_space<vmem>>, vector<16xf32>,
        %mul3A_960 = arith.mulf %get3A_959, %gather3A_928 : vector<16xf32>
        %swap3A_961 = arith.index_cast %scan3A_925 : i32 to index
        %swap3A_962 = arith.constant 64 : index
        %swap3A_963 = tpu.vector_load %arg10[%swap3A_961, %swap3A_962] {strides = array<i32>} : memref<80x128xf32, #tpu.memory_space<vmem>>, vector<16xf32>,
        tpu.vector_store %arg10[%swap3A_961, %swap3A_962], %mul3A_960 {strides = array<i32>} : memref<80x128xf32, #tpu.memory_space<vmem>>, vector<16xf32>,
        %get3A_964 = arith.index_cast %scan3A_925 : i32 to index
        %get3A_965 = arith.constant 80 : index
        %get3A_966 = tpu.vector_load %arg10[%get3A_964, %get3A_965] {strides = array<i32>} : memref<80x128xf32, #tpu.memory_space<vmem>>, vector<16xf32>,
        %mul3A_967 = arith.mulf %get3A_966, %gather3A_928 : vector<16xf32>
        %swap3A_968 = arith.index_cast %scan3A_925 : i32 to index
        %swap3A_969 = arith.constant 80 : index
        %swap3A_970 = tpu.vector_load %arg10[%swap3A_968, %swap3A_969] {strides = array<i32>} : memref<80x128xf32, #tpu.memory_space<vmem>>, vector<16xf32>,
        tpu.vector_store %arg10[%swap3A_968, %swap3A_969], %mul3A_967 {strides = array<i32>} : memref<80x128xf32, #tpu.memory_space<vmem>>, vector<16xf32>,
        %get3A_971 = arith.index_cast %scan3A_925 : i32 to index
        %get3A_972 = arith.constant 96 : index
        %get3A_973 = tpu.vector_load %arg10[%get3A_971, %get3A_972] {strides = array<i32>} : memref<80x128xf32, #tpu.memory_space<vmem>>, vector<16xf32>,
        %mul3A_974 = arith.mulf %get3A_973, %gather3A_928 : vector<16xf32>
        %swap3A_975 = arith.index_cast %scan3A_925 : i32 to index
        %swap3A_976 = arith.constant 96 : index
        %swap3A_977 = tpu.vector_load %arg10[%swap3A_975, %swap3A_976] {strides = array<i32>} : memref<80x128xf32, #tpu.memory_space<vmem>>, vector<16xf32>,
        tpu.vector_store %arg10[%swap3A_975, %swap3A_976], %mul3A_974 {strides = array<i32>} : memref<80x128xf32, #tpu.memory_space<vmem>>, vector<16xf32>,
        %get3A_978 = arith.index_cast %scan3A_925 : i32 to index
        %get3A_979 = arith.constant 112 : index
        %get3A_980 = tpu.vector_load %arg10[%get3A_978, %get3A_979] {strides = array<i32>} : memref<80x128xf32, #tpu.memory_space<vmem>>, vector<16xf32>,
        %mul3A_981 = arith.mulf %get3A_980, %gather3A_928 : vector<16xf32>
        %swap3A_982 = arith.index_cast %scan3A_925 : i32 to index
        %swap3A_983 = arith.constant 112 : index
        %swap3A_984 = tpu.vector_load %arg10[%swap3A_982, %swap3A_983] {strides = array<i32>} : memref<80x128xf32, #tpu.memory_space<vmem>>, vector<16xf32>,
        tpu.vector_store %arg10[%swap3A_982, %swap3A_983], %mul3A_981 {strides = array<i32>} : memref<80x128xf32, #tpu.memory_space<vmem>>, vector<16xf32>,
      }
      %scan3A_863 = arith.constant 80 : i32
      "tpu.region"() ({
        %run_scoped3A = tpu.sem_alloc : memref<!tpu.dma_semaphore, #tpu.memory_space<semaphore_mem>>
        %dma_start3A_866 = tpu.memref_slice %arg7[%mul3A_857] : memref<10000xi32, #tpu.memory_space<vmem>> -> memref<80xi32, #tpu.memory_space<vmem>>
        %dma_start3A_867 = arith.constant 0 : i32
        %dma_start3A_868 = arith.constant 0 : i32
        %dma_start3A_869 = tpu.memref_slice %arg11[%dma_start3A_867, %dma_start3A_868] : memref<10000x128xf32, #tpu.memory_space<vmem_shared>> -> memref<10000x128xf32, #tpu.memory_space<vmem_shared>>
        tpu.enqueue_indirect_dma source(%arg10 : memref<80x128xf32, #tpu.memory_space<vmem>>) target(%dma_start3A_869 : memref<10000x128xf32, #tpu.memory_space<vmem_shared>>) offsets(%dma_start3A_866 : memref<80xi32, #tpu.memory_space<vmem>>) semaphore(%run_scoped3A : memref<!tpu.dma_semaphore, #tpu.memory_space<semaphore_mem>>) {add = true}
        %dma_wait3A_870 = tpu.memref_slice %arg7[%mul3A_857] : memref<10000xi32, #tpu.memory_space<vmem>> -> memref<80xi32, #tpu.memory_space<vmem>>
        %dma_wait3A_871 = arith.constant 0 : i32
        %dma_wait3A_872 = arith.constant 0 : i32
        %dma_wait3A_873 = tpu.memref_slice %arg11[%dma_wait3A_871, %dma_wait3A_872] : memref<10000x128xf32, #tpu.memory_space<vmem_shared>> -> memref<10000x128xf32, #tpu.memory_space<vmem_shared>>
        tpu.wait_indirect_dma semaphore(%run_scoped3A : memref<!tpu.dma_semaphore, #tpu.memory_space<semaphore_mem>>) src(%arg10 : memref<80x128xf32, #tpu.memory_space<vmem>>) dst(%dma_wait3A_873 : memref<10000x128xf32, #tpu.memory_space<vmem_shared>>)
        tpu.yield
      }) : () -> ()
      %ne3A = arith.constant 61 : i32
      %ne3A_864 = arith.cmpi ne, %scan3A_821, %ne3A : i32
      %convert_element_type3A = arith.extui %ne3A_864 : i1 to i32
      %cond3A = arith.constant 0 : i32
      %cond3A_865 = arith.cmpi ne, %convert_element_type3A, %cond3A : i32
      scf.if %cond3A_865 {
        %add3A_866 = arith.constant 2 : i32
        %add3A_867 = arith.addi %add3A_850, %add3A_866 : i32
        %mul3A_868 = arith.constant 80 : i32
        %mul3A_869 = arith.muli %add3A_867, %mul3A_868 : i32
        %dma_start3A_870 = tpu.memref_slice %arg6[%mul3A_869] : memref<10000xi32, #tpu.memory_space<vmem>> -> memref<80xi32, #tpu.memory_space<vmem>>
        %dma_start3A_871 = arith.constant 0 : i32
        %dma_start3A_872 = arith.constant 0 : i32
        %dma_start3A_873 = tpu.memref_slice %arg4[%dma_start3A_871, %dma_start3A_872] : memref<10000x128xf32, #tpu.memory_space<hbm>> -> memref<10000x128xf32, #tpu.memory_space<hbm>>
        tpu.enqueue_indirect_dma source(%dma_start3A_873 : memref<10000x128xf32, #tpu.memory_space<hbm>>) target(%arg10 : memref<80x128xf32, #tpu.memory_space<vmem>>) offsets(%dma_start3A_870 : memref<80xi32, #tpu.memory_space<vmem>>) semaphore(%arg13 : memref<!tpu.dma_semaphore, #tpu.memory_space<semaphore_mem>>)
      } else {
      }
    }
    %scan3A_799 = arith.constant 62 : i32
    %dma_wait3A = arith.constant 0 : i32
    %dma_wait3A_800 = tpu.memref_slice %arg6[%dma_wait3A] : memref<10000xi32, #tpu.memory_space<vmem>> -> memref<80xi32, #tpu.memory_space<vmem>>
    %dma_wait3A_801 = arith.constant 0 : i32
    %dma_wait3A_802 = arith.constant 0 : i32
    %dma_wait3A_803 = tpu.memref_slice %arg4[%dma_wait3A_801, %dma_wait3A_802] : memref<10000x128xf32, #tpu.memory_space<hbm>> -> memref<10000x128xf32, #tpu.memory_space<hbm>>
    tpu.wait_indirect_dma semaphore(%arg12 : memref<!tpu.dma_semaphore, #tpu.memory_space<semaphore_mem>>) src(%dma_wait3A_803 : memref<10000x128xf32, #tpu.memory_space<hbm>>) dst(%arg9 : memref<80x128xf32, #tpu.memory_space<vmem>>)
    %scan3A_804 = arith.constant 0 : i32
    %scan3A_805 = arith.constant 0 : i32
    %scan3A_806 = arith.constant 80 : i32
    %scan3A_807 = arith.addi %scan3A_805, %scan3A_806 : i32
    %scan3A_808 = arith.constant 2 : i32
    scf.for %scan3A_821 = %scan3A_805 to %scan3A_807 step %scan3A_808  : i32 {
      %add3A_822 = arith.constant 9920 : i32
      %add3A_823 = arith.addi %add3A_822, %scan3A_821 : i32
      %broadcast_in_dim3A_824 = vector.broadcast %add3A_823 : i32 to vector<16xi32>
      %gather3A = tpu.vector_load_idx %arg8[%broadcast_in_dim3A_824] : memref<10000xf32, #tpu.memory_space<vmem>>[vector<16xi32>], vector<16xf32>,
      %get3A = arith.index_cast %scan3A_821 : i32 to index
      %get3A_825 = arith.constant 0 : index
      %get3A_826 = tpu.vector_load %arg9[%get3A, %get3A_825] {strides = array<i32>} : memref<80x128xf32, #tpu.memory_space<vmem>>, vector<16xf32>,
      %mul3A_827 = arith.mulf %get3A_826, %gather3A : vector<16xf32>
      %swap3A_828 = arith.index_cast %scan3A_821 : i32 to index
      %swap3A_829 = arith.constant 0 : index
      %swap3A_830 = tpu.vector_load %arg9[%swap3A_828, %swap3A_829] {strides = array<i32>} : memref<80x128xf32, #tpu.memory_space<vmem>>, vector<16xf32>,
      tpu.vector_store %arg9[%swap3A_828, %swap3A_829], %mul3A_827 {strides = array<i32>} : memref<80x128xf32, #tpu.memory_space<vmem>>, vector<16xf32>,
      %get3A_831 = arith.index_cast %scan3A_821 : i32 to index
      %get3A_832 = arith.constant 16 : index
      %get3A_833 = tpu.vector_load %arg9[%get3A_831, %get3A_832] {strides = array<i32>} : memref<80x128xf32, #tpu.memory_space<vmem>>, vector<16xf32>,
      %mul3A_834 = arith.mulf %get3A_833, %gather3A : vector<16xf32>
      %swap3A_835 = arith.index_cast %scan3A_821 : i32 to index
      %swap3A_836 = arith.constant 16 : index
      %swap3A_837 = tpu.vector_load %arg9[%swap3A_835, %swap3A_836] {strides = array<i32>} : memref<80x128xf32, #tpu.memory_space<vmem>>, vector<16xf32>,
      tpu.vector_store %arg9[%swap3A_835, %swap3A_836], %mul3A_834 {strides = array<i32>} : memref<80x128xf32, #tpu.memory_space<vmem>>, vector<16xf32>,
      %get3A_838 = arith.index_cast %scan3A_821 : i32 to index
      %get3A_839 = arith.constant 32 : index
      %get3A_840 = tpu.vector_load %arg9[%get3A_838, %get3A_839] {strides = array<i32>} : memref<80x128xf32, #tpu.memory_space<vmem>>, vector<16xf32>,
      %mul3A_841 = arith.mulf %get3A_840, %gather3A : vector<16xf32>
      %swap3A_842 = arith.index_cast %scan3A_821 : i32 to index
      %swap3A_843 = arith.constant 32 : index
      %swap3A_844 = tpu.vector_load %arg9[%swap3A_842, %swap3A_843] {strides = array<i32>} : memref<80x128xf32, #tpu.memory_space<vmem>>, vector<16xf32>,
      tpu.vector_store %arg9[%swap3A_842, %swap3A_843], %mul3A_841 {strides = array<i32>} : memref<80x128xf32, #tpu.memory_space<vmem>>, vector<16xf32>,
      %get3A_845 = arith.index_cast %scan3A_821 : i32 to index
      %get3A_846 = arith.constant 48 : index
      %get3A_847 = tpu.vector_load %arg9[%get3A_845, %get3A_846] {strides = array<i32>} : memref<80x128xf32, #tpu.memory_space<vmem>>, vector<16xf32>,
      %mul3A_848 = arith.mulf %get3A_847, %gather3A : vector<16xf32>
      %swap3A_849 = arith.index_cast %scan3A_821 : i32 to index
      %swap3A_850 = arith.constant 48 : index
      %swap3A_851 = tpu.vector_load %arg9[%swap3A_849, %swap3A_850] {strides = array<i32>} : memref<80x128xf32, #tpu.memory_space<vmem>>, vector<16xf32>,
      tpu.vector_store %arg9[%swap3A_849, %swap3A_850], %mul3A_848 {strides = array<i32>} : memref<80x128xf32, #tpu.memory_space<vmem>>, vector<16xf32>,
      %get3A_852 = arith.index_cast %scan3A_821 : i32 to index
      %get3A_853 = arith.constant 64 : index
      %get3A_854 = tpu.vector_load %arg9[%get3A_852, %get3A_853] {strides = array<i32>} : memref<80x128xf32, #tpu.memory_space<vmem>>, vector<16xf32>,
      %mul3A_855 = arith.mulf %get3A_854, %gather3A : vector<16xf32>
      %swap3A_856 = arith.index_cast %scan3A_821 : i32 to index
      %swap3A_857 = arith.constant 64 : index
      %swap3A_858 = tpu.vector_load %arg9[%swap3A_856, %swap3A_857] {strides = array<i32>} : memref<80x128xf32, #tpu.memory_space<vmem>>, vector<16xf32>,
      tpu.vector_store %arg9[%swap3A_856, %swap3A_857], %mul3A_855 {strides = array<i32>} : memref<80x128xf32, #tpu.memory_space<vmem>>, vector<16xf32>,
      %get3A_859 = arith.index_cast %scan3A_821 : i32 to index
      %get3A_860 = arith.constant 80 : index
      %get3A_861 = tpu.vector_load %arg9[%get3A_859, %get3A_860] {strides = array<i32>} : memref<80x128xf32, #tpu.memory_space<vmem>>, vector<16xf32>,
      %mul3A_862 = arith.mulf %get3A_861, %gather3A : vector<16xf32>
      %swap3A_863 = arith.index_cast %scan3A_821 : i32 to index
      %swap3A_864 = arith.constant 80 : index
      %swap3A_865 = tpu.vector_load %arg9[%swap3A_863, %swap3A_864] {strides = array<i32>} : memref<80x128xf32, #tpu.memory_space<vmem>>, vector<16xf32>,
      tpu.vector_store %arg9[%swap3A_863, %swap3A_864], %mul3A_862 {strides = array<i32>} : memref<80x128xf32, #tpu.memory_space<vmem>>, vector<16xf32>,
      %get3A_866 = arith.index_cast %scan3A_821 : i32 to index
      %get3A_867 = arith.constant 96 : index
      %get3A_868 = tpu.vector_load %arg9[%get3A_866, %get3A_867] {strides = array<i32>} : memref<80x128xf32, #tpu.memory_space<vmem>>, vector<16xf32>,
      %mul3A_869 = arith.mulf %get3A_868, %gather3A : vector<16xf32>
      %swap3A_870 = arith.index_cast %scan3A_821 : i32 to index
      %swap3A_871 = arith.constant 96 : index
      %swap3A_872 = tpu.vector_load %arg9[%swap3A_870, %swap3A_871] {strides = array<i32>} : memref<80x128xf32, #tpu.memory_space<vmem>>, vector<16xf32>,
      tpu.vector_store %arg9[%swap3A_870, %swap3A_871], %mul3A_869 {strides = array<i32>} : memref<80x128xf32, #tpu.memory_space<vmem>>, vector<16xf32>,
      %get3A_873 = arith.index_cast %scan3A_821 : i32 to index
      %get3A_874 = arith.constant 112 : index
      %get3A_875 = tpu.vector_load %arg9[%get3A_873, %get3A_874] {strides = array<i32>} : memref<80x128xf32, #tpu.memory_space<vmem>>, vector<16xf32>,
      %mul3A_876 = arith.mulf %get3A_875, %gather3A : vector<16xf32>
      %swap3A_877 = arith.index_cast %scan3A_821 : i32 to index
      %swap3A_878 = arith.constant 112 : index
      %swap3A_879 = tpu.vector_load %arg9[%swap3A_877, %swap3A_878] {strides = array<i32>} : memref<80x128xf32, #tpu.memory_space<vmem>>, vector<16xf32>,
      tpu.vector_store %arg9[%swap3A_877, %swap3A_878], %mul3A_876 {strides = array<i32>} : memref<80x128xf32, #tpu.memory_space<vmem>>, vector<16xf32>,
      %scan3A_880 = arith.constant 1 : i32
      %scan3A_881 = arith.addi %scan3A_821, %scan3A_880 : i32
      %add3A_882 = arith.constant 9920 : i32
      %add3A_883 = arith.addi %add3A_882, %scan3A_881 : i32
      %broadcast_in_dim3A_884 = vector.broadcast %add3A_883 : i32 to vector<16xi32>
      %gather3A_885 = tpu.vector_load_idx %arg8[%broadcast_in_dim3A_884] : memref<10000xf32, #tpu.memory_space<vmem>>[vector<16xi32>], vector<16xf32>,
      %get3A_886 = arith.index_cast %scan3A_881 : i32 to index
      %get3A_887 = arith.constant 0 : index
      %get3A_888 = tpu.vector_load %arg9[%get3A_886, %get3A_887] {strides = array<i32>} : memref<80x128xf32, #tpu.memory_space<vmem>>, vector<16xf32>,
      %mul3A_889 = arith.mulf %get3A_888, %gather3A_885 : vector<16xf32>
      %swap3A_890 = arith.index_cast %scan3A_881 : i32 to index
      %swap3A_891 = arith.constant 0 : index
      %swap3A_892 = tpu.vector_load %arg9[%swap3A_890, %swap3A_891] {strides = array<i32>} : memref<80x128xf32, #tpu.memory_space<vmem>>, vector<16xf32>,
      tpu.vector_store %arg9[%swap3A_890, %swap3A_891], %mul3A_889 {strides = array<i32>} : memref<80x128xf32, #tpu.memory_space<vmem>>, vector<16xf32>,
      %get3A_893 = arith.index_cast %scan3A_881 : i32 to index
      %get3A_894 = arith.constant 16 : index
      %get3A_895 = tpu.vector_load %arg9[%get3A_893, %get3A_894] {strides = array<i32>} : memref<80x128xf32, #tpu.memory_space<vmem>>, vector<16xf32>,
      %mul3A_896 = arith.mulf %get3A_895, %gather3A_885 : vector<16xf32>
      %swap3A_897 = arith.index_cast %scan3A_881 : i32 to index
      %swap3A_898 = arith.constant 16 : index
      %swap3A_899 = tpu.vector_load %arg9[%swap3A_897, %swap3A_898] {strides = array<i32>} : memref<80x128xf32, #tpu.memory_space<vmem>>, vector<16xf32>,
      tpu.vector_store %arg9[%swap3A_897, %swap3A_898], %mul3A_896 {strides = array<i32>} : memref<80x128xf32, #tpu.memory_space<vmem>>, vector<16xf32>,
      %get3A_900 = arith.index_cast %scan3A_881 : i32 to index
      %get3A_901 = arith.constant 32 : index
      %get3A_902 = tpu.vector_load %arg9[%get3A_900, %get3A_901] {strides = array<i32>} : memref<80x128xf32, #tpu.memory_space<vmem>>, vector<16xf32>,
      %mul3A_903 = arith.mulf %get3A_902, %gather3A_885 : vector<16xf32>
      %swap3A_904 = arith.index_cast %scan3A_881 : i32 to index
      %swap3A_905 = arith.constant 32 : index
      %swap3A_906 = tpu.vector_load %arg9[%swap3A_904, %swap3A_905] {strides = array<i32>} : memref<80x128xf32, #tpu.memory_space<vmem>>, vector<16xf32>,
      tpu.vector_store %arg9[%swap3A_904, %swap3A_905], %mul3A_903 {strides = array<i32>} : memref<80x128xf32, #tpu.memory_space<vmem>>, vector<16xf32>,
      %get3A_907 = arith.index_cast %scan3A_881 : i32 to index
      %get3A_908 = arith.constant 48 : index
      %get3A_909 = tpu.vector_load %arg9[%get3A_907, %get3A_908] {strides = array<i32>} : memref<80x128xf32, #tpu.memory_space<vmem>>, vector<16xf32>,
      %mul3A_910 = arith.mulf %get3A_909, %gather3A_885 : vector<16xf32>
      %swap3A_911 = arith.index_cast %scan3A_881 : i32 to index
      %swap3A_912 = arith.constant 48 : index
      %swap3A_913 = tpu.vector_load %arg9[%swap3A_911, %swap3A_912] {strides = array<i32>} : memref<80x128xf32, #tpu.memory_space<vmem>>, vector<16xf32>,
      tpu.vector_store %arg9[%swap3A_911, %swap3A_912], %mul3A_910 {strides = array<i32>} : memref<80x128xf32, #tpu.memory_space<vmem>>, vector<16xf32>,
      %get3A_914 = arith.index_cast %scan3A_881 : i32 to index
      %get3A_915 = arith.constant 64 : index
      %get3A_916 = tpu.vector_load %arg9[%get3A_914, %get3A_915] {strides = array<i32>} : memref<80x128xf32, #tpu.memory_space<vmem>>, vector<16xf32>,
      %mul3A_917 = arith.mulf %get3A_916, %gather3A_885 : vector<16xf32>
      %swap3A_918 = arith.index_cast %scan3A_881 : i32 to index
      %swap3A_919 = arith.constant 64 : index
      %swap3A_920 = tpu.vector_load %arg9[%swap3A_918, %swap3A_919] {strides = array<i32>} : memref<80x128xf32, #tpu.memory_space<vmem>>, vector<16xf32>,
      tpu.vector_store %arg9[%swap3A_918, %swap3A_919], %mul3A_917 {strides = array<i32>} : memref<80x128xf32, #tpu.memory_space<vmem>>, vector<16xf32>,
      %get3A_921 = arith.index_cast %scan3A_881 : i32 to index
      %get3A_922 = arith.constant 80 : index
      %get3A_923 = tpu.vector_load %arg9[%get3A_921, %get3A_922] {strides = array<i32>} : memref<80x128xf32, #tpu.memory_space<vmem>>, vector<16xf32>,
      %mul3A_924 = arith.mulf %get3A_923, %gather3A_885 : vector<16xf32>
      %swap3A_925 = arith.index_cast %scan3A_881 : i32 to index
      %swap3A_926 = arith.constant 80 : index
      %swap3A_927 = tpu.vector_load %arg9[%swap3A_925, %swap3A_926] {strides = array<i32>} : memref<80x128xf32, #tpu.memory_space<vmem>>, vector<16xf32>,
      tpu.vector_store %arg9[%swap3A_925, %swap3A_926], %mul3A_924 {strides = array<i32>} : memref<80x128xf32, #tpu.memory_space<vmem>>, vector<16xf32>,
      %get3A_928 = arith.index_cast %scan3A_881 : i32 to index
      %get3A_929 = arith.constant 96 : index
      %get3A_930 = tpu.vector_load %arg9[%get3A_928, %get3A_929] {strides = array<i32>} : memref<80x128xf32, #tpu.memory_space<vmem>>, vector<16xf32>,
      %mul3A_931 = arith.mulf %get3A_930, %gather3A_885 : vector<16xf32>
      %swap3A_932 = arith.index_cast %scan3A_881 : i32 to index
      %swap3A_933 = arith.constant 96 : index
      %swap3A_934 = tpu.vector_load %arg9[%swap3A_932, %swap3A_933] {strides = array<i32>} : memref<80x128xf32, #tpu.memory_space<vmem>>, vector<16xf32>,
      tpu.vector_store %arg9[%swap3A_932, %swap3A_933], %mul3A_931 {strides = array<i32>} : memref<80x128xf32, #tpu.memory_space<vmem>>, vector<16xf32>,
      %get3A_935 = arith.index_cast %scan3A_881 : i32 to index
      %get3A_936 = arith.constant 112 : index
      %get3A_937 = tpu.vector_load %arg9[%get3A_935, %get3A_936] {strides = array<i32>} : memref<80x128xf32, #tpu.memory_space<vmem>>, vector<16xf32>,
      %mul3A_938 = arith.mulf %get3A_937, %gather3A_885 : vector<16xf32>
      %swap3A_939 = arith.index_cast %scan3A_881 : i32 to index
      %swap3A_940 = arith.constant 112 : index
      %swap3A_941 = tpu.vector_load %arg9[%swap3A_939, %swap3A_940] {strides = array<i32>} : memref<80x128xf32, #tpu.memory_space<vmem>>, vector<16xf32>,
      tpu.vector_store %arg9[%swap3A_939, %swap3A_940], %mul3A_938 {strides = array<i32>} : memref<80x128xf32, #tpu.memory_space<vmem>>, vector<16xf32>,
    }
    %scan3A_809 = arith.constant 80 : i32
    "tpu.region"() ({
      %run_scoped3A = tpu.sem_alloc : memref<!tpu.dma_semaphore, #tpu.memory_space<semaphore_mem>>
      %dma_start3A_821 = arith.constant 9920 : i32
      %dma_start3A_822 = tpu.memref_slice %arg7[%dma_start3A_821] : memref<10000xi32, #tpu.memory_space<vmem>> -> memref<80xi32, #tpu.memory_space<vmem>>
      %dma_start3A_823 = arith.constant 0 : i32
      %dma_start3A_824 = arith.constant 0 : i32
      %dma_start3A_825 = tpu.memref_slice %arg11[%dma_start3A_823, %dma_start3A_824] : memref<10000x128xf32, #tpu.memory_space<vmem_shared>> -> memref<10000x128xf32, #tpu.memory_space<vmem_shared>>
      tpu.enqueue_indirect_dma source(%arg9 : memref<80x128xf32, #tpu.memory_space<vmem>>) target(%dma_start3A_825 : memref<10000x128xf32, #tpu.memory_space<vmem_shared>>) offsets(%dma_start3A_822 : memref<80xi32, #tpu.memory_space<vmem>>) semaphore(%run_scoped3A : memref<!tpu.dma_semaphore, #tpu.memory_space<semaphore_mem>>) {add = true}
      %dma_wait3A_826 = arith.constant 9920 : i32
      %dma_wait3A_827 = tpu.memref_slice %arg7[%dma_wait3A_826] : memref<10000xi32, #tpu.memory_space<vmem>> -> memref<80xi32, #tpu.memory_space<vmem>>
      %dma_wait3A_828 = arith.constant 0 : i32
      %dma_wait3A_829 = arith.constant 0 : i32
      %dma_wait3A_830 = tpu.memref_slice %arg11[%dma_wait3A_828, %dma_wait3A_829] : memref<10000x128xf32, #tpu.memory_space<vmem_shared>> -> memref<10000x128xf32, #tpu.memory_space<vmem_shared>>
      tpu.wait_indirect_dma semaphore(%run_scoped3A : memref<!tpu.dma_semaphore, #tpu.memory_space<semaphore_mem>>) src(%arg9 : memref<80x128xf32, #tpu.memory_space<vmem>>) dst(%dma_wait3A_830 : memref<10000x128xf32, #tpu.memory_space<vmem_shared>>)
      tpu.yield
    }) : () -> ()
    %barrier3A_810 = arith.constant 0 : index
    tpu.barrier barrier_id(%barrier3A_810)
    %while3A_811 = arith.constant 0 : i32
    %while3A_812 = arith.constant 0 : i32
    %while3A_813 = arith.subi %add3A_772, %while3A_812 : i32
    %while3A_814 = arith.addi %while3A_812, %while3A_813 : i32
    %while3A_815 = arith.constant 1 : i32
    %while3A_816 = arith.divsi %while3A_813, %while3A_815 : i32
    %while3A_817 = arith.muli %while3A_816, %while3A_815 : i32
    %while3A_818 = arith.addi %while3A_812, %while3A_817 : i32
    %while3A_819 = arith.constant 1 : i32
    scf.for %while3A_821 = %while3A_812 to %while3A_818 step %while3A_819  : i32 {
      %mul3A_822 = arith.constant 16 : i32
      %mul3A_823 = arith.muli %while3A_821, %mul3A_822 : i32
      %add3A_824 = arith.addi %mul3A_768, %mul3A_823 : i32
      "tpu.region"() ({
        %run_scoped3A = tpu.sem_alloc : memref<!tpu.dma_semaphore, #tpu.memory_space<semaphore_mem>>
        %dma_start3A_825 = arith.constant 0 : i32
        %dma_start3A_826 = tpu.memref_slice %arg5[%arg0, %add3A_824, %dma_start3A_825] : memref<2x10000x128xf32, #tpu.memory_space<hbm>> -> memref<1x16x128xf32, #tpu.memory_space<hbm>>
        %dma_start3A_827 = tpu.memref_squeeze %dma_start3A_826 : memref<1x16x128xf32, #tpu.memory_space<hbm>> -> memref<16x128xf32, #tpu.memory_space<hbm>>
        %dma_start3A_828 = arith.constant 0 : i32
        %dma_start3A_829 = tpu.memref_slice %arg11[%add3A_824, %dma_start3A_828] : memref<10000x128xf32, #tpu.memory_space<vmem_shared>> -> memref<16x128xf32, #tpu.memory_space<vmem_shared>>
        tpu.enqueue_dma source(%dma_start3A_829 : memref<16x128xf32, #tpu.memory_space<vmem_shared>>) target(%dma_start3A_827 : memref<16x128xf32, #tpu.memory_space<hbm>>) target_semaphore(%run_scoped3A : memref<!tpu.dma_semaphore, #tpu.memory_space<semaphore_mem>>)
        %dma_wait3A_830 = arith.constant 0 : i32
        %dma_wait3A_831 = tpu.memref_slice %arg5[%arg0, %add3A_824, %dma_wait3A_830] : memref<2x10000x128xf32, #tpu.memory_space<hbm>> -> memref<1x16x128xf32, #tpu.memory_space<hbm>>
        %dma_wait3A_832 = tpu.memref_squeeze %dma_wait3A_831 : memref<1x16x128xf32, #tpu.memory_space<hbm>> -> memref<16x128xf32, #tpu.memory_space<hbm>>
        %dma_wait3A_833 = arith.constant 0 : i32
        %dma_wait3A_834 = tpu.memref_slice %arg11[%add3A_824, %dma_wait3A_833] : memref<10000x128xf32, #tpu.memory_space<vmem_shared>> -> memref<16x128xf32, #tpu.memory_space<vmem_shared>>
        tpu.wait_dma2 semaphore(%run_scoped3A : memref<!tpu.dma_semaphore, #tpu.memory_space<semaphore_mem>>) src(%dma_wait3A_834 : memref<16x128xf32, #tpu.memory_space<vmem_shared>>) dst(%dma_wait3A_832 : memref<16x128xf32, #tpu.memory_space<hbm>>)
        tpu.yield
      }) : () -> ()
    }
    %while3A_820 = arith.constant 1 : i32
    scf.for %while3A_821 = %while3A_818 to %while3A_814 step %while3A_820  : i32 {
      %mul3A_822 = arith.constant 16 : i32
      %mul3A_823 = arith.muli %while3A_821, %mul3A_822 : i32
      %add3A_824 = arith.addi %mul3A_768, %mul3A_823 : i32
      "tpu.region"() ({
        %run_scoped3A = tpu.sem_alloc : memref<!tpu.dma_semaphore, #tpu.memory_space<semaphore_mem>>
        %dma_start3A_825 = arith.constant 0 : i32
        %dma_start3A_826 = tpu.memref_slice %arg5[%arg0, %add3A_824, %dma_start3A_825] : memref<2x10000x128xf32, #tpu.memory_space<hbm>> -> memref<1x16x128xf32, #tpu.memory_space<hbm>>
        %dma_start3A_827 = tpu.memref_squeeze %dma_start3A_826 : memref<1x16x128xf32, #tpu.memory_space<hbm>> -> memref<16x128xf32, #tpu.memory_space<hbm>>
        %dma_start3A_828 = arith.constant 0 : i32
        %dma_start3A_829 = tpu.memref_slice %arg11[%add3A_824, %dma_start3A_828] : memref<10000x128xf32, #tpu.memory_space<vmem_shared>> -> memref<16x128xf32, #tpu.memory_space<vmem_shared>>
        tpu.enqueue_dma source(%dma_start3A_829 : memref<16x128xf32, #tpu.memory_space<vmem_shared>>) target(%dma_start3A_827 : memref<16x128xf32, #tpu.memory_space<hbm>>) target_semaphore(%run_scoped3A : memref<!tpu.dma_semaphore, #tpu.memory_space<semaphore_mem>>)
        %dma_wait3A_830 = arith.constant 0 : i32
        %dma_wait3A_831 = tpu.memref_slice %arg5[%arg0, %add3A_824, %dma_wait3A_830] : memref<2x10000x128xf32, #tpu.memory_space<hbm>> -> memref<1x16x128xf32, #tpu.memory_space<hbm>>
        %dma_wait3A_832 = tpu.memref_squeeze %dma_wait3A_831 : memref<1x16x128xf32, #tpu.memory_space<hbm>> -> memref<16x128xf32, #tpu.memory_space<hbm>>
        %dma_wait3A_833 = arith.constant 0 : i32
        %dma_wait3A_834 = tpu.memref_slice %arg11[%add3A_824, %dma_wait3A_833] : memref<10000x128xf32, #tpu.memory_space<vmem_shared>> -> memref<16x128xf32, #tpu.memory_space<vmem_shared>>
        tpu.wait_dma2 semaphore(%run_scoped3A : memref<!tpu.dma_semaphore, #tpu.memory_space<semaphore_mem>>) src(%dma_wait3A_834 : memref<16x128xf32, #tpu.memory_space<vmem_shared>>) dst(%dma_wait3A_832 : memref<16x128xf32, #tpu.memory_space<hbm>>)
        tpu.yield
      }) : () -> ()
    }
    return
  }
}

#map = affine_map<(d0, d1) -> (0, 0)>
#map1 = affine_map<(d0, d1) -> (0)>
#map2 = affine_map<(d0, d1) -> (0, 0, 0)>
module attributes {stable_mosaic.version = 14 : i64} {
  func.func @_k6a(%arg0: i32, %arg1: i32, %arg2: memref<320000x128xf32, #tpu.memory_space<hbm>>, %arg3: memref<10000x128xf32, #tpu.memory_space<hbm>>, %arg4: memref<10000x128xf32, #tpu.memory_space<hbm>>, %arg5: memref<640000xi32, #tpu.memory_space<hbm>>, %arg6: memref<320000x128xf32, #tpu.memory_space<hbm>>, %arg7: memref<32x2x128xf32, #tpu.memory_space<hbm>>, %arg8: memref<10000xi32, #tpu.memory_space<vmem>>, %arg9: memref<10000xi32, #tpu.memory_space<vmem>>, %arg10: memref<80x128xf32, #tpu.memory_space<vmem>>, %arg11: memref<80x128xf32, #tpu.memory_space<vmem>>, %arg12: memref<80x128xf32, #tpu.memory_space<vmem>>, %arg13: memref<80x128xf32, #tpu.memory_space<vmem>>, %arg14: memref<80x128xf32, #tpu.memory_space<vmem>>, %arg15: memref<80x128xf32, #tpu.memory_space<vmem>>, %arg16: memref<80x128xf32, #tpu.memory_space<vmem>>, %arg17: memref<80x128xf32, #tpu.memory_space<vmem>>, %arg18: memref<128xf32, #tpu.memory_space<vmem>>, %arg19: memref<128xf32, #tpu.memory_space<vmem>>, %arg20: memref<!tpu.dma_semaphore, #tpu.memory_space<semaphore_mem>>, %arg21: memref<!tpu.dma_semaphore, #tpu.memory_space<semaphore_mem>>, %arg22: memref<!tpu.dma_semaphore, #tpu.memory_space<semaphore_mem>>, %arg23: memref<!tpu.dma_semaphore, #tpu.memory_space<semaphore_mem>>) attributes {dimension_semantics = [#tpu.dimension_semantics<core_parallel>, #tpu.dimension_semantics<subcore_parallel>], iteration_bounds = array<i64: 2, 16>, scalar_prefetch = 0 : i64, scratch_operands = 16 : i64, tpu.core_type = #tpu.core_type<sc_vector_subcore>, window_params = [{transform_indices = #map}, {transform_indices = #map}, {transform_indices = #map}, {transform_indices = #map1}, {transform_indices = #map}, {transform_indices = #map2}]} {
    %mul3A = arith.constant 2 : i32
    %mul3A_0 = arith.muli %arg1, %mul3A : i32
    %add3A = arith.addi %mul3A_0, %arg0 : i32
    %mul3A_1 = arith.constant 10000 : i32
    %mul3A_2 = arith.muli %add3A, %mul3A_1 : i32
    "tpu.region"() ({
      %run_scoped3A_121 = tpu.sem_alloc : memref<!tpu.dma_semaphore, #tpu.memory_space<semaphore_mem>>
      %dma_start3A_122 = tpu.memref_slice %arg5[%mul3A_2] : memref<640000xi32, #tpu.memory_space<hbm>> -> memref<10000xi32, #tpu.memory_space<hbm>>
      %dma_start3A_123 = tpu.memref_slice %arg5[%mul3A_2] : memref<640000xi32, #tpu.memory_space<hbm>> -> memref<10000xi32, #tpu.memory_space<hbm>>
      tpu.enqueue_dma source(%dma_start3A_123 : memref<10000xi32, #tpu.memory_space<hbm>>) target(%arg8 : memref<10000xi32, #tpu.memory_space<vmem>>) target_semaphore(%run_scoped3A_121 : memref<!tpu.dma_semaphore, #tpu.memory_space<semaphore_mem>>)
      %dma_wait3A_124 = tpu.memref_slice %arg5[%mul3A_2] : memref<640000xi32, #tpu.memory_space<hbm>> -> memref<10000xi32, #tpu.memory_space<hbm>>
      %dma_wait3A_125 = tpu.memref_slice %arg5[%mul3A_2] : memref<640000xi32, #tpu.memory_space<hbm>> -> memref<10000xi32, #tpu.memory_space<hbm>>
      tpu.wait_dma2 semaphore(%run_scoped3A_121 : memref<!tpu.dma_semaphore, #tpu.memory_space<semaphore_mem>>) src(%dma_wait3A_125 : memref<10000xi32, #tpu.memory_space<hbm>>) dst(%arg8 : memref<10000xi32, #tpu.memory_space<vmem>>)
      tpu.yield
    }) : () -> ()
    %add3A_3 = arith.constant 320000 : i32
    %add3A_4 = arith.addi %add3A_3, %mul3A_2 : i32
    "tpu.region"() ({
      %run_scoped3A_121 = tpu.sem_alloc : memref<!tpu.dma_semaphore, #tpu.memory_space<semaphore_mem>>
      %dma_start3A_122 = tpu.memref_slice %arg5[%add3A_4] : memref<640000xi32, #tpu.memory_space<hbm>> -> memref<10000xi32, #tpu.memory_space<hbm>>
      %dma_start3A_123 = tpu.memref_slice %arg5[%add3A_4] : memref<640000xi32, #tpu.memory_space<hbm>> -> memref<10000xi32, #tpu.memory_space<hbm>>
      tpu.enqueue_dma source(%dma_start3A_123 : memref<10000xi32, #tpu.memory_space<hbm>>) target(%arg9 : memref<10000xi32, #tpu.memory_space<vmem>>) target_semaphore(%run_scoped3A_121 : memref<!tpu.dma_semaphore, #tpu.memory_space<semaphore_mem>>)
      %dma_wait3A_124 = tpu.memref_slice %arg5[%add3A_4] : memref<640000xi32, #tpu.memory_space<hbm>> -> memref<10000xi32, #tpu.memory_space<hbm>>
      %dma_wait3A_125 = tpu.memref_slice %arg5[%add3A_4] : memref<640000xi32, #tpu.memory_space<hbm>> -> memref<10000xi32, #tpu.memory_space<hbm>>
      tpu.wait_dma2 semaphore(%run_scoped3A_121 : memref<!tpu.dma_semaphore, #tpu.memory_space<semaphore_mem>>) src(%dma_wait3A_125 : memref<10000xi32, #tpu.memory_space<hbm>>) dst(%arg9 : memref<10000xi32, #tpu.memory_space<vmem>>)
      tpu.yield
    }) : () -> ()
    %broadcast_in_dim3A = arith.constant 0.000000e+00 : f32
    %broadcast_in_dim3A_5 = vector.broadcast %broadcast_in_dim3A : f32 to vector<16xf32>
    %add3A_6 = arith.constant 0 : i32
    %add3A_7 = arith.addi %mul3A_2, %add3A_6 : i32
    %dma_start3A = arith.constant 0 : i32
    %dma_start3A_8 = tpu.memref_slice %arg2[%add3A_7, %dma_start3A] : memref<320000x128xf32, #tpu.memory_space<hbm>> -> memref<80x128xf32, #tpu.memory_space<hbm>>
    %dma_start3A_9 = arith.constant 0 : i32
    %dma_start3A_10 = tpu.memref_slice %arg2[%add3A_7, %dma_start3A_9] : memref<320000x128xf32, #tpu.memory_space<hbm>> -> memref<80x128xf32, #tpu.memory_space<hbm>>
    tpu.enqueue_dma source(%dma_start3A_10 : memref<80x128xf32, #tpu.memory_space<hbm>>) target(%arg10 : memref<80x128xf32, #tpu.memory_space<vmem>>) target_semaphore(%arg20 : memref<!tpu.dma_semaphore, #tpu.memory_space<semaphore_mem>>)
    %dma_start3A_11 = arith.constant 0 : i32
    %dma_start3A_12 = tpu.memref_slice %arg8[%dma_start3A_11] : memref<10000xi32, #tpu.memory_space<vmem>> -> memref<80xi32, #tpu.memory_space<vmem>>
    %dma_start3A_13 = arith.constant 0 : i32
    %dma_start3A_14 = arith.constant 0 : i32
    %dma_start3A_15 = tpu.memref_slice %arg3[%dma_start3A_13, %dma_start3A_14] : memref<10000x128xf32, #tpu.memory_space<hbm>> -> memref<10000x128xf32, #tpu.memory_space<hbm>>
    tpu.enqueue_indirect_dma source(%dma_start3A_15 : memref<10000x128xf32, #tpu.memory_space<hbm>>) target(%arg12 : memref<80x128xf32, #tpu.memory_space<vmem>>) offsets(%dma_start3A_12 : memref<80xi32, #tpu.memory_space<vmem>>) semaphore(%arg20 : memref<!tpu.dma_semaphore, #tpu.memory_space<semaphore_mem>>)
    %dma_start3A_16 = arith.constant 0 : i32
    %dma_start3A_17 = tpu.memref_slice %arg9[%dma_start3A_16] : memref<10000xi32, #tpu.memory_space<vmem>> -> memref<80xi32, #tpu.memory_space<vmem>>
    %dma_start3A_18 = arith.constant 0 : i32
    %dma_start3A_19 = arith.constant 0 : i32
    %dma_start3A_20 = tpu.memref_slice %arg4[%dma_start3A_18, %dma_start3A_19] : memref<10000x128xf32, #tpu.memory_space<hbm>> -> memref<10000x128xf32, #tpu.memory_space<hbm>>
    tpu.enqueue_indirect_dma source(%dma_start3A_20 : memref<10000x128xf32, #tpu.memory_space<hbm>>) target(%arg14 : memref<80x128xf32, #tpu.memory_space<vmem>>) offsets(%dma_start3A_17 : memref<80xi32, #tpu.memory_space<vmem>>) semaphore(%arg20 : memref<!tpu.dma_semaphore, #tpu.memory_space<semaphore_mem>>)
    %add3A_21 = arith.constant 80 : i32
    %add3A_22 = arith.addi %mul3A_2, %add3A_21 : i32
    %dma_start3A_23 = arith.constant 0 : i32
    %dma_start3A_24 = tpu.memref_slice %arg2[%add3A_22, %dma_start3A_23] : memref<320000x128xf32, #tpu.memory_space<hbm>> -> memref<80x128xf32, #tpu.memory_space<hbm>>
    %dma_start3A_25 = arith.constant 0 : i32
    %dma_start3A_26 = tpu.memref_slice %arg2[%add3A_22, %dma_start3A_25] : memref<320000x128xf32, #tpu.memory_space<hbm>> -> memref<80x128xf32, #tpu.memory_space<hbm>>
    tpu.enqueue_dma source(%dma_start3A_26 : memref<80x128xf32, #tpu.memory_space<hbm>>) target(%arg11 : memref<80x128xf32, #tpu.memory_space<vmem>>) target_semaphore(%arg21 : memref<!tpu.dma_semaphore, #tpu.memory_space<semaphore_mem>>)
    %dma_start3A_27 = arith.constant 80 : i32
    %dma_start3A_28 = tpu.memref_slice %arg8[%dma_start3A_27] : memref<10000xi32, #tpu.memory_space<vmem>> -> memref<80xi32, #tpu.memory_space<vmem>>
    %dma_start3A_29 = arith.constant 0 : i32
    %dma_start3A_30 = arith.constant 0 : i32
    %dma_start3A_31 = tpu.memref_slice %arg3[%dma_start3A_29, %dma_start3A_30] : memref<10000x128xf32, #tpu.memory_space<hbm>> -> memref<10000x128xf32, #tpu.memory_space<hbm>>
    tpu.enqueue_indirect_dma source(%dma_start3A_31 : memref<10000x128xf32, #tpu.memory_space<hbm>>) target(%arg13 : memref<80x128xf32, #tpu.memory_space<vmem>>) offsets(%dma_start3A_28 : memref<80xi32, #tpu.memory_space<vmem>>) semaphore(%arg21 : memref<!tpu.dma_semaphore, #tpu.memory_space<semaphore_mem>>)
    %dma_start3A_32 = arith.constant 80 : i32
    %dma_start3A_33 = tpu.memref_slice %arg9[%dma_start3A_32] : memref<10000xi32, #tpu.memory_space<vmem>> -> memref<80xi32, #tpu.memory_space<vmem>>
    %dma_start3A_34 = arith.constant 0 : i32
    %dma_start3A_35 = arith.constant 0 : i32
    %dma_start3A_36 = tpu.memref_slice %arg4[%dma_start3A_34, %dma_start3A_35] : memref<10000x128xf32, #tpu.memory_space<hbm>> -> memref<10000x128xf32, #tpu.memory_space<hbm>>
    tpu.enqueue_indirect_dma source(%dma_start3A_36 : memref<10000x128xf32, #tpu.memory_space<hbm>>) target(%arg15 : memref<80x128xf32, #tpu.memory_space<vmem>>) offsets(%dma_start3A_33 : memref<80xi32, #tpu.memory_space<vmem>>) semaphore(%arg21 : memref<!tpu.dma_semaphore, #tpu.memory_space<semaphore_mem>>)
    %scan3A = arith.constant 0 : i32
    %scan3A_37 = arith.constant 62 : i32
    %scan3A_38 = arith.addi %scan3A, %scan3A_37 : i32
    %scan3A_39 = arith.constant 1 : i32
    %scan3A_40:16 = scf.for %scan3A_121 = %scan3A to %scan3A_38 step %scan3A_39 iter_args(%scan3A_122 = %broadcast_in_dim3A_5, %scan3A_123 = %broadcast_in_dim3A_5, %scan3A_124 = %broadcast_in_dim3A_5, %scan3A_125 = %broadcast_in_dim3A_5, %scan3A_126 = %broadcast_in_dim3A_5, %scan3A_127 = %broadcast_in_dim3A_5, %scan3A_128 = %broadcast_in_dim3A_5, %scan3A_129 = %broadcast_in_dim3A_5, %scan3A_130 = %broadcast_in_dim3A_5, %scan3A_131 = %broadcast_in_dim3A_5, %scan3A_132 = %broadcast_in_dim3A_5, %scan3A_133 = %broadcast_in_dim3A_5, %scan3A_134 = %broadcast_in_dim3A_5, %scan3A_135 = %broadcast_in_dim3A_5, %scan3A_136 = %broadcast_in_dim3A_5, %scan3A_137 = %broadcast_in_dim3A_5) -> (vector<16xf32>, vector<16xf32>, vector<16xf32>, vector<16xf32>, vector<16xf32>, vector<16xf32>, vector<16xf32>, vector<16xf32>, vector<16xf32>, vector<16xf32>, vector<16xf32>, vector<16xf32>, vector<16xf32>, vector<16xf32>, vector<16xf32>, vector<16xf32>)  : i32 {
      %mul3A_138 = arith.constant 2 : i32
      %mul3A_139 = arith.muli %scan3A_121, %mul3A_138 : i32
      %add3A_140 = arith.constant 0 : i32
      %add3A_141 = arith.addi %mul3A_139, %add3A_140 : i32
      %dma_wait3A_142 = arith.constant 0 : i32
      %dma_wait3A_143 = arith.constant 0 : i32
      %dma_wait3A_144 = tpu.memref_slice %arg2[%dma_wait3A_142, %dma_wait3A_143] : memref<320000x128xf32, #tpu.memory_space<hbm>> -> memref<80x128xf32, #tpu.memory_space<hbm>>
      %dma_wait3A_145 = arith.constant 0 : i32
      %dma_wait3A_146 = arith.constant 0 : i32
      %dma_wait3A_147 = tpu.memref_slice %arg2[%dma_wait3A_145, %dma_wait3A_146] : memref<320000x128xf32, #tpu.memory_space<hbm>> -> memref<80x128xf32, #tpu.memory_space<hbm>>
      tpu.wait_dma2 semaphore(%arg20 : memref<!tpu.dma_semaphore, #tpu.memory_space<semaphore_mem>>) src(%dma_wait3A_147 : memref<80x128xf32, #tpu.memory_space<hbm>>) dst(%arg10 : memref<80x128xf32, #tpu.memory_space<vmem>>)
      %dma_wait3A_148 = arith.constant 0 : i32
      %dma_wait3A_149 = arith.constant 0 : i32
      %dma_wait3A_150 = tpu.memref_slice %arg3[%dma_wait3A_148, %dma_wait3A_149] : memref<10000x128xf32, #tpu.memory_space<hbm>> -> memref<80x128xf32, #tpu.memory_space<hbm>>
      %dma_wait3A_151 = arith.constant 0 : i32
      %dma_wait3A_152 = arith.constant 0 : i32
      %dma_wait3A_153 = tpu.memref_slice %arg3[%dma_wait3A_151, %dma_wait3A_152] : memref<10000x128xf32, #tpu.memory_space<hbm>> -> memref<80x128xf32, #tpu.memory_space<hbm>>
      tpu.wait_dma2 semaphore(%arg20 : memref<!tpu.dma_semaphore, #tpu.memory_space<semaphore_mem>>) src(%dma_wait3A_153 : memref<80x128xf32, #tpu.memory_space<hbm>>) dst(%arg12 : memref<80x128xf32, #tpu.memory_space<vmem>>)
      %dma_wait3A_154 = arith.constant 0 : i32
      %dma_wait3A_155 = arith.constant 0 : i32
      %dma_wait3A_156 = tpu.memref_slice %arg4[%dma_wait3A_154, %dma_wait3A_155] : memref<10000x128xf32, #tpu.memory_space<hbm>> -> memref<80x128xf32, #tpu.memory_space<hbm>>
      %dma_wait3A_157 = arith.constant 0 : i32
      %dma_wait3A_158 = arith.constant 0 : i32
      %dma_wait3A_159 = tpu.memref_slice %arg4[%dma_wait3A_157, %dma_wait3A_158] : memref<10000x128xf32, #tpu.memory_space<hbm>> -> memref<80x128xf32, #tpu.memory_space<hbm>>
      tpu.wait_dma2 semaphore(%arg20 : memref<!tpu.dma_semaphore, #tpu.memory_space<semaphore_mem>>) src(%dma_wait3A_159 : memref<80x128xf32, #tpu.memory_space<hbm>>) dst(%arg14 : memref<80x128xf32, #tpu.memory_space<vmem>>)
      %ne3A = arith.constant 0 : i32
      %ne3A_160 = arith.cmpi ne, %scan3A_121, %ne3A : i32
      %convert_element_type3A = arith.extui %ne3A_160 : i1 to i32
      %cond3A = arith.constant 0 : i32
      %cond3A_161 = arith.cmpi ne, %convert_element_type3A, %cond3A : i32
      scf.if %cond3A_161 {
        %dma_wait3A_237 = arith.constant 0 : i32
        %dma_wait3A_238 = arith.constant 0 : i32
        %dma_wait3A_239 = tpu.memref_slice %arg6[%dma_wait3A_237, %dma_wait3A_238] : memref<320000x128xf32, #tpu.memory_space<hbm>> -> memref<80x128xf32, #tpu.memory_space<hbm>>
        %dma_wait3A_240 = arith.constant 0 : i32
        %dma_wait3A_241 = arith.constant 0 : i32
        %dma_wait3A_242 = tpu.memref_slice %arg6[%dma_wait3A_240, %dma_wait3A_241] : memref<320000x128xf32, #tpu.memory_space<hbm>> -> memref<80x128xf32, #tpu.memory_space<hbm>>
        tpu.wait_dma2 semaphore(%arg22 : memref<!tpu.dma_semaphore, #tpu.memory_space<semaphore_mem>>) src(%arg16 : memref<80x128xf32, #tpu.memory_space<vmem>>) dst(%dma_wait3A_242 : memref<80x128xf32, #tpu.memory_space<hbm>>)
      } else {
      }
      %scan3A_162 = arith.constant 0 : i32
      %scan3A_163 = arith.constant 80 : i32
      %scan3A_164 = arith.addi %scan3A_162, %scan3A_163 : i32
      %scan3A_165 = arith.constant 1 : i32
      %scan3A_166:16 = scf.for %scan3A_237 = %scan3A_162 to %scan3A_164 step %scan3A_165 iter_args(%scan3A_238 = %scan3A_122, %scan3A_239 = %scan3A_123, %scan3A_240 = %scan3A_124, %scan3A_241 = %scan3A_125, %scan3A_242 = %scan3A_126, %scan3A_243 = %scan3A_127, %scan3A_244 = %scan3A_128, %scan3A_245 = %scan3A_129, %scan3A_246 = %scan3A_130, %scan3A_247 = %scan3A_131, %scan3A_248 = %scan3A_132, %scan3A_249 = %scan3A_133, %scan3A_250 = %scan3A_134, %scan3A_251 = %scan3A_135, %scan3A_252 = %scan3A_136, %scan3A_253 = %scan3A_137) -> (vector<16xf32>, vector<16xf32>, vector<16xf32>, vector<16xf32>, vector<16xf32>, vector<16xf32>, vector<16xf32>, vector<16xf32>, vector<16xf32>, vector<16xf32>, vector<16xf32>, vector<16xf32>, vector<16xf32>, vector<16xf32>, vector<16xf32>, vector<16xf32>)  : i32 {
        %get3A = arith.index_cast %scan3A_237 : i32 to index
        %get3A_254 = arith.constant 0 : index
        %get3A_255 = tpu.vector_load %arg10[%get3A, %get3A_254] {strides = array<i32>} : memref<80x128xf32, #tpu.memory_space<vmem>>, vector<16xf32>,
        %get3A_256 = arith.index_cast %scan3A_237 : i32 to index
        %get3A_257 = arith.constant 0 : index
        %get3A_258 = tpu.vector_load %arg12[%get3A_256, %get3A_257] {strides = array<i32>} : memref<80x128xf32, #tpu.memory_space<vmem>>, vector<16xf32>,
        %add3A_259 = arith.addf %get3A_255, %get3A_258 : vector<16xf32>
        %get3A_260 = arith.index_cast %scan3A_237 : i32 to index
        %get3A_261 = arith.constant 0 : index
        %get3A_262 = tpu.vector_load %arg14[%get3A_260, %get3A_261] {strides = array<i32>} : memref<80x128xf32, #tpu.memory_space<vmem>>, vector<16xf32>,
        %add3A_263 = arith.addf %add3A_259, %get3A_262 : vector<16xf32>
        %swap3A_264 = arith.index_cast %scan3A_237 : i32 to index
        %swap3A_265 = arith.constant 0 : index
        %swap3A_266 = tpu.vector_load %arg16[%swap3A_264, %swap3A_265] {strides = array<i32>} : memref<80x128xf32, #tpu.memory_space<vmem>>, vector<16xf32>,
        tpu.vector_store %arg16[%swap3A_264, %swap3A_265], %add3A_263 {strides = array<i32>} : memref<80x128xf32, #tpu.memory_space<vmem>>, vector<16xf32>,
        %add3A_267 = arith.addf %scan3A_238, %add3A_263 : vector<16xf32>
        %mul3A_268 = arith.mulf %add3A_263, %add3A_263 : vector<16xf32>
        %add3A_269 = arith.addf %scan3A_246, %mul3A_268 : vector<16xf32>
        %get3A_270 = arith.index_cast %scan3A_237 : i32 to index
        %get3A_271 = arith.constant 16 : index
        %get3A_272 = tpu.vector_load %arg10[%get3A_270, %get3A_271] {strides = array<i32>} : memref<80x128xf32, #tpu.memory_space<vmem>>, vector<16xf32>,
        %get3A_273 = arith.index_cast %scan3A_237 : i32 to index
        %get3A_274 = arith.constant 16 : index
        %get3A_275 = tpu.vector_load %arg12[%get3A_273, %get3A_274] {strides = array<i32>} : memref<80x128xf32, #tpu.memory_space<vmem>>, vector<16xf32>,
        %add3A_276 = arith.addf %get3A_272, %get3A_275 : vector<16xf32>
        %get3A_277 = arith.index_cast %scan3A_237 : i32 to index
        %get3A_278 = arith.constant 16 : index
        %get3A_279 = tpu.vector_load %arg14[%get3A_277, %get3A_278] {strides = array<i32>} : memref<80x128xf32, #tpu.memory_space<vmem>>, vector<16xf32>,
        %add3A_280 = arith.addf %add3A_276, %get3A_279 : vector<16xf32>
        %swap3A_281 = arith.index_cast %scan3A_237 : i32 to index
        %swap3A_282 = arith.constant 16 : index
        %swap3A_283 = tpu.vector_load %arg16[%swap3A_281, %swap3A_282] {strides = array<i32>} : memref<80x128xf32, #tpu.memory_space<vmem>>, vector<16xf32>,
        tpu.vector_store %arg16[%swap3A_281, %swap3A_282], %add3A_280 {strides = array<i32>} : memref<80x128xf32, #tpu.memory_space<vmem>>, vector<16xf32>,
        %add3A_284 = arith.addf %scan3A_239, %add3A_280 : vector<16xf32>
        %mul3A_285 = arith.mulf %add3A_280, %add3A_280 : vector<16xf32>
        %add3A_286 = arith.addf %scan3A_247, %mul3A_285 : vector<16xf32>
        %get3A_287 = arith.index_cast %scan3A_237 : i32 to index
        %get3A_288 = arith.constant 32 : index
        %get3A_289 = tpu.vector_load %arg10[%get3A_287, %get3A_288] {strides = array<i32>} : memref<80x128xf32, #tpu.memory_space<vmem>>, vector<16xf32>,
        %get3A_290 = arith.index_cast %scan3A_237 : i32 to index
        %get3A_291 = arith.constant 32 : index
        %get3A_292 = tpu.vector_load %arg12[%get3A_290, %get3A_291] {strides = array<i32>} : memref<80x128xf32, #tpu.memory_space<vmem>>, vector<16xf32>,
        %add3A_293 = arith.addf %get3A_289, %get3A_292 : vector<16xf32>
        %get3A_294 = arith.index_cast %scan3A_237 : i32 to index
        %get3A_295 = arith.constant 32 : index
        %get3A_296 = tpu.vector_load %arg14[%get3A_294, %get3A_295] {strides = array<i32>} : memref<80x128xf32, #tpu.memory_space<vmem>>, vector<16xf32>,
        %add3A_297 = arith.addf %add3A_293, %get3A_296 : vector<16xf32>
        %swap3A_298 = arith.index_cast %scan3A_237 : i32 to index
        %swap3A_299 = arith.constant 32 : index
        %swap3A_300 = tpu.vector_load %arg16[%swap3A_298, %swap3A_299] {strides = array<i32>} : memref<80x128xf32, #tpu.memory_space<vmem>>, vector<16xf32>,
        tpu.vector_store %arg16[%swap3A_298, %swap3A_299], %add3A_297 {strides = array<i32>} : memref<80x128xf32, #tpu.memory_space<vmem>>, vector<16xf32>,
        %add3A_301 = arith.addf %scan3A_240, %add3A_297 : vector<16xf32>
        %mul3A_302 = arith.mulf %add3A_297, %add3A_297 : vector<16xf32>
        %add3A_303 = arith.addf %scan3A_248, %mul3A_302 : vector<16xf32>
        %get3A_304 = arith.index_cast %scan3A_237 : i32 to index
        %get3A_305 = arith.constant 48 : index
        %get3A_306 = tpu.vector_load %arg10[%get3A_304, %get3A_305] {strides = array<i32>} : memref<80x128xf32, #tpu.memory_space<vmem>>, vector<16xf32>,
        %get3A_307 = arith.index_cast %scan3A_237 : i32 to index
        %get3A_308 = arith.constant 48 : index
        %get3A_309 = tpu.vector_load %arg12[%get3A_307, %get3A_308] {strides = array<i32>} : memref<80x128xf32, #tpu.memory_space<vmem>>, vector<16xf32>,
        %add3A_310 = arith.addf %get3A_306, %get3A_309 : vector<16xf32>
        %get3A_311 = arith.index_cast %scan3A_237 : i32 to index
        %get3A_312 = arith.constant 48 : index
        %get3A_313 = tpu.vector_load %arg14[%get3A_311, %get3A_312] {strides = array<i32>} : memref<80x128xf32, #tpu.memory_space<vmem>>, vector<16xf32>,
        %add3A_314 = arith.addf %add3A_310, %get3A_313 : vector<16xf32>
        %swap3A_315 = arith.index_cast %scan3A_237 : i32 to index
        %swap3A_316 = arith.constant 48 : index
        %swap3A_317 = tpu.vector_load %arg16[%swap3A_315, %swap3A_316] {strides = array<i32>} : memref<80x128xf32, #tpu.memory_space<vmem>>, vector<16xf32>,
        tpu.vector_store %arg16[%swap3A_315, %swap3A_316], %add3A_314 {strides = array<i32>} : memref<80x128xf32, #tpu.memory_space<vmem>>, vector<16xf32>,
        %add3A_318 = arith.addf %scan3A_241, %add3A_314 : vector<16xf32>
        %mul3A_319 = arith.mulf %add3A_314, %add3A_314 : vector<16xf32>
        %add3A_320 = arith.addf %scan3A_249, %mul3A_319 : vector<16xf32>
        %get3A_321 = arith.index_cast %scan3A_237 : i32 to index
        %get3A_322 = arith.constant 64 : index
        %get3A_323 = tpu.vector_load %arg10[%get3A_321, %get3A_322] {strides = array<i32>} : memref<80x128xf32, #tpu.memory_space<vmem>>, vector<16xf32>,
        %get3A_324 = arith.index_cast %scan3A_237 : i32 to index
        %get3A_325 = arith.constant 64 : index
        %get3A_326 = tpu.vector_load %arg12[%get3A_324, %get3A_325] {strides = array<i32>} : memref<80x128xf32, #tpu.memory_space<vmem>>, vector<16xf32>,
        %add3A_327 = arith.addf %get3A_323, %get3A_326 : vector<16xf32>
        %get3A_328 = arith.index_cast %scan3A_237 : i32 to index
        %get3A_329 = arith.constant 64 : index
        %get3A_330 = tpu.vector_load %arg14[%get3A_328, %get3A_329] {strides = array<i32>} : memref<80x128xf32, #tpu.memory_space<vmem>>, vector<16xf32>,
        %add3A_331 = arith.addf %add3A_327, %get3A_330 : vector<16xf32>
        %swap3A_332 = arith.index_cast %scan3A_237 : i32 to index
        %swap3A_333 = arith.constant 64 : index
        %swap3A_334 = tpu.vector_load %arg16[%swap3A_332, %swap3A_333] {strides = array<i32>} : memref<80x128xf32, #tpu.memory_space<vmem>>, vector<16xf32>,
        tpu.vector_store %arg16[%swap3A_332, %swap3A_333], %add3A_331 {strides = array<i32>} : memref<80x128xf32, #tpu.memory_space<vmem>>, vector<16xf32>,
        %add3A_335 = arith.addf %scan3A_242, %add3A_331 : vector<16xf32>
        %mul3A_336 = arith.mulf %add3A_331, %add3A_331 : vector<16xf32>
        %add3A_337 = arith.addf %scan3A_250, %mul3A_336 : vector<16xf32>
        %get3A_338 = arith.index_cast %scan3A_237 : i32 to index
        %get3A_339 = arith.constant 80 : index
        %get3A_340 = tpu.vector_load %arg10[%get3A_338, %get3A_339] {strides = array<i32>} : memref<80x128xf32, #tpu.memory_space<vmem>>, vector<16xf32>,
        %get3A_341 = arith.index_cast %scan3A_237 : i32 to index
        %get3A_342 = arith.constant 80 : index
        %get3A_343 = tpu.vector_load %arg12[%get3A_341, %get3A_342] {strides = array<i32>} : memref<80x128xf32, #tpu.memory_space<vmem>>, vector<16xf32>,
        %add3A_344 = arith.addf %get3A_340, %get3A_343 : vector<16xf32>
        %get3A_345 = arith.index_cast %scan3A_237 : i32 to index
        %get3A_346 = arith.constant 80 : index
        %get3A_347 = tpu.vector_load %arg14[%get3A_345, %get3A_346] {strides = array<i32>} : memref<80x128xf32, #tpu.memory_space<vmem>>, vector<16xf32>,
        %add3A_348 = arith.addf %add3A_344, %get3A_347 : vector<16xf32>
        %swap3A_349 = arith.index_cast %scan3A_237 : i32 to index
        %swap3A_350 = arith.constant 80 : index
        %swap3A_351 = tpu.vector_load %arg16[%swap3A_349, %swap3A_350] {strides = array<i32>} : memref<80x128xf32, #tpu.memory_space<vmem>>, vector<16xf32>,
        tpu.vector_store %arg16[%swap3A_349, %swap3A_350], %add3A_348 {strides = array<i32>} : memref<80x128xf32, #tpu.memory_space<vmem>>, vector<16xf32>,
        %add3A_352 = arith.addf %scan3A_243, %add3A_348 : vector<16xf32>
        %mul3A_353 = arith.mulf %add3A_348, %add3A_348 : vector<16xf32>
        %add3A_354 = arith.addf %scan3A_251, %mul3A_353 : vector<16xf32>
        %get3A_355 = arith.index_cast %scan3A_237 : i32 to index
        %get3A_356 = arith.constant 96 : index
        %get3A_357 = tpu.vector_load %arg10[%get3A_355, %get3A_356] {strides = array<i32>} : memref<80x128xf32, #tpu.memory_space<vmem>>, vector<16xf32>,
        %get3A_358 = arith.index_cast %scan3A_237 : i32 to index
        %get3A_359 = arith.constant 96 : index
        %get3A_360 = tpu.vector_load %arg12[%get3A_358, %get3A_359] {strides = array<i32>} : memref<80x128xf32, #tpu.memory_space<vmem>>, vector<16xf32>,
        %add3A_361 = arith.addf %get3A_357, %get3A_360 : vector<16xf32>
        %get3A_362 = arith.index_cast %scan3A_237 : i32 to index
        %get3A_363 = arith.constant 96 : index
        %get3A_364 = tpu.vector_load %arg14[%get3A_362, %get3A_363] {strides = array<i32>} : memref<80x128xf32, #tpu.memory_space<vmem>>, vector<16xf32>,
        %add3A_365 = arith.addf %add3A_361, %get3A_364 : vector<16xf32>
        %swap3A_366 = arith.index_cast %scan3A_237 : i32 to index
        %swap3A_367 = arith.constant 96 : index
        %swap3A_368 = tpu.vector_load %arg16[%swap3A_366, %swap3A_367] {strides = array<i32>} : memref<80x128xf32, #tpu.memory_space<vmem>>, vector<16xf32>,
        tpu.vector_store %arg16[%swap3A_366, %swap3A_367], %add3A_365 {strides = array<i32>} : memref<80x128xf32, #tpu.memory_space<vmem>>, vector<16xf32>,
        %add3A_369 = arith.addf %scan3A_244, %add3A_365 : vector<16xf32>
        %mul3A_370 = arith.mulf %add3A_365, %add3A_365 : vector<16xf32>
        %add3A_371 = arith.addf %scan3A_252, %mul3A_370 : vector<16xf32>
        %get3A_372 = arith.index_cast %scan3A_237 : i32 to index
        %get3A_373 = arith.constant 112 : index
        %get3A_374 = tpu.vector_load %arg10[%get3A_372, %get3A_373] {strides = array<i32>} : memref<80x128xf32, #tpu.memory_space<vmem>>, vector<16xf32>,
        %get3A_375 = arith.index_cast %scan3A_237 : i32 to index
        %get3A_376 = arith.constant 112 : index
        %get3A_377 = tpu.vector_load %arg12[%get3A_375, %get3A_376] {strides = array<i32>} : memref<80x128xf32, #tpu.memory_space<vmem>>, vector<16xf32>,
        %add3A_378 = arith.addf %get3A_374, %get3A_377 : vector<16xf32>
        %get3A_379 = arith.index_cast %scan3A_237 : i32 to index
        %get3A_380 = arith.constant 112 : index
        %get3A_381 = tpu.vector_load %arg14[%get3A_379, %get3A_380] {strides = array<i32>} : memref<80x128xf32, #tpu.memory_space<vmem>>, vector<16xf32>,
        %add3A_382 = arith.addf %add3A_378, %get3A_381 : vector<16xf32>
        %swap3A_383 = arith.index_cast %scan3A_237 : i32 to index
        %swap3A_384 = arith.constant 112 : index
        %swap3A_385 = tpu.vector_load %arg16[%swap3A_383, %swap3A_384] {strides = array<i32>} : memref<80x128xf32, #tpu.memory_space<vmem>>, vector<16xf32>,
        tpu.vector_store %arg16[%swap3A_383, %swap3A_384], %add3A_382 {strides = array<i32>} : memref<80x128xf32, #tpu.memory_space<vmem>>, vector<16xf32>,
        %add3A_386 = arith.addf %scan3A_245, %add3A_382 : vector<16xf32>
        %mul3A_387 = arith.mulf %add3A_382, %add3A_382 : vector<16xf32>
        %add3A_388 = arith.addf %scan3A_253, %mul3A_387 : vector<16xf32>
        scf.yield %add3A_267, %add3A_284, %add3A_301, %add3A_318, %add3A_335, %add3A_352, %add3A_369, %add3A_386, %add3A_269, %add3A_286, %add3A_303, %add3A_320, %add3A_337, %add3A_354, %add3A_371, %add3A_388 : vector<16xf32>, vector<16xf32>, vector<16xf32>, vector<16xf32>, vector<16xf32>, vector<16xf32>, vector<16xf32>, vector<16xf32>, vector<16xf32>, vector<16xf32>, vector<16xf32>, vector<16xf32>, vector<16xf32>, vector<16xf32>, vector<16xf32>, vector<16xf32>
      }
      %scan3A_167 = arith.constant 80 : i32
      %add3A_168 = arith.constant 2 : i32
      %add3A_169 = arith.addi %add3A_141, %add3A_168 : i32
      %mul3A_170 = arith.constant 80 : i32
      %mul3A_171 = arith.muli %add3A_169, %mul3A_170 : i32
      %add3A_172 = arith.addi %mul3A_2, %mul3A_171 : i32
      %dma_start3A_173 = arith.constant 0 : i32
      %dma_start3A_174 = tpu.memref_slice %arg2[%add3A_172, %dma_start3A_173] : memref<320000x128xf32, #tpu.memory_space<hbm>> -> memref<80x128xf32, #tpu.memory_space<hbm>>
      %dma_start3A_175 = arith.constant 0 : i32
      %dma_start3A_176 = tpu.memref_slice %arg2[%add3A_172, %dma_start3A_175] : memref<320000x128xf32, #tpu.memory_space<hbm>> -> memref<80x128xf32, #tpu.memory_space<hbm>>
      tpu.enqueue_dma source(%dma_start3A_176 : memref<80x128xf32, #tpu.memory_space<hbm>>) target(%arg10 : memref<80x128xf32, #tpu.memory_space<vmem>>) target_semaphore(%arg20 : memref<!tpu.dma_semaphore, #tpu.memory_space<semaphore_mem>>)
      %dma_start3A_177 = tpu.memref_slice %arg8[%mul3A_171] : memref<10000xi32, #tpu.memory_space<vmem>> -> memref<80xi32, #tpu.memory_space<vmem>>
      %dma_start3A_178 = arith.constant 0 : i32
      %dma_start3A_179 = arith.constant 0 : i32
      %dma_start3A_180 = tpu.memref_slice %arg3[%dma_start3A_178, %dma_start3A_179] : memref<10000x128xf32, #tpu.memory_space<hbm>> -> memref<10000x128xf32, #tpu.memory_space<hbm>>
      tpu.enqueue_indirect_dma source(%dma_start3A_180 : memref<10000x128xf32, #tpu.memory_space<hbm>>) target(%arg12 : memref<80x128xf32, #tpu.memory_space<vmem>>) offsets(%dma_start3A_177 : memref<80xi32, #tpu.memory_space<vmem>>) semaphore(%arg20 : memref<!tpu.dma_semaphore, #tpu.memory_space<semaphore_mem>>)
      %dma_start3A_181 = tpu.memref_slice %arg9[%mul3A_171] : memref<10000xi32, #tpu.memory_space<vmem>> -> memref<80xi32, #tpu.memory_space<vmem>>
      %dma_start3A_182 = arith.constant 0 : i32
      %dma_start3A_183 = arith.constant 0 : i32
      %dma_start3A_184 = tpu.memref_slice %arg4[%dma_start3A_182, %dma_start3A_183] : memref<10000x128xf32, #tpu.memory_space<hbm>> -> memref<10000x128xf32, #tpu.memory_space<hbm>>
      tpu.enqueue_indirect_dma source(%dma_start3A_184 : memref<10000x128xf32, #tpu.memory_space<hbm>>) target(%arg14 : memref<80x128xf32, #tpu.memory_space<vmem>>) offsets(%dma_start3A_181 : memref<80xi32, #tpu.memory_space<vmem>>) semaphore(%arg20 : memref<!tpu.dma_semaphore, #tpu.memory_space<semaphore_mem>>)
      %mul3A_185 = arith.constant 80 : i32
      %mul3A_186 = arith.muli %add3A_141, %mul3A_185 : i32
      %add3A_187 = arith.addi %mul3A_2, %mul3A_186 : i32
      %dma_start3A_188 = arith.constant 0 : i32
      %dma_start3A_189 = tpu.memref_slice %arg6[%add3A_187, %dma_start3A_188] : memref<320000x128xf32, #tpu.memory_space<hbm>> -> memref<80x128xf32, #tpu.memory_space<hbm>>
      %dma_start3A_190 = arith.constant 0 : i32
      %dma_start3A_191 = tpu.memref_slice %arg6[%add3A_187, %dma_start3A_190] : memref<320000x128xf32, #tpu.memory_space<hbm>> -> memref<80x128xf32, #tpu.memory_space<hbm>>
      tpu.enqueue_dma source(%arg16 : memref<80x128xf32, #tpu.memory_space<vmem>>) target(%dma_start3A_191 : memref<80x128xf32, #tpu.memory_space<hbm>>) target_semaphore(%arg22 : memref<!tpu.dma_semaphore, #tpu.memory_space<semaphore_mem>>)
      %mul3A_192 = arith.constant 2 : i32
      %mul3A_193 = arith.muli %scan3A_121, %mul3A_192 : i32
      %add3A_194 = arith.constant 1 : i32
      %add3A_195 = arith.addi %mul3A_193, %add3A_194 : i32
      %dma_wait3A_196 = arith.constant 0 : i32
      %dma_wait3A_197 = arith.constant 0 : i32
      %dma_wait3A_198 = tpu.memref_slice %arg2[%dma_wait3A_196, %dma_wait3A_197] : memref<320000x128xf32, #tpu.memory_space<hbm>> -> memref<80x128xf32, #tpu.memory_space<hbm>>
      %dma_wait3A_199 = arith.constant 0 : i32
      %dma_wait3A_200 = arith.constant 0 : i32
      %dma_wait3A_201 = tpu.memref_slice %arg2[%dma_wait3A_199, %dma_wait3A_200] : memref<320000x128xf32, #tpu.memory_space<hbm>> -> memref<80x128xf32, #tpu.memory_space<hbm>>
      tpu.wait_dma2 semaphore(%arg21 : memref<!tpu.dma_semaphore, #tpu.memory_space<semaphore_mem>>) src(%dma_wait3A_201 : memref<80x128xf32, #tpu.memory_space<hbm>>) dst(%arg11 : memref<80x128xf32, #tpu.memory_space<vmem>>)
      %dma_wait3A_202 = arith.constant 0 : i32
      %dma_wait3A_203 = arith.constant 0 : i32
      %dma_wait3A_204 = tpu.memref_slice %arg3[%dma_wait3A_202, %dma_wait3A_203] : memref<10000x128xf32, #tpu.memory_space<hbm>> -> memref<80x128xf32, #tpu.memory_space<hbm>>
      %dma_wait3A_205 = arith.constant 0 : i32
      %dma_wait3A_206 = arith.constant 0 : i32
      %dma_wait3A_207 = tpu.memref_slice %arg3[%dma_wait3A_205, %dma_wait3A_206] : memref<10000x128xf32, #tpu.memory_space<hbm>> -> memref<80x128xf32, #tpu.memory_space<hbm>>
      tpu.wait_dma2 semaphore(%arg21 : memref<!tpu.dma_semaphore, #tpu.memory_space<semaphore_mem>>) src(%dma_wait3A_207 : memref<80x128xf32, #tpu.memory_space<hbm>>) dst(%arg13 : memref<80x128xf32, #tpu.memory_space<vmem>>)
      %dma_wait3A_208 = arith.constant 0 : i32
      %dma_wait3A_209 = arith.constant 0 : i32
      %dma_wait3A_210 = tpu.memref_slice %arg4[%dma_wait3A_208, %dma_wait3A_209] : memref<10000x128xf32, #tpu.memory_space<hbm>> -> memref<80x128xf32, #tpu.memory_space<hbm>>
      %dma_wait3A_211 = arith.constant 0 : i32
      %dma_wait3A_212 = arith.constant 0 : i32
      %dma_wait3A_213 = tpu.memref_slice %arg4[%dma_wait3A_211, %dma_wait3A_212] : memref<10000x128xf32, #tpu.memory_space<hbm>> -> memref<80x128xf32, #tpu.memory_space<hbm>>
      tpu.wait_dma2 semaphore(%arg21 : memref<!tpu.dma_semaphore, #tpu.memory_space<semaphore_mem>>) src(%dma_wait3A_213 : memref<80x128xf32, #tpu.memory_space<hbm>>) dst(%arg15 : memref<80x128xf32, #tpu.memory_space<vmem>>)
      %ne3A_214 = arith.constant 0 : i32
      %ne3A_215 = arith.cmpi ne, %scan3A_121, %ne3A_214 : i32
      %convert_element_type3A_216 = arith.extui %ne3A_215 : i1 to i32
      %cond3A_217 = arith.constant 0 : i32
      %cond3A_218 = arith.cmpi ne, %convert_element_type3A_216, %cond3A_217 : i32
      scf.if %cond3A_218 {
        %dma_wait3A_237 = arith.constant 0 : i32
        %dma_wait3A_238 = arith.constant 0 : i32
        %dma_wait3A_239 = tpu.memref_slice %arg6[%dma_wait3A_237, %dma_wait3A_238] : memref<320000x128xf32, #tpu.memory_space<hbm>> -> memref<80x128xf32, #tpu.memory_space<hbm>>
        %dma_wait3A_240 = arith.constant 0 : i32
        %dma_wait3A_241 = arith.constant 0 : i32
        %dma_wait3A_242 = tpu.memref_slice %arg6[%dma_wait3A_240, %dma_wait3A_241] : memref<320000x128xf32, #tpu.memory_space<hbm>> -> memref<80x128xf32, #tpu.memory_space<hbm>>
        tpu.wait_dma2 semaphore(%arg23 : memref<!tpu.dma_semaphore, #tpu.memory_space<semaphore_mem>>) src(%arg17 : memref<80x128xf32, #tpu.memory_space<vmem>>) dst(%dma_wait3A_242 : memref<80x128xf32, #tpu.memory_space<hbm>>)
      } else {
      }
      %scan3A_219 = arith.constant 0 : i32
      %scan3A_220 = arith.constant 80 : i32
      %scan3A_221 = arith.addi %scan3A_219, %scan3A_220 : i32
      %scan3A_222 = arith.constant 1 : i32
      %scan3A_223:16 = scf.for %scan3A_237 = %scan3A_219 to %scan3A_221 step %scan3A_222 iter_args(%scan3A_238 = %scan3A_166#0, %scan3A_239 = %scan3A_166#1, %scan3A_240 = %scan3A_166#2, %scan3A_241 = %scan3A_166#3, %scan3A_242 = %scan3A_166#4, %scan3A_243 = %scan3A_166#5, %scan3A_244 = %scan3A_166#6, %scan3A_245 = %scan3A_166#7, %scan3A_246 = %scan3A_166#8, %scan3A_247 = %scan3A_166#9, %scan3A_248 = %scan3A_166#10, %scan3A_249 = %scan3A_166#11, %scan3A_250 = %scan3A_166#12, %scan3A_251 = %scan3A_166#13, %scan3A_252 = %scan3A_166#14, %scan3A_253 = %scan3A_166#15) -> (vector<16xf32>, vector<16xf32>, vector<16xf32>, vector<16xf32>, vector<16xf32>, vector<16xf32>, vector<16xf32>, vector<16xf32>, vector<16xf32>, vector<16xf32>, vector<16xf32>, vector<16xf32>, vector<16xf32>, vector<16xf32>, vector<16xf32>, vector<16xf32>)  : i32 {
        %get3A = arith.index_cast %scan3A_237 : i32 to index
        %get3A_254 = arith.constant 0 : index
        %get3A_255 = tpu.vector_load %arg11[%get3A, %get3A_254] {strides = array<i32>} : memref<80x128xf32, #tpu.memory_space<vmem>>, vector<16xf32>,
        %get3A_256 = arith.index_cast %scan3A_237 : i32 to index
        %get3A_257 = arith.constant 0 : index
        %get3A_258 = tpu.vector_load %arg13[%get3A_256, %get3A_257] {strides = array<i32>} : memref<80x128xf32, #tpu.memory_space<vmem>>, vector<16xf32>,
        %add3A_259 = arith.addf %get3A_255, %get3A_258 : vector<16xf32>
        %get3A_260 = arith.index_cast %scan3A_237 : i32 to index
        %get3A_261 = arith.constant 0 : index
        %get3A_262 = tpu.vector_load %arg15[%get3A_260, %get3A_261] {strides = array<i32>} : memref<80x128xf32, #tpu.memory_space<vmem>>, vector<16xf32>,
        %add3A_263 = arith.addf %add3A_259, %get3A_262 : vector<16xf32>
        %swap3A_264 = arith.index_cast %scan3A_237 : i32 to index
        %swap3A_265 = arith.constant 0 : index
        %swap3A_266 = tpu.vector_load %arg17[%swap3A_264, %swap3A_265] {strides = array<i32>} : memref<80x128xf32, #tpu.memory_space<vmem>>, vector<16xf32>,
        tpu.vector_store %arg17[%swap3A_264, %swap3A_265], %add3A_263 {strides = array<i32>} : memref<80x128xf32, #tpu.memory_space<vmem>>, vector<16xf32>,
        %add3A_267 = arith.addf %scan3A_238, %add3A_263 : vector<16xf32>
        %mul3A_268 = arith.mulf %add3A_263, %add3A_263 : vector<16xf32>
        %add3A_269 = arith.addf %scan3A_246, %mul3A_268 : vector<16xf32>
        %get3A_270 = arith.index_cast %scan3A_237 : i32 to index
        %get3A_271 = arith.constant 16 : index
        %get3A_272 = tpu.vector_load %arg11[%get3A_270, %get3A_271] {strides = array<i32>} : memref<80x128xf32, #tpu.memory_space<vmem>>, vector<16xf32>,
        %get3A_273 = arith.index_cast %scan3A_237 : i32 to index
        %get3A_274 = arith.constant 16 : index
        %get3A_275 = tpu.vector_load %arg13[%get3A_273, %get3A_274] {strides = array<i32>} : memref<80x128xf32, #tpu.memory_space<vmem>>, vector<16xf32>,
        %add3A_276 = arith.addf %get3A_272, %get3A_275 : vector<16xf32>
        %get3A_277 = arith.index_cast %scan3A_237 : i32 to index
        %get3A_278 = arith.constant 16 : index
        %get3A_279 = tpu.vector_load %arg15[%get3A_277, %get3A_278] {strides = array<i32>} : memref<80x128xf32, #tpu.memory_space<vmem>>, vector<16xf32>,
        %add3A_280 = arith.addf %add3A_276, %get3A_279 : vector<16xf32>
        %swap3A_281 = arith.index_cast %scan3A_237 : i32 to index
        %swap3A_282 = arith.constant 16 : index
        %swap3A_283 = tpu.vector_load %arg17[%swap3A_281, %swap3A_282] {strides = array<i32>} : memref<80x128xf32, #tpu.memory_space<vmem>>, vector<16xf32>,
        tpu.vector_store %arg17[%swap3A_281, %swap3A_282], %add3A_280 {strides = array<i32>} : memref<80x128xf32, #tpu.memory_space<vmem>>, vector<16xf32>,
        %add3A_284 = arith.addf %scan3A_239, %add3A_280 : vector<16xf32>
        %mul3A_285 = arith.mulf %add3A_280, %add3A_280 : vector<16xf32>
        %add3A_286 = arith.addf %scan3A_247, %mul3A_285 : vector<16xf32>
        %get3A_287 = arith.index_cast %scan3A_237 : i32 to index
        %get3A_288 = arith.constant 32 : index
        %get3A_289 = tpu.vector_load %arg11[%get3A_287, %get3A_288] {strides = array<i32>} : memref<80x128xf32, #tpu.memory_space<vmem>>, vector<16xf32>,
        %get3A_290 = arith.index_cast %scan3A_237 : i32 to index
        %get3A_291 = arith.constant 32 : index
        %get3A_292 = tpu.vector_load %arg13[%get3A_290, %get3A_291] {strides = array<i32>} : memref<80x128xf32, #tpu.memory_space<vmem>>, vector<16xf32>,
        %add3A_293 = arith.addf %get3A_289, %get3A_292 : vector<16xf32>
        %get3A_294 = arith.index_cast %scan3A_237 : i32 to index
        %get3A_295 = arith.constant 32 : index
        %get3A_296 = tpu.vector_load %arg15[%get3A_294, %get3A_295] {strides = array<i32>} : memref<80x128xf32, #tpu.memory_space<vmem>>, vector<16xf32>,
        %add3A_297 = arith.addf %add3A_293, %get3A_296 : vector<16xf32>
        %swap3A_298 = arith.index_cast %scan3A_237 : i32 to index
        %swap3A_299 = arith.constant 32 : index
        %swap3A_300 = tpu.vector_load %arg17[%swap3A_298, %swap3A_299] {strides = array<i32>} : memref<80x128xf32, #tpu.memory_space<vmem>>, vector<16xf32>,
        tpu.vector_store %arg17[%swap3A_298, %swap3A_299], %add3A_297 {strides = array<i32>} : memref<80x128xf32, #tpu.memory_space<vmem>>, vector<16xf32>,
        %add3A_301 = arith.addf %scan3A_240, %add3A_297 : vector<16xf32>
        %mul3A_302 = arith.mulf %add3A_297, %add3A_297 : vector<16xf32>
        %add3A_303 = arith.addf %scan3A_248, %mul3A_302 : vector<16xf32>
        %get3A_304 = arith.index_cast %scan3A_237 : i32 to index
        %get3A_305 = arith.constant 48 : index
        %get3A_306 = tpu.vector_load %arg11[%get3A_304, %get3A_305] {strides = array<i32>} : memref<80x128xf32, #tpu.memory_space<vmem>>, vector<16xf32>,
        %get3A_307 = arith.index_cast %scan3A_237 : i32 to index
        %get3A_308 = arith.constant 48 : index
        %get3A_309 = tpu.vector_load %arg13[%get3A_307, %get3A_308] {strides = array<i32>} : memref<80x128xf32, #tpu.memory_space<vmem>>, vector<16xf32>,
        %add3A_310 = arith.addf %get3A_306, %get3A_309 : vector<16xf32>
        %get3A_311 = arith.index_cast %scan3A_237 : i32 to index
        %get3A_312 = arith.constant 48 : index
        %get3A_313 = tpu.vector_load %arg15[%get3A_311, %get3A_312] {strides = array<i32>} : memref<80x128xf32, #tpu.memory_space<vmem>>, vector<16xf32>,
        %add3A_314 = arith.addf %add3A_310, %get3A_313 : vector<16xf32>
        %swap3A_315 = arith.index_cast %scan3A_237 : i32 to index
        %swap3A_316 = arith.constant 48 : index
        %swap3A_317 = tpu.vector_load %arg17[%swap3A_315, %swap3A_316] {strides = array<i32>} : memref<80x128xf32, #tpu.memory_space<vmem>>, vector<16xf32>,
        tpu.vector_store %arg17[%swap3A_315, %swap3A_316], %add3A_314 {strides = array<i32>} : memref<80x128xf32, #tpu.memory_space<vmem>>, vector<16xf32>,
        %add3A_318 = arith.addf %scan3A_241, %add3A_314 : vector<16xf32>
        %mul3A_319 = arith.mulf %add3A_314, %add3A_314 : vector<16xf32>
        %add3A_320 = arith.addf %scan3A_249, %mul3A_319 : vector<16xf32>
        %get3A_321 = arith.index_cast %scan3A_237 : i32 to index
        %get3A_322 = arith.constant 64 : index
        %get3A_323 = tpu.vector_load %arg11[%get3A_321, %get3A_322] {strides = array<i32>} : memref<80x128xf32, #tpu.memory_space<vmem>>, vector<16xf32>,
        %get3A_324 = arith.index_cast %scan3A_237 : i32 to index
        %get3A_325 = arith.constant 64 : index
        %get3A_326 = tpu.vector_load %arg13[%get3A_324, %get3A_325] {strides = array<i32>} : memref<80x128xf32, #tpu.memory_space<vmem>>, vector<16xf32>,
        %add3A_327 = arith.addf %get3A_323, %get3A_326 : vector<16xf32>
        %get3A_328 = arith.index_cast %scan3A_237 : i32 to index
        %get3A_329 = arith.constant 64 : index
        %get3A_330 = tpu.vector_load %arg15[%get3A_328, %get3A_329] {strides = array<i32>} : memref<80x128xf32, #tpu.memory_space<vmem>>, vector<16xf32>,
        %add3A_331 = arith.addf %add3A_327, %get3A_330 : vector<16xf32>
        %swap3A_332 = arith.index_cast %scan3A_237 : i32 to index
        %swap3A_333 = arith.constant 64 : index
        %swap3A_334 = tpu.vector_load %arg17[%swap3A_332, %swap3A_333] {strides = array<i32>} : memref<80x128xf32, #tpu.memory_space<vmem>>, vector<16xf32>,
        tpu.vector_store %arg17[%swap3A_332, %swap3A_333], %add3A_331 {strides = array<i32>} : memref<80x128xf32, #tpu.memory_space<vmem>>, vector<16xf32>,
        %add3A_335 = arith.addf %scan3A_242, %add3A_331 : vector<16xf32>
        %mul3A_336 = arith.mulf %add3A_331, %add3A_331 : vector<16xf32>
        %add3A_337 = arith.addf %scan3A_250, %mul3A_336 : vector<16xf32>
        %get3A_338 = arith.index_cast %scan3A_237 : i32 to index
        %get3A_339 = arith.constant 80 : index
        %get3A_340 = tpu.vector_load %arg11[%get3A_338, %get3A_339] {strides = array<i32>} : memref<80x128xf32, #tpu.memory_space<vmem>>, vector<16xf32>,
        %get3A_341 = arith.index_cast %scan3A_237 : i32 to index
        %get3A_342 = arith.constant 80 : index
        %get3A_343 = tpu.vector_load %arg13[%get3A_341, %get3A_342] {strides = array<i32>} : memref<80x128xf32, #tpu.memory_space<vmem>>, vector<16xf32>,
        %add3A_344 = arith.addf %get3A_340, %get3A_343 : vector<16xf32>
        %get3A_345 = arith.index_cast %scan3A_237 : i32 to index
        %get3A_346 = arith.constant 80 : index
        %get3A_347 = tpu.vector_load %arg15[%get3A_345, %get3A_346] {strides = array<i32>} : memref<80x128xf32, #tpu.memory_space<vmem>>, vector<16xf32>,
        %add3A_348 = arith.addf %add3A_344, %get3A_347 : vector<16xf32>
        %swap3A_349 = arith.index_cast %scan3A_237 : i32 to index
        %swap3A_350 = arith.constant 80 : index
        %swap3A_351 = tpu.vector_load %arg17[%swap3A_349, %swap3A_350] {strides = array<i32>} : memref<80x128xf32, #tpu.memory_space<vmem>>, vector<16xf32>,
        tpu.vector_store %arg17[%swap3A_349, %swap3A_350], %add3A_348 {strides = array<i32>} : memref<80x128xf32, #tpu.memory_space<vmem>>, vector<16xf32>,
        %add3A_352 = arith.addf %scan3A_243, %add3A_348 : vector<16xf32>
        %mul3A_353 = arith.mulf %add3A_348, %add3A_348 : vector<16xf32>
        %add3A_354 = arith.addf %scan3A_251, %mul3A_353 : vector<16xf32>
        %get3A_355 = arith.index_cast %scan3A_237 : i32 to index
        %get3A_356 = arith.constant 96 : index
        %get3A_357 = tpu.vector_load %arg11[%get3A_355, %get3A_356] {strides = array<i32>} : memref<80x128xf32, #tpu.memory_space<vmem>>, vector<16xf32>,
        %get3A_358 = arith.index_cast %scan3A_237 : i32 to index
        %get3A_359 = arith.constant 96 : index
        %get3A_360 = tpu.vector_load %arg13[%get3A_358, %get3A_359] {strides = array<i32>} : memref<80x128xf32, #tpu.memory_space<vmem>>, vector<16xf32>,
        %add3A_361 = arith.addf %get3A_357, %get3A_360 : vector<16xf32>
        %get3A_362 = arith.index_cast %scan3A_237 : i32 to index
        %get3A_363 = arith.constant 96 : index
        %get3A_364 = tpu.vector_load %arg15[%get3A_362, %get3A_363] {strides = array<i32>} : memref<80x128xf32, #tpu.memory_space<vmem>>, vector<16xf32>,
        %add3A_365 = arith.addf %add3A_361, %get3A_364 : vector<16xf32>
        %swap3A_366 = arith.index_cast %scan3A_237 : i32 to index
        %swap3A_367 = arith.constant 96 : index
        %swap3A_368 = tpu.vector_load %arg17[%swap3A_366, %swap3A_367] {strides = array<i32>} : memref<80x128xf32, #tpu.memory_space<vmem>>, vector<16xf32>,
        tpu.vector_store %arg17[%swap3A_366, %swap3A_367], %add3A_365 {strides = array<i32>} : memref<80x128xf32, #tpu.memory_space<vmem>>, vector<16xf32>,
        %add3A_369 = arith.addf %scan3A_244, %add3A_365 : vector<16xf32>
        %mul3A_370 = arith.mulf %add3A_365, %add3A_365 : vector<16xf32>
        %add3A_371 = arith.addf %scan3A_252, %mul3A_370 : vector<16xf32>
        %get3A_372 = arith.index_cast %scan3A_237 : i32 to index
        %get3A_373 = arith.constant 112 : index
        %get3A_374 = tpu.vector_load %arg11[%get3A_372, %get3A_373] {strides = array<i32>} : memref<80x128xf32, #tpu.memory_space<vmem>>, vector<16xf32>,
        %get3A_375 = arith.index_cast %scan3A_237 : i32 to index
        %get3A_376 = arith.constant 112 : index
        %get3A_377 = tpu.vector_load %arg13[%get3A_375, %get3A_376] {strides = array<i32>} : memref<80x128xf32, #tpu.memory_space<vmem>>, vector<16xf32>,
        %add3A_378 = arith.addf %get3A_374, %get3A_377 : vector<16xf32>
        %get3A_379 = arith.index_cast %scan3A_237 : i32 to index
        %get3A_380 = arith.constant 112 : index
        %get3A_381 = tpu.vector_load %arg15[%get3A_379, %get3A_380] {strides = array<i32>} : memref<80x128xf32, #tpu.memory_space<vmem>>, vector<16xf32>,
        %add3A_382 = arith.addf %add3A_378, %get3A_381 : vector<16xf32>
        %swap3A_383 = arith.index_cast %scan3A_237 : i32 to index
        %swap3A_384 = arith.constant 112 : index
        %swap3A_385 = tpu.vector_load %arg17[%swap3A_383, %swap3A_384] {strides = array<i32>} : memref<80x128xf32, #tpu.memory_space<vmem>>, vector<16xf32>,
        tpu.vector_store %arg17[%swap3A_383, %swap3A_384], %add3A_382 {strides = array<i32>} : memref<80x128xf32, #tpu.memory_space<vmem>>, vector<16xf32>,
        %add3A_386 = arith.addf %scan3A_245, %add3A_382 : vector<16xf32>
        %mul3A_387 = arith.mulf %add3A_382, %add3A_382 : vector<16xf32>
        %add3A_388 = arith.addf %scan3A_253, %mul3A_387 : vector<16xf32>
        scf.yield %add3A_267, %add3A_284, %add3A_301, %add3A_318, %add3A_335, %add3A_352, %add3A_369, %add3A_386, %add3A_269, %add3A_286, %add3A_303, %add3A_320, %add3A_337, %add3A_354, %add3A_371, %add3A_388 : vector<16xf32>, vector<16xf32>, vector<16xf32>, vector<16xf32>, vector<16xf32>, vector<16xf32>, vector<16xf32>, vector<16xf32>, vector<16xf32>, vector<16xf32>, vector<16xf32>, vector<16xf32>, vector<16xf32>, vector<16xf32>, vector<16xf32>, vector<16xf32>
      }
      %scan3A_224 = arith.constant 80 : i32
      %ne3A_225 = arith.constant 61 : i32
      %ne3A_226 = arith.cmpi ne, %scan3A_121, %ne3A_225 : i32
      %convert_element_type3A_227 = arith.extui %ne3A_226 : i1 to i32
      %cond3A_228 = arith.constant 0 : i32
      %cond3A_229 = arith.cmpi ne, %convert_element_type3A_227, %cond3A_228 : i32
      scf.if %cond3A_229 {
        %add3A_237 = arith.constant 2 : i32
        %add3A_238 = arith.addi %add3A_195, %add3A_237 : i32
        %mul3A_239 = arith.constant 80 : i32
        %mul3A_240 = arith.muli %add3A_238, %mul3A_239 : i32
        %add3A_241 = arith.addi %mul3A_2, %mul3A_240 : i32
        %dma_start3A_242 = arith.constant 0 : i32
        %dma_start3A_243 = tpu.memref_slice %arg2[%add3A_241, %dma_start3A_242] : memref<320000x128xf32, #tpu.memory_space<hbm>> -> memref<80x128xf32, #tpu.memory_space<hbm>>
        %dma_start3A_244 = arith.constant 0 : i32
        %dma_start3A_245 = tpu.memref_slice %arg2[%add3A_241, %dma_start3A_244] : memref<320000x128xf32, #tpu.memory_space<hbm>> -> memref<80x128xf32, #tpu.memory_space<hbm>>
        tpu.enqueue_dma source(%dma_start3A_245 : memref<80x128xf32, #tpu.memory_space<hbm>>) target(%arg11 : memref<80x128xf32, #tpu.memory_space<vmem>>) target_semaphore(%arg21 : memref<!tpu.dma_semaphore, #tpu.memory_space<semaphore_mem>>)
        %dma_start3A_246 = tpu.memref_slice %arg8[%mul3A_240] : memref<10000xi32, #tpu.memory_space<vmem>> -> memref<80xi32, #tpu.memory_space<vmem>>
        %dma_start3A_247 = arith.constant 0 : i32
        %dma_start3A_248 = arith.constant 0 : i32
        %dma_start3A_249 = tpu.memref_slice %arg3[%dma_start3A_247, %dma_start3A_248] : memref<10000x128xf32, #tpu.memory_space<hbm>> -> memref<10000x128xf32, #tpu.memory_space<hbm>>
        tpu.enqueue_indirect_dma source(%dma_start3A_249 : memref<10000x128xf32, #tpu.memory_space<hbm>>) target(%arg13 : memref<80x128xf32, #tpu.memory_space<vmem>>) offsets(%dma_start3A_246 : memref<80xi32, #tpu.memory_space<vmem>>) semaphore(%arg21 : memref<!tpu.dma_semaphore, #tpu.memory_space<semaphore_mem>>)
        %dma_start3A_250 = tpu.memref_slice %arg9[%mul3A_240] : memref<10000xi32, #tpu.memory_space<vmem>> -> memref<80xi32, #tpu.memory_space<vmem>>
        %dma_start3A_251 = arith.constant 0 : i32
        %dma_start3A_252 = arith.constant 0 : i32
        %dma_start3A_253 = tpu.memref_slice %arg4[%dma_start3A_251, %dma_start3A_252] : memref<10000x128xf32, #tpu.memory_space<hbm>> -> memref<10000x128xf32, #tpu.memory_space<hbm>>
        tpu.enqueue_indirect_dma source(%dma_start3A_253 : memref<10000x128xf32, #tpu.memory_space<hbm>>) target(%arg15 : memref<80x128xf32, #tpu.memory_space<vmem>>) offsets(%dma_start3A_250 : memref<80xi32, #tpu.memory_space<vmem>>) semaphore(%arg21 : memref<!tpu.dma_semaphore, #tpu.memory_space<semaphore_mem>>)
      } else {
      }
      %mul3A_230 = arith.constant 80 : i32
      %mul3A_231 = arith.muli %add3A_195, %mul3A_230 : i32
      %add3A_232 = arith.addi %mul3A_2, %mul3A_231 : i32
      %dma_start3A_233 = arith.constant 0 : i32
      %dma_start3A_234 = tpu.memref_slice %arg6[%add3A_232, %dma_start3A_233] : memref<320000x128xf32, #tpu.memory_space<hbm>> -> memref<80x128xf32, #tpu.memory_space<hbm>>
      %dma_start3A_235 = arith.constant 0 : i32
      %dma_start3A_236 = tpu.memref_slice %arg6[%add3A_232, %dma_start3A_235] : memref<320000x128xf32, #tpu.memory_space<hbm>> -> memref<80x128xf32, #tpu.memory_space<hbm>>
      tpu.enqueue_dma source(%arg17 : memref<80x128xf32, #tpu.memory_space<vmem>>) target(%dma_start3A_236 : memref<80x128xf32, #tpu.memory_space<hbm>>) target_semaphore(%arg23 : memref<!tpu.dma_semaphore, #tpu.memory_space<semaphore_mem>>)
      scf.yield %scan3A_223#0, %scan3A_223#1, %scan3A_223#2, %scan3A_223#3, %scan3A_223#4, %scan3A_223#5, %scan3A_223#6, %scan3A_223#7, %scan3A_223#8, %scan3A_223#9, %scan3A_223#10, %scan3A_223#11, %scan3A_223#12, %scan3A_223#13, %scan3A_223#14, %scan3A_223#15 : vector<16xf32>, vector<16xf32>, vector<16xf32>, vector<16xf32>, vector<16xf32>, vector<16xf32>, vector<16xf32>, vector<16xf32>, vector<16xf32>, vector<16xf32>, vector<16xf32>, vector<16xf32>, vector<16xf32>, vector<16xf32>, vector<16xf32>, vector<16xf32>
    }
    %scan3A_41 = arith.constant 62 : i32
    %dma_wait3A = arith.constant 0 : i32
    %dma_wait3A_42 = arith.constant 0 : i32
    %dma_wait3A_43 = tpu.memref_slice %arg2[%dma_wait3A, %dma_wait3A_42] : memref<320000x128xf32, #tpu.memory_space<hbm>> -> memref<80x128xf32, #tpu.memory_space<hbm>>
    %dma_wait3A_44 = arith.constant 0 : i32
    %dma_wait3A_45 = arith.constant 0 : i32
    %dma_wait3A_46 = tpu.memref_slice %arg2[%dma_wait3A_44, %dma_wait3A_45] : memref<320000x128xf32, #tpu.memory_space<hbm>> -> memref<80x128xf32, #tpu.memory_space<hbm>>
    tpu.wait_dma2 semaphore(%arg20 : memref<!tpu.dma_semaphore, #tpu.memory_space<semaphore_mem>>) src(%dma_wait3A_46 : memref<80x128xf32, #tpu.memory_space<hbm>>) dst(%arg10 : memref<80x128xf32, #tpu.memory_space<vmem>>)
    %dma_wait3A_47 = arith.constant 0 : i32
    %dma_wait3A_48 = arith.constant 0 : i32
    %dma_wait3A_49 = tpu.memref_slice %arg3[%dma_wait3A_47, %dma_wait3A_48] : memref<10000x128xf32, #tpu.memory_space<hbm>> -> memref<80x128xf32, #tpu.memory_space<hbm>>
    %dma_wait3A_50 = arith.constant 0 : i32
    %dma_wait3A_51 = arith.constant 0 : i32
    %dma_wait3A_52 = tpu.memref_slice %arg3[%dma_wait3A_50, %dma_wait3A_51] : memref<10000x128xf32, #tpu.memory_space<hbm>> -> memref<80x128xf32, #tpu.memory_space<hbm>>
    tpu.wait_dma2 semaphore(%arg20 : memref<!tpu.dma_semaphore, #tpu.memory_space<semaphore_mem>>) src(%dma_wait3A_52 : memref<80x128xf32, #tpu.memory_space<hbm>>) dst(%arg12 : memref<80x128xf32, #tpu.memory_space<vmem>>)
    %dma_wait3A_53 = arith.constant 0 : i32
    %dma_wait3A_54 = arith.constant 0 : i32
    %dma_wait3A_55 = tpu.memref_slice %arg4[%dma_wait3A_53, %dma_wait3A_54] : memref<10000x128xf32, #tpu.memory_space<hbm>> -> memref<80x128xf32, #tpu.memory_space<hbm>>
    %dma_wait3A_56 = arith.constant 0 : i32
    %dma_wait3A_57 = arith.constant 0 : i32
    %dma_wait3A_58 = tpu.memref_slice %arg4[%dma_wait3A_56, %dma_wait3A_57] : memref<10000x128xf32, #tpu.memory_space<hbm>> -> memref<80x128xf32, #tpu.memory_space<hbm>>
    tpu.wait_dma2 semaphore(%arg20 : memref<!tpu.dma_semaphore, #tpu.memory_space<semaphore_mem>>) src(%dma_wait3A_58 : memref<80x128xf32, #tpu.memory_space<hbm>>) dst(%arg14 : memref<80x128xf32, #tpu.memory_space<vmem>>)
    %dma_wait3A_59 = arith.constant 0 : i32
    %dma_wait3A_60 = arith.constant 0 : i32
    %dma_wait3A_61 = tpu.memref_slice %arg6[%dma_wait3A_59, %dma_wait3A_60] : memref<320000x128xf32, #tpu.memory_space<hbm>> -> memref<80x128xf32, #tpu.memory_space<hbm>>
    %dma_wait3A_62 = arith.constant 0 : i32
    %dma_wait3A_63 = arith.constant 0 : i32
    %dma_wait3A_64 = tpu.memref_slice %arg6[%dma_wait3A_62, %dma_wait3A_63] : memref<320000x128xf32, #tpu.memory_space<hbm>> -> memref<80x128xf32, #tpu.memory_space<hbm>>
    tpu.wait_dma2 semaphore(%arg22 : memref<!tpu.dma_semaphore, #tpu.memory_space<semaphore_mem>>) src(%arg16 : memref<80x128xf32, #tpu.memory_space<vmem>>) dst(%dma_wait3A_64 : memref<80x128xf32, #tpu.memory_space<hbm>>)
    %scan3A_65 = arith.constant 0 : i32
    %scan3A_66 = arith.constant 80 : i32
    %scan3A_67 = arith.addi %scan3A_65, %scan3A_66 : i32
    %scan3A_68 = arith.constant 1 : i32
    %scan3A_69:16 = scf.for %scan3A_121 = %scan3A_65 to %scan3A_67 step %scan3A_68 iter_args(%scan3A_122 = %scan3A_40#0, %scan3A_123 = %scan3A_40#1, %scan3A_124 = %scan3A_40#2, %scan3A_125 = %scan3A_40#3, %scan3A_126 = %scan3A_40#4, %scan3A_127 = %scan3A_40#5, %scan3A_128 = %scan3A_40#6, %scan3A_129 = %scan3A_40#7, %scan3A_130 = %scan3A_40#8, %scan3A_131 = %scan3A_40#9, %scan3A_132 = %scan3A_40#10, %scan3A_133 = %scan3A_40#11, %scan3A_134 = %scan3A_40#12, %scan3A_135 = %scan3A_40#13, %scan3A_136 = %scan3A_40#14, %scan3A_137 = %scan3A_40#15) -> (vector<16xf32>, vector<16xf32>, vector<16xf32>, vector<16xf32>, vector<16xf32>, vector<16xf32>, vector<16xf32>, vector<16xf32>, vector<16xf32>, vector<16xf32>, vector<16xf32>, vector<16xf32>, vector<16xf32>, vector<16xf32>, vector<16xf32>, vector<16xf32>)  : i32 {
      %get3A = arith.index_cast %scan3A_121 : i32 to index
      %get3A_138 = arith.constant 0 : index
      %get3A_139 = tpu.vector_load %arg10[%get3A, %get3A_138] {strides = array<i32>} : memref<80x128xf32, #tpu.memory_space<vmem>>, vector<16xf32>,
      %get3A_140 = arith.index_cast %scan3A_121 : i32 to index
      %get3A_141 = arith.constant 0 : index
      %get3A_142 = tpu.vector_load %arg12[%get3A_140, %get3A_141] {strides = array<i32>} : memref<80x128xf32, #tpu.memory_space<vmem>>, vector<16xf32>,
      %add3A_143 = arith.addf %get3A_139, %get3A_142 : vector<16xf32>
      %get3A_144 = arith.index_cast %scan3A_121 : i32 to index
      %get3A_145 = arith.constant 0 : index
      %get3A_146 = tpu.vector_load %arg14[%get3A_144, %get3A_145] {strides = array<i32>} : memref<80x128xf32, #tpu.memory_space<vmem>>, vector<16xf32>,
      %add3A_147 = arith.addf %add3A_143, %get3A_146 : vector<16xf32>
      %swap3A_148 = arith.index_cast %scan3A_121 : i32 to index
      %swap3A_149 = arith.constant 0 : index
      %swap3A_150 = tpu.vector_load %arg16[%swap3A_148, %swap3A_149] {strides = array<i32>} : memref<80x128xf32, #tpu.memory_space<vmem>>, vector<16xf32>,
      tpu.vector_store %arg16[%swap3A_148, %swap3A_149], %add3A_147 {strides = array<i32>} : memref<80x128xf32, #tpu.memory_space<vmem>>, vector<16xf32>,
      %add3A_151 = arith.addf %scan3A_122, %add3A_147 : vector<16xf32>
      %mul3A_152 = arith.mulf %add3A_147, %add3A_147 : vector<16xf32>
      %add3A_153 = arith.addf %scan3A_130, %mul3A_152 : vector<16xf32>
      %get3A_154 = arith.index_cast %scan3A_121 : i32 to index
      %get3A_155 = arith.constant 16 : index
      %get3A_156 = tpu.vector_load %arg10[%get3A_154, %get3A_155] {strides = array<i32>} : memref<80x128xf32, #tpu.memory_space<vmem>>, vector<16xf32>,
      %get3A_157 = arith.index_cast %scan3A_121 : i32 to index
      %get3A_158 = arith.constant 16 : index
      %get3A_159 = tpu.vector_load %arg12[%get3A_157, %get3A_158] {strides = array<i32>} : memref<80x128xf32, #tpu.memory_space<vmem>>, vector<16xf32>,
      %add3A_160 = arith.addf %get3A_156, %get3A_159 : vector<16xf32>
      %get3A_161 = arith.index_cast %scan3A_121 : i32 to index
      %get3A_162 = arith.constant 16 : index
      %get3A_163 = tpu.vector_load %arg14[%get3A_161, %get3A_162] {strides = array<i32>} : memref<80x128xf32, #tpu.memory_space<vmem>>, vector<16xf32>,
      %add3A_164 = arith.addf %add3A_160, %get3A_163 : vector<16xf32>
      %swap3A_165 = arith.index_cast %scan3A_121 : i32 to index
      %swap3A_166 = arith.constant 16 : index
      %swap3A_167 = tpu.vector_load %arg16[%swap3A_165, %swap3A_166] {strides = array<i32>} : memref<80x128xf32, #tpu.memory_space<vmem>>, vector<16xf32>,
      tpu.vector_store %arg16[%swap3A_165, %swap3A_166], %add3A_164 {strides = array<i32>} : memref<80x128xf32, #tpu.memory_space<vmem>>, vector<16xf32>,
      %add3A_168 = arith.addf %scan3A_123, %add3A_164 : vector<16xf32>
      %mul3A_169 = arith.mulf %add3A_164, %add3A_164 : vector<16xf32>
      %add3A_170 = arith.addf %scan3A_131, %mul3A_169 : vector<16xf32>
      %get3A_171 = arith.index_cast %scan3A_121 : i32 to index
      %get3A_172 = arith.constant 32 : index
      %get3A_173 = tpu.vector_load %arg10[%get3A_171, %get3A_172] {strides = array<i32>} : memref<80x128xf32, #tpu.memory_space<vmem>>, vector<16xf32>,
      %get3A_174 = arith.index_cast %scan3A_121 : i32 to index
      %get3A_175 = arith.constant 32 : index
      %get3A_176 = tpu.vector_load %arg12[%get3A_174, %get3A_175] {strides = array<i32>} : memref<80x128xf32, #tpu.memory_space<vmem>>, vector<16xf32>,
      %add3A_177 = arith.addf %get3A_173, %get3A_176 : vector<16xf32>
      %get3A_178 = arith.index_cast %scan3A_121 : i32 to index
      %get3A_179 = arith.constant 32 : index
      %get3A_180 = tpu.vector_load %arg14[%get3A_178, %get3A_179] {strides = array<i32>} : memref<80x128xf32, #tpu.memory_space<vmem>>, vector<16xf32>,
      %add3A_181 = arith.addf %add3A_177, %get3A_180 : vector<16xf32>
      %swap3A_182 = arith.index_cast %scan3A_121 : i32 to index
      %swap3A_183 = arith.constant 32 : index
      %swap3A_184 = tpu.vector_load %arg16[%swap3A_182, %swap3A_183] {strides = array<i32>} : memref<80x128xf32, #tpu.memory_space<vmem>>, vector<16xf32>,
      tpu.vector_store %arg16[%swap3A_182, %swap3A_183], %add3A_181 {strides = array<i32>} : memref<80x128xf32, #tpu.memory_space<vmem>>, vector<16xf32>,
      %add3A_185 = arith.addf %scan3A_124, %add3A_181 : vector<16xf32>
      %mul3A_186 = arith.mulf %add3A_181, %add3A_181 : vector<16xf32>
      %add3A_187 = arith.addf %scan3A_132, %mul3A_186 : vector<16xf32>
      %get3A_188 = arith.index_cast %scan3A_121 : i32 to index
      %get3A_189 = arith.constant 48 : index
      %get3A_190 = tpu.vector_load %arg10[%get3A_188, %get3A_189] {strides = array<i32>} : memref<80x128xf32, #tpu.memory_space<vmem>>, vector<16xf32>,
      %get3A_191 = arith.index_cast %scan3A_121 : i32 to index
      %get3A_192 = arith.constant 48 : index
      %get3A_193 = tpu.vector_load %arg12[%get3A_191, %get3A_192] {strides = array<i32>} : memref<80x128xf32, #tpu.memory_space<vmem>>, vector<16xf32>,
      %add3A_194 = arith.addf %get3A_190, %get3A_193 : vector<16xf32>
      %get3A_195 = arith.index_cast %scan3A_121 : i32 to index
      %get3A_196 = arith.constant 48 : index
      %get3A_197 = tpu.vector_load %arg14[%get3A_195, %get3A_196] {strides = array<i32>} : memref<80x128xf32, #tpu.memory_space<vmem>>, vector<16xf32>,
      %add3A_198 = arith.addf %add3A_194, %get3A_197 : vector<16xf32>
      %swap3A_199 = arith.index_cast %scan3A_121 : i32 to index
      %swap3A_200 = arith.constant 48 : index
      %swap3A_201 = tpu.vector_load %arg16[%swap3A_199, %swap3A_200] {strides = array<i32>} : memref<80x128xf32, #tpu.memory_space<vmem>>, vector<16xf32>,
      tpu.vector_store %arg16[%swap3A_199, %swap3A_200], %add3A_198 {strides = array<i32>} : memref<80x128xf32, #tpu.memory_space<vmem>>, vector<16xf32>,
      %add3A_202 = arith.addf %scan3A_125, %add3A_198 : vector<16xf32>
      %mul3A_203 = arith.mulf %add3A_198, %add3A_198 : vector<16xf32>
      %add3A_204 = arith.addf %scan3A_133, %mul3A_203 : vector<16xf32>
      %get3A_205 = arith.index_cast %scan3A_121 : i32 to index
      %get3A_206 = arith.constant 64 : index
      %get3A_207 = tpu.vector_load %arg10[%get3A_205, %get3A_206] {strides = array<i32>} : memref<80x128xf32, #tpu.memory_space<vmem>>, vector<16xf32>,
      %get3A_208 = arith.index_cast %scan3A_121 : i32 to index
      %get3A_209 = arith.constant 64 : index
      %get3A_210 = tpu.vector_load %arg12[%get3A_208, %get3A_209] {strides = array<i32>} : memref<80x128xf32, #tpu.memory_space<vmem>>, vector<16xf32>,
      %add3A_211 = arith.addf %get3A_207, %get3A_210 : vector<16xf32>
      %get3A_212 = arith.index_cast %scan3A_121 : i32 to index
      %get3A_213 = arith.constant 64 : index
      %get3A_214 = tpu.vector_load %arg14[%get3A_212, %get3A_213] {strides = array<i32>} : memref<80x128xf32, #tpu.memory_space<vmem>>, vector<16xf32>,
      %add3A_215 = arith.addf %add3A_211, %get3A_214 : vector<16xf32>
      %swap3A_216 = arith.index_cast %scan3A_121 : i32 to index
      %swap3A_217 = arith.constant 64 : index
      %swap3A_218 = tpu.vector_load %arg16[%swap3A_216, %swap3A_217] {strides = array<i32>} : memref<80x128xf32, #tpu.memory_space<vmem>>, vector<16xf32>,
      tpu.vector_store %arg16[%swap3A_216, %swap3A_217], %add3A_215 {strides = array<i32>} : memref<80x128xf32, #tpu.memory_space<vmem>>, vector<16xf32>,
      %add3A_219 = arith.addf %scan3A_126, %add3A_215 : vector<16xf32>
      %mul3A_220 = arith.mulf %add3A_215, %add3A_215 : vector<16xf32>
      %add3A_221 = arith.addf %scan3A_134, %mul3A_220 : vector<16xf32>
      %get3A_222 = arith.index_cast %scan3A_121 : i32 to index
      %get3A_223 = arith.constant 80 : index
      %get3A_224 = tpu.vector_load %arg10[%get3A_222, %get3A_223] {strides = array<i32>} : memref<80x128xf32, #tpu.memory_space<vmem>>, vector<16xf32>,
      %get3A_225 = arith.index_cast %scan3A_121 : i32 to index
      %get3A_226 = arith.constant 80 : index
      %get3A_227 = tpu.vector_load %arg12[%get3A_225, %get3A_226] {strides = array<i32>} : memref<80x128xf32, #tpu.memory_space<vmem>>, vector<16xf32>,
      %add3A_228 = arith.addf %get3A_224, %get3A_227 : vector<16xf32>
      %get3A_229 = arith.index_cast %scan3A_121 : i32 to index
      %get3A_230 = arith.constant 80 : index
      %get3A_231 = tpu.vector_load %arg14[%get3A_229, %get3A_230] {strides = array<i32>} : memref<80x128xf32, #tpu.memory_space<vmem>>, vector<16xf32>,
      %add3A_232 = arith.addf %add3A_228, %get3A_231 : vector<16xf32>
      %swap3A_233 = arith.index_cast %scan3A_121 : i32 to index
      %swap3A_234 = arith.constant 80 : index
      %swap3A_235 = tpu.vector_load %arg16[%swap3A_233, %swap3A_234] {strides = array<i32>} : memref<80x128xf32, #tpu.memory_space<vmem>>, vector<16xf32>,
      tpu.vector_store %arg16[%swap3A_233, %swap3A_234], %add3A_232 {strides = array<i32>} : memref<80x128xf32, #tpu.memory_space<vmem>>, vector<16xf32>,
      %add3A_236 = arith.addf %scan3A_127, %add3A_232 : vector<16xf32>
      %mul3A_237 = arith.mulf %add3A_232, %add3A_232 : vector<16xf32>
      %add3A_238 = arith.addf %scan3A_135, %mul3A_237 : vector<16xf32>
      %get3A_239 = arith.index_cast %scan3A_121 : i32 to index
      %get3A_240 = arith.constant 96 : index
      %get3A_241 = tpu.vector_load %arg10[%get3A_239, %get3A_240] {strides = array<i32>} : memref<80x128xf32, #tpu.memory_space<vmem>>, vector<16xf32>,
      %get3A_242 = arith.index_cast %scan3A_121 : i32 to index
      %get3A_243 = arith.constant 96 : index
      %get3A_244 = tpu.vector_load %arg12[%get3A_242, %get3A_243] {strides = array<i32>} : memref<80x128xf32, #tpu.memory_space<vmem>>, vector<16xf32>,
      %add3A_245 = arith.addf %get3A_241, %get3A_244 : vector<16xf32>
      %get3A_246 = arith.index_cast %scan3A_121 : i32 to index
      %get3A_247 = arith.constant 96 : index
      %get3A_248 = tpu.vector_load %arg14[%get3A_246, %get3A_247] {strides = array<i32>} : memref<80x128xf32, #tpu.memory_space<vmem>>, vector<16xf32>,
      %add3A_249 = arith.addf %add3A_245, %get3A_248 : vector<16xf32>
      %swap3A_250 = arith.index_cast %scan3A_121 : i32 to index
      %swap3A_251 = arith.constant 96 : index
      %swap3A_252 = tpu.vector_load %arg16[%swap3A_250, %swap3A_251] {strides = array<i32>} : memref<80x128xf32, #tpu.memory_space<vmem>>, vector<16xf32>,
      tpu.vector_store %arg16[%swap3A_250, %swap3A_251], %add3A_249 {strides = array<i32>} : memref<80x128xf32, #tpu.memory_space<vmem>>, vector<16xf32>,
      %add3A_253 = arith.addf %scan3A_128, %add3A_249 : vector<16xf32>
      %mul3A_254 = arith.mulf %add3A_249, %add3A_249 : vector<16xf32>
      %add3A_255 = arith.addf %scan3A_136, %mul3A_254 : vector<16xf32>
      %get3A_256 = arith.index_cast %scan3A_121 : i32 to index
      %get3A_257 = arith.constant 112 : index
      %get3A_258 = tpu.vector_load %arg10[%get3A_256, %get3A_257] {strides = array<i32>} : memref<80x128xf32, #tpu.memory_space<vmem>>, vector<16xf32>,
      %get3A_259 = arith.index_cast %scan3A_121 : i32 to index
      %get3A_260 = arith.constant 112 : index
      %get3A_261 = tpu.vector_load %arg12[%get3A_259, %get3A_260] {strides = array<i32>} : memref<80x128xf32, #tpu.memory_space<vmem>>, vector<16xf32>,
      %add3A_262 = arith.addf %get3A_258, %get3A_261 : vector<16xf32>
      %get3A_263 = arith.index_cast %scan3A_121 : i32 to index
      %get3A_264 = arith.constant 112 : index
      %get3A_265 = tpu.vector_load %arg14[%get3A_263, %get3A_264] {strides = array<i32>} : memref<80x128xf32, #tpu.memory_space<vmem>>, vector<16xf32>,
      %add3A_266 = arith.addf %add3A_262, %get3A_265 : vector<16xf32>
      %swap3A_267 = arith.index_cast %scan3A_121 : i32 to index
      %swap3A_268 = arith.constant 112 : index
      %swap3A_269 = tpu.vector_load %arg16[%swap3A_267, %swap3A_268] {strides = array<i32>} : memref<80x128xf32, #tpu.memory_space<vmem>>, vector<16xf32>,
      tpu.vector_store %arg16[%swap3A_267, %swap3A_268], %add3A_266 {strides = array<i32>} : memref<80x128xf32, #tpu.memory_space<vmem>>, vector<16xf32>,
      %add3A_270 = arith.addf %scan3A_129, %add3A_266 : vector<16xf32>
      %mul3A_271 = arith.mulf %add3A_266, %add3A_266 : vector<16xf32>
      %add3A_272 = arith.addf %scan3A_137, %mul3A_271 : vector<16xf32>
      scf.yield %add3A_151, %add3A_168, %add3A_185, %add3A_202, %add3A_219, %add3A_236, %add3A_253, %add3A_270, %add3A_153, %add3A_170, %add3A_187, %add3A_204, %add3A_221, %add3A_238, %add3A_255, %add3A_272 : vector<16xf32>, vector<16xf32>, vector<16xf32>, vector<16xf32>, vector<16xf32>, vector<16xf32>, vector<16xf32>, vector<16xf32>, vector<16xf32>, vector<16xf32>, vector<16xf32>, vector<16xf32>, vector<16xf32>, vector<16xf32>, vector<16xf32>, vector<16xf32>
    }
    %scan3A_70 = arith.constant 80 : i32
    %add3A_71 = arith.constant 9920 : i32
    %add3A_72 = arith.addi %mul3A_2, %add3A_71 : i32
    %dma_start3A_73 = arith.constant 0 : i32
    %dma_start3A_74 = tpu.memref_slice %arg6[%add3A_72, %dma_start3A_73] : memref<320000x128xf32, #tpu.memory_space<hbm>> -> memref<80x128xf32, #tpu.memory_space<hbm>>
    %dma_start3A_75 = arith.constant 0 : i32
    %dma_start3A_76 = tpu.memref_slice %arg6[%add3A_72, %dma_start3A_75] : memref<320000x128xf32, #tpu.memory_space<hbm>> -> memref<80x128xf32, #tpu.memory_space<hbm>>
    tpu.enqueue_dma source(%arg16 : memref<80x128xf32, #tpu.memory_space<vmem>>) target(%dma_start3A_76 : memref<80x128xf32, #tpu.memory_space<hbm>>) target_semaphore(%arg22 : memref<!tpu.dma_semaphore, #tpu.memory_space<semaphore_mem>>)
    %swap3A = arith.constant 0 : index
    %swap3A_77 = tpu.vector_load %arg18[%swap3A] {strides = array<i32>} : memref<128xf32, #tpu.memory_space<vmem>>, vector<16xf32>,
    tpu.vector_store %arg18[%swap3A], %scan3A_69#0 {strides = array<i32>} : memref<128xf32, #tpu.memory_space<vmem>>, vector<16xf32>,
    %swap3A_78 = arith.constant 0 : index
    %swap3A_79 = tpu.vector_load %arg19[%swap3A_78] {strides = array<i32>} : memref<128xf32, #tpu.memory_space<vmem>>, vector<16xf32>,
    tpu.vector_store %arg19[%swap3A_78], %scan3A_69#8 {strides = array<i32>} : memref<128xf32, #tpu.memory_space<vmem>>, vector<16xf32>,
    %swap3A_80 = arith.constant 16 : index
    %swap3A_81 = tpu.vector_load %arg18[%swap3A_80] {strides = array<i32>} : memref<128xf32, #tpu.memory_space<vmem>>, vector<16xf32>,
    tpu.vector_store %arg18[%swap3A_80], %scan3A_69#1 {strides = array<i32>} : memref<128xf32, #tpu.memory_space<vmem>>, vector<16xf32>,
    %swap3A_82 = arith.constant 16 : index
    %swap3A_83 = tpu.vector_load %arg19[%swap3A_82] {strides = array<i32>} : memref<128xf32, #tpu.memory_space<vmem>>, vector<16xf32>,
    tpu.vector_store %arg19[%swap3A_82], %scan3A_69#9 {strides = array<i32>} : memref<128xf32, #tpu.memory_space<vmem>>, vector<16xf32>,
    %swap3A_84 = arith.constant 32 : index
    %swap3A_85 = tpu.vector_load %arg18[%swap3A_84] {strides = array<i32>} : memref<128xf32, #tpu.memory_space<vmem>>, vector<16xf32>,
    tpu.vector_store %arg18[%swap3A_84], %scan3A_69#2 {strides = array<i32>} : memref<128xf32, #tpu.memory_space<vmem>>, vector<16xf32>,
    %swap3A_86 = arith.constant 32 : index
    %swap3A_87 = tpu.vector_load %arg19[%swap3A_86] {strides = array<i32>} : memref<128xf32, #tpu.memory_space<vmem>>, vector<16xf32>,
    tpu.vector_store %arg19[%swap3A_86], %scan3A_69#10 {strides = array<i32>} : memref<128xf32, #tpu.memory_space<vmem>>, vector<16xf32>,
    %swap3A_88 = arith.constant 48 : index
    %swap3A_89 = tpu.vector_load %arg18[%swap3A_88] {strides = array<i32>} : memref<128xf32, #tpu.memory_space<vmem>>, vector<16xf32>,
    tpu.vector_store %arg18[%swap3A_88], %scan3A_69#3 {strides = array<i32>} : memref<128xf32, #tpu.memory_space<vmem>>, vector<16xf32>,
    %swap3A_90 = arith.constant 48 : index
    %swap3A_91 = tpu.vector_load %arg19[%swap3A_90] {strides = array<i32>} : memref<128xf32, #tpu.memory_space<vmem>>, vector<16xf32>,
    tpu.vector_store %arg19[%swap3A_90], %scan3A_69#11 {strides = array<i32>} : memref<128xf32, #tpu.memory_space<vmem>>, vector<16xf32>,
    %swap3A_92 = arith.constant 64 : index
    %swap3A_93 = tpu.vector_load %arg18[%swap3A_92] {strides = array<i32>} : memref<128xf32, #tpu.memory_space<vmem>>, vector<16xf32>,
    tpu.vector_store %arg18[%swap3A_92], %scan3A_69#4 {strides = array<i32>} : memref<128xf32, #tpu.memory_space<vmem>>, vector<16xf32>,
    %swap3A_94 = arith.constant 64 : index
    %swap3A_95 = tpu.vector_load %arg19[%swap3A_94] {strides = array<i32>} : memref<128xf32, #tpu.memory_space<vmem>>, vector<16xf32>,
    tpu.vector_store %arg19[%swap3A_94], %scan3A_69#12 {strides = array<i32>} : memref<128xf32, #tpu.memory_space<vmem>>, vector<16xf32>,
    %swap3A_96 = arith.constant 80 : index
    %swap3A_97 = tpu.vector_load %arg18[%swap3A_96] {strides = array<i32>} : memref<128xf32, #tpu.memory_space<vmem>>, vector<16xf32>,
    tpu.vector_store %arg18[%swap3A_96], %scan3A_69#5 {strides = array<i32>} : memref<128xf32, #tpu.memory_space<vmem>>, vector<16xf32>,
    %swap3A_98 = arith.constant 80 : index
    %swap3A_99 = tpu.vector_load %arg19[%swap3A_98] {strides = array<i32>} : memref<128xf32, #tpu.memory_space<vmem>>, vector<16xf32>,
    tpu.vector_store %arg19[%swap3A_98], %scan3A_69#13 {strides = array<i32>} : memref<128xf32, #tpu.memory_space<vmem>>, vector<16xf32>,
    %swap3A_100 = arith.constant 96 : index
    %swap3A_101 = tpu.vector_load %arg18[%swap3A_100] {strides = array<i32>} : memref<128xf32, #tpu.memory_space<vmem>>, vector<16xf32>,
    tpu.vector_store %arg18[%swap3A_100], %scan3A_69#6 {strides = array<i32>} : memref<128xf32, #tpu.memory_space<vmem>>, vector<16xf32>,
    %swap3A_102 = arith.constant 96 : index
    %swap3A_103 = tpu.vector_load %arg19[%swap3A_102] {strides = array<i32>} : memref<128xf32, #tpu.memory_space<vmem>>, vector<16xf32>,
    tpu.vector_store %arg19[%swap3A_102], %scan3A_69#14 {strides = array<i32>} : memref<128xf32, #tpu.memory_space<vmem>>, vector<16xf32>,
    %swap3A_104 = arith.constant 112 : index
    %swap3A_105 = tpu.vector_load %arg18[%swap3A_104] {strides = array<i32>} : memref<128xf32, #tpu.memory_space<vmem>>, vector<16xf32>,
    tpu.vector_store %arg18[%swap3A_104], %scan3A_69#7 {strides = array<i32>} : memref<128xf32, #tpu.memory_space<vmem>>, vector<16xf32>,
    %swap3A_106 = arith.constant 112 : index
    %swap3A_107 = tpu.vector_load %arg19[%swap3A_106] {strides = array<i32>} : memref<128xf32, #tpu.memory_space<vmem>>, vector<16xf32>,
    tpu.vector_store %arg19[%swap3A_106], %scan3A_69#15 {strides = array<i32>} : memref<128xf32, #tpu.memory_space<vmem>>, vector<16xf32>,
    %dma_wait3A_108 = arith.constant 0 : i32
    %dma_wait3A_109 = arith.constant 0 : i32
    %dma_wait3A_110 = tpu.memref_slice %arg6[%dma_wait3A_108, %dma_wait3A_109] : memref<320000x128xf32, #tpu.memory_space<hbm>> -> memref<80x128xf32, #tpu.memory_space<hbm>>
    %dma_wait3A_111 = arith.constant 0 : i32
    %dma_wait3A_112 = arith.constant 0 : i32
    %dma_wait3A_113 = tpu.memref_slice %arg6[%dma_wait3A_111, %dma_wait3A_112] : memref<320000x128xf32, #tpu.memory_space<hbm>> -> memref<80x128xf32, #tpu.memory_space<hbm>>
    tpu.wait_dma2 semaphore(%arg23 : memref<!tpu.dma_semaphore, #tpu.memory_space<semaphore_mem>>) src(%arg17 : memref<80x128xf32, #tpu.memory_space<vmem>>) dst(%dma_wait3A_113 : memref<80x128xf32, #tpu.memory_space<hbm>>)
    %dma_wait3A_114 = arith.constant 0 : i32
    %dma_wait3A_115 = arith.constant 0 : i32
    %dma_wait3A_116 = tpu.memref_slice %arg6[%dma_wait3A_114, %dma_wait3A_115] : memref<320000x128xf32, #tpu.memory_space<hbm>> -> memref<80x128xf32, #tpu.memory_space<hbm>>
    %dma_wait3A_117 = arith.constant 0 : i32
    %dma_wait3A_118 = arith.constant 0 : i32
    %dma_wait3A_119 = tpu.memref_slice %arg6[%dma_wait3A_117, %dma_wait3A_118] : memref<320000x128xf32, #tpu.memory_space<hbm>> -> memref<80x128xf32, #tpu.memory_space<hbm>>
    tpu.wait_dma2 semaphore(%arg22 : memref<!tpu.dma_semaphore, #tpu.memory_space<semaphore_mem>>) src(%arg16 : memref<80x128xf32, #tpu.memory_space<vmem>>) dst(%dma_wait3A_119 : memref<80x128xf32, #tpu.memory_space<hbm>>)
    %run_scoped3A = arith.constant 0 : i32
    "tpu.region"() ({
      %run_scoped3A_121 = tpu.sem_alloc : memref<!tpu.dma_semaphore, #tpu.memory_space<semaphore_mem>>
      %dma_start3A_122 = arith.constant 0 : i32
      %dma_start3A_123 = tpu.memref_slice %arg7[%add3A, %run_scoped3A, %dma_start3A_122] : memref<32x2x128xf32, #tpu.memory_space<hbm>> -> memref<1x1x128xf32, #tpu.memory_space<hbm>>
      %dma_start3A_124 = tpu.memref_squeeze %dma_start3A_123 : memref<1x1x128xf32, #tpu.memory_space<hbm>> -> memref<128xf32, #tpu.memory_space<hbm>>
      %dma_start3A_125 = arith.constant 0 : i32
      %dma_start3A_126 = tpu.memref_slice %arg7[%add3A, %run_scoped3A, %dma_start3A_125] : memref<32x2x128xf32, #tpu.memory_space<hbm>> -> memref<1x1x128xf32, #tpu.memory_space<hbm>>
      %dma_start3A_127 = tpu.memref_squeeze %dma_start3A_126 : memref<1x1x128xf32, #tpu.memory_space<hbm>> -> memref<128xf32, #tpu.memory_space<hbm>>
      tpu.enqueue_dma source(%arg18 : memref<128xf32, #tpu.memory_space<vmem>>) target(%dma_start3A_127 : memref<128xf32, #tpu.memory_space<hbm>>) target_semaphore(%run_scoped3A_121 : memref<!tpu.dma_semaphore, #tpu.memory_space<semaphore_mem>>)
      %dma_wait3A_128 = arith.constant 0 : i32
      %dma_wait3A_129 = tpu.memref_slice %arg7[%add3A, %run_scoped3A, %dma_wait3A_128] : memref<32x2x128xf32, #tpu.memory_space<hbm>> -> memref<1x1x128xf32, #tpu.memory_space<hbm>>
      %dma_wait3A_130 = tpu.memref_squeeze %dma_wait3A_129 : memref<1x1x128xf32, #tpu.memory_space<hbm>> -> memref<128xf32, #tpu.memory_space<hbm>>
      %dma_wait3A_131 = arith.constant 0 : i32
      %dma_wait3A_132 = tpu.memref_slice %arg7[%add3A, %run_scoped3A, %dma_wait3A_131] : memref<32x2x128xf32, #tpu.memory_space<hbm>> -> memref<1x1x128xf32, #tpu.memory_space<hbm>>
      %dma_wait3A_133 = tpu.memref_squeeze %dma_wait3A_132 : memref<1x1x128xf32, #tpu.memory_space<hbm>> -> memref<128xf32, #tpu.memory_space<hbm>>
      tpu.wait_dma2 semaphore(%run_scoped3A_121 : memref<!tpu.dma_semaphore, #tpu.memory_space<semaphore_mem>>) src(%arg18 : memref<128xf32, #tpu.memory_space<vmem>>) dst(%dma_wait3A_133 : memref<128xf32, #tpu.memory_space<hbm>>)
      tpu.yield
    }) : () -> ()
    %run_scoped3A_120 = arith.constant 1 : i32
    "tpu.region"() ({
      %run_scoped3A_121 = tpu.sem_alloc : memref<!tpu.dma_semaphore, #tpu.memory_space<semaphore_mem>>
      %dma_start3A_122 = arith.constant 0 : i32
      %dma_start3A_123 = tpu.memref_slice %arg7[%add3A, %run_scoped3A_120, %dma_start3A_122] : memref<32x2x128xf32, #tpu.memory_space<hbm>> -> memref<1x1x128xf32, #tpu.memory_space<hbm>>
      %dma_start3A_124 = tpu.memref_squeeze %dma_start3A_123 : memref<1x1x128xf32, #tpu.memory_space<hbm>> -> memref<128xf32, #tpu.memory_space<hbm>>
      %dma_start3A_125 = arith.constant 0 : i32
      %dma_start3A_126 = tpu.memref_slice %arg7[%add3A, %run_scoped3A_120, %dma_start3A_125] : memref<32x2x128xf32, #tpu.memory_space<hbm>> -> memref<1x1x128xf32, #tpu.memory_space<hbm>>
      %dma_start3A_127 = tpu.memref_squeeze %dma_start3A_126 : memref<1x1x128xf32, #tpu.memory_space<hbm>> -> memref<128xf32, #tpu.memory_space<hbm>>
      tpu.enqueue_dma source(%arg19 : memref<128xf32, #tpu.memory_space<vmem>>) target(%dma_start3A_127 : memref<128xf32, #tpu.memory_space<hbm>>) target_semaphore(%run_scoped3A_121 : memref<!tpu.dma_semaphore, #tpu.memory_space<semaphore_mem>>)
      %dma_wait3A_128 = arith.constant 0 : i32
      %dma_wait3A_129 = tpu.memref_slice %arg7[%add3A, %run_scoped3A_120, %dma_wait3A_128] : memref<32x2x128xf32, #tpu.memory_space<hbm>> -> memref<1x1x128xf32, #tpu.memory_space<hbm>>
      %dma_wait3A_130 = tpu.memref_squeeze %dma_wait3A_129 : memref<1x1x128xf32, #tpu.memory_space<hbm>> -> memref<128xf32, #tpu.memory_space<hbm>>
      %dma_wait3A_131 = arith.constant 0 : i32
      %dma_wait3A_132 = tpu.memref_slice %arg7[%add3A, %run_scoped3A_120, %dma_wait3A_131] : memref<32x2x128xf32, #tpu.memory_space<hbm>> -> memref<1x1x128xf32, #tpu.memory_space<hbm>>
      %dma_wait3A_133 = tpu.memref_squeeze %dma_wait3A_132 : memref<1x1x128xf32, #tpu.memory_space<hbm>> -> memref<128xf32, #tpu.memory_space<hbm>>
      tpu.wait_dma2 semaphore(%run_scoped3A_121 : memref<!tpu.dma_semaphore, #tpu.memory_space<semaphore_mem>>) src(%arg19 : memref<128xf32, #tpu.memory_space<vmem>>) dst(%dma_wait3A_133 : memref<128xf32, #tpu.memory_space<hbm>>)
      tpu.yield
    }) : () -> ()
    return
  }
}

module attributes {stable_mosaic.version = 14 : i64} {
  func.func @_k1_body(%arg0: memref<10000x128xf32, #tpu.memory_space<vmem>>, %arg1: memref<128x128xf32, #tpu.memory_space<vmem>>, %arg2: memref<256x128xf32, #tpu.memory_space<vmem>>, %arg3: memref<128x8xf32, #tpu.memory_space<vmem>>, %arg4: memref<128x128xf32, #tpu.memory_space<vmem>>, %arg5: memref<128x128xf32, #tpu.memory_space<vmem>>, %arg6: memref<128x8xf32, #tpu.memory_space<vmem>>, %arg7: memref<10000x128xf32, #tpu.memory_space<vmem>>, %arg8: memref<10000x128xf32, #tpu.memory_space<vmem>>, %arg9: memref<10000x128xf32, #tpu.memory_space<vmem>>, %arg10: memref<8x10000xf32, #tpu.memory_space<vmem>>, %arg11: memref<128x128xf32, #tpu.memory_space<vmem>>, %arg12: memref<128x8xf32, #tpu.memory_space<vmem>>) attributes {dimension_semantics = [], scalar_prefetch = 0 : i64, scratch_operands = 0 : i64, tpu.core_type = #tpu.core_type<tc>} {
    %get3A = arith.constant 0 : index
    %get3A_0 = arith.constant 0 : index
    %get3A_1 = vector.load %arg0[%get3A, %get3A_0] : memref<10000x128xf32, #tpu.memory_space<vmem>>, vector<10000x128xf32>
    %get3A_2 = arith.constant 0 : index
    %get3A_3 = arith.constant 0 : index
    %get3A_4 = vector.load %arg1[%get3A_2, %get3A_3] : memref<128x128xf32, #tpu.memory_space<vmem>>, vector<128x128xf32>
    %dot_general3A = arith.constant dense<0.000000e+00> : vector<10000x128xf32>
    %dot_general3A_5 = tpu.matmul %get3A_1, %get3A_4, %dot_general3A {dimension_numbers = #tpu.dot_dimension_numbers<[1], [0], [0], [1], [0, 0, 1, 1], [], []>, transpose_lhs_hint = false} : vector<10000x128xf32>, vector<128x128xf32>, vector<10000x128xf32> -> vector<10000x128xf32>
    %swap3A = arith.constant 0 : index
    %swap3A_6 = arith.constant 0 : index
    %swap3A_7 = vector.load %arg7[%swap3A, %swap3A_6] : memref<10000x128xf32, #tpu.memory_space<vmem>>, vector<10000x128xf32>
    tpu.vector_store %arg7[%swap3A, %swap3A_6], %dot_general3A_5 {strides = array<i32>} : memref<10000x128xf32, #tpu.memory_space<vmem>>, vector<10000x128xf32>,
    %get3A_8 = arith.constant 0 : index
    %get3A_9 = arith.constant 0 : index
    %get3A_10 = vector.load %arg2[%get3A_8, %get3A_9] : memref<256x128xf32, #tpu.memory_space<vmem>>, vector<128x128xf32>
    %dot_general3A_11 = arith.constant dense<0.000000e+00> : vector<10000x128xf32>
    %dot_general3A_12 = tpu.matmul %dot_general3A_5, %get3A_10, %dot_general3A_11 {dimension_numbers = #tpu.dot_dimension_numbers<[1], [0], [0], [1], [0, 0, 1, 1], [], []>, transpose_lhs_hint = false} : vector<10000x128xf32>, vector<128x128xf32>, vector<10000x128xf32> -> vector<10000x128xf32>
    %swap3A_13 = arith.constant 0 : index
    %swap3A_14 = arith.constant 0 : index
    %swap3A_15 = vector.load %arg8[%swap3A_13, %swap3A_14] : memref<10000x128xf32, #tpu.memory_space<vmem>>, vector<10000x128xf32>
    tpu.vector_store %arg8[%swap3A_13, %swap3A_14], %dot_general3A_12 {strides = array<i32>} : memref<10000x128xf32, #tpu.memory_space<vmem>>, vector<10000x128xf32>,
    %get3A_16 = arith.constant 128 : index
    %get3A_17 = arith.constant 0 : index
    %get3A_18 = vector.load %arg2[%get3A_16, %get3A_17] : memref<256x128xf32, #tpu.memory_space<vmem>>, vector<128x128xf32>
    %dot_general3A_19 = arith.constant dense<0.000000e+00> : vector<10000x128xf32>
    %dot_general3A_20 = tpu.matmul %dot_general3A_5, %get3A_18, %dot_general3A_19 {dimension_numbers = #tpu.dot_dimension_numbers<[1], [0], [0], [1], [0, 0, 1, 1], [], []>, transpose_lhs_hint = false} : vector<10000x128xf32>, vector<128x128xf32>, vector<10000x128xf32> -> vector<10000x128xf32>
    %swap3A_21 = arith.constant 0 : index
    %swap3A_22 = arith.constant 0 : index
    %swap3A_23 = vector.load %arg9[%swap3A_21, %swap3A_22] : memref<10000x128xf32, #tpu.memory_space<vmem>>, vector<10000x128xf32>
    tpu.vector_store %arg9[%swap3A_21, %swap3A_22], %dot_general3A_20 {strides = array<i32>} : memref<10000x128xf32, #tpu.memory_space<vmem>>, vector<10000x128xf32>,
    %get3A_24 = arith.constant 0 : index
    %get3A_25 = arith.constant 0 : index
    %get3A_26 = vector.load %arg3[%get3A_24, %get3A_25] : memref<128x8xf32, #tpu.memory_space<vmem>>, vector<128x8xf32>
    %dot_general3A_27 = arith.constant dense<0.000000e+00> : vector<8x10000xf32>
    %dot_general3A_28 = tpu.matmul %get3A_26, %dot_general3A_5, %dot_general3A_27 {dimension_numbers = #tpu.dot_dimension_numbers<[0], [1], [1], [0], [0, 1, 1, 0], [], []>, transpose_lhs_hint = false} : vector<128x8xf32>, vector<10000x128xf32>, vector<8x10000xf32> -> vector<8x10000xf32>
    %swap3A_29 = arith.constant 0 : index
    %swap3A_30 = arith.constant 0 : index
    %swap3A_31 = vector.load %arg10[%swap3A_29, %swap3A_30] : memref<8x10000xf32, #tpu.memory_space<vmem>>, vector<8x10000xf32>
    tpu.vector_store %arg10[%swap3A_29, %swap3A_30], %dot_general3A_28 {strides = array<i32>} : memref<8x10000xf32, #tpu.memory_space<vmem>>, vector<8x10000xf32>,
    %get3A_32 = arith.constant 0 : index
    %get3A_33 = arith.constant 0 : index
    %get3A_34 = vector.load %arg4[%get3A_32, %get3A_33] : memref<128x128xf32, #tpu.memory_space<vmem>>, vector<128x128xf32>
    %get3A_35 = arith.constant 0 : index
    %get3A_36 = arith.constant 0 : index
    %get3A_37 = vector.load %arg5[%get3A_35, %get3A_36] : memref<128x128xf32, #tpu.memory_space<vmem>>, vector<128x128xf32>
    %dot_general3A_38 = arith.constant dense<0.000000e+00> : vector<128x128xf32>
    %dot_general3A_39 = tpu.matmul %get3A_34, %get3A_37, %dot_general3A_38 {dimension_numbers = #tpu.dot_dimension_numbers<[1], [0], [0], [1], [0, 0, 1, 1], [], []>, transpose_lhs_hint = false} : vector<128x128xf32>, vector<128x128xf32>, vector<128x128xf32> -> vector<128x128xf32>
    %swap3A_40 = arith.constant 0 : index
    %swap3A_41 = arith.constant 0 : index
    %swap3A_42 = vector.load %arg11[%swap3A_40, %swap3A_41] : memref<128x128xf32, #tpu.memory_space<vmem>>, vector<128x128xf32>
    tpu.vector_store %arg11[%swap3A_40, %swap3A_41], %dot_general3A_39 {strides = array<i32>} : memref<128x128xf32, #tpu.memory_space<vmem>>, vector<128x128xf32>,
    %get3A_43 = arith.constant 0 : index
    %get3A_44 = arith.constant 0 : index
    %get3A_45 = vector.load %arg4[%get3A_43, %get3A_44] : memref<128x128xf32, #tpu.memory_space<vmem>>, vector<128x128xf32>
    %get3A_46 = arith.constant 0 : index
    %get3A_47 = arith.constant 0 : index
    %get3A_48 = vector.load %arg6[%get3A_46, %get3A_47] : memref<128x8xf32, #tpu.memory_space<vmem>>, vector<128x8xf32>
    %dot_general3A_49 = arith.constant dense<0.000000e+00> : vector<128x8xf32>
    %dot_general3A_50 = tpu.matmul %get3A_45, %get3A_48, %dot_general3A_49 {dimension_numbers = #tpu.dot_dimension_numbers<[1], [0], [0], [1], [0, 0, 1, 1], [], []>, transpose_lhs_hint = false} : vector<128x128xf32>, vector<128x8xf32>, vector<128x8xf32> -> vector<128x8xf32>
    %swap3A_51 = arith.constant 0 : index
    %swap3A_52 = arith.constant 0 : index
    %swap3A_53 = vector.load %arg12[%swap3A_51, %swap3A_52] : memref<128x8xf32, #tpu.memory_space<vmem>>, vector<128x8xf32>
    tpu.vector_store %arg12[%swap3A_51, %swap3A_52], %dot_general3A_50 {strides = array<i32>} : memref<128x8xf32, #tpu.memory_space<vmem>>, vector<128x8xf32>,
    return
  }
}

module attributes {stable_mosaic.version = 14 : i64} {
  func.func @_k2_body(%arg0: i32, %arg1: memref<2560x128xf32, #tpu.memory_space<vmem>>, %arg2: memref<128x128xf32, #tpu.memory_space<vmem>>, %arg3: memref<128x8xf32, #tpu.memory_space<vmem>>, %arg4: memref<2560x128xf32, #tpu.memory_space<vmem>>, %arg5: memref<8x2560xf32, #tpu.memory_space<vmem>>) attributes {dimension_semantics = [#tpu.dimension_semantics<arbitrary>], iteration_bounds = array<i64: 125>, scalar_prefetch = 0 : i64, scratch_operands = 0 : i64, tpu.core_type = #tpu.core_type<tc>, window_params = [{transform_indices = @transform_0, window_bounds = array<i64: 2560, 128>}, {pipeline_mode = #tpu.pipeline_mode<synchronous>, transform_indices = @transform_1, window_bounds = array<i64: 128, 128>}, {pipeline_mode = #tpu.pipeline_mode<synchronous>, transform_indices = @transform_2, window_bounds = array<i64: 128, 8>}, {transform_indices = @transform_3, window_bounds = array<i64: 2560, 128>}, {transform_indices = @transform_4, window_bounds = array<i64: 8, 2560>}]} {
    %get3A = arith.constant 0 : index
    %get3A_0 = arith.constant 0 : index
    %get3A_1 = vector.load %arg1[%get3A, %get3A_0] : memref<2560x128xf32, #tpu.memory_space<vmem>>, vector<2560x128xf32>
    %get3A_2 = arith.constant 0 : index
    %get3A_3 = arith.constant 0 : index
    %get3A_4 = vector.load %arg2[%get3A_2, %get3A_3] : memref<128x128xf32, #tpu.memory_space<vmem>>, vector<128x128xf32>
    %dot_general3A = arith.constant dense<0.000000e+00> : vector<2560x128xf32>
    %dot_general3A_5 = tpu.matmul %get3A_1, %get3A_4, %dot_general3A {dimension_numbers = #tpu.dot_dimension_numbers<[1], [0], [0], [1], [0, 0, 1, 1], [], []>, transpose_lhs_hint = false} : vector<2560x128xf32>, vector<128x128xf32>, vector<2560x128xf32> -> vector<2560x128xf32>
    %swap3A = arith.constant 0 : index
    %swap3A_6 = arith.constant 0 : index
    %swap3A_7 = vector.load %arg4[%swap3A, %swap3A_6] : memref<2560x128xf32, #tpu.memory_space<vmem>>, vector<2560x128xf32>
    tpu.vector_store %arg4[%swap3A, %swap3A_6], %dot_general3A_5 {strides = array<i32>} : memref<2560x128xf32, #tpu.memory_space<vmem>>, vector<2560x128xf32>,
    %get3A_8 = arith.constant 0 : index
    %get3A_9 = arith.constant 0 : index
    %get3A_10 = vector.load %arg3[%get3A_8, %get3A_9] : memref<128x8xf32, #tpu.memory_space<vmem>>, vector<128x8xf32>
    %dot_general3A_11 = arith.constant dense<0.000000e+00> : vector<8x2560xf32>
    %dot_general3A_12 = tpu.matmul %get3A_10, %get3A_1, %dot_general3A_11 {dimension_numbers = #tpu.dot_dimension_numbers<[0], [1], [1], [0], [0, 1, 1, 0], [], []>, transpose_lhs_hint = false} : vector<128x8xf32>, vector<2560x128xf32>, vector<8x2560xf32> -> vector<8x2560xf32>
    %swap3A_13 = arith.constant 0 : index
    %swap3A_14 = arith.constant 0 : index
    %swap3A_15 = vector.load %arg5[%swap3A_13, %swap3A_14] : memref<8x2560xf32, #tpu.memory_space<vmem>>, vector<8x2560xf32>
    tpu.vector_store %arg5[%swap3A_13, %swap3A_14], %dot_general3A_12 {strides = array<i32>} : memref<8x2560xf32, #tpu.memory_space<vmem>>, vector<8x2560xf32>,
    return
  }
  func.func @transform_0(%arg0: i32) -> (i32, i32) {
    %c0_i32 = arith.constant 0 : i32
    %c0_i32_0 = arith.constant 0 : i32
    return %arg0, %c0_i32 : i32, i32
  }
  func.func @transform_1(%arg0: i32) -> (i32, i32) {
    %c0_i32 = arith.constant 0 : i32
    %c0_i32_0 = arith.constant 0 : i32
    %c0_i32_1 = arith.constant 0 : i32
    return %c0_i32, %c0_i32_0 : i32, i32
  }
  func.func @transform_2(%arg0: i32) -> (i32, i32) {
    %c0_i32 = arith.constant 0 : i32
    %c0_i32_0 = arith.constant 0 : i32
    %c0_i32_1 = arith.constant 0 : i32
    return %c0_i32, %c0_i32_0 : i32, i32
  }
  func.func @transform_3(%arg0: i32) -> (i32, i32) {
    %c0_i32 = arith.constant 0 : i32
    %c0_i32_0 = arith.constant 0 : i32
    return %arg0, %c0_i32 : i32, i32
  }
  func.func @transform_4(%arg0: i32) -> (i32, i32) {
    %c0_i32 = arith.constant 0 : i32
    %c0_i32_0 = arith.constant 0 : i32
    return %c0_i32, %arg0 : i32, i32
  }
}

module attributes {stable_mosaic.version = 14 : i64} {
  func.func @_k6b_body(%arg0: i32, %arg1: memref<2000x128xf32, #tpu.memory_space<vmem>>, %arg2: memref<32x2x128xf32, #tpu.memory_space<vmem>>, %arg3: memref<1x128xf32, #tpu.memory_space<vmem>>, %arg4: memref<1x128xf32, #tpu.memory_space<vmem>>, %arg5: memref<2000x128xf32, #tpu.memory_space<vmem>>) attributes {dimension_semantics = [#tpu.dimension_semantics<arbitrary>], iteration_bounds = array<i64: 160>, scalar_prefetch = 0 : i64, scratch_operands = 0 : i64, tpu.core_type = #tpu.core_type<tc>, window_params = [{transform_indices = @transform_0, window_bounds = array<i64: 2000, 128>}, {pipeline_mode = #tpu.pipeline_mode<synchronous>, transform_indices = @transform_1, window_bounds = array<i64: 32, 2, 128>}, {pipeline_mode = #tpu.pipeline_mode<synchronous>, transform_indices = @transform_2, window_bounds = array<i64: 1, 128>}, {pipeline_mode = #tpu.pipeline_mode<synchronous>, transform_indices = @transform_3, window_bounds = array<i64: 1, 128>}, {transform_indices = @transform_4, window_bounds = array<i64: 2000, 128>}]} {
    %get3A = arith.constant 0 : index
    %get3A_0 = arith.constant 0 : index
    %get3A_1 = arith.constant 0 : index
    %get3A_2 = vector.load %arg2[%get3A, %get3A_0, %get3A_1] : memref<32x2x128xf32, #tpu.memory_space<vmem>>, vector<32x2x128xf32>
    %slice3A = vector.extract_strided_slice %get3A_2 {offsets = [0, 0, 0], sizes = [32, 1, 128], strides = [1, 1, 1]} : vector<32x2x128xf32> to vector<32x1x128xf32>
    %squeeze3A = vector.shape_cast %slice3A : vector<32x1x128xf32> to vector<32x128xf32>
    %reduce_sum3A = arith.constant dense<0.000000e+00> : vector<128xf32>
    %reduce_sum3A_3 = vector.multi_reduction <add>, %squeeze3A, %reduce_sum3A [0] : vector<32x128xf32> to vector<128xf32>
    %broadcast_in_dim3A = vector.shape_cast %reduce_sum3A_3 : vector<128xf32> to vector<1x128xf32>
    %slice3A_4 = vector.extract_strided_slice %get3A_2 {offsets = [0, 1, 0], sizes = [32, 1, 128], strides = [1, 1, 1]} : vector<32x2x128xf32> to vector<32x1x128xf32>
    %squeeze3A_5 = vector.shape_cast %slice3A_4 : vector<32x1x128xf32> to vector<32x128xf32>
    %reduce_sum3A_6 = arith.constant dense<0.000000e+00> : vector<128xf32>
    %reduce_sum3A_7 = vector.multi_reduction <add>, %squeeze3A_5, %reduce_sum3A_6 [0] : vector<32x128xf32> to vector<128xf32>
    %broadcast_in_dim3A_8 = vector.shape_cast %reduce_sum3A_7 : vector<128xf32> to vector<1x128xf32>
    %mul3A = arith.constant 3.125000e-06 : f32
    %mul3A_9 = vector.broadcast %mul3A : f32 to vector<1x128xf32>
    %mul3A_10 = arith.mulf %broadcast_in_dim3A, %mul3A_9 : vector<1x128xf32>
    %mul3A_11 = arith.constant 3.125000e-06 : f32
    %mul3A_12 = vector.broadcast %mul3A_11 : f32 to vector<1x128xf32>
    %mul3A_13 = arith.mulf %broadcast_in_dim3A_8, %mul3A_12 : vector<1x128xf32>
    %mul3A_14 = arith.mulf %mul3A_10, %mul3A_10 : vector<1x128xf32>
    %sub3A = arith.subf %mul3A_13, %mul3A_14 : vector<1x128xf32>
    %get3A_15 = arith.constant 0 : index
    %get3A_16 = arith.constant 0 : index
    %get3A_17 = vector.load %arg3[%get3A_15, %get3A_16] : memref<1x128xf32, #tpu.memory_space<vmem>>, vector<1x128xf32>
    %add3A = arith.constant 9.99999974E-6 : f32
    %add3A_18 = vector.broadcast %add3A : f32 to vector<1x128xf32>
    %add3A_19 = arith.addf %sub3A, %add3A_18 : vector<1x128xf32>
    %rsqrt3A = math.rsqrt %add3A_19 : vector<1x128xf32>
    %mul3A_20 = arith.mulf %get3A_17, %rsqrt3A : vector<1x128xf32>
    %get3A_21 = arith.constant 0 : index
    %get3A_22 = arith.constant 0 : index
    %get3A_23 = vector.load %arg1[%get3A_21, %get3A_22] : memref<2000x128xf32, #tpu.memory_space<vmem>>, vector<2000x128xf32>
    %sub3A_24 = vector.broadcast %mul3A_10 : vector<1x128xf32> to vector<2000x128xf32>
    %sub3A_25 = arith.subf %get3A_23, %sub3A_24 : vector<2000x128xf32>
    %mul3A_26 = vector.broadcast %mul3A_20 : vector<1x128xf32> to vector<2000x128xf32>
    %mul3A_27 = arith.mulf %sub3A_25, %mul3A_26 : vector<2000x128xf32>
    %get3A_28 = arith.constant 0 : index
    %get3A_29 = arith.constant 0 : index
    %get3A_30 = vector.load %arg4[%get3A_28, %get3A_29] : memref<1x128xf32, #tpu.memory_space<vmem>>, vector<1x128xf32>
    %add3A_31 = vector.broadcast %get3A_30 : vector<1x128xf32> to vector<2000x128xf32>
    %add3A_32 = arith.addf %mul3A_27, %add3A_31 : vector<2000x128xf32>
    %max3A = arith.constant 0.000000e+00 : f32
    %max3A_33 = vector.broadcast %max3A : f32 to vector<2000x128xf32>
    %max3A_34 = arith.maximumf %add3A_32, %max3A_33 : vector<2000x128xf32>
    %swap3A = arith.constant 0 : index
    %swap3A_35 = arith.constant 0 : index
    %swap3A_36 = vector.load %arg5[%swap3A, %swap3A_35] : memref<2000x128xf32, #tpu.memory_space<vmem>>, vector<2000x128xf32>
    tpu.vector_store %arg5[%swap3A, %swap3A_35], %max3A_34 {strides = array<i32>} : memref<2000x128xf32, #tpu.memory_space<vmem>>, vector<2000x128xf32>,
    return
  }
  func.func @transform_0(%arg0: i32) -> (i32, i32) {
    %c0_i32 = arith.constant 0 : i32
    %c0_i32_0 = arith.constant 0 : i32
    return %arg0, %c0_i32 : i32, i32
  }
  func.func @transform_1(%arg0: i32) -> (i32, i32, i32) {
    %c0_i32 = arith.constant 0 : i32
    %c0_i32_0 = arith.constant 0 : i32
    %c0_i32_1 = arith.constant 0 : i32
    %c0_i32_2 = arith.constant 0 : i32
    return %c0_i32, %c0_i32_0, %c0_i32_1 : i32, i32, i32
  }
  func.func @transform_2(%arg0: i32) -> (i32, i32) {
    %c0_i32 = arith.constant 0 : i32
    %c0_i32_0 = arith.constant 0 : i32
    %c0_i32_1 = arith.constant 0 : i32
    return %c0_i32, %c0_i32_0 : i32, i32
  }
  func.func @transform_3(%arg0: i32) -> (i32, i32) {
    %c0_i32 = arith.constant 0 : i32
    %c0_i32_0 = arith.constant 0 : i32
    %c0_i32_1 = arith.constant 0 : i32
    return %c0_i32, %c0_i32_0 : i32, i32
  }
  func.func @transform_4(%arg0: i32) -> (i32, i32) {
    %c0_i32 = arith.constant 0 : i32
    %c0_i32_0 = arith.constant 0 : i32
    return %arg0, %c0_i32 : i32, i32
  }
}

module attributes {stable_mosaic.version = 14 : i64} {
  func.func @_k5_body(%arg0: memref<2x10000x128xf32, #tpu.memory_space<vmem>>, %arg1: memref<32x10000xf32, #tpu.memory_space<vmem>>, %arg2: memref<1x128xf32, #tpu.memory_space<vmem>>, %arg3: memref<1x128xf32, #tpu.memory_space<vmem>>, %arg4: memref<10000x128xf32, #tpu.memory_space<vmem>>) attributes {dimension_semantics = [], scalar_prefetch = 0 : i64, scratch_operands = 0 : i64, tpu.core_type = #tpu.core_type<tc>} {
    %get3A = arith.constant 0 : index
    %get3A_0 = arith.constant 0 : index
    %get3A_1 = arith.constant 0 : index
    %get3A_2 = vector.load %arg0[%get3A, %get3A_0, %get3A_1] : memref<2x10000x128xf32, #tpu.memory_space<vmem>>, vector<1x10000x128xf32>
    %get3A_3 = vector.shape_cast %get3A_2 : vector<1x10000x128xf32> to vector<10000x128xf32>
    %get3A_4 = arith.constant 1 : index
    %get3A_5 = arith.constant 0 : index
    %get3A_6 = arith.constant 0 : index
    %get3A_7 = vector.load %arg0[%get3A_4, %get3A_5, %get3A_6] : memref<2x10000x128xf32, #tpu.memory_space<vmem>>, vector<1x10000x128xf32>
    %get3A_8 = vector.shape_cast %get3A_7 : vector<1x10000x128xf32> to vector<10000x128xf32>
    %add3A = arith.addf %get3A_3, %get3A_8 : vector<10000x128xf32>
    %get3A_9 = arith.constant 0 : index
    %get3A_10 = arith.constant 0 : index
    %get3A_11 = vector.load %arg1[%get3A_9, %get3A_10] : memref<32x10000xf32, #tpu.memory_space<vmem>>, vector<32x10000xf32>
    %reduce_sum3A = arith.constant dense<0.000000e+00> : vector<10000xf32>
    %reduce_sum3A_12 = vector.multi_reduction <add>, %get3A_11, %reduce_sum3A [0] : vector<32x10000xf32> to vector<10000xf32>
    %eq3A = arith.constant 0.000000e+00 : f32
    %eq3A_13 = vector.broadcast %eq3A : f32 to vector<10000xf32>
    %eq3A_14 = arith.cmpf oeq, %reduce_sum3A_12, %eq3A_13 : vector<10000xf32>
    %jit3A = arith.constant 1.000000e+00 : f32
    %broadcast_in_dim3A = vector.broadcast %jit3A : f32 to vector<10000xf32>
    %select_n3A = arith.select %eq3A_14, %broadcast_in_dim3A, %reduce_sum3A_12 : vector<10000xi1>, vector<10000xf32>
    %broadcast_in_dim3A_15 = vector.shape_cast %select_n3A : vector<10000xf32> to vector<10000x1xf32>
    %div3A = vector.broadcast %broadcast_in_dim3A_15 : vector<10000x1xf32> to vector<10000x128xf32>
    %div3A_16 = arith.divf %add3A, %div3A : vector<10000x128xf32>
    %reduce_sum3A_17 = arith.constant dense<0.000000e+00> : vector<128xf32>
    %reduce_sum3A_18 = vector.multi_reduction <add>, %div3A_16, %reduce_sum3A_17 [0] : vector<10000x128xf32> to vector<128xf32>
    %broadcast_in_dim3A_19 = vector.shape_cast %reduce_sum3A_18 : vector<128xf32> to vector<1x128xf32>
    %div3A_20 = arith.constant 1.000000e+04 : f32
    %div3A_21 = vector.broadcast %div3A_20 : f32 to vector<1x128xf32>
    %div3A_22 = arith.divf %broadcast_in_dim3A_19, %div3A_21 : vector<1x128xf32>
    %mul3A = arith.mulf %div3A_16, %div3A_16 : vector<10000x128xf32>
    %reduce_sum3A_23 = arith.constant dense<0.000000e+00> : vector<128xf32>
    %reduce_sum3A_24 = vector.multi_reduction <add>, %mul3A, %reduce_sum3A_23 [0] : vector<10000x128xf32> to vector<128xf32>
    %broadcast_in_dim3A_25 = vector.shape_cast %reduce_sum3A_24 : vector<128xf32> to vector<1x128xf32>
    %div3A_26 = arith.constant 1.000000e+04 : f32
    %div3A_27 = vector.broadcast %div3A_26 : f32 to vector<1x128xf32>
    %div3A_28 = arith.divf %broadcast_in_dim3A_25, %div3A_27 : vector<1x128xf32>
    %mul3A_29 = arith.mulf %div3A_22, %div3A_22 : vector<1x128xf32>
    %sub3A = arith.subf %div3A_28, %mul3A_29 : vector<1x128xf32>
    %get3A_30 = arith.constant 0 : index
    %get3A_31 = arith.constant 0 : index
    %get3A_32 = vector.load %arg2[%get3A_30, %get3A_31] : memref<1x128xf32, #tpu.memory_space<vmem>>, vector<1x128xf32>
    %add3A_33 = arith.constant 9.99999974E-6 : f32
    %add3A_34 = vector.broadcast %add3A_33 : f32 to vector<1x128xf32>
    %add3A_35 = arith.addf %sub3A, %add3A_34 : vector<1x128xf32>
    %rsqrt3A = math.rsqrt %add3A_35 : vector<1x128xf32>
    %mul3A_36 = arith.mulf %get3A_32, %rsqrt3A : vector<1x128xf32>
    %sub3A_37 = vector.broadcast %div3A_22 : vector<1x128xf32> to vector<10000x128xf32>
    %sub3A_38 = arith.subf %div3A_16, %sub3A_37 : vector<10000x128xf32>
    %mul3A_39 = vector.broadcast %mul3A_36 : vector<1x128xf32> to vector<10000x128xf32>
    %mul3A_40 = arith.mulf %sub3A_38, %mul3A_39 : vector<10000x128xf32>
    %get3A_41 = arith.constant 0 : index
    %get3A_42 = arith.constant 0 : index
    %get3A_43 = vector.load %arg3[%get3A_41, %get3A_42] : memref<1x128xf32, #tpu.memory_space<vmem>>, vector<1x128xf32>
    %add3A_44 = vector.broadcast %get3A_43 : vector<1x128xf32> to vector<10000x128xf32>
    %add3A_45 = arith.addf %mul3A_40, %add3A_44 : vector<10000x128xf32>
    %max3A = arith.constant 0.000000e+00 : f32
    %max3A_46 = vector.broadcast %max3A : f32 to vector<10000x128xf32>
    %max3A_47 = arith.maximumf %add3A_45, %max3A_46 : vector<10000x128xf32>
    %swap3A = arith.constant 0 : index
    %swap3A_48 = arith.constant 0 : index
    %swap3A_49 = vector.load %arg4[%swap3A, %swap3A_48] : memref<10000x128xf32, #tpu.memory_space<vmem>>, vector<10000x128xf32>
    tpu.vector_store %arg4[%swap3A, %swap3A_48], %max3A_47 {strides = array<i32>} : memref<10000x128xf32, #tpu.memory_space<vmem>>, vector<10000x128xf32>,
    return
  }
}

</mosaic_0001>

<sc_bundles>
// kernel: kernel.12.cloned.1.call-start
scs
__scs_entry_jumppad:
0x0: {  	(pc) =	sbr.rel $0x88, $3  }
0x1: {  	(tag) =	ssettag $0x0;
	lr =	simm.s32 $0x1  }
0x2: {  	[smem:$0x3F96] =	sst lr;
	_ =	strace $0xD0000000  }
0x3: {  	_ = 	snop  }
0x4: {  	_ = 	snop  }
0x5: {  	_ = 	snop  }
0x6: {  	_ = 	snop  }
0x7: {  	_ = 	snop  }
__scs_overlays_trampoline_lowered:
0x8: {  	[smem:$0x3FA5] =	sst s0  }
0x9: {  	[smem:$0x3FA6] =	sst s1  }
0xa: {  	[smem:$0x3FA7] =	sst s2  }
0xb: {  	[smem:$0x3FA8] =	sst s3  }
0xc: {  	[smem:$0x3FA9] =	sst s4  }
0xd: {  	[smem:$0x3FAA] =	sst s5  }
0xe: {  	[smem:$0x3FAB] =	sst s6  }
0xf: {  	[smem:$0x3FAC] =	sst s7  }
0x10: {  	[smem:$0x3FAD] =	sst s8  }
0x11: {  	[smem:$0x3FAE] =	sst s9;
	s0 =	simm.s32 @!p0 $0x0  }
0x12: {  	s1 =	sld [smem:$0x3F94];
	s0 =	simm.s32 @p0 $0x1  }
0x13: {  	[smem:$0x3FAF] =	sst s0;
	s0 =	simm.s32 @!p1 $0x0  }
0x14: {  	s2 =	sld [smem:$0x3F93];
	s0 =	simm.s32 @p1 $0x1  }
0x15: {  	[smem:$0x3FB0] =	sst s0;
	s0 =	simm.s32 @!p2 $0x0  }
0x16: {  	s3 =	sld [smem:$0x3FDB];
	s0 =	simm.s32 @p2 $0x1  }
0x17: {  	s4 =	simm.s32 $0x1BF5;
	[smem:$0x3FB2] =	sst s0  }
0x18: {  	s0 =	sld [smem:$0x3F95];
	_ =	swait.ge [sflag:s4], $0x0  }
0x19: {  	s7 =	sld [smem:$0x3F96]  }
0x1a: {  	s8 =	sadd.s32 $0xFFFFE003, lr  }
0x1b: {  	s9 =	sadd.s32 $0xFFFFFEF7, lr;
	s5 =	simm.s32 $0xFFFFFFFF;
	p2 =	slt.u32 s8, $0xFFFFF086  }
0x1c: {  	p1 =	slt.u32 s9, $0xF7A;
	s5 =	simm.s32 @!p2 $0x0  }
0x1d: {  	s5 =	simm.s32 @p1 $0x1;
	p0 =	seq.s32 s7, s2  }
0x1e: {  	s7 =	smul.u32 @!p0 $0xF7A, s2;
	p2 =	seq.s32 @!p0 s5, $0x0  }
0x1f: {  	s9 =	smul.u32 $0xF7A, s1;
	s8 =	simm.s32 @!p0 $0x1BF5;
	p2 =	por !p2, p0  }
0x20: {  	[sflag:s8] =	ssyncset.s32 @!p0 $0xFFFFF086;
	s6 =	sadd.s32 @!p0 s3, s7;
	s7 =	simm.s32 @!p0 $0x108  }
0x21: {  	s3 =	sadd.s32 s3, s9;
	s6 =	sadd.s32 @!p0 $0x88, s6;
	s7 =	simm.s32 @p2 $0x1082  }
0x22: {  	[simem:s7], [sflag:s8] =	dma.local @!p0 [hbm:s6], $0xF7A  }
0x23: {  	s9 =	sor.u32 $0xD0000000, s2;
	s6 =	simm.s32 $0x108;
	_ =	swait.ge @!p0 [sflag:s8], $0x0  }
0x24: {  	s3 =	sadd.s32 $0x88, s3;
	s6 =	simm.s32 @!p1 $0x1082;
	[sflag:s4] =	ssyncset.s32 $0xFFFFF086  }
0x25: {  	[simem:s6], [sflag:s4] =	dma.local [hbm:s3], $0xF7A  }
0x26: {  	[smem:$0x3F96] =	sst s1;
	(tag) =	ssettag s2;
	_ =	strace s9  }
0x27: {  	s1 =	sld [smem:$0x3FA6]  }
0x28: {  	s2 =	sld [smem:$0x3FA7]  }
0x29: {  	s4 =	sld [smem:$0x3FA9]  }
0x2a: {  	p0 =	seq.s32 s5, $0x0;
	s5 =	sld [smem:$0x3FAA]  }
0x2b: {  	s6 =	sld [smem:$0x3FAB]  }
0x2c: {  	s7 =	sld [smem:$0x3FAC]  }
0x2d: {  	s3 =	simm.s32 $0x108;
	s8 =	sld [smem:$0x3FAD]  }
0x2e: {  	s3 =	simm.s32 @!p0 $0x1082;
	s9 =	sld [smem:$0x3FAE]  }
0x2f: {  	lr =	sadd.s32 s0, s3;
	s0 =	sld [smem:$0x3FA5]  }
0x30: {  	s3 =	sld [smem:$0x3FA8]  }
0x31: {  	[smem:$0x3FB1] =	sst s10  }
0x32: {  	s10 =	sld [smem:$0x3FAF];
	_ =	sdelay $0x3  }
0x33: {  	p0 =	seq.s32 s10, $0x1;
	s10 =	sld [smem:$0x3FB1];
	_ =	sdelay $0x3  }
0x34: {  	[smem:$0x3FB1] =	sst s10  }
0x35: {  	s10 =	sld [smem:$0x3FB0];
	_ =	sdelay $0x3  }
0x36: {  	p1 =	seq.s32 s10, $0x1;
	s10 =	sld [smem:$0x3FB1];
	_ =	sdelay $0x3  }
0x37: {  	[smem:$0x3FB1] =	sst s10  }
0x38: {  	s10 =	sld [smem:$0x3FB2]  }
0x39: {  	_ = 	snop;
	(pc) =	sbr.ind lr, $3  }
0x3a: {  	_ = 	snop  }
0x3b: {  	_ = 	snop  }
0x3c: {  	p2 =	seq.s32 s10, $0x1;
	s10 =	sld [smem:$0x3FB1]  }
0x3d: {  	_ =	shalt  }
0x3e: {  	_ =	shalt  }
0x3f: {  	_ =	shalt  }
0x40: {  	_ =	shalt  }
0x41: {  	_ =	shalt  }
0x42: {  	_ =	shalt  }
0x43: {  	_ =	shalt  }
0x44: {  	_ =	shalt  }
0x45: {  	_ =	shalt  }
0x46: {  	_ =	shalt  }
0x47: {  	_ =	shalt  }
0x48: {  	_ =	shalt  }
0x49: {  	_ =	shalt  }
0x4a: {  	_ =	shalt  }
0x4b: {  	_ =	shalt  }
0x4c: {  	_ =	shalt  }
0x4d: {  	_ =	shalt  }
0x4e: {  	_ =	shalt  }
0x4f: {  	_ =	shalt  }
0x50: {  	_ =	shalt  }
0x51: {  	_ =	shalt  }
0x52: {  	_ =	shalt  }
0x53: {  	_ =	shalt  }
0x54: {  	_ =	shalt  }
0x55: {  	_ =	shalt  }
0x56: {  	_ =	shalt  }
0x57: {  	_ =	shalt  }
0x58: {  	_ =	shalt  }
0x59: {  	_ =	shalt  }
0x5a: {  	_ =	shalt  }
0x5b: {  	_ =	shalt  }
0x5c: {  	_ =	shalt  }
0x5d: {  	_ =	shalt  }
0x5e: {  	_ =	shalt  }
0x5f: {  	_ =	shalt  }
0x60: {  	_ =	shalt  }
0x61: {  	_ =	shalt  }
0x62: {  	_ =	shalt  }
0x63: {  	_ =	shalt  }
0x64: {  	_ =	shalt  }
0x65: {  	_ =	shalt  }
0x66: {  	_ =	shalt  }
0x67: {  	_ =	shalt  }
0x68: {  	_ =	shalt  }
0x69: {  	_ =	shalt  }
0x6a: {  	_ =	shalt  }
0x6b: {  	_ =	shalt  }
0x6c: {  	_ =	shalt  }
0x6d: {  	_ =	shalt  }
0x6e: {  	_ =	shalt  }
0x6f: {  	_ =	shalt  }
0x70: {  	_ =	shalt  }
0x71: {  	_ =	shalt  }
0x72: {  	_ =	shalt  }
0x73: {  	_ =	shalt  }
0x74: {  	_ =	shalt  }
0x75: {  	_ =	shalt  }
0x76: {  	_ =	shalt  }
0x77: {  	_ =	shalt  }
0x78: {  	_ =	shalt  }
0x79: {  	_ =	shalt  }
0x7a: {  	_ =	shalt  }
0x7b: {  	_ =	shalt  }
0x7c: {  	_ =	shalt  }
0x7d: {  	_ =	shalt  }
0x7e: {  	_ =	shalt  }
0x7f: {  	_ =	shalt  }
0x80: {  	_ =	shalt  }
0x81: {  	_ =	shalt  }
0x82: {  	_ =	shalt  }
0x83: {  	_ =	shalt  }
0x84: {  	_ =	shalt  }
0x85: {  	_ =	shalt  }
0x86: {  	_ =	shalt  }
0x87: {  	_ =	shalt  }
.Lfunc_end0:
.L_simem_size_0:
called_computation.1_lowered:
.L_overlay_start_0:
0x88: {  	s2 =	sld [smem:$0x3FD9]  }
0x89: {  	s3 =	sld [smem:$0x3FFE];
	_ =	sdelay $0x1  }
0x8a: {  	s1 =	srdreg.scid  }
0x8b: {  	s0 =	sand.u32 $0x1, s1  }
0x8c: {  	s15 =	sshll.u32 s0, $0xA;
	s2 =	sadd.s32 s3, s2  }
0x8d: {  	s2 =	sadd.s32 s2, s15  }
0x8e: {  	[smem:$0x3FBD] =	sst s2  }
0x8f: {  	_ = 	snop  }
0x90: {  	s2 =	sld [smem:$0x3FD0];
	_ =	sdelay $0x2  }
0x91: {  	s16 =	simm.s32 $0xB;
	s4 =	simm.s32 $0x10  }
0x92: {  	[smem:s4], [sflag:s16] =	dma.local [hbm:s2], $0x1  }
0x93: {  	_ =	swait.eq [sflag:s16], $0x1  }
0x94: {  	[sflag:s16] =	ssyncset.done $0x0  }
0x95: {  	[sflag:s16] =	ssyncadd.s32 $0xFFFFFFFF  }
0x96: {  	s17 =	sld [smem:$0x11];
	(tm) =	ssettm $0x1  }
0x97: {  	s18 =	sld [smem:$0x3FFB];
	_ =	sdelay $0x3  }
0x98: {  	_ =	strace s18  }
0x99: {  	s2 =	sld [smem:$0x3FFC];
	_ =	sdelay $0x3  }
0x9a: {  	_ =	strace s2  }
0x9b: {  	s2 =	sld [smem:$0x3FFD];
	_ =	sdelay $0x3  }
0x9c: {  	_ =	strace s2  }
0x9d: {  	_ =	strace $0x8FFFFFFF  }
0x9e: {  	s19 =	sld [smem:$0x3FDB];
	_ =	sdelay $0x1  }
0x9f: {  	s20 =	simm.s32 $_scs_section_size  }
0xa0: {  	s5 =	simm.s32 $_size__tile_overlayer_lowered;
	s6 =	simm.s32 $_tile_overlayer_lowered  }
0xa1: {  	s7 =	simm.s32 $0x1BFF;
	s21 =	sshll.u32 s6, $0x1;
	s4 =	sadd.s32 s20, s19  }
0xa2: {  	s22 =	simm.s32 $0x0;
	s5 =	sshll.u32 s5, $0x1;
	s6 =	sadd.s32 s21, s4  }
0xa3: {  	[timem:s22], [sflag:s7] =	dma.local [hbm:s6], s5  }
0xa4: {  	_ =	swait.ge [sflag:s7], s5  }
0xa5: {  	s5 =	ssub.s32 $0x0, s5;
	[sflag:s7] =	ssyncset.done $0x0  }
0xa6: {  	[sflag:s7] =	ssyncadd.s32 s5;
	_ =	sdelay $0x1  }
0xa7: {  	s23 =	simm.s32 $0x1B8B  }
0xa8: {  	_ =	swait.ge [sflag:s23], $0x1  }
0xa9: {  	[sflag:s23] =	ssyncset.done $0x0  }
0xaa: {  	[sflag:s23] =	ssyncadd.s32 $0xFFFFFFFF  }
0xab: {  	s5 =	sld [smem:$0x0]  }
0xac: {  	s6 =	sand.u32 $0xFFFFFFFE, s1  }
0xad: {  	p0 =	sne.s32 s1, s6  }
0xae: {  	s6 =	sshll.u32 @p0 s6, $0xE  }
0xaf: {  	s6 =	sadd.s32 @p0 $0x11B8D, s6;
	s7 =	sshll.u32 @p0 s5, $0x11  }
0xb0: {  	s6 =	sor.u32 @p0 s7, s6  }
0xb1: {  	[sflag:s6] =	ssyncadd.remote.s32 @p0 $0x1;
	_ =	sdelay $0x1  }
0xb2: {  	s6 =	simm.s32 @p0 $0x1B8D  }
0xb3: {  	_ =	swait.eq @p0 [sflag:s6], $0x1  }
0xb4: {  	[sflag:s6] =	ssyncadd.s32 @p0 $0xFFFFFFFF  }
0xb5: {  	s7 =	sshll.u32 @!p0 s1, $0xE  }
0xb6: {  	s7 =	sor.u32 @!p0 $0x4000, s7;
	s6 =	simm.s32 @!p0 $0x1B8D  }
0xb7: {  	s5 =	sshll.u32 @!p0 s5, $0x11;
	s7 =	sadd.s32 @!p0 $0x11B8D, s7;
	_ =	swait.eq @!p0 [sflag:s6], $0x1  }
0xb8: {  	s5 =	sor.u32 @!p0 s5, s7;
	[sflag:s6] =	ssyncadd.s32 @!p0 $0xFFFFFFFF  }
0xb9: {  	s25 =	simm.s32 $0x1B8E;
	s24 =	sld [smem:$0x3FFE];
	[sflag:s5] =	ssyncadd.remote.s32 @!p0 $0x1  }
0xba: {  	s26 =	simm.s32 $execute0_lowered;
	[smem:$0x3FD2] =	sst s25  }
0xbb: {  	s6 =	sshll.u32 s26, $0x1;
	_ =	strace $0x80000049;
	[dreg:$0x1] =	wrdreg $0xFFFFFFFF  }
0xbc: {  	s28 =	simm.s32 $_size_execute0_lowered;
	s4 =	sadd.s32 s4, s6;
	[dreg:$0x0] =	wrdreg $0x0  }
0xbd: {  	s6 =	sshll.u32 s28, $0x1;
	[dreg:$0x2] =	wrdreg s4  }
0xbe: {  	[dreg:$0x3] =	wrdreg s6  }
0xbf: {  	[dreg:$0x4] =	wrdreg $0xC0  }
0xc0: {  	_ =	task [dreg:s22], $0x5FFFF  }
0xc1: {  	[dreg:$0x1] =	wrdreg $0xFFFFFFFF  }
0xc2: {  	[dreg:$0x0] =	wrdreg $0x60  }
0xc3: {  	[dreg:$0x2] =	wrdreg s17  }
0xc4: {  	[dreg:$0x3] =	wrdreg s24  }
0xc5: {  	[dreg:$0x4] =	wrdreg $0x9  }
0xc6: {  	_ =	task.clear_ibuf [dreg:s22], $0x5FFFF;
	_ =	strace $0x90000049  }
0xc7: {  	s29 =	simm.s32 $0x9;
	_ =	strace $0x8000004B  }
0xc8: {  	_ =	swait.ge [sflag:s29], $0x1  }
0xc9: {  	[sflag:s29] =	ssyncadd.s32 $0xFFFFFFFF  }
0xca: {  	_ =	strace $0x9000004B  }
0xcb: {  	_ =	sfence  }
0xcc: {  	s30 =	sld [smem:$0x0];
	_ =	sdelay $0x2  }
0xcd: {  	s31 =	sshll.u32 s1, $0xD;
	s1 =	sshrl.u32 s1, $0x2  }
0xce: {  	s4 =	sand.u32 $0x4000, s31;
	s1 =	sadd.s32 s1, s30  }
0xcf: {  	s0 =	sor.u32 s4, s0;
	s1 =	sshll.u32 s1, $0x11  }
0xd0: {  	s0 =	sor.u32 s1, s0  }
0xd1: {  	s0 =	sadd.s32 $0x8F2B, s0  }
0xd2: {  	[sflag:s0] =	ssyncadd.remote.s32 $0x1  }
0xd3: {  	_ =	sfence.sel $0xFFFF  }
0xd4: {  	[dreg:$0x0] =	wrdreg $0xFFFFFFFF;
	(pc) =	sbr.abs _section_cstart, $3  }
0xd5: {  	[dreg:$0x1] =	wrdreg $0xFFFFFFFF  }
0xd6: {  	_ =	task.clear_ibuf [dreg:s22], $0x2FFFF;
	_ =	strace $0x9FFFFFFF  }
0xd7: {  	(tm) =	ssettm $0x7FFFFFFF  }
tec
execute0_lowered:
.L_overlay_start_1:
0x0: {  	(tag) =	ssettag $0x1  }
0x1: {  	s0 =	srdreg.scid;
	s2 =	rddreg [dreg:$0x0]  }
0x2: {  	s1 =	stileid.u32;
	s8 =	rddreg [dreg:$0x1]  }
0x3: {  	s3 =	simm.s32 $0x0;
	s17 =	simm.s32 $0x5;
	s19 =	simm.s32 $0x4F00  }
0x4: {  	s20 =	simm.s32 $0x50;
	s21 =	simm.s32 $0x9F00;
	s22 =	simm.s32 $0xEF00  }
0x5: {  	s28 =	simm.s32 $0x1;
	s29 =	simm.s32 $0x13F00;
	s30 =	simm.s32 $0x2  }
0x6: {  	s31 =	simm.s32 $0x16700;
	s0 =	sand.u32 $0x1, s0;
	s1 =	sshll.u32 s1, $0x1  }
0x7: {  	[smem:$0x7FF] =	sst s3;
	s5 =	sadd.s32 $0x16600, s8;
	s1 =	sor.u32 s0, s1  }
0x8: {  	s6 =	sadd.s32 $0x3D800, s8;
	s0 =	ssub.s32 $0x2, s0;
	s4 =	smul.u32 $0x2710, s1  }
0x9: {  	_ =	strace $0x8000004A;
	s11 =	smul.u32 $0x138800, s1;
	s24 =	sshrl.u32 s0, $0x1  }
0xa: {  	s10 =	sshll.u32 s1, $0x5;
	s1 =	smul.u32 $0x27100, s1;
	s0 =	ssub.s32 s0, s24  }
0xb: {  	s7 =	sshrl.u32 s4, $0x3;
	s12 =	sshrl.u32 s11, $0x3;
	s16 =	smax.u32 s0, $0x1  }
0xc: {  	s0 =	simm.s32 $0x4;
	s9 =	sadd.s32 s7, s8;
	s7 =	sadd.s32 $0xC9400, s8  }
0xd: {  	s8 =	sadd.s32 s10, s8;
	s11 =	sadd.s32 s2, s12;
	s10 =	sadd.s32 s2, s1  }
0xe: {  	s1 =	simm.s32 $0x3;
	s25 =	sadd.s32 $0x2C00, s9;
	s9 =	sadd.s32 $0xC840, s9  }
0xf: {  	s11 =	sadd.s32 $0x500, s11;
	s26 =	sadd.s32 s7, s12;
	s12 =	sadd.s32 $0x50, s4  }
0x10: {  	s14 =	sadd.s32 $0xC9000, s8;
	s15 =	sadd.s32 $0xC9010, s8;
	[dreg:$0x3] =	wrdreg s25  }
0x11: {  	[dreg:$0x4] =	wrdreg s9;
	s13 =	sadd.s32 $0x26C00, s26;
	s25 =	simm.s32 $0x0  }
.LBB2_1:
0x12: {  	s8 =	rddreg [dreg:$0x3]  }
0x13: {  	[tilespmem:s3], [sflag:$0x5] =	stream.linear.gather [hbm4b:s8+s3], $0x2710, $0x38;
	[tilespmem:$0x19000] =	vst v63  }
0x14: {  	_ =	swait.ge [sflag:s17], $0x2710  }
0x15: {  	[sflag:s17] =	ssyncset.done $0x0  }
0x16: {  	s9 =	simm.s32 $0x2780;
	s26 =	rddreg [dreg:$0x4];
	[sflag:s17] =	ssyncadd.s32 $0xFFFFD8F0  }
0x17: {  	[tilespmem:s9], [sflag:$0x5] =	stream.linear.gather [hbm4b:s26+s3], $0x2710, $0x38;
	[tilespmem:$0x19000] =	vst v63  }
0x18: {  	_ =	swait.ge [sflag:s17], $0x2710  }
0x19: {  	[sflag:s17] =	ssyncset.done $0x0  }
0x1a: {  	[sflag:s17] =	ssyncadd.s32 $0xFFFFD8F0  }
0x1b: {  	[tilespmem:s19], [sflag:$0x1] =	stream.linear.gather [hbm4b:s10+s3], $0x2800, $0x38;
	[tilespmem:$0x19000] =	vst v63  }
0x1c: {  	_ = 	snop  }
0x1d: {  	[tilespmem:s21], [sflag:$0x1] =	stream.indirect.gather [hbm4b:s5+s20], $0x80, s3, s20, $0xb8;
	[tilespmem:$0x19000] =	vst v63  }
0x1e: {  	_ = 	snop  }
0x1f: {  	[tilespmem:s22], [sflag:$0x1] =	stream.indirect.gather [hbm4b:s6+s20], $0x80, s9, s20, $0xb8;
	[tilespmem:$0x19000] =	vst v63  }
0x20: {  	s18 =	simm.s32 $0x7700  }
0x21: {  	v0 =	vimm.f32 $0.0e+00;
	[tilespmem:s18], [sflag:$0x2] =	stream.linear.gather [hbm4b:s11+s3], $0x2800, $0x38;
	[tilespmem:$0x19000] =	vst v63  }
0x22: {  	s23 =	simm.s32 $0xC700;
	v14 =	vimm.f32 $0.0e+00;
	v1 =	vimm.f32 $0.0e+00;
	v3 =	vimm.f32 $0.0e+00  }
0x23: {  	v6 =	vimm.f32 $0.0e+00;
	v7 =	vimm.f32 $0.0e+00;
	v9 =	vimm.f32 $0.0e+00;
	[tilespmem:s23], [sflag:$0x2] =	stream.indirect.gather [hbm4b:s5+s20], $0x80, s20, s20, $0xb8;
	[tilespmem:$0x19000] =	vst v63  }
0x24: {  	s24 =	simm.s32 $0x27D0;
	v11 =	vimm.f32 $0.0e+00;
	v13 =	vimm.f32 $0.0e+00;
	v2 =	vimm.f32 $0.0e+00;
	s26 =	simm.s32 $0x11700  }
0x25: {  	v4 =	vimm.f32 $0.0e+00;
	v5 =	vimm.f32 $0.0e+00;
	v8 =	vimm.f32 $0.0e+00;
	[tilespmem:s26], [sflag:$0x2] =	stream.indirect.gather [hbm4b:s6+s20], $0x80, s24, s20, $0xb8;
	[tilespmem:$0x19000] =	vst v63  }
0x26: {  	v10 =	vimm.f32 $0.0e+00;
	v12 =	vimm.f32 $0.0e+00;
	v15 =	vimm.f32 $0.0e+00;
	s26 =	simm.s32 $0x0  }
.LBB2_2:
0x27: {  	_ =	swait.ge [sflag:s28], $0x2800  }
0x28: {  	[sflag:s28] =	ssyncset.done $0x0  }
0x29: {  	[sflag:s28] =	ssyncadd.s32 $0xFFFFD800  }
0x2a: {  	_ =	swait.ge [sflag:s28], $0x2800  }
0x2b: {  	[sflag:s28] =	ssyncset.done $0x0  }
0x2c: {  	[sflag:s28] =	ssyncadd.s32 $0xFFFFD800  }
0x2d: {  	_ =	swait.ge [sflag:s28], $0x2800  }
0x2e: {  	p0 =	seq.s32 s26, $0x0;
	[sflag:s28] =	ssyncset.done $0x0  }
0x2f: {  	s8 =	simm.s32 @!p0 $0x3;
	[sflag:s28] =	ssyncadd.s32 $0xFFFFD800  }
0x30: {  	_ =	swait.ge @!p0 [sflag:s8], $0x2800  }
0x31: {  	[sflag:s8] =	ssyncset.done @!p0 $0x0  }
0x32: {  	s23 =	simm.s32 $0x0;
	[sflag:s8] =	ssyncadd.s32 @!p0 $0xFFFFD800  }
0x33: {  	v16 =	vld [tilespmem:s23+$0x4F70]  }
0x34: {  	v17 =	vld [tilespmem:s23+$0x9F70]  }
0x35: {  	v18 =	vld [tilespmem:s23+$0x4F00]  }
0x36: {  	v19 =	vld [tilespmem:s23+$0xEF70]  }
0x37: {  	v20 =	vld [tilespmem:s23+$0x9F00]  }
0x38: {  	v21 =	vld [tilespmem:s23+$0x4F10]  }
0x39: {  	v22 =	vld [tilespmem:s23+$0x9F10]  }
0x3a: {  	v23 =	vld [tilespmem:s23+$0x9F20]  }
0x3b: {  	v24 =	vld [tilespmem:s23+$0x9F30]  }
0x3c: {  	v25 =	vld [tilespmem:s23+$0x4F40]  }
0x3d: {  	v28 =	vld [tilespmem:s23+$0x9F40]  }
0x3e: {  	v29 =	vld [tilespmem:s23+$0x4F50]  }
0x3f: {  	v30 =	vld [tilespmem:s23+$0x9F50]  }
0x40: {  	v31 =	vld [tilespmem:s23+$0x4F60]  }
0x41: {  	v33 =	vld [tilespmem:s23+$0xEF00]  }
0x42: {  	v32 =	vld [tilespmem:s23+$0x9F60]  }
0x43: {  	v34 =	vld [tilespmem:s23+$0xEF10];
	v16 =	vadd.f32 v17, v16  }
0x44: {  	v17 =	vld [tilespmem:s23+$0x4F20];
	v18 =	vadd.f32 v20, v18  }
0x45: {  	v16 =	vadd.f32 v19, v16;
	v19 =	vld [tilespmem:s23+$0x4F30]  }
0x46: {  	v35 =	vld [tilespmem:s23+$0xEF20];
	v36 =	vadd.f32 v22, v21;
	v18 =	vadd.f32 v33, v18  }
0x47: {  	v27 =	vld [tilespmem:s23+$0xEF30];
	v22 =	vadd.f32 v28, v25;
	v21 =	vadd.f32 v32, v31  }
0x48: {  	v26 =	vld [tilespmem:s23+$0xEF40];
	v20 =	vmul.f32 v16, v16;
	v13 =	vadd.f32 v16, v13;
	v15 =	vadd.f32 v18, v15  }
0x49: {  	v25 =	vld [tilespmem:s23+$0xEF50];
	[tilespmem:s23+$0x13F70] =	vst v16;
	v16 =	vadd.f32 v23, v17;
	v17 =	vadd.f32 v34, v36  }
0x4a: {  	s18 =	simm.s32 $0x80;
	v14 =	vadd.f32 v20, v14;
	v23 =	vadd.f32 v24, v19;
	v24 =	vld [tilespmem:s23+$0xEF60]  }
0x4b: {  	s24 =	simm.s32 $0x400;
	v20 =	vadd.f32 v30, v29;
	v19 =	vld [tilespmem:s18+$0x4F70];
	[tilespmem:s23+$0x13F00] =	vst v18;
	v18 =	vmul.f32 v18, v18;
	v16 =	vadd.f32 v35, v16  }
.LBB2_3:
0x4c: {  	p1 =	sne.s32 s24, $0x9E00;
	v28 =	vld [tilespmem:s18+$0x9F70];
	[tilespmem:s23+$0x13F10] =	vst v17;
	v12 =	vadd.f32 v17, v12;
	v17 =	vmul.f32 v17, v17;
	v23 =	vadd.f32 v27, v23  }
0x4d: {  	v27 =	vld [tilespmem:s18+$0x4F00];
	v11 =	vadd.f32 v18, v11;
	[tilespmem:s23+$0x13F20] =	vst v16;
	v18 =	vmul.f32 v16, v16;
	v22 =	vadd.f32 v26, v22  }
0x4e: {  	v26 =	vld [tilespmem:s18+$0xEF70];
	v9 =	vadd.f32 v17, v9;
	[tilespmem:s23+$0x13F30] =	vst v23;
	v17 =	vmul.f32 v23, v23;
	v20 =	vadd.f32 v25, v20  }
0x4f: {  	v25 =	vld [tilespmem:s18+$0x9F00];
	v7 =	vadd.f32 v18, v7;
	[tilespmem:s23+$0x13F40] =	vst v22;
	v18 =	vmul.f32 v22, v22;
	v21 =	vadd.f32 v24, v21  }
0x50: {  	v10 =	vadd.f32 v16, v10;
	v24 =	vld [tilespmem:s18+$0x4F10];
	v6 =	vadd.f32 v17, v6;
	[tilespmem:s23+$0x13F50] =	vst v20;
	v16 =	vmul.f32 v20, v20  }
0x51: {  	v17 =	vld [tilespmem:s18+$0x9F10];
	v19 =	vadd.f32 v28, v19;
	v3 =	vadd.f32 v18, v3;
	[tilespmem:s23+$0x13F60] =	vst v21;
	v18 =	vmul.f32 v21, v21;
	s23 =	smov.u32 s18  }
0x52: {  	v8 =	vadd.f32 v23, v8;
	v28 =	vld [tilespmem:s23+$0x4F20];
	v1 =	vadd.f32 v16, v1  }
0x53: {  	v16 =	vld [tilespmem:s23+$0x9F20];
	v19 =	vadd.f32 v26, v19;
	v0 =	vadd.f32 v18, v0  }
0x54: {  	v5 =	vadd.f32 v22, v5;
	v18 =	vadd.f32 v25, v27;
	v23 =	vld [tilespmem:s23+$0x4F30]  }
0x55: {  	v4 =	vadd.f32 v20, v4;
	v2 =	vadd.f32 v21, v2;
	v22 =	vld [tilespmem:s23+$0x9F30];
	[tilespmem:s23+$0x13F70] =	vst v19;
	v25 =	vmul.f32 v19, v19  }
0x56: {  	v13 =	vadd.f32 v19, v13;
	v17 =	vadd.f32 v17, v24;
	v20 =	vld [tilespmem:s23+$0x4F40]  }
0x57: {  	v19 =	vld [tilespmem:s23+$0x9F40];
	v14 =	vadd.f32 v25, v14  }
0x58: {  	v16 =	vadd.f32 v16, v28;
	v21 =	vld [tilespmem:s23+$0x4F50]  }
0x59: {  	v24 =	vld [tilespmem:s23+$0x9F50]  }
0x5a: {  	v23 =	vadd.f32 v22, v23;
	v25 =	vld [tilespmem:s23+$0x4F60]  }
0x5b: {  	v28 =	vld [tilespmem:s23+$0x9F60]  }
0x5c: {  	v29 =	vld [tilespmem:s23+$0xEF00];
	v22 =	vadd.f32 v19, v20  }
0x5d: {  	v19 =	vld [tilespmem:s23+$0xEF10]  }
0x5e: {  	v30 =	vld [tilespmem:s23+$0xEF20];
	v20 =	vadd.f32 v24, v21  }
.Ltmp0:
0x5f: {  	v27 =	vld [tilespmem:s23+$0xEF30];
	(pc) =	sbr.rel @p1 .LBB2_3-.Ltmp0, $4  }
0x60: {  	v26 =	vld [tilespmem:s23+$0xEF40];
	v21 =	vadd.f32 v28, v25  }
0x61: {  	v18 =	vadd.f32 v29, v18;
	v25 =	vld [tilespmem:s23+$0xEF50]  }
0x62: {  	s18 =	sshra.s32 s24, $0x2;
	v17 =	vadd.f32 v19, v17;
	v24 =	vld [tilespmem:s23+$0xEF60]  }
0x63: {  	s24 =	sadd.s32 $0x200, s24;
	v19 =	vld [tilespmem:s18+$0x4F70];
	[tilespmem:s23+$0x13F00] =	vst v18;
	v15 =	vadd.f32 v18, v15;
	v18 =	vmul.f32 v18, v18;
	v16 =	vadd.f32 v30, v16  }
0x64: {  	v28 =	vld [tilespmem:s18+$0x9F70];
	[tilespmem:s23+$0x13F10] =	vst v17;
	v23 =	vadd.f32 v27, v23  }
0x65: {  	v29 =	vld [tilespmem:s18+$0x4F00];
	[tilespmem:s23+$0x13F20] =	vst v16;
	v22 =	vadd.f32 v26, v22  }
0x66: {  	v27 =	vld [tilespmem:s18+$0xEF70];
	[tilespmem:s23+$0x13F30] =	vst v23;
	v20 =	vadd.f32 v25, v20  }
0x67: {  	v26 =	vld [tilespmem:s18+$0x9F00];
	[tilespmem:s23+$0x13F40] =	vst v22;
	v21 =	vadd.f32 v24, v21  }
0x68: {  	v25 =	vld [tilespmem:s18+$0x4F10];
	[tilespmem:s23+$0x13F50] =	vst v20  }
0x69: {  	v24 =	vld [tilespmem:s18+$0x9F10];
	[tilespmem:s23+$0x13F60] =	vst v21  }
0x6a: {  	v19 =	vadd.f32 v28, v19;
	v28 =	vld [tilespmem:s18+$0x4F20]  }
0x6b: {  	v30 =	vld [tilespmem:s18+$0x9F20]  }
0x6c: {  	v31 =	vld [tilespmem:s18+$0x9F30]  }
0x6d: {  	v32 =	vld [tilespmem:s18+$0x4F40]  }
0x6e: {  	v33 =	vld [tilespmem:s18+$0x9F40]  }
0x6f: {  	v34 =	vld [tilespmem:s18+$0x4F50]  }
0x70: {  	v35 =	vld [tilespmem:s18+$0x9F50]  }
0x71: {  	v36 =	vld [tilespmem:s18+$0x4F60]  }
0x72: {  	v37 =	vld [tilespmem:s18+$0x9F60]  }
0x73: {  	v38 =	vld [tilespmem:s18+$0xEF00]  }
0x74: {  	v39 =	vld [tilespmem:s18+$0xEF10]  }
0x75: {  	v40 =	vld [tilespmem:s18+$0xEF20]  }
0x76: {  	v19 =	vadd.f32 v27, v19;
	v27 =	vld [tilespmem:s18+$0x4F30]  }
0x77: {  	v43 =	vld [tilespmem:s18+$0xEF50];
	v26 =	vadd.f32 v26, v29  }
0x78: {  	v29 =	vld [tilespmem:s18+$0xEF30];
	v24 =	vadd.f32 v24, v25  }
0x79: {  	v25 =	vld [tilespmem:s18+$0xEF40];
	v28 =	vadd.f32 v30, v28;
	v26 =	vadd.f32 v38, v26  }
0x7a: {  	v44 =	vld [tilespmem:s18+$0xEF60];
	[tilespmem:s18+$0x13F70] =	vst v19;
	v45 =	vadd.f32 v35, v34;
	v24 =	vadd.f32 v39, v24  }
0x7b: {  	v27 =	vadd.f32 v31, v27;
	v28 =	vadd.f32 v40, v28;
	[tilespmem:s18+$0x13F00] =	vst v26  }
0x7c: {  	s23 =	smul.u32 $0xA0, s26;
	v32 =	vadd.f32 v33, v32;
	v30 =	vadd.f32 v43, v45;
	[tilespmem:s18+$0x13F10] =	vst v24  }
0x7d: {  	v27 =	vadd.f32 v29, v27;
	v29 =	vadd.f32 v37, v36;
	[tilespmem:s18+$0x13F20] =	vst v28  }
0x7e: {  	s8 =	sadd.s32 $0xA0, s23;
	v25 =	vadd.f32 v25, v32;
	[tilespmem:s18+$0x13F50] =	vst v30  }
0x7f: {  	s24 =	sadd.s32 s4, s8;
	[tilespmem:s18+$0x13F30] =	vst v27;
	v29 =	vadd.f32 v44, v29  }
0x80: {  	s24 =	sshll.u32 s24, $0x4;
	[tilespmem:s18+$0x13F40] =	vst v25  }
0x81: {  	s9 =	sadd.s32 s2, s24;
	[tilespmem:s18+$0x13F60] =	vst v29  }
0x82: {  	[tilespmem:s19], [sflag:$0x1] =	stream.linear.gather [hbm4b:s9+s3], $0x2800, $0x38;
	[tilespmem:$0x19000] =	vst v63  }
0x83: {  	s24 =	sadd.s32 s4, s23  }
0x84: {  	[tilespmem:s21], [sflag:$0x1] =	stream.indirect.gather [hbm4b:s5+s20], $0x80, s8, s20, $0xb8;
	[tilespmem:$0x19000] =	vst v63  }
0x85: {  	s18 =	sadd.s32 $0x2820, s23;
	s8 =	sshll.u32 s24, $0x4  }
0x86: {  	[tilespmem:s22], [sflag:$0x1] =	stream.indirect.gather [hbm4b:s6+s20], $0x80, s18, s20, $0xb8;
	[tilespmem:$0x19000] =	vst v63  }
0x87: {  	s8 =	sadd.s32 s7, s8  }
0x88: {  	[hbm4b:s8+s3] =	stream.linear.scatter [tilespmem:s29], [sflag:$0x3], $0x2800, $0x38;
	[tilespmem:$0x19000] =	vst v63  }
0x89: {  	_ =	swait.ge [sflag:s30], $0x2800  }
0x8a: {  	[sflag:s30] =	ssyncset.done $0x0  }
0x8b: {  	[sflag:s30] =	ssyncadd.s32 $0xFFFFD800  }
0x8c: {  	_ =	swait.ge [sflag:s30], $0x2800  }
0x8d: {  	[sflag:s30] =	ssyncset.done $0x0  }
0x8e: {  	[sflag:s30] =	ssyncadd.s32 $0xFFFFD800  }
0x8f: {  	_ =	swait.ge [sflag:s30], $0x2800  }
0x90: {  	[sflag:s30] =	ssyncset.done $0x0  }
0x91: {  	s8 =	simm.s32 @!p0 $0x4;
	[sflag:s30] =	ssyncadd.s32 $0xFFFFD800  }
0x92: {  	_ =	swait.ge @!p0 [sflag:s8], $0x2800  }
0x93: {  	[sflag:s8] =	ssyncset.done @!p0 $0x0  }
0x94: {  	s24 =	simm.s32 $0x0;
	[sflag:s8] =	ssyncadd.s32 @!p0 $0xFFFFD800  }
0x95: {  	v46 =	vld [tilespmem:s24+$0x7770]  }
0x96: {  	v47 =	vld [tilespmem:s24+$0xC770]  }
0x97: {  	v49 =	vmul.f32 v17, v17;
	v48 =	vld [tilespmem:s24+$0x7700]  }
0x98: {  	v12 =	vadd.f32 v17, v12;
	v50 =	vmul.f32 v16, v16;
	v11 =	vadd.f32 v18, v11;
	v51 =	vld [tilespmem:s24+$0x11770]  }
0x99: {  	v16 =	vadd.f32 v16, v10;
	v17 =	vmul.f32 v23, v23;
	v9 =	vadd.f32 v49, v9;
	v18 =	vld [tilespmem:s24+$0xC700]  }
0x9a: {  	v8 =	vadd.f32 v23, v8;
	v7 =	vadd.f32 v50, v7;
	v52 =	vmul.f32 v22, v22;
	v53 =	vld [tilespmem:s24+$0x7710]  }
0x9b: {  	v22 =	vadd.f32 v22, v5;
	v6 =	vadd.f32 v17, v6;
	v10 =	vmul.f32 v20, v20;
	v17 =	vld [tilespmem:s24+$0xC710]  }
0x9c: {  	v20 =	vadd.f32 v20, v4;
	v3 =	vadd.f32 v52, v3;
	v54 =	vmul.f32 v21, v21;
	v55 =	vld [tilespmem:s24+$0x7720]  }
0x9d: {  	v21 =	vadd.f32 v21, v2;
	v1 =	vadd.f32 v10, v1;
	v5 =	vmul.f32 v19, v19;
	v23 =	vld [tilespmem:s24+$0xC720]  }
0x9e: {  	v0 =	vadd.f32 v54, v0;
	v19 =	vadd.f32 v19, v13;
	v56 =	vld [tilespmem:s24+$0x7730]  }
0x9f: {  	v58 =	vadd.f32 v5, v14;
	v2 =	vmul.f32 v26, v26;
	v15 =	vadd.f32 v26, v15;
	v57 =	vld [tilespmem:s24+$0xC730]  }
0xa0: {  	v4 =	vmul.f32 v24, v24;
	v14 =	vadd.f32 v24, v12;
	v5 =	vmul.f32 v28, v28;
	v59 =	vld [tilespmem:s24+$0x7740]  }
0xa1: {  	v13 =	vadd.f32 v2, v11;
	v11 =	vadd.f32 v28, v16;
	v2 =	vmul.f32 v27, v27;
	v24 =	vld [tilespmem:s24+$0xC740]  }
0xa2: {  	v12 =	vadd.f32 v4, v9;
	v10 =	vadd.f32 v5, v7;
	v4 =	vmul.f32 v25, v25;
	v60 =	vld [tilespmem:s24+$0x7750]  }
0xa3: {  	v9 =	vadd.f32 v2, v6;
	v2 =	vmul.f32 v30, v30;
	v6 =	vmul.f32 v29, v29;
	v16 =	vld [tilespmem:s24+$0xC750]  }
0xa4: {  	v3 =	vadd.f32 v4, v3;
	v4 =	vadd.f32 v27, v8;
	v28 =	vld [tilespmem:s24+$0x7760]  }
0xa5: {  	v5 =	vadd.f32 v2, v1;
	v6 =	vadd.f32 v6, v0;
	v61 =	vld [tilespmem:s24+$0xC760]  }
0xa6: {  	v2 =	vadd.f32 v25, v22;
	v0 =	vadd.f32 v30, v20;
	v41 =	vld [tilespmem:s24+$0x11700]  }
0xa7: {  	v1 =	vadd.f32 v29, v21;
	v62 =	vld [tilespmem:s24+$0x11710];
	v31 =	vadd.f32 v47, v46  }
0xa8: {  	v18 =	vadd.f32 v18, v48;
	v17 =	vadd.f32 v17, v53  }
0xa9: {  	v29 =	vld [tilespmem:s24+$0x11720];
	v63 =	vadd.f32 v23, v55;
	v23 =	vadd.f32 v57, v56  }
0xaa: {  	v27 =	vld [tilespmem:s24+$0x11730];
	v22 =	vadd.f32 v24, v59;
	v31 =	vadd.f32 v51, v31  }
0xab: {  	v26 =	vld [tilespmem:s24+$0x11740];
	v20 =	vadd.f32 v16, v60;
	v16 =	vadd.f32 v41, v18  }
0xac: {  	v25 =	vld [tilespmem:s24+$0x11750];
	v21 =	vadd.f32 v61, v28;
	v17 =	vadd.f32 v62, v17;
	v7 =	vmul.f32 v31, v31  }
0xad: {  	s18 =	simm.s32 $0x80;
	v24 =	vld [tilespmem:s24+$0x11760];
	[tilespmem:s24+$0x16770] =	vst v31;
	v8 =	vadd.f32 v31, v19;
	v15 =	vadd.f32 v16, v15  }
0xae: {  	s8 =	simm.s32 $0x400;
	v18 =	vmul.f32 v16, v16;
	v19 =	vld [tilespmem:s18+$0x7770];
	[tilespmem:s24+$0x16700] =	vst v16;
	v16 =	vadd.f32 v29, v63;
	v7 =	vadd.f32 v7, v58  }
.LBB2_5:
0xaf: {  	p0 =	sne.s32 s8, $0x9E00;
	v28 =	vld [tilespmem:s18+$0xC770];
	[tilespmem:s24+$0x16710] =	vst v17;
	v14 =	vadd.f32 v17, v14;
	v17 =	vmul.f32 v17, v17;
	v23 =	vadd.f32 v27, v23  }
0xb0: {  	v27 =	vld [tilespmem:s18+$0x7700];
	v13 =	vadd.f32 v18, v13;
	[tilespmem:s24+$0x16720] =	vst v16;
	v18 =	vmul.f32 v16, v16;
	v22 =	vadd.f32 v26, v22  }
0xb1: {  	v26 =	vld [tilespmem:s18+$0x11770];
	v12 =	vadd.f32 v17, v12;
	[tilespmem:s24+$0x16730] =	vst v23;
	v17 =	vmul.f32 v23, v23;
	v20 =	vadd.f32 v25, v20  }
0xb2: {  	v25 =	vld [tilespmem:s18+$0xC700];
	v10 =	vadd.f32 v18, v10;
	[tilespmem:s24+$0x16740] =	vst v22;
	v18 =	vmul.f32 v22, v22;
	v21 =	vadd.f32 v24, v21  }
0xb3: {  	v11 =	vadd.f32 v16, v11;
	v24 =	vld [tilespmem:s18+$0x7710];
	v9 =	vadd.f32 v17, v9;
	[tilespmem:s24+$0x16750] =	vst v20;
	v16 =	vmul.f32 v20, v20  }
0xb4: {  	v17 =	vld [tilespmem:s18+$0xC710];
	v19 =	vadd.f32 v28, v19;
	v3 =	vadd.f32 v18, v3;
	[tilespmem:s24+$0x16760] =	vst v21;
	v18 =	vmul.f32 v21, v21;
	s24 =	smov.u32 s18  }
0xb5: {  	v4 =	vadd.f32 v23, v4;
	v28 =	vld [tilespmem:s24+$0x7720];
	v5 =	vadd.f32 v16, v5  }
0xb6: {  	v16 =	vld [tilespmem:s24+$0xC720];
	v19 =	vadd.f32 v26, v19;
	v6 =	vadd.f32 v18, v6  }
0xb7: {  	v2 =	vadd.f32 v22, v2;
	v18 =	vadd.f32 v25, v27;
	v23 =	vld [tilespmem:s24+$0x7730]  }
0xb8: {  	v0 =	vadd.f32 v20, v0;
	v1 =	vadd.f32 v21, v1;
	v22 =	vld [tilespmem:s24+$0xC730];
	[tilespmem:s24+$0x16770] =	vst v19;
	v25 =	vmul.f32 v19, v19  }
0xb9: {  	v8 =	vadd.f32 v19, v8;
	v17 =	vadd.f32 v17, v24;
	v20 =	vld [tilespmem:s24+$0x7740]  }
0xba: {  	v19 =	vld [tilespmem:s24+$0xC740];
	v7 =	vadd.f32 v25, v7  }
0xbb: {  	v16 =	vadd.f32 v16, v28;
	v21 =	vld [tilespmem:s24+$0x7750]  }
0xbc: {  	v24 =	vld [tilespmem:s24+$0xC750]  }
0xbd: {  	v23 =	vadd.f32 v22, v23;
	v25 =	vld [tilespmem:s24+$0x7760]  }
0xbe: {  	v28 =	vld [tilespmem:s24+$0xC760]  }
0xbf: {  	v29 =	vld [tilespmem:s24+$0x11700];
	v22 =	vadd.f32 v19, v20  }
0xc0: {  	v19 =	vld [tilespmem:s24+$0x11710]  }
0xc1: {  	v30 =	vld [tilespmem:s24+$0x11720];
	v20 =	vadd.f32 v24, v21  }
.Ltmp1:
0xc2: {  	v27 =	vld [tilespmem:s24+$0x11730];
	(pc) =	sbr.rel @p0 .LBB2_5-.Ltmp1, $4  }
0xc3: {  	v26 =	vld [tilespmem:s24+$0x11740];
	v21 =	vadd.f32 v28, v25  }
0xc4: {  	v18 =	vadd.f32 v29, v18;
	v25 =	vld [tilespmem:s24+$0x11750]  }
0xc5: {  	s18 =	sshra.s32 s8, $0x2;
	v17 =	vadd.f32 v19, v17;
	v24 =	vld [tilespmem:s24+$0x11760]  }
0xc6: {  	s8 =	sadd.s32 $0x200, s8;
	v19 =	vld [tilespmem:s18+$0x7770];
	[tilespmem:s24+$0x16700] =	vst v18;
	v15 =	vadd.f32 v18, v15;
	v18 =	vmul.f32 v18, v18;
	v16 =	vadd.f32 v30, v16  }
0xc7: {  	v28 =	vld [tilespmem:s18+$0xC770];
	[tilespmem:s24+$0x16710] =	vst v17;
	v23 =	vadd.f32 v27, v23  }
0xc8: {  	v29 =	vld [tilespmem:s18+$0x7700];
	[tilespmem:s24+$0x16720] =	vst v16;
	v22 =	vadd.f32 v26, v22  }
0xc9: {  	v44 =	vld [tilespmem:s18+$0x11770];
	[tilespmem:s24+$0x16730] =	vst v23;
	v20 =	vadd.f32 v25, v20  }
0xca: {  	v45 =	vld [tilespmem:s18+$0xC700];
	[tilespmem:s24+$0x16740] =	vst v22;
	v21 =	vadd.f32 v24, v21  }
0xcb: {  	v46 =	vld [tilespmem:s18+$0x7710];
	[tilespmem:s24+$0x16750] =	vst v20  }
0xcc: {  	v47 =	vld [tilespmem:s18+$0xC710];
	[tilespmem:s24+$0x16760] =	vst v21  }
0xcd: {  	v48 =	vld [tilespmem:s18+$0x7720]  }
0xce: {  	v30 =	vld [tilespmem:s18+$0xC720]  }
0xcf: {  	v49 =	vld [tilespmem:s18+$0x7730]  }
0xd0: {  	v31 =	vld [tilespmem:s18+$0xC730]  }
0xd1: {  	v32 =	vld [tilespmem:s18+$0x7740]  }
0xd2: {  	v33 =	vld [tilespmem:s18+$0xC740]  }
0xd3: {  	v34 =	vld [tilespmem:s18+$0x7750]  }
0xd4: {  	v35 =	vld [tilespmem:s18+$0xC750]  }
0xd5: {  	v36 =	vld [tilespmem:s18+$0x7760]  }
0xd6: {  	v37 =	vld [tilespmem:s18+$0xC760]  }
0xd7: {  	v38 =	vld [tilespmem:s18+$0x11700]  }
0xd8: {  	v39 =	vld [tilespmem:s18+$0x11710]  }
0xd9: {  	v58 =	vadd.f32 v17, v14;
	v19 =	vadd.f32 v28, v19;
	v40 =	vld [tilespmem:s18+$0x11720]  }
0xda: {  	v14 =	vmul.f32 v17, v17;
	v17 =	vadd.f32 v18, v13;
	v50 =	vld [tilespmem:s18+$0x11730];
	v26 =	vadd.f32 v45, v29  }
0xdb: {  	v52 =	vld [tilespmem:s18+$0x11740];
	v19 =	vadd.f32 v44, v19;
	v24 =	vadd.f32 v47, v46  }
0xdc: {  	v53 =	vld [tilespmem:s18+$0x11750];
	v51 =	vadd.f32 v30, v48;
	v26 =	vadd.f32 v38, v26  }
0xdd: {  	v55 =	vld [tilespmem:s18+$0x11760];
	[tilespmem:s18+$0x16770] =	vst v19;
	v27 =	vadd.f32 v31, v49;
	v24 =	vadd.f32 v39, v24  }
0xde: {  	v54 =	vadd.f32 v33, v32;
	v25 =	vadd.f32 v40, v51;
	[tilespmem:s18+$0x16700] =	vst v26  }
0xdf: {  	v56 =	vadd.f32 v35, v34;
	v27 =	vadd.f32 v50, v27;
	[tilespmem:s18+$0x16710] =	vst v24  }
0xe0: {  	p0 =	seq.s32 s26, $0x3D;
	v57 =	vadd.f32 v37, v36;
	v28 =	vadd.f32 v52, v54;
	[tilespmem:s18+$0x16720] =	vst v25  }
0xe1: {  	v13 =	vmul.f32 v16, v16;
	s8 =	sadd.s32 @!p0 $0xF0, s23;
	v16 =	vadd.f32 v16, v11;
	v59 =	vadd.f32 v53, v56;
	[tilespmem:s18+$0x16730] =	vst v27  }
0xe2: {  	v60 =	vadd.f32 v14, v12;
	v12 =	vmul.f32 v23, v23;
	s24 =	sadd.s32 @!p0 s4, s8;
	v61 =	vadd.f32 v55, v57;
	[tilespmem:s18+$0x16740] =	vst v28  }
0xe3: {  	v4 =	vadd.f32 v23, v4;
	v10 =	vadd.f32 v13, v10;
	v13 =	vmul.f32 v22, v22;
	s24 =	sshll.u32 @!p0 s24, $0x4;
	[tilespmem:s18+$0x16750] =	vst v59  }
0xe4: {  	s9 =	simm.s32 @!p0 $0x7700;
	v2 =	vadd.f32 v22, v2;
	v62 =	vadd.f32 v12, v9;
	v11 =	vmul.f32 v21, v21;
	[tilespmem:s18+$0x16760] =	vst v61;
	s18 =	sadd.s32 @!p0 s2, s24;
	s24 =	simm.s32 @!p0 $0x0  }
0xe5: {  	v9 =	vmul.f32 v20, v20;
	v20 =	vadd.f32 v20, v0;
	v3 =	vadd.f32 v13, v3;
	[tilespmem:s9], [sflag:$0x2] =	stream.linear.gather @!p0 [hbm4b:s18+s24], $0x2800, $0x38;
	[tilespmem:$0x19000] =	vst v63  }
0xe6: {  	v21 =	vadd.f32 v21, v1;
	v63 =	vadd.f32 v11, v6;
	v6 =	vmul.f32 v19, v19;
	s9 =	simm.s32 @!p0 $0x50;
	s18 =	simm.s32 @!p0 $0xC700  }
0xe7: {  	v5 =	vadd.f32 v9, v5;
	v13 =	vadd.f32 v19, v8;
	v0 =	vmul.f32 v26, v26;
	[tilespmem:s18], [sflag:$0x2] =	stream.indirect.gather @!p0 [hbm4b:s5+s9], $0x80, s8, s9, $0xb8;
	[tilespmem:$0x19000] =	vst v63  }
0xe8: {  	s26 =	sadd.s32 $0x1, s26;
	v14 =	vadd.f32 v6, v7;
	v15 =	vadd.f32 v26, v15;
	v1 =	vmul.f32 v24, v24;
	s8 =	sadd.s32 @!p0 $0x2870, s23;
	s18 =	simm.s32 @!p0 $0x11700  }
0xe9: {  	v12 =	vadd.f32 v24, v58;
	v11 =	vadd.f32 v0, v17;
	v0 =	vmul.f32 v25, v25;
	[tilespmem:s18], [sflag:$0x2] =	stream.indirect.gather @!p0 [hbm4b:s6+s9], $0x80, s8, s9, $0xb8;
	[tilespmem:$0x19000] =	vst v63  }
0xea: {  	v8 =	vmul.f32 v28, v28;
	v9 =	vadd.f32 v1, v60;
	v1 =	vmul.f32 v27, v27;
	p0 =	sne.s32 s26, $0x3E  }
.Ltmp2:
0xeb: {  	v7 =	vadd.f32 v0, v10;
	v10 =	vadd.f32 v25, v16;
	v0 =	vmul.f32 v59, v59;
	(pc) =	sbr.rel @p0 .LBB2_2-.Ltmp2, $4  }
0xec: {  	s24 =	sadd.s32 s23, s12;
	v3 =	vadd.f32 v8, v3;
	v16 =	vmul.f32 v61, v61;
	v8 =	vadd.f32 v27, v4  }
0xed: {  	v4 =	vadd.f32 v59, v20;
	v6 =	vadd.f32 v1, v62;
	s8 =	sshll.u32 s24, $0x4  }
0xee: {  	v1 =	vadd.f32 v0, v5;
	v0 =	vadd.f32 v16, v63;
	s8 =	sadd.s32 s7, s8  }
0xef: {  	v5 =	vadd.f32 v28, v2;
	v2 =	vadd.f32 v61, v21;
	[hbm4b:s8+s3] =	stream.linear.scatter [tilespmem:s31], [sflag:$0x4], $0x2800, $0x38;
	[tilespmem:$0x19000] =	vst v63  }
0xf0: {  	_ =	swait.ge [sflag:s28], $0x2800  }
0xf1: {  	[sflag:s28] =	ssyncset.done $0x0  }
0xf2: {  	[sflag:s28] =	ssyncadd.s32 $0xFFFFD800  }
0xf3: {  	_ =	swait.ge [sflag:s28], $0x2800  }
0xf4: {  	[sflag:s28] =	ssyncset.done $0x0  }
0xf5: {  	[sflag:s28] =	ssyncadd.s32 $0xFFFFD800  }
0xf6: {  	_ =	swait.ge [sflag:s28], $0x2800  }
0xf7: {  	[sflag:s28] =	ssyncset.done $0x0  }
0xf8: {  	[sflag:s28] =	ssyncadd.s32 $0xFFFFD800  }
0xf9: {  	_ =	swait.ge [sflag:s1], $0x2800  }
0xfa: {  	[sflag:s1] =	ssyncset.done $0x0  }
0xfb: {  	s23 =	simm.s32 $0x0;
	[sflag:s1] =	ssyncadd.s32 $0xFFFFD800  }
0xfc: {  	v16 =	vld [tilespmem:s23+$0x4F70]  }
0xfd: {  	v17 =	vld [tilespmem:s23+$0x9F70]  }
0xfe: {  	v18 =	vld [tilespmem:s23+$0x4F00]  }
0xff: {  	v19 =	vld [tilespmem:s23+$0xEF70]  }
0x100: {  	v20 =	vld [tilespmem:s23+$0x9F00]  }
0x101: {  	v21 =	vld [tilespmem:s23+$0x4F10]  }
0x102: {  	v22 =	vld [tilespmem:s23+$0x9F10]  }
0x103: {  	v23 =	vld [tilespmem:s23+$0x9F20]  }
0x104: {  	v24 =	vld [tilespmem:s23+$0x9F30]  }
0x105: {  	v25 =	vld [tilespmem:s23+$0x4F40]  }
0x106: {  	v28 =	vld [tilespmem:s23+$0x9F40]  }
0x107: {  	v29 =	vld [tilespmem:s23+$0x4F50]  }
0x108: {  	v30 =	vld [tilespmem:s23+$0x9F50]  }
0x109: {  	v31 =	vld [tilespmem:s23+$0x4F60]  }
0x10a: {  	v33 =	vld [tilespmem:s23+$0xEF00]  }
0x10b: {  	v32 =	vld [tilespmem:s23+$0x9F60]  }
0x10c: {  	v34 =	vld [tilespmem:s23+$0xEF10];
	v16 =	vadd.f32 v17, v16  }
0x10d: {  	v17 =	vld [tilespmem:s23+$0x4F20];
	v18 =	vadd.f32 v20, v18  }
0x10e: {  	v16 =	vadd.f32 v19, v16;
	v19 =	vld [tilespmem:s23+$0x4F30]  }
0x10f: {  	v35 =	vld [tilespmem:s23+$0xEF20];
	v36 =	vadd.f32 v22, v21;
	v18 =	vadd.f32 v33, v18  }
0x110: {  	v27 =	vld [tilespmem:s23+$0xEF30];
	v22 =	vadd.f32 v28, v25;
	v21 =	vadd.f32 v32, v31  }
0x111: {  	v26 =	vld [tilespmem:s23+$0xEF40];
	v20 =	vmul.f32 v16, v16;
	v13 =	vadd.f32 v16, v13;
	v15 =	vadd.f32 v18, v15  }
0x112: {  	v25 =	vld [tilespmem:s23+$0xEF50];
	[tilespmem:s23+$0x13F70] =	vst v16;
	v16 =	vadd.f32 v23, v17;
	v17 =	vadd.f32 v34, v36  }
0x113: {  	s18 =	simm.s32 $0x80;
	v14 =	vadd.f32 v20, v14;
	v23 =	vadd.f32 v24, v19;
	v24 =	vld [tilespmem:s23+$0xEF60]  }
0x114: {  	s8 =	simm.s32 $0x400;
	v20 =	vadd.f32 v30, v29;
	v19 =	vld [tilespmem:s18+$0x4F70];
	[tilespmem:s23+$0x13F00] =	vst v18;
	v18 =	vmul.f32 v18, v18;
	v16 =	vadd.f32 v35, v16  }
.LBB2_8:
0x115: {  	p0 =	sne.s32 s8, $0x9E00;
	v28 =	vld [tilespmem:s18+$0x9F70];
	[tilespmem:s23+$0x13F10] =	vst v17;
	v12 =	vadd.f32 v17, v12;
	v17 =	vmul.f32 v17, v17;
	v23 =	vadd.f32 v27, v23  }
0x116: {  	v27 =	vld [tilespmem:s18+$0x4F00];
	v11 =	vadd.f32 v18, v11;
	[tilespmem:s23+$0x13F20] =	vst v16;
	v18 =	vmul.f32 v16, v16;
	v22 =	vadd.f32 v26, v22  }
0x117: {  	v26 =	vld [tilespmem:s18+$0xEF70];
	v9 =	vadd.f32 v17, v9;
	[tilespmem:s23+$0x13F30] =	vst v23;
	v17 =	vmul.f32 v23, v23;
	v20 =	vadd.f32 v25, v20  }
0x118: {  	v25 =	vld [tilespmem:s18+$0x9F00];
	v7 =	vadd.f32 v18, v7;
	[tilespmem:s23+$0x13F40] =	vst v22;
	v18 =	vmul.f32 v22, v22;
	v21 =	vadd.f32 v24, v21  }
0x119: {  	v10 =	vadd.f32 v16, v10;
	v24 =	vld [tilespmem:s18+$0x4F10];
	v6 =	vadd.f32 v17, v6;
	[tilespmem:s23+$0x13F50] =	vst v20;
	v16 =	vmul.f32 v20, v20  }
0x11a: {  	v17 =	vld [tilespmem:s18+$0x9F10];
	v19 =	vadd.f32 v28, v19;
	v3 =	vadd.f32 v18, v3;
	[tilespmem:s23+$0x13F60] =	vst v21;
	v18 =	vmul.f32 v21, v21;
	s23 =	smov.u32 s18  }
0x11b: {  	v8 =	vadd.f32 v23, v8;
	v28 =	vld [tilespmem:s23+$0x4F20];
	v1 =	vadd.f32 v16, v1  }
0x11c: {  	v16 =	vld [tilespmem:s23+$0x9F20];
	v19 =	vadd.f32 v26, v19;
	v0 =	vadd.f32 v18, v0  }
0x11d: {  	v5 =	vadd.f32 v22, v5;
	v18 =	vadd.f32 v25, v27;
	v23 =	vld [tilespmem:s23+$0x4F30]  }
0x11e: {  	v4 =	vadd.f32 v20, v4;
	v2 =	vadd.f32 v21, v2;
	v22 =	vld [tilespmem:s23+$0x9F30];
	[tilespmem:s23+$0x13F70] =	vst v19;
	v25 =	vmul.f32 v19, v19  }
0x11f: {  	v13 =	vadd.f32 v19, v13;
	v17 =	vadd.f32 v17, v24;
	v20 =	vld [tilespmem:s23+$0x4F40]  }
0x120: {  	v19 =	vld [tilespmem:s23+$0x9F40];
	v14 =	vadd.f32 v25, v14  }
0x121: {  	v16 =	vadd.f32 v16, v28;
	v21 =	vld [tilespmem:s23+$0x4F50]  }
0x122: {  	v24 =	vld [tilespmem:s23+$0x9F50]  }
0x123: {  	v23 =	vadd.f32 v22, v23;
	v25 =	vld [tilespmem:s23+$0x4F60]  }
0x124: {  	v28 =	vld [tilespmem:s23+$0x9F60]  }
0x125: {  	v29 =	vld [tilespmem:s23+$0xEF00];
	v22 =	vadd.f32 v19, v20  }
0x126: {  	v19 =	vld [tilespmem:s23+$0xEF10]  }
0x127: {  	v30 =	vld [tilespmem:s23+$0xEF20];
	v20 =	vadd.f32 v24, v21  }
.Ltmp3:
0x128: {  	v27 =	vld [tilespmem:s23+$0xEF30];
	(pc) =	sbr.rel @p0 .LBB2_8-.Ltmp3, $4  }
0x129: {  	v26 =	vld [tilespmem:s23+$0xEF40];
	v21 =	vadd.f32 v28, v25  }
0x12a: {  	v18 =	vadd.f32 v29, v18;
	v25 =	vld [tilespmem:s23+$0xEF50]  }
0x12b: {  	s18 =	sshra.s32 s8, $0x2;
	v17 =	vadd.f32 v19, v17;
	v24 =	vld [tilespmem:s23+$0xEF60]  }
0x12c: {  	s8 =	sadd.s32 $0x200, s8;
	v19 =	vld [tilespmem:s18+$0x4F70];
	[tilespmem:s23+$0x13F00] =	vst v18;
	v15 =	vadd.f32 v18, v15;
	v18 =	vmul.f32 v18, v18;
	v16 =	vadd.f32 v30, v16  }
0x12d: {  	v28 =	vld [tilespmem:s18+$0x9F70];
	[tilespmem:s23+$0x13F10] =	vst v17;
	v23 =	vadd.f32 v27, v23  }
0x12e: {  	v29 =	vld [tilespmem:s18+$0x4F00];
	[tilespmem:s23+$0x13F20] =	vst v16;
	v22 =	vadd.f32 v26, v22  }
0x12f: {  	v58 =	vld [tilespmem:s18+$0xEF70];
	[tilespmem:s23+$0x13F30] =	vst v23;
	v20 =	vadd.f32 v25, v20  }
0x130: {  	v59 =	vld [tilespmem:s18+$0x9F00];
	[tilespmem:s23+$0x13F40] =	vst v22;
	v21 =	vadd.f32 v24, v21  }
0x131: {  	v60 =	vld [tilespmem:s18+$0x4F10];
	[tilespmem:s23+$0x13F50] =	vst v20  }
0x132: {  	v61 =	vld [tilespmem:s18+$0x9F10];
	[tilespmem:s23+$0x13F60] =	vst v21  }
0x133: {  	v62 =	vld [tilespmem:s18+$0x4F20]  }
0x134: {  	v30 =	vld [tilespmem:s18+$0x9F20]  }
0x135: {  	v63 =	vld [tilespmem:s18+$0x4F30]  }
0x136: {  	v31 =	vld [tilespmem:s18+$0x9F30]  }
0x137: {  	v32 =	vld [tilespmem:s18+$0x4F40]  }
0x138: {  	v33 =	vld [tilespmem:s18+$0x9F40]  }
0x139: {  	v34 =	vld [tilespmem:s18+$0x4F50]  }
0x13a: {  	v35 =	vld [tilespmem:s18+$0x9F50]  }
0x13b: {  	v36 =	vld [tilespmem:s18+$0x4F60]  }
0x13c: {  	v37 =	vld [tilespmem:s18+$0x9F60]  }
0x13d: {  	v38 =	vld [tilespmem:s18+$0xEF00]  }
0x13e: {  	v39 =	vld [tilespmem:s18+$0xEF10]  }
0x13f: {  	v19 =	vadd.f32 v28, v19;
	v40 =	vld [tilespmem:s18+$0xEF20]  }
0x140: {  	v42 =	vld [tilespmem:s18+$0xEF30];
	v26 =	vadd.f32 v59, v29  }
0x141: {  	v43 =	vld [tilespmem:s18+$0xEF40];
	v19 =	vadd.f32 v58, v19;
	v24 =	vadd.f32 v61, v60  }
0x142: {  	v44 =	vld [tilespmem:s18+$0xEF50];
	v28 =	vadd.f32 v30, v62;
	v26 =	vadd.f32 v38, v26  }
0x143: {  	v45 =	vld [tilespmem:s18+$0xEF60];
	[tilespmem:s18+$0x13F70] =	vst v19;
	v27 =	vadd.f32 v31, v63;
	v24 =	vadd.f32 v39, v24  }
0x144: {  	v32 =	vadd.f32 v33, v32;
	v28 =	vadd.f32 v40, v28;
	[tilespmem:s18+$0x13F00] =	vst v26  }
0x145: {  	v46 =	vadd.f32 v35, v34;
	v27 =	vadd.f32 v42, v27;
	[tilespmem:s18+$0x13F10] =	vst v24  }
0x146: {  	v47 =	vadd.f32 v37, v36;
	v25 =	vadd.f32 v43, v32;
	[tilespmem:s18+$0x13F20] =	vst v28  }
0x147: {  	v30 =	vadd.f32 v44, v46;
	[tilespmem:s18+$0x13F30] =	vst v27  }
0x148: {  	v48 =	vmul.f32 v17, v17;
	v29 =	vadd.f32 v45, v47;
	[tilespmem:s18+$0x13F40] =	vst v25  }
0x149: {  	v12 =	vadd.f32 v17, v12;
	v11 =	vadd.f32 v18, v11;
	v49 =	vmul.f32 v26, v26;
	[tilespmem:s18+$0x13F50] =	vst v30  }
0x14a: {  	v10 =	vadd.f32 v16, v10;
	v15 =	vadd.f32 v26, v15;
	[tilespmem:s18+$0x13F60] =	vst v29  }
0x14b: {  	v9 =	vadd.f32 v48, v9;
	v11 =	vadd.f32 v49, v11;
	[hbm4b:s13+s3] =	stream.linear.scatter [tilespmem:s29], [sflag:$0x3], $0x2800, $0x38;
	[tilespmem:$0x19000] =	vst v63  }
0x14c: {  	v8 =	vadd.f32 v23, v8;
	v12 =	vadd.f32 v24, v12;
	[tilespmem:$0x18F00] =	vst v15  }
0x14d: {  	v5 =	vadd.f32 v22, v5;
	v10 =	vadd.f32 v28, v10;
	[tilespmem:$0x18F80] =	vst v11  }
0x14e: {  	v50 =	vmul.f32 v16, v16;
	v4 =	vadd.f32 v20, v4;
	v8 =	vadd.f32 v27, v8;
	[tilespmem:$0x18F10] =	vst v12  }
0x14f: {  	v2 =	vadd.f32 v21, v2;
	v5 =	vadd.f32 v25, v5;
	[tilespmem:$0x18F20] =	vst v10  }
0x150: {  	v52 =	vmul.f32 v23, v23;
	v7 =	vadd.f32 v50, v7;
	v4 =	vadd.f32 v30, v4;
	[tilespmem:$0x18F30] =	vst v8  }
0x151: {  	v54 =	vmul.f32 v22, v22;
	v61 =	vmul.f32 v19, v19;
	v2 =	vadd.f32 v29, v2;
	[tilespmem:$0x18F40] =	vst v5  }
0x152: {  	v6 =	vadd.f32 v52, v6;
	v62 =	vadd.f32 v19, v13;
	v51 =	vmul.f32 v24, v24;
	[tilespmem:$0x18F50] =	vst v4  }
0x153: {  	v56 =	vmul.f32 v20, v20;
	v63 =	vadd.f32 v61, v14;
	v53 =	vmul.f32 v28, v28;
	[tilespmem:$0x18F60] =	vst v2  }
0x154: {  	v3 =	vadd.f32 v54, v3;
	v55 =	vmul.f32 v27, v27;
	v9 =	vadd.f32 v51, v9;
	[tilespmem:$0x18F70] =	vst v62  }
0x155: {  	v58 =	vmul.f32 v21, v21;
	v57 =	vmul.f32 v25, v25;
	v7 =	vadd.f32 v53, v7;
	[tilespmem:$0x18FF0] =	vst v63  }
0x156: {  	v1 =	vadd.f32 v56, v1;
	v59 =	vmul.f32 v30, v30;
	v6 =	vadd.f32 v55, v6;
	[tilespmem:$0x18F90] =	vst v9  }
0x157: {  	v0 =	vadd.f32 v58, v0;
	v60 =	vmul.f32 v29, v29;
	v3 =	vadd.f32 v57, v3;
	[tilespmem:$0x18FA0] =	vst v7  }
0x158: {  	v1 =	vadd.f32 v59, v1;
	[tilespmem:$0x18FB0] =	vst v6  }
0x159: {  	v0 =	vadd.f32 v60, v0;
	[tilespmem:$0x18FC0] =	vst v3  }
0x15a: {  	[tilespmem:$0x18FD0] =	vst v1  }
0x15b: {  	[tilespmem:$0x18FE0] =	vst v0  }
0x15c: {  	_ =	swait.ge [sflag:s0], $0x2800  }
0x15d: {  	[sflag:s0] =	ssyncset.done $0x0  }
0x15e: {  	[sflag:s0] =	ssyncadd.s32 $0xFFFFD800  }
0x15f: {  	_ =	swait.ge [sflag:s1], $0x2800  }
0x160: {  	[sflag:s1] =	ssyncset.done $0x0  }
0x161: {  	s8 =	simm.s32 $0x18F00;
	[sflag:s1] =	ssyncadd.s32 $0xFFFFD800  }
0x162: {  	[hbm4b:s14+s3] =	stream.linear.scatter [tilespmem:s8], [sflag:$0x5], $0x80, $0x38;
	[tilespmem:$0x19000] =	vst v63  }
0x163: {  	s25 =	sadd.s32 $0x1, s25;
	_ =	swait.ge [sflag:s17], $0x80  }
0x164: {  	p0 =	sne.s32 s25, s16;
	[sflag:s17] =	ssyncset.done $0x0  }
.Ltmp4:
0x165: {  	s26 =	simm.s32 $0x18F80;
	[sflag:s17] =	ssyncadd.s32 $0xFFFFFF80;
	(pc) =	sbr.rel @p0 .LBB2_1-.Ltmp4, $4  }
0x166: {  	[hbm4b:s15+s3] =	stream.linear.scatter [tilespmem:s26], [sflag:$0x5], $0x80, $0x38;
	[tilespmem:$0x19000] =	vst v63  }
0x167: {  	_ =	swait.ge [sflag:s17], $0x80  }
0x168: {  	[sflag:s17] =	ssyncset.done $0x0  }
0x169: {  	[sflag:s17] =	ssyncadd.s32 $0xFFFFFF80  }
0x16a: {  	_ =	sfence.sel $0x180000  }
0x16b: {  	[bflag:$0x0] =	sbarrier.arrive $0xFFFF  }
0x16c: {  	_ =	strace $0x9000004A  }
0x16d: {  	s0 =	stileid.u32;
	[bflag:$0x2] =	sbarrier.arrive $0xFFFF  }
0x16e: {  	p0 =	sne.s32 s0, $0x0;
	s0 =	rddreg [dreg:$0x2]  }
0x16f: {  	s0 =	sadd.s32 @!p0 $0x100000, s0  }
0x170: {  	[sflag:s0] =	ssyncadd.tile.s32 @!p0 $0x1;
	_ =	shalt  }
.Lfunc_end2:
_tile_overlayer_lowered:
.L_overlay_start_2:
0x171: {  	(tag) =	ssettag $0x2  }
0x172: {  	s0 =	rddreg [dreg:$0x0];
	s2 =	stileid.u32  }
0x173: {  	s1 =	rddreg [dreg:$0x1];
	p0 =	sne.s32 s2, $0x0  }
0x174: {  	s3 =	rddreg [dreg:$0x2];
	[bflag:$0x3] =	sbarrier.arrive $0xFFFF;
	s2 =	simm.s32 @!p0 $0x1C05  }
0x175: {  	[timem:s3], [sflag:s2] =	dma.local @!p0 [hbm:s0], s1  }
0x176: {  	s0 =	simm.s32 @!p0 $0x5  }
0x177: {  	_ =	swait.ge @!p0 [sflag:s0], s1  }
0x178: {  	s1 =	ssub.s32 @!p0 $0x0, s1;
	[sflag:s0] =	ssyncset.done @!p0 $0x0  }
0x179: {  	[sflag:s0] =	ssyncadd.s32 @!p0 s1  }
0x17a: {  	[bflag:$0x3] =	sbarrier.arrive $0xFFFF  }
0x17b: {  	_ =	shalt  }

// kernel: kernel.15.cloned.1.call-start
scs
__scs_entry_jumppad:
0x0: {  	(pc) =	sbr.rel $0x88, $3  }
0x1: {  	(tag) =	ssettag $0x0;
	lr =	simm.s32 $0x1  }
0x2: {  	[smem:$0x3F96] =	sst lr;
	_ =	strace $0xD0000000  }
0x3: {  	_ = 	snop  }
0x4: {  	_ = 	snop  }
0x5: {  	_ = 	snop  }
0x6: {  	_ = 	snop  }
0x7: {  	_ = 	snop  }
__scs_overlays_trampoline_lowered:
0x8: {  	[smem:$0x3FA5] =	sst s0  }
0x9: {  	[smem:$0x3FA6] =	sst s1  }
0xa: {  	[smem:$0x3FA7] =	sst s2  }
0xb: {  	[smem:$0x3FA8] =	sst s3  }
0xc: {  	[smem:$0x3FA9] =	sst s4  }
0xd: {  	[smem:$0x3FAA] =	sst s5  }
0xe: {  	[smem:$0x3FAB] =	sst s6  }
0xf: {  	[smem:$0x3FAC] =	sst s7  }
0x10: {  	[smem:$0x3FAD] =	sst s8  }
0x11: {  	[smem:$0x3FAE] =	sst s9;
	s0 =	simm.s32 @!p0 $0x0  }
0x12: {  	s1 =	sld [smem:$0x3F94];
	s0 =	simm.s32 @p0 $0x1  }
0x13: {  	[smem:$0x3FAF] =	sst s0;
	s0 =	simm.s32 @!p1 $0x0  }
0x14: {  	s2 =	sld [smem:$0x3F93];
	s0 =	simm.s32 @p1 $0x1  }
0x15: {  	[smem:$0x3FB0] =	sst s0;
	s0 =	simm.s32 @!p2 $0x0  }
0x16: {  	s3 =	sld [smem:$0x3FDB];
	s0 =	simm.s32 @p2 $0x1  }
0x17: {  	s4 =	simm.s32 $0x1BF5;
	[smem:$0x3FB2] =	sst s0  }
0x18: {  	s0 =	sld [smem:$0x3F95];
	_ =	swait.ge [sflag:s4], $0x0  }
0x19: {  	s7 =	sld [smem:$0x3F96]  }
0x1a: {  	s8 =	sadd.s32 $0xFFFFE003, lr  }
0x1b: {  	s9 =	sadd.s32 $0xFFFFFEF7, lr;
	s5 =	simm.s32 $0xFFFFFFFF;
	p2 =	slt.u32 s8, $0xFFFFF086  }
0x1c: {  	p1 =	slt.u32 s9, $0xF7A;
	s5 =	simm.s32 @!p2 $0x0  }
0x1d: {  	s5 =	simm.s32 @p1 $0x1;
	p0 =	seq.s32 s7, s2  }
0x1e: {  	s7 =	smul.u32 @!p0 $0xF7A, s2;
	p2 =	seq.s32 @!p0 s5, $0x0  }
0x1f: {  	s9 =	smul.u32 $0xF7A, s1;
	s8 =	simm.s32 @!p0 $0x1BF5;
	p2 =	por !p2, p0  }
0x20: {  	[sflag:s8] =	ssyncset.s32 @!p0 $0xFFFFF086;
	s6 =	sadd.s32 @!p0 s3, s7;
	s7 =	simm.s32 @!p0 $0x108  }
0x21: {  	s3 =	sadd.s32 s3, s9;
	s6 =	sadd.s32 @!p0 $0x88, s6;
	s7 =	simm.s32 @p2 $0x1082  }
0x22: {  	[simem:s7], [sflag:s8] =	dma.local @!p0 [hbm:s6], $0xF7A  }
0x23: {  	s9 =	sor.u32 $0xD0000000, s2;
	s6 =	simm.s32 $0x108;
	_ =	swait.ge @!p0 [sflag:s8], $0x0  }
0x24: {  	s3 =	sadd.s32 $0x88, s3;
	s6 =	simm.s32 @!p1 $0x1082;
	[sflag:s4] =	ssyncset.s32 $0xFFFFF086  }
0x25: {  	[simem:s6], [sflag:s4] =	dma.local [hbm:s3], $0xF7A  }
0x26: {  	[smem:$0x3F96] =	sst s1;
	(tag) =	ssettag s2;
	_ =	strace s9  }
0x27: {  	s1 =	sld [smem:$0x3FA6]  }
0x28: {  	s2 =	sld [smem:$0x3FA7]  }
0x29: {  	s4 =	sld [smem:$0x3FA9]  }
0x2a: {  	p0 =	seq.s32 s5, $0x0;
	s5 =	sld [smem:$0x3FAA]  }
0x2b: {  	s6 =	sld [smem:$0x3FAB]  }
0x2c: {  	s7 =	sld [smem:$0x3FAC]  }
0x2d: {  	s3 =	simm.s32 $0x108;
	s8 =	sld [smem:$0x3FAD]  }
0x2e: {  	s3 =	simm.s32 @!p0 $0x1082;
	s9 =	sld [smem:$0x3FAE]  }
0x2f: {  	lr =	sadd.s32 s0, s3;
	s0 =	sld [smem:$0x3FA5]  }
0x30: {  	s3 =	sld [smem:$0x3FA8]  }
0x31: {  	[smem:$0x3FB1] =	sst s10  }
0x32: {  	s10 =	sld [smem:$0x3FAF];
	_ =	sdelay $0x3  }
0x33: {  	p0 =	seq.s32 s10, $0x1;
	s10 =	sld [smem:$0x3FB1];
	_ =	sdelay $0x3  }
0x34: {  	[smem:$0x3FB1] =	sst s10  }
0x35: {  	s10 =	sld [smem:$0x3FB0];
	_ =	sdelay $0x3  }
0x36: {  	p1 =	seq.s32 s10, $0x1;
	s10 =	sld [smem:$0x3FB1];
	_ =	sdelay $0x3  }
0x37: {  	[smem:$0x3FB1] =	sst s10  }
0x38: {  	s10 =	sld [smem:$0x3FB2]  }
0x39: {  	_ = 	snop;
	(pc) =	sbr.ind lr, $3  }
0x3a: {  	_ = 	snop  }
0x3b: {  	_ = 	snop  }
0x3c: {  	p2 =	seq.s32 s10, $0x1;
	s10 =	sld [smem:$0x3FB1]  }
0x3d: {  	_ =	shalt  }
0x3e: {  	_ =	shalt  }
0x3f: {  	_ =	shalt  }
0x40: {  	_ =	shalt  }
0x41: {  	_ =	shalt  }
0x42: {  	_ =	shalt  }
0x43: {  	_ =	shalt  }
0x44: {  	_ =	shalt  }
0x45: {  	_ =	shalt  }
0x46: {  	_ =	shalt  }
0x47: {  	_ =	shalt  }
0x48: {  	_ =	shalt  }
0x49: {  	_ =	shalt  }
0x4a: {  	_ =	shalt  }
0x4b: {  	_ =	shalt  }
0x4c: {  	_ =	shalt  }
0x4d: {  	_ =	shalt  }
0x4e: {  	_ =	shalt  }
0x4f: {  	_ =	shalt  }
0x50: {  	_ =	shalt  }
0x51: {  	_ =	shalt  }
0x52: {  	_ =	shalt  }
0x53: {  	_ =	shalt  }
0x54: {  	_ =	shalt  }
0x55: {  	_ =	shalt  }
0x56: {  	_ =	shalt  }
0x57: {  	_ =	shalt  }
0x58: {  	_ =	shalt  }
0x59: {  	_ =	shalt  }
0x5a: {  	_ =	shalt  }
0x5b: {  	_ =	shalt  }
0x5c: {  	_ =	shalt  }
0x5d: {  	_ =	shalt  }
0x5e: {  	_ =	shalt  }
0x5f: {  	_ =	shalt  }
0x60: {  	_ =	shalt  }
0x61: {  	_ =	shalt  }
0x62: {  	_ =	shalt  }
0x63: {  	_ =	shalt  }
0x64: {  	_ =	shalt  }
0x65: {  	_ =	shalt  }
0x66: {  	_ =	shalt  }
0x67: {  	_ =	shalt  }
0x68: {  	_ =	shalt  }
0x69: {  	_ =	shalt  }
0x6a: {  	_ =	shalt  }
0x6b: {  	_ =	shalt  }
0x6c: {  	_ =	shalt  }
0x6d: {  	_ =	shalt  }
0x6e: {  	_ =	shalt  }
0x6f: {  	_ =	shalt  }
0x70: {  	_ =	shalt  }
0x71: {  	_ =	shalt  }
0x72: {  	_ =	shalt  }
0x73: {  	_ =	shalt  }
0x74: {  	_ =	shalt  }
0x75: {  	_ =	shalt  }
0x76: {  	_ =	shalt  }
0x77: {  	_ =	shalt  }
0x78: {  	_ =	shalt  }
0x79: {  	_ =	shalt  }
0x7a: {  	_ =	shalt  }
0x7b: {  	_ =	shalt  }
0x7c: {  	_ =	shalt  }
0x7d: {  	_ =	shalt  }
0x7e: {  	_ =	shalt  }
0x7f: {  	_ =	shalt  }
0x80: {  	_ =	shalt  }
0x81: {  	_ =	shalt  }
0x82: {  	_ =	shalt  }
0x83: {  	_ =	shalt  }
0x84: {  	_ =	shalt  }
0x85: {  	_ =	shalt  }
0x86: {  	_ =	shalt  }
0x87: {  	_ =	shalt  }
.Lfunc_end0:
.L_simem_size_0:
called_computation.2_lowered:
.L_overlay_start_0:
0x88: {  	s2 =	sld [smem:$0x3FD9]  }
0x89: {  	s3 =	sld [smem:$0x3FFE];
	_ =	sdelay $0x1  }
0x8a: {  	s1 =	srdreg.scid  }
0x8b: {  	s0 =	sand.u32 $0x1, s1  }
0x8c: {  	s15 =	sshll.u32 s0, $0xA;
	s2 =	sadd.s32 s3, s2  }
0x8d: {  	s2 =	sadd.s32 s2, s15  }
0x8e: {  	[smem:$0x3FBD] =	sst s2  }
0x8f: {  	_ = 	snop  }
0x90: {  	s2 =	sld [smem:$0x3FD0];
	_ =	sdelay $0x2  }
0x91: {  	s16 =	simm.s32 $0xB;
	s4 =	simm.s32 $0x10  }
0x92: {  	[smem:s4], [sflag:s16] =	dma.local [hbm:s2], $0x1  }
0x93: {  	_ =	swait.eq [sflag:s16], $0x1  }
0x94: {  	[sflag:s16] =	ssyncset.done $0x0  }
0x95: {  	[sflag:s16] =	ssyncadd.s32 $0xFFFFFFFF  }
0x96: {  	s17 =	sld [smem:$0x10];
	(tm) =	ssettm $0x1  }
0x97: {  	s18 =	sld [smem:$0x3FFB];
	_ =	sdelay $0x3  }
0x98: {  	_ =	strace s18  }
0x99: {  	s2 =	sld [smem:$0x3FFC];
	_ =	sdelay $0x3  }
0x9a: {  	_ =	strace s2  }
0x9b: {  	s2 =	sld [smem:$0x3FFD];
	_ =	sdelay $0x3  }
0x9c: {  	_ =	strace s2  }
0x9d: {  	_ =	strace $0x8FFFFFFF  }
0x9e: {  	s19 =	sld [smem:$0x3FDB];
	_ =	sdelay $0x1  }
0x9f: {  	s20 =	simm.s32 $_scs_section_size  }
0xa0: {  	s5 =	simm.s32 $_size__tile_overlayer_lowered;
	s6 =	simm.s32 $_tile_overlayer_lowered  }
0xa1: {  	s7 =	simm.s32 $0x1BFF;
	s21 =	sshll.u32 s6, $0x1;
	s4 =	sadd.s32 s20, s19  }
0xa2: {  	s22 =	simm.s32 $0x0;
	s5 =	sshll.u32 s5, $0x1;
	s6 =	sadd.s32 s21, s4  }
0xa3: {  	[timem:s22], [sflag:s7] =	dma.local [hbm:s6], s5  }
0xa4: {  	_ =	swait.ge [sflag:s7], s5  }
0xa5: {  	s5 =	ssub.s32 $0x0, s5;
	[sflag:s7] =	ssyncset.done $0x0  }
0xa6: {  	[sflag:s7] =	ssyncadd.s32 s5;
	_ =	sdelay $0x1  }
0xa7: {  	s23 =	simm.s32 $0x1B8B  }
0xa8: {  	_ =	swait.ge [sflag:s23], $0x1  }
0xa9: {  	[sflag:s23] =	ssyncset.done $0x0  }
0xaa: {  	[sflag:s23] =	ssyncadd.s32 $0xFFFFFFFF  }
0xab: {  	s5 =	sld [smem:$0x0]  }
0xac: {  	s6 =	sand.u32 $0xFFFFFFFE, s1  }
0xad: {  	p0 =	sne.s32 s1, s6  }
0xae: {  	s6 =	sshll.u32 @p0 s6, $0xE  }
0xaf: {  	s6 =	sadd.s32 @p0 $0x11B8D, s6;
	s7 =	sshll.u32 @p0 s5, $0x11  }
0xb0: {  	s6 =	sor.u32 @p0 s7, s6  }
0xb1: {  	[sflag:s6] =	ssyncadd.remote.s32 @p0 $0x1;
	_ =	sdelay $0x1  }
0xb2: {  	s6 =	simm.s32 @p0 $0x1B8D  }
0xb3: {  	_ =	swait.eq @p0 [sflag:s6], $0x1  }
0xb4: {  	[sflag:s6] =	ssyncadd.s32 @p0 $0xFFFFFFFF  }
0xb5: {  	s7 =	sshll.u32 @!p0 s1, $0xE  }
0xb6: {  	s7 =	sor.u32 @!p0 $0x4000, s7;
	s6 =	simm.s32 @!p0 $0x1B8D  }
0xb7: {  	s5 =	sshll.u32 @!p0 s5, $0x11;
	s7 =	sadd.s32 @!p0 $0x11B8D, s7;
	_ =	swait.eq @!p0 [sflag:s6], $0x1  }
0xb8: {  	s5 =	sor.u32 @!p0 s5, s7;
	[sflag:s6] =	ssyncadd.s32 @!p0 $0xFFFFFFFF  }
0xb9: {  	s25 =	simm.s32 $0x1B8E;
	s24 =	sld [smem:$0x3FFE];
	[sflag:s5] =	ssyncadd.remote.s32 @!p0 $0x1  }
0xba: {  	s26 =	simm.s32 $execute0_lowered;
	[smem:$0x3FD2] =	sst s25  }
0xbb: {  	s6 =	sshll.u32 s26, $0x1;
	_ =	strace $0x8000004C;
	[dreg:$0x1] =	wrdreg $0xFFFFFFFF  }
0xbc: {  	s28 =	simm.s32 $_size_execute0_lowered;
	s4 =	sadd.s32 s4, s6;
	[dreg:$0x0] =	wrdreg $0x0  }
0xbd: {  	s6 =	sshll.u32 s28, $0x1;
	[dreg:$0x2] =	wrdreg s4  }
0xbe: {  	[dreg:$0x3] =	wrdreg s6  }
0xbf: {  	[dreg:$0x4] =	wrdreg $0xC0  }
0xc0: {  	_ =	task [dreg:s22], $0x5FFFF  }
0xc1: {  	[dreg:$0x1] =	wrdreg $0xFFFFFFFF  }
0xc2: {  	[dreg:$0x0] =	wrdreg $0x60  }
0xc3: {  	[dreg:$0x2] =	wrdreg s24  }
0xc4: {  	[dreg:$0x3] =	wrdreg s17  }
0xc5: {  	[dreg:$0x4] =	wrdreg $0xC6800  }
0xc6: {  	[dreg:$0x5] =	wrdreg $0xA  }
0xc7: {  	_ =	task.clear_ibuf [dreg:s22], $0x6FFFF;
	_ =	strace $0x9000004C  }
0xc8: {  	s29 =	simm.s32 $0xA;
	_ =	strace $0x8000004E  }
0xc9: {  	_ =	swait.ge [sflag:s29], $0x1  }
0xca: {  	[sflag:s29] =	ssyncadd.s32 $0xFFFFFFFF  }
0xcb: {  	_ =	strace $0x9000004E  }
0xcc: {  	_ =	sfence  }
0xcd: {  	s30 =	sld [smem:$0x0];
	_ =	sdelay $0x2  }
0xce: {  	s31 =	sshll.u32 s1, $0xD;
	s1 =	sshrl.u32 s1, $0x2  }
0xcf: {  	s4 =	sand.u32 $0x4000, s31;
	s1 =	sadd.s32 s1, s30  }
0xd0: {  	s0 =	sor.u32 s4, s0;
	s1 =	sshll.u32 s1, $0x11  }
0xd1: {  	s0 =	sor.u32 s1, s0  }
0xd2: {  	s0 =	sadd.s32 $0x8F2B, s0  }
0xd3: {  	[sflag:s0] =	ssyncadd.remote.s32 $0x1  }
0xd4: {  	_ =	sfence.sel $0xFFFF  }
0xd5: {  	[dreg:$0x0] =	wrdreg $0xFFFFFFFF;
	(pc) =	sbr.abs _section_cstart, $3  }
0xd6: {  	[dreg:$0x1] =	wrdreg $0xFFFFFFFF  }
0xd7: {  	_ =	task.clear_ibuf [dreg:s22], $0x2FFFF;
	_ =	strace $0x9FFFFFFF  }
0xd8: {  	(tm) =	ssettm $0x7FFFFFFF  }
0xd9: {  	_ =	shalt  }
tec
execute0_lowered:
.L_overlay_start_1:
0x0: {  	(tag) =	ssettag $0x1  }
0x1: {  	s1 =	srdreg.scid;
	s6 =	rddreg [dreg:$0x0]  }
0x2: {  	s0 =	stileid.u32;
	s2 =	rddreg [dreg:$0x1]  }
0x3: {  	s3 =	rddreg [dreg:$0x2];
	s4 =	simm.s32 $0x0;
	s12 =	simm.s32 $0x9E80  }
0x4: {  	s13 =	simm.s32 $0x3;
	s14 =	simm.s32 $0x2780;
	s15 =	simm.s32 $0x4F00  }
0x5: {  	s16 =	simm.s32 $0x50;
	s17 =	simm.s32 $0x7680;
	s18 =	simm.s32 $0x1  }
0x6: {  	s19 =	simm.s32 $0x2;
	s20 =	simm.s32 $0x4E40;
	s5 =	sand.u32 $0x1, s1  }
0x7: {  	s24 =	sshll.u32 s0, $0x1;
	s9 =	smul.u32 $0x13800, s0;
	[smem:$0x7FF] =	sst s4  }
0x8: {  	s29 =	smul.u32 $0x4E000, s0;
	p0 =	seq.s32 s0, $0xF;
	s1 =	sor.u32 s5, s24  }
0x9: {  	s8 =	smul.u32 $0x138800, s5;
	s28 =	ssub.s32 $0x2, s5;
	s5 =	simm.s32 $0x28  }
0xa: {  	s7 =	smul.u32 $0x2710, s1;
	s1 =	rddreg [dreg:$0x3];
	_ =	strace $0x8000004D  }
0xb: {  	s30 =	sshrl.u32 s28, $0x1;
	s5 =	simm.s32 @!p0 $0x27;
	s31 =	sshrl.u32 s29, $0x2  }
0xc: {  	s8 =	sadd.s32 s9, s8;
	s10 =	ssub.s32 s28, s30;
	s7 =	sshrl.u32 s7, $0x3  }
0xd: {  	s26 =	sshrl.u32 s8, $0x3;
	s10 =	smax.u32 s10, $0x1;
	s25 =	sadd.s32 s7, s6  }
0xe: {  	s11 =	sadd.s32 s26, s6;
	s6 =	sadd.s32 s31, s3;
	s7 =	sadd.s32 $0x2C00, s25  }
0xf: {  	v0 =	vimm.f32 $0.0e+00;
	s8 =	sadd.s32 $0xC840, s25;
	s9 =	sadd.s32 $0xBF200, s25;
	s11 =	sadd.s32 $0x64A00, s11  }
.LBB2_1:
0x10: {  	[tilespmem:$0x9E80] =	vst v0  }
0x11: {  	[tilespmem:$0x9E90] =	vst v0  }
0x12: {  	[tilespmem:$0x9EA0] =	vst v0  }
0x13: {  	[tilespmem:$0x9EB0] =	vst v0  }
0x14: {  	[tilespmem:$0x9EC0] =	vst v0  }
0x15: {  	[tilespmem:$0x9ED0] =	vst v0  }
0x16: {  	[tilespmem:$0x9EE0] =	vst v0  }
0x17: {  	[tilespmem:$0x9EF0] =	vst v0  }
0x18: {  	[tilespmem:$0x9F00] =	vst v0  }
0x19: {  	[tilespmem:$0x9F10] =	vst v0  }
0x1a: {  	[tilespmem:$0x9F20] =	vst v0  }
0x1b: {  	[tilespmem:$0x9F30] =	vst v0  }
0x1c: {  	[tilespmem:$0x9F40] =	vst v0  }
0x1d: {  	[tilespmem:$0x9F50] =	vst v0  }
0x1e: {  	[tilespmem:$0x9F60] =	vst v0  }
0x1f: {  	[tilespmem:$0x9F70] =	vst v0  }
0x20: {  	[tilespmem:$0x9F80] =	vst v0  }
0x21: {  	[tilespmem:$0x9F90] =	vst v0  }
0x22: {  	[tilespmem:$0x9FA0] =	vst v0  }
0x23: {  	[tilespmem:$0x9FB0] =	vst v0  }
0x24: {  	[tilespmem:$0x9FC0] =	vst v0  }
0x25: {  	[tilespmem:$0x9FD0] =	vst v0  }
0x26: {  	[tilespmem:$0x9FE0] =	vst v0  }
0x27: {  	[tilespmem:$0x9FF0] =	vst v0  }
0x28: {  	[tilespmem:$0xA000] =	vst v0  }
0x29: {  	[tilespmem:$0xA010] =	vst v0  }
0x2a: {  	[tilespmem:$0xA020] =	vst v0  }
0x2b: {  	[tilespmem:$0xA030] =	vst v0  }
0x2c: {  	[tilespmem:$0xA040] =	vst v0  }
0x2d: {  	[tilespmem:$0xA050] =	vst v0  }
0x2e: {  	[tilespmem:$0xA060] =	vst v0  }
0x2f: {  	[tilespmem:$0xA070] =	vst v0  }
0x30: {  	[tilespmem:$0xA080] =	vst v0  }
0x31: {  	[tilespmem:$0xA090] =	vst v0  }
0x32: {  	[tilespmem:$0xA0A0] =	vst v0  }
0x33: {  	[tilespmem:$0xA0B0] =	vst v0  }
0x34: {  	[tilespmem:$0xA0C0] =	vst v0  }
0x35: {  	[tilespmem:$0xA0D0] =	vst v0  }
0x36: {  	[tilespmem:$0xA0E0] =	vst v0  }
0x37: {  	[tilespmem:$0xA0F0] =	vst v0  }
0x38: {  	[tilespmem:$0xA100] =	vst v0  }
0x39: {  	[tilespmem:$0xA110] =	vst v0  }
0x3a: {  	[tilespmem:$0xA120] =	vst v0  }
0x3b: {  	[tilespmem:$0xA130] =	vst v0  }
0x3c: {  	[tilespmem:$0xA140] =	vst v0  }
0x3d: {  	[tilespmem:$0xA150] =	vst v0  }
0x3e: {  	[tilespmem:$0xA160] =	vst v0  }
0x3f: {  	[tilespmem:$0xA170] =	vst v0  }
0x40: {  	[tilespmem:$0xA180] =	vst v0  }
0x41: {  	[tilespmem:$0xA190] =	vst v0  }
0x42: {  	[tilespmem:$0xA1A0] =	vst v0  }
0x43: {  	[tilespmem:$0xA1B0] =	vst v0  }
0x44: {  	[tilespmem:$0xA1C0] =	vst v0  }
0x45: {  	[tilespmem:$0xA1D0] =	vst v0  }
0x46: {  	[tilespmem:$0xA1E0] =	vst v0  }
0x47: {  	[tilespmem:$0xA1F0] =	vst v0  }
0x48: {  	[tilespmem:$0xA200] =	vst v0  }
0x49: {  	[tilespmem:$0xA210] =	vst v0  }
0x4a: {  	[tilespmem:$0xA220] =	vst v0  }
0x4b: {  	[tilespmem:$0xA230] =	vst v0  }
0x4c: {  	[tilespmem:$0xA240] =	vst v0  }
0x4d: {  	[tilespmem:$0xA250] =	vst v0  }
0x4e: {  	[tilespmem:$0xA260] =	vst v0  }
0x4f: {  	[tilespmem:$0xA270] =	vst v0  }
0x50: {  	[tilespmem:$0xA280] =	vst v0  }
0x51: {  	[tilespmem:$0xA290] =	vst v0  }
0x52: {  	[tilespmem:$0xA2A0] =	vst v0  }
0x53: {  	[tilespmem:$0xA2B0] =	vst v0  }
0x54: {  	[tilespmem:$0xA2C0] =	vst v0  }
0x55: {  	[tilespmem:$0xA2D0] =	vst v0  }
0x56: {  	[tilespmem:$0xA2E0] =	vst v0  }
0x57: {  	[tilespmem:$0xA2F0] =	vst v0  }
0x58: {  	[tilespmem:$0xA300] =	vst v0  }
0x59: {  	[tilespmem:$0xA310] =	vst v0  }
0x5a: {  	[tilespmem:$0xA320] =	vst v0  }
0x5b: {  	[tilespmem:$0xA330] =	vst v0  }
0x5c: {  	[tilespmem:$0xA340] =	vst v0  }
0x5d: {  	[tilespmem:$0xA350] =	vst v0  }
0x5e: {  	[tilespmem:$0xA360] =	vst v0  }
0x5f: {  	[tilespmem:$0xA370] =	vst v0  }
0x60: {  	[tilespmem:$0xA380] =	vst v0  }
0x61: {  	[tilespmem:$0xA390] =	vst v0  }
0x62: {  	[tilespmem:$0xA3A0] =	vst v0  }
0x63: {  	[tilespmem:$0xA3B0] =	vst v0  }
0x64: {  	[tilespmem:$0xA3C0] =	vst v0  }
0x65: {  	[tilespmem:$0xA3D0] =	vst v0  }
0x66: {  	[tilespmem:$0xA3E0] =	vst v0  }
0x67: {  	[tilespmem:$0xA3F0] =	vst v0  }
0x68: {  	[tilespmem:$0xA400] =	vst v0  }
0x69: {  	[tilespmem:$0xA410] =	vst v0  }
0x6a: {  	[tilespmem:$0xA420] =	vst v0  }
0x6b: {  	[tilespmem:$0xA430] =	vst v0  }
0x6c: {  	[tilespmem:$0xA440] =	vst v0  }
0x6d: {  	[tilespmem:$0xA450] =	vst v0  }
0x6e: {  	[tilespmem:$0xA460] =	vst v0  }
0x6f: {  	[tilespmem:$0xA470] =	vst v0  }
0x70: {  	[tilespmem:$0xA480] =	vst v0  }
0x71: {  	[tilespmem:$0xA490] =	vst v0  }
0x72: {  	[tilespmem:$0xA4A0] =	vst v0  }
0x73: {  	[tilespmem:$0xA4B0] =	vst v0  }
0x74: {  	[tilespmem:$0xA4C0] =	vst v0  }
0x75: {  	[tilespmem:$0xA4D0] =	vst v0  }
0x76: {  	[tilespmem:$0xA4E0] =	vst v0  }
0x77: {  	[tilespmem:$0xA4F0] =	vst v0  }
0x78: {  	[tilespmem:$0xA500] =	vst v0  }
0x79: {  	[tilespmem:$0xA510] =	vst v0  }
0x7a: {  	[tilespmem:$0xA520] =	vst v0  }
0x7b: {  	[tilespmem:$0xA530] =	vst v0  }
0x7c: {  	[tilespmem:$0xA540] =	vst v0  }
0x7d: {  	[tilespmem:$0xA550] =	vst v0  }
0x7e: {  	[tilespmem:$0xA560] =	vst v0  }
0x7f: {  	[tilespmem:$0xA570] =	vst v0  }
0x80: {  	[tilespmem:$0xA580] =	vst v0  }
0x81: {  	[tilespmem:$0xA590] =	vst v0  }
0x82: {  	[tilespmem:$0xA5A0] =	vst v0  }
0x83: {  	[tilespmem:$0xA5B0] =	vst v0  }
0x84: {  	[tilespmem:$0xA5C0] =	vst v0  }
0x85: {  	[tilespmem:$0xA5D0] =	vst v0  }
0x86: {  	[tilespmem:$0xA5E0] =	vst v0  }
0x87: {  	[tilespmem:$0xA5F0] =	vst v0  }
0x88: {  	[tilespmem:$0xA600] =	vst v0  }
0x89: {  	[tilespmem:$0xA610] =	vst v0  }
0x8a: {  	[tilespmem:$0xA620] =	vst v0  }
0x8b: {  	[tilespmem:$0xA630] =	vst v0  }
0x8c: {  	[tilespmem:$0xA640] =	vst v0  }
0x8d: {  	[tilespmem:$0xA650] =	vst v0;
	p0 =	sne.s32 s5, $0x1  }
.Ltmp0:
0x8e: {  	[tilespmem:$0xA660] =	vst v0;
	(pc) =	sbr.rel @!p0 .LBB2_3-.Ltmp0, $4  }
0x8f: {  	[tilespmem:$0xA670] =	vst v0  }
0x90: {  	[spmem:s6] =	stream.linear.scatter [tilespmem:s12], [sflag:$0x3], $0x800, $0x38;
	[tilespmem:$0x1FF00] =	vst v63  }
0x91: {  	_ =	swait.ge [sflag:s13], $0x800  }
0x92: {  	s21 =	sadd.s32 $0xFFFFFFFF, s5;
	s22 =	smov.u32 s6;
	[sflag:s13] =	ssyncset.done $0x0  }
.LBB2_2:
0x93: {  	p1 =	sne.s32 s21, $0x1;
	[sflag:s13] =	ssyncadd.s32 $0xFFFFF800;
	s22 =	sadd.s32 $0x800, s22  }
.Ltmp1:
0x94: {  	s21 =	sadd.s32 $0xFFFFFFFF, s21;
	(pc) =	sbr.rel @p1 .LBB2_2-.Ltmp1, $4  }
0x95: {  	_ = 	snop  }
0x96: {  	[spmem:s22] =	stream.linear.scatter [tilespmem:s12], [sflag:$0x3], $0x800, $0x38;
	[tilespmem:$0x1FF00] =	vst v63  }
0x97: {  	_ =	swait.ge [sflag:s13], $0x800  }
0x98: {  	[sflag:s13] =	ssyncset.done $0x0  }
.LBB2_3:
0x99: {  	[sflag:s13] =	ssyncadd.s32 $0xFFFFF800  }
0x9a: {  	s21 =	simm.s32 $0x0;
	[bflag:$0x0] =	sbarrier.arrive $0xFFFF  }
0x9b: {  	[tilespmem:s21], [sflag:$0x3] =	stream.linear.gather [hbm4b:s7+s21], $0x2710, $0x38;
	[tilespmem:$0x1FF00] =	vst v63  }
0x9c: {  	_ =	swait.ge [sflag:s13], $0x2710  }
0x9d: {  	[sflag:s13] =	ssyncset.done $0x0  }
0x9e: {  	[sflag:s13] =	ssyncadd.s32 $0xFFFFD8F0  }
0x9f: {  	[tilespmem:s14], [sflag:$0x3] =	stream.linear.gather [hbm4b:s8+s21], $0x2710, $0x38;
	[tilespmem:$0x1FF00] =	vst v63  }
0xa0: {  	_ =	swait.ge [sflag:s13], $0x2710  }
0xa1: {  	[sflag:s13] =	ssyncset.done $0x0  }
0xa2: {  	[sflag:s13] =	ssyncadd.s32 $0xFFFFD8F0  }
0xa3: {  	[tilespmem:s15], [sflag:$0x3] =	stream.linear.gather [hbm4b:s9+s21], $0x2710, $0x38;
	[tilespmem:$0x1FF00] =	vst v63  }
0xa4: {  	_ =	swait.ge [sflag:s13], $0x2710  }
0xa5: {  	[sflag:s13] =	ssyncset.done $0x0  }
0xa6: {  	[sflag:s13] =	ssyncadd.s32 $0xFFFFD8F0  }
0xa7: {  	[tilespmem:s17], [sflag:$0x1] =	stream.indirect.gather [hbm4b:s2+s16], $0x80, s21, s16, $0xb8;
	[tilespmem:$0x1FF00] =	vst v63  }
0xa8: {  	s22 =	simm.s32 $0x0  }
0xa9: {  	[tilespmem:s12], [sflag:$0x2] =	stream.indirect.gather [hbm4b:s2+s16], $0x80, s16, s16, $0xb8;
	[tilespmem:$0x1FF00] =	vst v63  }
.LBB2_4:
0xaa: {  	s24 =	sadd.s32 $0xFFFFFFFE, s21  }
0xab: {  	s23 =	sadd.s32 $0x2, s24  }
0xac: {  	v1 =	vmov s23  }
0xad: {  	v1 =	vand.u32 $0xFFFFFFFE, v1  }
0xae: {  	v2 =	vbroadcast v1, $0x0;
	_ =	sdelay $0x1  }
0xaf: {  	_ =	swait.ge [sflag:s18], $0x2800  }
0xb0: {  	[sflag:s18] =	ssyncset.done $0x0  }
0xb1: {  	[sflag:s18] =	ssyncadd.s32 $0xFFFFD800;
	s23 =	simm.s32 $0x7700  }
0xb2: {  	v5 =	vld [tilespmem:s23+$0xFFFFFFF0]  }
0xb3: {  	v6 =	vld.idx.msk [tilespmem:v2+s15+$0x0], $0xffff  }
0xb4: {  	v7 =	vld [tilespmem:s23+$0xFFFFFF80]  }
0xb5: {  	v8 =	vld [tilespmem:s23+$0xFFFFFFA0]  }
0xb6: {  	v4 =	vld [tilespmem:s23+$0xFFFFFFB0]  }
0xb7: {  	v3 =	vld [tilespmem:s23+$0xFFFFFFD0]  }
0xb8: {  	v10 =	vld [tilespmem:s23+$0xFFFFFF90];
	v5 =	vmul.f32 v5, v6  }
0xb9: {  	v9 =	vld [tilespmem:s23+$0xFFFFFFE0];
	v7 =	vmul.f32 v7, v6  }
0xba: {  	v11 =	vld [tilespmem:s23+$0xFFFFFFC0];
	v8 =	vmul.f32 v8, v6;
	[tilespmem:s23+$0xFFFFFFF0] =	vst v5  }
0xbb: {  	v4 =	vmul.f32 v4, v6;
	[tilespmem:s23+$0xFFFFFF80] =	vst v7  }
0xbc: {  	s24 =	sadd.s32 $0x3, s24;
	v3 =	vmul.f32 v3, v6;
	[tilespmem:s23+$0xFFFFFFA0] =	vst v8  }
0xbd: {  	v5 =	vmul.f32 v10, v6;
	[tilespmem:s23+$0xFFFFFFB0] =	vst v4;
	v7 =	vmov s24  }
0xbe: {  	v1 =	vld [tilespmem:s23+$0x0];
	v4 =	vmul.f32 v9, v6;
	[tilespmem:s23+$0xFFFFFFD0] =	vst v3  }
0xbf: {  	v2 =	vld [tilespmem:s23+$0x10];
	v3 =	vmul.f32 v11, v6;
	[tilespmem:s23+$0xFFFFFF90] =	vst v5  }
0xc0: {  	[tilespmem:s23+$0xFFFFFFE0] =	vst v4;
	v5 =	vld [tilespmem:s23+$0x30]  }
0xc1: {  	[tilespmem:s23+$0xFFFFFFC0] =	vst v3;
	v4 =	vld [tilespmem:s23+$0x70]  }
0xc2: {  	s25 =	simm.s32 $0x0;
	s26 =	simm.s32 $0x7700;
	s24 =	smul.u32 $0xA0, s22;
	v3 =	vld.idx.msk [tilespmem:v7+s15+$0x0], $0xffff  }
.LBB2_5:
0xc3: {  	v6 =	vld [tilespmem:s23+$0x20];
	s26 =	sadd.s32 $0x100, s26;
	s28 =	smov.u32 s25;
	s25 =	sadd.s32 $0x2, s25  }
0xc4: {  	p1 =	slt.u32 s25, $0x4E;
	v7 =	vld [tilespmem:s23+$0x40]  }
0xc5: {  	v8 =	vld [tilespmem:s23+$0x50]  }
0xc6: {  	v9 =	vld [tilespmem:s23+$0x60];
	_ =	sdelay $0x1  }
0xc7: {  	s28 =	sadd.s32 s28, s21;
	v1 =	vmul.f32 v1, v3;
	v2 =	vmul.f32 v2, v3  }
0xc8: {  	s29 =	sadd.s32 $0x2, s28;
	s28 =	sadd.s32 $0x3, s28;
	v5 =	vmul.f32 v5, v3;
	v6 =	vmul.f32 v6, v3  }
0xc9: {  	v10 =	vmov s29;
	v7 =	vmul.f32 v7, v3;
	[tilespmem:s23+$0x0] =	vst v1;
	v8 =	vmul.f32 v8, v3  }
0xca: {  	v10 =	vand.u32 $0xFFFFFFFE, v10;
	v1 =	vld [tilespmem:s26+$0x0];
	[tilespmem:s23+$0x30] =	vst v5;
	v5 =	vmul.f32 v9, v3;
	v3 =	vmul.f32 v4, v3  }
0xcb: {  	v4 =	vbroadcast v10, $0x0;
	[tilespmem:s23+$0x10] =	vst v2  }
0xcc: {  	[tilespmem:s23+$0x70] =	vst v3  }
0xcd: {  	v3 =	vld [tilespmem:s26+$0xFFFFFFD0];
	[tilespmem:s23+$0x20] =	vst v6  }
0xce: {  	v6 =	vld [tilespmem:s26+$0xFFFFFFB0];
	[tilespmem:s23+$0x60] =	vst v5  }
0xcf: {  	v5 =	vld [tilespmem:s26+$0xFFFFFFE0];
	[tilespmem:s23+$0x40] =	vst v7  }
0xd0: {  	v7 =	vld [tilespmem:s26+$0xFFFFFFF0];
	[tilespmem:s23+$0x50] =	vst v8;
	s23 =	smov.u32 s26  }
0xd1: {  	v4 =	vld.idx.msk [tilespmem:v4+s15+$0x0], $0xffff  }
0xd2: {  	v8 =	vld [tilespmem:s26+$0xFFFFFF80]  }
0xd3: {  	v9 =	vld [tilespmem:s26+$0xFFFFFFA0]  }
0xd4: {  	v10 =	vld [tilespmem:s26+$0xFFFFFF90]  }
0xd5: {  	v11 =	vld [tilespmem:s26+$0xFFFFFFC0]  }
0xd6: {  	v2 =	vld [tilespmem:s26+$0x10]  }
0xd7: {  	v7 =	vmul.f32 v7, v4;
	v8 =	vmul.f32 v8, v4  }
0xd8: {  	v5 =	vmul.f32 v5, v4;
	v9 =	vmul.f32 v9, v4  }
0xd9: {  	v6 =	vmul.f32 v6, v4;
	v10 =	vmul.f32 v10, v4;
	[tilespmem:s26+$0xFFFFFFF0] =	vst v7  }
0xda: {  	v3 =	vmul.f32 v3, v4;
	[tilespmem:s26+$0xFFFFFF80] =	vst v8;
	v7 =	vmul.f32 v11, v4  }
0xdb: {  	[tilespmem:s26+$0xFFFFFFA0] =	vst v9  }
0xdc: {  	[tilespmem:s26+$0xFFFFFFB0] =	vst v6;
	v6 =	vmov s28  }
.Ltmp2:
0xdd: {  	[tilespmem:s26+$0xFFFFFFD0] =	vst v3;
	(pc) =	sbr.rel @p1 .LBB2_5-.Ltmp2, $4  }
0xde: {  	[tilespmem:s26+$0xFFFFFF90] =	vst v10  }
0xdf: {  	[tilespmem:s26+$0xFFFFFFE0] =	vst v5;
	v5 =	vld [tilespmem:s26+$0x30]  }
0xe0: {  	[tilespmem:s26+$0xFFFFFFC0] =	vst v7;
	v4 =	vld [tilespmem:s26+$0x70]  }
0xe1: {  	v3 =	vld.idx.msk [tilespmem:v6+s15+$0x0], $0xffff  }
0xe2: {  	_ =	sdelay $0x2  }
0xe3: {  	v6 =	vld [tilespmem:s23+$0x20]  }
0xe4: {  	v7 =	vld [tilespmem:s23+$0x60];
	v1 =	vmul.f32 v1, v3  }
0xe5: {  	v8 =	vld [tilespmem:s23+$0x40];
	v5 =	vmul.f32 v5, v3  }
0xe6: {  	v9 =	vld [tilespmem:s23+$0x50];
	v2 =	vmul.f32 v2, v3;
	[tilespmem:s23+$0x0] =	vst v1  }
0xe7: {  	[tilespmem:s23+$0x30] =	vst v5;
	v1 =	vmul.f32 v4, v3  }
0xe8: {  	v4 =	vmul.f32 v6, v3;
	[tilespmem:s23+$0x10] =	vst v2  }
0xe9: {  	v2 =	vmul.f32 v7, v3;
	[tilespmem:s23+$0x70] =	vst v1  }
0xea: {  	v1 =	vmul.f32 v8, v3;
	[tilespmem:s23+$0x20] =	vst v4  }
0xeb: {  	v3 =	vmul.f32 v9, v3;
	[tilespmem:s23+$0x60] =	vst v2  }
0xec: {  	s26 =	sadd.s32 $0xFFFFFFFE, s21;
	[tilespmem:s23+$0x40] =	vst v1  }
0xed: {  	s30 =	sadd.s32 $0x2780, s24;
	s31 =	smul.u32 $0x280, s22;
	s28 =	sadd.s32 $0x52, s26;
	[tilespmem:s23+$0x50] =	vst v3  }
0xee: {  	[spmem:s3] =	stream.indirect.scatter.add.f32 [tilespmem:s17], [sflag:$0x3], $0x80, s30, s16, $0xb8;
	[tilespmem:$0x1FF00] =	vst v63  }
0xef: {  	v1 =	vmov s28;
	_ =	swait.ge [sflag:s13], $0x2800  }
0xf0: {  	s23 =	sshra.s32 s31, $0x2;
	v1 =	vand.u32 $0xFFFFFFFE, v1;
	[sflag:s13] =	ssyncset.done $0x0  }
0xf1: {  	s25 =	sadd.s32 $0xA0, s23;
	v2 =	vbroadcast v1, $0x0;
	[sflag:s13] =	ssyncadd.s32 $0xFFFFD800  }
0xf2: {  	[tilespmem:s17], [sflag:$0x1] =	stream.indirect.gather [hbm4b:s2+s16], $0x80, s25, s16, $0xb8;
	[tilespmem:$0x1FF00] =	vst v63  }
0xf3: {  	_ =	swait.ge [sflag:s19], $0x2800  }
0xf4: {  	[sflag:s19] =	ssyncset.done $0x0  }
0xf5: {  	s25 =	simm.s32 $0x9F00;
	[sflag:s19] =	ssyncadd.s32 $0xFFFFD800  }
0xf6: {  	v5 =	vld [tilespmem:s25+$0xFFFFFFF0]  }
0xf7: {  	v6 =	vld.idx.msk [tilespmem:v2+s15+$0x0], $0xffff  }
0xf8: {  	v7 =	vld [tilespmem:s25+$0xFFFFFF80]  }
0xf9: {  	v62 =	vld [tilespmem:s25+$0xFFFFFFA0]  }
0xfa: {  	v4 =	vld [tilespmem:s25+$0xFFFFFFB0]  }
0xfb: {  	v3 =	vld [tilespmem:s25+$0xFFFFFFD0]  }
0xfc: {  	v10 =	vld [tilespmem:s25+$0xFFFFFF90];
	v5 =	vmul.f32 v5, v6  }
0xfd: {  	v63 =	vld [tilespmem:s25+$0xFFFFFFE0];
	v7 =	vmul.f32 v7, v6  }
0xfe: {  	v11 =	vld [tilespmem:s25+$0xFFFFFFC0];
	v8 =	vmul.f32 v62, v6;
	[tilespmem:s25+$0xFFFFFFF0] =	vst v5  }
0xff: {  	v4 =	vmul.f32 v4, v6;
	[tilespmem:s25+$0xFFFFFF80] =	vst v7  }
0x100: {  	s26 =	sadd.s32 $0x53, s26;
	v3 =	vmul.f32 v3, v6;
	[tilespmem:s25+$0xFFFFFFA0] =	vst v8  }
0x101: {  	v5 =	vmul.f32 v10, v6;
	[tilespmem:s25+$0xFFFFFFB0] =	vst v4;
	v7 =	vmov s26  }
0x102: {  	v1 =	vld [tilespmem:s25+$0x0];
	v4 =	vmul.f32 v63, v6;
	[tilespmem:s25+$0xFFFFFFD0] =	vst v3  }
0x103: {  	v2 =	vld [tilespmem:s25+$0x10];
	v3 =	vmul.f32 v11, v6;
	[tilespmem:s25+$0xFFFFFF90] =	vst v5  }
0x104: {  	[tilespmem:s25+$0xFFFFFFE0] =	vst v4;
	v5 =	vld [tilespmem:s25+$0x30]  }
0x105: {  	[tilespmem:s25+$0xFFFFFFC0] =	vst v3;
	v4 =	vld [tilespmem:s25+$0x70]  }
0x106: {  	s24 =	sadd.s32 $0x50, s24;
	s28 =	simm.s32 $0x9F00;
	s26 =	simm.s32 $0x0;
	v3 =	vld.idx.msk [tilespmem:v7+s15+$0x0], $0xffff  }
.LBB2_7:
0x107: {  	v6 =	vld [tilespmem:s25+$0x20];
	s28 =	sadd.s32 $0x100, s28;
	s29 =	smov.u32 s26;
	s26 =	sadd.s32 $0x2, s26  }
0x108: {  	p1 =	slt.u32 s26, $0x4E;
	v7 =	vld [tilespmem:s25+$0x40]  }
0x109: {  	v8 =	vld [tilespmem:s25+$0x50]  }
0x10a: {  	v9 =	vld [tilespmem:s25+$0x60];
	_ =	sdelay $0x1  }
0x10b: {  	s29 =	sadd.s32 s29, s21;
	v1 =	vmul.f32 v1, v3;
	v2 =	vmul.f32 v2, v3  }
0x10c: {  	s30 =	sadd.s32 $0x52, s29;
	s29 =	sadd.s32 $0x53, s29;
	v5 =	vmul.f32 v5, v3;
	v6 =	vmul.f32 v6, v3  }
0x10d: {  	v10 =	vmov s30;
	v7 =	vmul.f32 v7, v3;
	[tilespmem:s25+$0x0] =	vst v1;
	v8 =	vmul.f32 v8, v3  }
0x10e: {  	v10 =	vand.u32 $0xFFFFFFFE, v10;
	v1 =	vld [tilespmem:s28+$0x0];
	[tilespmem:s25+$0x30] =	vst v5;
	v5 =	vmul.f32 v9, v3;
	v3 =	vmul.f32 v4, v3  }
0x10f: {  	v4 =	vbroadcast v10, $0x0;
	[tilespmem:s25+$0x10] =	vst v2  }
0x110: {  	[tilespmem:s25+$0x70] =	vst v3  }
0x111: {  	v3 =	vld [tilespmem:s28+$0xFFFFFFD0];
	[tilespmem:s25+$0x20] =	vst v6  }
0x112: {  	v6 =	vld [tilespmem:s28+$0xFFFFFFB0];
	[tilespmem:s25+$0x60] =	vst v5  }
0x113: {  	v5 =	vld [tilespmem:s28+$0xFFFFFFE0];
	[tilespmem:s25+$0x40] =	vst v7  }
0x114: {  	v7 =	vld [tilespmem:s28+$0xFFFFFFF0];
	[tilespmem:s25+$0x50] =	vst v8;
	s25 =	smov.u32 s28  }
0x115: {  	v4 =	vld.idx.msk [tilespmem:v4+s15+$0x0], $0xffff  }
0x116: {  	v8 =	vld [tilespmem:s28+$0xFFFFFF80]  }
0x117: {  	v9 =	vld [tilespmem:s28+$0xFFFFFFA0]  }
0x118: {  	v10 =	vld [tilespmem:s28+$0xFFFFFF90]  }
0x119: {  	v11 =	vld [tilespmem:s28+$0xFFFFFFC0]  }
0x11a: {  	v2 =	vld [tilespmem:s28+$0x10]  }
0x11b: {  	v7 =	vmul.f32 v7, v4;
	v8 =	vmul.f32 v8, v4  }
0x11c: {  	v5 =	vmul.f32 v5, v4;
	v9 =	vmul.f32 v9, v4  }
0x11d: {  	v6 =	vmul.f32 v6, v4;
	v10 =	vmul.f32 v10, v4;
	[tilespmem:s28+$0xFFFFFFF0] =	vst v7  }
0x11e: {  	v3 =	vmul.f32 v3, v4;
	[tilespmem:s28+$0xFFFFFF80] =	vst v8;
	v7 =	vmul.f32 v11, v4  }
0x11f: {  	[tilespmem:s28+$0xFFFFFFA0] =	vst v9  }
0x120: {  	[tilespmem:s28+$0xFFFFFFB0] =	vst v6;
	v6 =	vmov s29  }
.Ltmp3:
0x121: {  	[tilespmem:s28+$0xFFFFFFD0] =	vst v3;
	(pc) =	sbr.rel @p1 .LBB2_7-.Ltmp3, $4  }
0x122: {  	[tilespmem:s28+$0xFFFFFF90] =	vst v10  }
0x123: {  	[tilespmem:s28+$0xFFFFFFE0] =	vst v5;
	v5 =	vld [tilespmem:s28+$0x30]  }
0x124: {  	[tilespmem:s28+$0xFFFFFFC0] =	vst v7;
	v4 =	vld [tilespmem:s28+$0x70]  }
0x125: {  	v3 =	vld.idx.msk [tilespmem:v6+s15+$0x0], $0xffff  }
0x126: {  	_ =	sdelay $0x1  }
0x127: {  	v6 =	vld [tilespmem:s25+$0x20];
	_ =	sdelay $0x1  }
0x128: {  	v7 =	vld [tilespmem:s25+$0x60];
	v1 =	vmul.f32 v1, v3  }
0x129: {  	v8 =	vld [tilespmem:s25+$0x40];
	v5 =	vmul.f32 v5, v3  }
0x12a: {  	v9 =	vld [tilespmem:s25+$0x50];
	v2 =	vmul.f32 v2, v3;
	[tilespmem:s25+$0x0] =	vst v1  }
0x12b: {  	v63 =	vmul.f32 v6, v3;
	[tilespmem:s25+$0x30] =	vst v5  }
0x12c: {  	v1 =	vmul.f32 v4, v3;
	[tilespmem:s25+$0x10] =	vst v2  }
0x12d: {  	v2 =	vmul.f32 v7, v3;
	[tilespmem:s25+$0x20] =	vst v63  }
0x12e: {  	[tilespmem:s25+$0x70] =	vst v1;
	v1 =	vmul.f32 v8, v3  }
0x12f: {  	v3 =	vmul.f32 v9, v3;
	[tilespmem:s25+$0x60] =	vst v2  }
0x130: {  	p1 =	seq.s32 s22, $0x3D;
	[tilespmem:s25+$0x40] =	vst v1  }
.Ltmp4:
0x131: {  	s24 =	sadd.s32 $0x2780, s24;
	[tilespmem:s25+$0x50] =	vst v3;
	(pc) =	sbr.rel @p1 .LBB2_10-.Ltmp4, $4  }
0x132: {  	[spmem:s3] =	stream.indirect.scatter.add.f32 [tilespmem:s12], [sflag:$0x3], $0x80, s24, s16, $0xb8;
	[tilespmem:$0x1FF00] =	vst v63  }
0x133: {  	_ =	swait.ge [sflag:s13], $0x2800  }
0x134: {  	[sflag:s13] =	ssyncset.done $0x0  }
0x135: {  	[sflag:s13] =	ssyncadd.s32 $0xFFFFD800  }
.Ltmp5:
0x136: {  	(pc) =	sbr.rel .LBB2_4-.Ltmp5, $3  }
0x137: {  	_ =	sdelay $0x1  }
0x138: {  	s23 =	sadd.s32 $0xF0, s23;
	s22 =	sadd.s32 $0x1, s22;
	s21 =	sadd.s32 $0xA0, s21  }
0x139: {  	[tilespmem:s12], [sflag:$0x2] =	stream.indirect.gather [hbm4b:s2+s16], $0x80, s23, s16, $0xb8;
	[tilespmem:$0x1FF00] =	vst v63  }
.LBB2_10:
0x13a: {  	s21 =	simm.s32 $0x26C0  }
0x13b: {  	v1 =	vmov s21  }
0x13c: {  	v1 =	vand.u32 $0xFFFFFFFE, v1  }
0x13d: {  	v2 =	vbroadcast v1, $0x0;
	_ =	sdelay $0x1  }
0x13e: {  	_ =	swait.ge [sflag:s18], $0x2800  }
0x13f: {  	[sflag:s18] =	ssyncset.done $0x0  }
0x140: {  	s21 =	simm.s32 $0x7700;
	[sflag:s18] =	ssyncadd.s32 $0xFFFFD800  }
0x141: {  	v5 =	vld [tilespmem:s21+$0xFFFFFFF0]  }
0x142: {  	v6 =	vld.idx.msk [tilespmem:v2+s15+$0x0], $0xffff  }
0x143: {  	v7 =	vld [tilespmem:s21+$0xFFFFFF80]  }
0x144: {  	v8 =	vld [tilespmem:s21+$0xFFFFFFA0]  }
0x145: {  	v4 =	vld [tilespmem:s21+$0xFFFFFFB0]  }
0x146: {  	v3 =	vld [tilespmem:s21+$0xFFFFFFD0]  }
0x147: {  	v10 =	vld [tilespmem:s21+$0xFFFFFF90];
	v5 =	vmul.f32 v5, v6  }
0x148: {  	v9 =	vld [tilespmem:s21+$0xFFFFFFE0];
	v7 =	vmul.f32 v7, v6  }
0x149: {  	v11 =	vld [tilespmem:s21+$0xFFFFFFC0];
	v8 =	vmul.f32 v8, v6;
	[tilespmem:s21+$0xFFFFFFF0] =	vst v5  }
0x14a: {  	v4 =	vmul.f32 v4, v6;
	[tilespmem:s21+$0xFFFFFF80] =	vst v7  }
0x14b: {  	s22 =	simm.s32 $0x26C1;
	v3 =	vmul.f32 v3, v6;
	[tilespmem:s21+$0xFFFFFFA0] =	vst v8  }
0x14c: {  	v5 =	vmul.f32 v10, v6;
	[tilespmem:s21+$0xFFFFFFB0] =	vst v4;
	v7 =	vmov s22  }
0x14d: {  	v1 =	vld [tilespmem:s21+$0x0];
	v4 =	vmul.f32 v9, v6;
	[tilespmem:s21+$0xFFFFFFD0] =	vst v3  }
0x14e: {  	v2 =	vld [tilespmem:s21+$0x10];
	v3 =	vmul.f32 v11, v6;
	[tilespmem:s21+$0xFFFFFF90] =	vst v5  }
0x14f: {  	[tilespmem:s21+$0xFFFFFFE0] =	vst v4;
	v5 =	vld [tilespmem:s21+$0x30]  }
0x150: {  	[tilespmem:s21+$0xFFFFFFC0] =	vst v3;
	v4 =	vld [tilespmem:s21+$0x70]  }
0x151: {  	s23 =	simm.s32 $0x7700;
	s22 =	simm.s32 $0x0;
	v3 =	vld.idx.msk [tilespmem:v7+s15+$0x0], $0xffff  }
.LBB2_11:
0x152: {  	v6 =	vld [tilespmem:s21+$0x20];
	s23 =	sadd.s32 $0x100, s23;
	s24 =	smov.u32 s22;
	s22 =	sadd.s32 $0x2, s22  }
0x153: {  	p1 =	slt.u32 s22, $0x4E;
	v7 =	vld [tilespmem:s21+$0x40]  }
0x154: {  	v8 =	vld [tilespmem:s21+$0x50]  }
0x155: {  	v9 =	vld [tilespmem:s21+$0x60];
	_ =	sdelay $0x1  }
0x156: {  	v1 =	vmul.f32 v1, v3;
	v2 =	vmul.f32 v2, v3  }
0x157: {  	s25 =	sadd.s32 $0x26C2, s24;
	v5 =	vmul.f32 v5, v3;
	v6 =	vmul.f32 v6, v3  }
0x158: {  	v10 =	vmov s25;
	v7 =	vmul.f32 v7, v3;
	[tilespmem:s21+$0x0] =	vst v1;
	v8 =	vmul.f32 v8, v3  }
0x159: {  	v10 =	vand.u32 $0xFFFFFFFE, v10;
	v1 =	vld [tilespmem:s23+$0x0];
	[tilespmem:s21+$0x30] =	vst v5;
	v5 =	vmul.f32 v9, v3;
	v3 =	vmul.f32 v4, v3  }
0x15a: {  	v4 =	vbroadcast v10, $0x0;
	[tilespmem:s21+$0x10] =	vst v2  }
0x15b: {  	[tilespmem:s21+$0x70] =	vst v3  }
0x15c: {  	v3 =	vld [tilespmem:s23+$0xFFFFFFD0];
	[tilespmem:s21+$0x20] =	vst v6  }
0x15d: {  	v6 =	vld [tilespmem:s23+$0xFFFFFFB0];
	[tilespmem:s21+$0x60] =	vst v5  }
0x15e: {  	v5 =	vld [tilespmem:s23+$0xFFFFFFE0];
	[tilespmem:s21+$0x40] =	vst v7  }
0x15f: {  	v7 =	vld [tilespmem:s23+$0xFFFFFFF0];
	[tilespmem:s21+$0x50] =	vst v8;
	s21 =	smov.u32 s23  }
0x160: {  	v4 =	vld.idx.msk [tilespmem:v4+s15+$0x0], $0xffff  }
0x161: {  	v8 =	vld [tilespmem:s23+$0xFFFFFF80]  }
0x162: {  	v9 =	vld [tilespmem:s23+$0xFFFFFFA0]  }
0x163: {  	v10 =	vld [tilespmem:s23+$0xFFFFFF90]  }
0x164: {  	v11 =	vld [tilespmem:s23+$0xFFFFFFC0]  }
0x165: {  	v2 =	vld [tilespmem:s23+$0x10]  }
0x166: {  	v7 =	vmul.f32 v7, v4;
	v8 =	vmul.f32 v8, v4  }
0x167: {  	v5 =	vmul.f32 v5, v4;
	v9 =	vmul.f32 v9, v4  }
0x168: {  	v6 =	vmul.f32 v6, v4;
	v10 =	vmul.f32 v10, v4;
	[tilespmem:s23+$0xFFFFFFF0] =	vst v7  }
0x169: {  	v3 =	vmul.f32 v3, v4;
	[tilespmem:s23+$0xFFFFFF80] =	vst v8;
	v7 =	vmul.f32 v11, v4  }
0x16a: {  	s24 =	sadd.s32 $0x26C3, s24;
	[tilespmem:s23+$0xFFFFFFA0] =	vst v9  }
0x16b: {  	[tilespmem:s23+$0xFFFFFFB0] =	vst v6;
	v6 =	vmov s24  }
.Ltmp6:
0x16c: {  	[tilespmem:s23+$0xFFFFFFD0] =	vst v3;
	(pc) =	sbr.rel @p1 .LBB2_11-.Ltmp6, $4  }
0x16d: {  	[tilespmem:s23+$0xFFFFFF90] =	vst v10  }
0x16e: {  	[tilespmem:s23+$0xFFFFFFE0] =	vst v5;
	v5 =	vld [tilespmem:s23+$0x30]  }
0x16f: {  	[tilespmem:s23+$0xFFFFFFC0] =	vst v7;
	v4 =	vld [tilespmem:s23+$0x70]  }
0x170: {  	v3 =	vld.idx.msk [tilespmem:v6+s15+$0x0], $0xffff  }
0x171: {  	_ =	sdelay $0x1  }
0x172: {  	v6 =	vld [tilespmem:s21+$0x20];
	_ =	sdelay $0x1  }
0x173: {  	v7 =	vld [tilespmem:s21+$0x60];
	v1 =	vmul.f32 v1, v3  }
0x174: {  	v8 =	vld [tilespmem:s21+$0x40];
	v5 =	vmul.f32 v5, v3  }
0x175: {  	v9 =	vld [tilespmem:s21+$0x50];
	v2 =	vmul.f32 v2, v3;
	[tilespmem:s21+$0x0] =	vst v1  }
0x176: {  	v63 =	vmul.f32 v6, v3;
	[tilespmem:s21+$0x30] =	vst v5  }
0x177: {  	v1 =	vmul.f32 v4, v3;
	[tilespmem:s21+$0x10] =	vst v2  }
0x178: {  	v2 =	vmul.f32 v7, v3;
	[tilespmem:s21+$0x20] =	vst v63  }
0x179: {  	[tilespmem:s21+$0x70] =	vst v1;
	v1 =	vmul.f32 v8, v3  }
0x17a: {  	v3 =	vmul.f32 v9, v3;
	[tilespmem:s21+$0x60] =	vst v2  }
0x17b: {  	[tilespmem:s21+$0x40] =	vst v1  }
0x17c: {  	[tilespmem:s21+$0x50] =	vst v3  }
0x17d: {  	[spmem:s3] =	stream.indirect.scatter.add.f32 [tilespmem:s17], [sflag:$0x3], $0x80, s20, s16, $0xb8;
	[tilespmem:$0x1FF00] =	vst v63  }
0x17e: {  	_ =	swait.ge [sflag:s13], $0x2800  }
.Ltmp7:
0x17f: {  	[sflag:s13] =	ssyncset.done $0x0;
	(pc) =	sbr.rel @!p0 .LBB2_14-.Ltmp7, $4  }
0x180: {  	s31 =	sshll.u32 s0, $0x6;
	s22 =	sshrl.u32 s6, $0x3;
	[sflag:s13] =	ssyncadd.s32 $0xFFFFD800  }
0x181: {  	s23 =	sadd.s32 $0x100, s11;
	s21 =	sor.u32 $0x1C03, s31;
	[bflag:$0x0] =	sbarrier.arrive $0xFFFF  }
0x182: {  	[hbm:s11], [sflag:s21] =	dma.local [spmem:s22], $0x100  }
0x183: {  	s24 =	smov.u32 s6;
	s22 =	sadd.s32 $0xFFFFFFFF, s5;
	_ =	swait.ge [sflag:s13], $0x100  }
.LBB2_13:
0x184: {  	[sflag:s13] =	ssyncset.done $0x0;
	s24 =	sadd.s32 $0x800, s24;
	p0 =	sne.s32 s22, $0x1  }
.Ltmp8:
0x185: {  	s25 =	sshrl.u32 s24, $0x3;
	[sflag:s13] =	ssyncadd.s32 $0xFFFFFF00;
	(pc) =	sbr.rel @p0 .LBB2_13-.Ltmp8, $3  }
0x186: {  	[hbm:s23], [sflag:s21] =	dma.local [spmem:s25], $0x100  }
0x187: {  	s22 =	sadd.s32 $0xFFFFFFFF, s22;
	_ =	sdelay $0x1  }
0x188: {  	s23 =	sadd.s32 $0x100, s23;
	_ =	swait.ge [sflag:s13], $0x100  }
.LBB2_14:
0x189: {  	s4 =	sadd.s32 $0x1, s4  }
0x18a: {  	p0 =	sne.s32 s4, s10  }
.Ltmp9:
0x18b: {  	_ = 	snop;
	(pc) =	sbr.rel @p0 .LBB2_1-.Ltmp9, $3  }
0x18c: {  	_ =	sdelay $0x1  }
0x18d: {  	[sflag:s13] =	ssyncset.done $0x0  }
0x18e: {  	[sflag:s13] =	ssyncadd.s32 $0xFFFFFF00  }
0x18f: {  	_ =	sfence.sel $0x180000  }
0x190: {  	[bflag:$0x0] =	sbarrier.arrive $0xFFFF  }
0x191: {  	p0 =	sne.s32 s0, $0x0;
	_ =	strace $0x9000004D  }
0x192: {  	s0 =	sadd.s32 @!p0 $0x100000, s1;
	[bflag:$0x2] =	sbarrier.arrive $0xFFFF  }
0x193: {  	[sflag:s0] =	ssyncadd.tile.s32 @!p0 $0x1;
	_ =	shalt  }
.Lfunc_end2:
_tile_overlayer_lowered:
.L_overlay_start_2:
0x194: {  	(tag) =	ssettag $0x2  }
0x195: {  	s0 =	rddreg [dreg:$0x0];
	s2 =	stileid.u32  }
0x196: {  	s1 =	rddreg [dreg:$0x1];
	p0 =	sne.s32 s2, $0x0  }
0x197: {  	s3 =	rddreg [dreg:$0x2];
	[bflag:$0x3] =	sbarrier.arrive $0xFFFF;
	s2 =	simm.s32 @!p0 $0x1C03  }
0x198: {  	[timem:s3], [sflag:s2] =	dma.local @!p0 [hbm:s0], s1  }
0x199: {  	s0 =	simm.s32 @!p0 $0x3  }
0x19a: {  	_ =	swait.ge @!p0 [sflag:s0], s1  }
0x19b: {  	s1 =	ssub.s32 @!p0 $0x0, s1;
	[sflag:s0] =	ssyncset.done @!p0 $0x0  }
0x19c: {  	[sflag:s0] =	ssyncadd.s32 @!p0 s1  }
0x19d: {  	[bflag:$0x3] =	sbarrier.arrive $0xFFFF  }
0x19e: {  	_ =	shalt  }

// kernel: kernel.9.cloned.1.call-start
scs
__scs_entry_jumppad:
0x0: {  	(pc) =	sbr.rel $0x88, $3  }
0x1: {  	(tag) =	ssettag $0x0;
	lr =	simm.s32 $0x1  }
0x2: {  	[smem:$0x3F96] =	sst lr;
	_ =	strace $0xD0000000  }
0x3: {  	_ = 	snop  }
0x4: {  	_ = 	snop  }
0x5: {  	_ = 	snop  }
0x6: {  	_ = 	snop  }
0x7: {  	_ = 	snop  }
__scs_overlays_trampoline_lowered:
0x8: {  	[smem:$0x3FA5] =	sst s0  }
0x9: {  	[smem:$0x3FA6] =	sst s1  }
0xa: {  	[smem:$0x3FA7] =	sst s2  }
0xb: {  	[smem:$0x3FA8] =	sst s3  }
0xc: {  	[smem:$0x3FA9] =	sst s4  }
0xd: {  	[smem:$0x3FAA] =	sst s5  }
0xe: {  	[smem:$0x3FAB] =	sst s6  }
0xf: {  	[smem:$0x3FAC] =	sst s7  }
0x10: {  	[smem:$0x3FAD] =	sst s8  }
0x11: {  	[smem:$0x3FAE] =	sst s9;
	s0 =	simm.s32 @!p0 $0x0  }
0x12: {  	s1 =	sld [smem:$0x3F94];
	s0 =	simm.s32 @p0 $0x1  }
0x13: {  	[smem:$0x3FAF] =	sst s0;
	s0 =	simm.s32 @!p1 $0x0  }
0x14: {  	s2 =	sld [smem:$0x3F93];
	s0 =	simm.s32 @p1 $0x1  }
0x15: {  	[smem:$0x3FB0] =	sst s0;
	s0 =	simm.s32 @!p2 $0x0  }
0x16: {  	s3 =	sld [smem:$0x3FDB];
	s0 =	simm.s32 @p2 $0x1  }
0x17: {  	s4 =	simm.s32 $0x1BF5;
	[smem:$0x3FB2] =	sst s0  }
0x18: {  	s0 =	sld [smem:$0x3F95];
	_ =	swait.ge [sflag:s4], $0x0  }
0x19: {  	s7 =	sld [smem:$0x3F96]  }
0x1a: {  	s8 =	sadd.s32 $0xFFFFE003, lr  }
0x1b: {  	s9 =	sadd.s32 $0xFFFFFEF7, lr;
	s5 =	simm.s32 $0xFFFFFFFF;
	p2 =	slt.u32 s8, $0xFFFFF086  }
0x1c: {  	p1 =	slt.u32 s9, $0xF7A;
	s5 =	simm.s32 @!p2 $0x0  }
0x1d: {  	s5 =	simm.s32 @p1 $0x1;
	p0 =	seq.s32 s7, s2  }
0x1e: {  	s7 =	smul.u32 @!p0 $0xF7A, s2;
	p2 =	seq.s32 @!p0 s5, $0x0  }
0x1f: {  	s9 =	smul.u32 $0xF7A, s1;
	s8 =	simm.s32 @!p0 $0x1BF5;
	p2 =	por !p2, p0  }
0x20: {  	[sflag:s8] =	ssyncset.s32 @!p0 $0xFFFFF086;
	s6 =	sadd.s32 @!p0 s3, s7;
	s7 =	simm.s32 @!p0 $0x108  }
0x21: {  	s3 =	sadd.s32 s3, s9;
	s6 =	sadd.s32 @!p0 $0x88, s6;
	s7 =	simm.s32 @p2 $0x1082  }
0x22: {  	[simem:s7], [sflag:s8] =	dma.local @!p0 [hbm:s6], $0xF7A  }
0x23: {  	s9 =	sor.u32 $0xD0000000, s2;
	s6 =	simm.s32 $0x108;
	_ =	swait.ge @!p0 [sflag:s8], $0x0  }
0x24: {  	s3 =	sadd.s32 $0x88, s3;
	s6 =	simm.s32 @!p1 $0x1082;
	[sflag:s4] =	ssyncset.s32 $0xFFFFF086  }
0x25: {  	[simem:s6], [sflag:s4] =	dma.local [hbm:s3], $0xF7A  }
0x26: {  	[smem:$0x3F96] =	sst s1;
	(tag) =	ssettag s2;
	_ =	strace s9  }
0x27: {  	s1 =	sld [smem:$0x3FA6]  }
0x28: {  	s2 =	sld [smem:$0x3FA7]  }
0x29: {  	s4 =	sld [smem:$0x3FA9]  }
0x2a: {  	p0 =	seq.s32 s5, $0x0;
	s5 =	sld [smem:$0x3FAA]  }
0x2b: {  	s6 =	sld [smem:$0x3FAB]  }
0x2c: {  	s7 =	sld [smem:$0x3FAC]  }
0x2d: {  	s3 =	simm.s32 $0x108;
	s8 =	sld [smem:$0x3FAD]  }
0x2e: {  	s3 =	simm.s32 @!p0 $0x1082;
	s9 =	sld [smem:$0x3FAE]  }
0x2f: {  	lr =	sadd.s32 s0, s3;
	s0 =	sld [smem:$0x3FA5]  }
0x30: {  	s3 =	sld [smem:$0x3FA8]  }
0x31: {  	[smem:$0x3FB1] =	sst s10  }
0x32: {  	s10 =	sld [smem:$0x3FAF];
	_ =	sdelay $0x3  }
0x33: {  	p0 =	seq.s32 s10, $0x1;
	s10 =	sld [smem:$0x3FB1];
	_ =	sdelay $0x3  }
0x34: {  	[smem:$0x3FB1] =	sst s10  }
0x35: {  	s10 =	sld [smem:$0x3FB0];
	_ =	sdelay $0x3  }
0x36: {  	p1 =	seq.s32 s10, $0x1;
	s10 =	sld [smem:$0x3FB1];
	_ =	sdelay $0x3  }
0x37: {  	[smem:$0x3FB1] =	sst s10  }
0x38: {  	s10 =	sld [smem:$0x3FB2]  }
0x39: {  	_ = 	snop;
	(pc) =	sbr.ind lr, $3  }
0x3a: {  	_ = 	snop  }
0x3b: {  	_ = 	snop  }
0x3c: {  	p2 =	seq.s32 s10, $0x1;
	s10 =	sld [smem:$0x3FB1]  }
0x3d: {  	_ =	shalt  }
0x3e: {  	_ =	shalt  }
0x3f: {  	_ =	shalt  }
0x40: {  	_ =	shalt  }
0x41: {  	_ =	shalt  }
0x42: {  	_ =	shalt  }
0x43: {  	_ =	shalt  }
0x44: {  	_ =	shalt  }
0x45: {  	_ =	shalt  }
0x46: {  	_ =	shalt  }
0x47: {  	_ =	shalt  }
0x48: {  	_ =	shalt  }
0x49: {  	_ =	shalt  }
0x4a: {  	_ =	shalt  }
0x4b: {  	_ =	shalt  }
0x4c: {  	_ =	shalt  }
0x4d: {  	_ =	shalt  }
0x4e: {  	_ =	shalt  }
0x4f: {  	_ =	shalt  }
0x50: {  	_ =	shalt  }
0x51: {  	_ =	shalt  }
0x52: {  	_ =	shalt  }
0x53: {  	_ =	shalt  }
0x54: {  	_ =	shalt  }
0x55: {  	_ =	shalt  }
0x56: {  	_ =	shalt  }
0x57: {  	_ =	shalt  }
0x58: {  	_ =	shalt  }
0x59: {  	_ =	shalt  }
0x5a: {  	_ =	shalt  }
0x5b: {  	_ =	shalt  }
0x5c: {  	_ =	shalt  }
0x5d: {  	_ =	shalt  }
0x5e: {  	_ =	shalt  }
0x5f: {  	_ =	shalt  }
0x60: {  	_ =	shalt  }
0x61: {  	_ =	shalt  }
0x62: {  	_ =	shalt  }
0x63: {  	_ =	shalt  }
0x64: {  	_ =	shalt  }
0x65: {  	_ =	shalt  }
0x66: {  	_ =	shalt  }
0x67: {  	_ =	shalt  }
0x68: {  	_ =	shalt  }
0x69: {  	_ =	shalt  }
0x6a: {  	_ =	shalt  }
0x6b: {  	_ =	shalt  }
0x6c: {  	_ =	shalt  }
0x6d: {  	_ =	shalt  }
0x6e: {  	_ =	shalt  }
0x6f: {  	_ =	shalt  }
0x70: {  	_ =	shalt  }
0x71: {  	_ =	shalt  }
0x72: {  	_ =	shalt  }
0x73: {  	_ =	shalt  }
0x74: {  	_ =	shalt  }
0x75: {  	_ =	shalt  }
0x76: {  	_ =	shalt  }
0x77: {  	_ =	shalt  }
0x78: {  	_ =	shalt  }
0x79: {  	_ =	shalt  }
0x7a: {  	_ =	shalt  }
0x7b: {  	_ =	shalt  }
0x7c: {  	_ =	shalt  }
0x7d: {  	_ =	shalt  }
0x7e: {  	_ =	shalt  }
0x7f: {  	_ =	shalt  }
0x80: {  	_ =	shalt  }
0x81: {  	_ =	shalt  }
0x82: {  	_ =	shalt  }
0x83: {  	_ =	shalt  }
0x84: {  	_ =	shalt  }
0x85: {  	_ =	shalt  }
0x86: {  	_ =	shalt  }
0x87: {  	_ =	shalt  }
.Lfunc_end0:
.L_simem_size_0:
called_computation_lowered:
.L_overlay_start_0:
0x88: {  	s2 =	sld [smem:$0x3FD9]  }
0x89: {  	s3 =	sld [smem:$0x3FFE];
	_ =	sdelay $0x1  }
0x8a: {  	s1 =	srdreg.scid  }
0x8b: {  	s0 =	sand.u32 $0x1, s1  }
0x8c: {  	s16 =	sshll.u32 s0, $0xA;
	s2 =	sadd.s32 s3, s2  }
0x8d: {  	s2 =	sadd.s32 s2, s16  }
0x8e: {  	[smem:$0x3FBD] =	sst s2  }
0x8f: {  	_ = 	snop  }
0x90: {  	(tm) =	ssettm $0x1  }
0x91: {  	s17 =	sld [smem:$0x3FFB];
	_ =	sdelay $0x3  }
0x92: {  	_ =	strace s17  }
0x93: {  	s2 =	sld [smem:$0x3FFC];
	_ =	sdelay $0x3  }
0x94: {  	_ =	strace s2  }
0x95: {  	s2 =	sld [smem:$0x3FFD];
	_ =	sdelay $0x3  }
0x96: {  	_ =	strace s2  }
0x97: {  	_ =	strace $0x8FFFFFFF  }
0x98: {  	s18 =	sld [smem:$0x3FDB];
	_ =	sdelay $0x1  }
0x99: {  	s19 =	simm.s32 $_scs_section_size  }
0x9a: {  	s4 =	simm.s32 $_size__tile_overlayer_lowered;
	s5 =	simm.s32 $_tile_overlayer_lowered  }
0x9b: {  	s22 =	simm.s32 $0x1BFF;
	s21 =	sshll.u32 s5, $0x1;
	s2 =	sadd.s32 s19, s18  }
0x9c: {  	s6 =	simm.s32 $0x0;
	s20 =	sshll.u32 s4, $0x1;
	s4 =	sadd.s32 s21, s2  }
0x9d: {  	[timem:s6], [sflag:s22] =	dma.local [hbm:s4], s20  }
0x9e: {  	_ =	swait.ge [sflag:s22], s20  }
0x9f: {  	s3 =	ssub.s32 $0x0, s20;
	[sflag:s22] =	ssyncset.done $0x0  }
0xa0: {  	[sflag:s22] =	ssyncadd.s32 s3;
	_ =	sdelay $0x1  }
0xa1: {  	s23 =	simm.s32 $0x1B8B  }
0xa2: {  	_ =	swait.ge [sflag:s23], $0x1  }
0xa3: {  	[sflag:s23] =	ssyncset.done $0x0  }
0xa4: {  	s25 =	simm.s32 $0x1B8E;
	s24 =	sld [smem:$0x3FFE];
	[sflag:s23] =	ssyncadd.s32 $0xFFFFFFFF  }
0xa5: {  	s26 =	simm.s32 $execute0_lowered;
	[smem:$0x3FD2] =	sst s25  }
0xa6: {  	s4 =	sshll.u32 s26, $0x1;
	_ =	strace $0x80000046;
	[dreg:$0x1] =	wrdreg $0xFFFFFFFF  }
0xa7: {  	s28 =	simm.s32 $_size_execute0_lowered;
	s2 =	sadd.s32 s2, s4;
	[dreg:$0x0] =	wrdreg $0x0  }
0xa8: {  	s4 =	sshll.u32 s28, $0x1;
	[dreg:$0x2] =	wrdreg s2  }
0xa9: {  	[dreg:$0x3] =	wrdreg s4  }
0xaa: {  	[dreg:$0x4] =	wrdreg $0xC0  }
0xab: {  	_ =	task [dreg:s6], $0x5FFFF  }
0xac: {  	[dreg:$0x1] =	wrdreg $0xFFFFFFFF  }
0xad: {  	[dreg:$0x0] =	wrdreg $0x60  }
0xae: {  	[dreg:$0x2] =	wrdreg s24  }
0xaf: {  	[dreg:$0x3] =	wrdreg $0xA  }
0xb0: {  	_ =	task.clear_ibuf [dreg:s6], $0x4FFFF;
	_ =	strace $0x90000046  }
0xb1: {  	s29 =	simm.s32 $0xA;
	_ =	strace $0x80000048  }
0xb2: {  	_ =	swait.ge [sflag:s29], $0x1  }
0xb3: {  	[sflag:s29] =	ssyncadd.s32 $0xFFFFFFFF  }
0xb4: {  	_ =	strace $0x90000048  }
0xb5: {  	_ =	sfence  }
0xb6: {  	s30 =	sld [smem:$0x0];
	_ =	sdelay $0x2  }
0xb7: {  	s31 =	sshll.u32 s1, $0xD;
	s1 =	sshrl.u32 s1, $0x2  }
0xb8: {  	s3 =	sand.u32 $0x4000, s31;
	s1 =	sadd.s32 s1, s30  }
0xb9: {  	s0 =	sor.u32 s3, s0;
	s1 =	sshll.u32 s1, $0x11  }
0xba: {  	s0 =	sor.u32 s1, s0  }
0xbb: {  	s0 =	sadd.s32 $0x8F2B, s0  }
0xbc: {  	[sflag:s0] =	ssyncadd.remote.s32 $0x1  }
0xbd: {  	_ =	sfence.sel $0xFFFF  }
0xbe: {  	[dreg:$0x0] =	wrdreg $0xFFFFFFFF;
	(pc) =	sbr.abs _section_cstart, $3  }
0xbf: {  	[dreg:$0x1] =	wrdreg $0xFFFFFFFF  }
0xc0: {  	_ =	task.clear_ibuf [dreg:s6], $0x2FFFF;
	_ =	strace $0x9FFFFFFF  }
0xc1: {  	(tm) =	ssettm $0x7FFFFFFF  }
tec
execute0_lowered:
.L_overlay_start_1:
0x0: {  	(tag) =	ssettag $0x1  }
0x1: {  	s7 =	rddreg [dreg:$0x0]  }
0x2: {  	s0 =	rddreg [dreg:$0x1];
	s2 =	simm.s32 $0x0;
	s3 =	srdreg.scid  }
0x3: {  	s1 =	stileid.u32;
	s12 =	simm.s32 $0x2780;
	s13 =	simm.s32 $0x7680  }
0x4: {  	s14 =	simm.s32 $0x7E80;
	s15 =	simm.s32 $0x8680;
	s16 =	simm.s32 $0x4F00  }
0x5: {  	s17 =	simm.s32 $0x8E80;
	s18 =	simm.s32 $0x0;
	[smem:$0x7FF] =	sst s2  }
0x6: {  	s4 =	sand.u32 $0x1, s3;
	s31 =	sshll.u32 s1, $0x1;
	s3 =	sadd.s32 $0x67200, s7  }
0x7: {  	s5 =	sadd.s32 $0x2C00, s7;
	s6 =	sadd.s32 $0xBF200, s7;
	s8 =	sor.u32 s4, s31  }
0x8: {  	_ =	strace $0x80000047;
	s10 =	ssub.s32 $0x2, s4;
	s9 =	smul.u32 $0x4E2, s8  }
0x9: {  	s4 =	sadd.s32 $0x64A00, s7;
	s11 =	sshrl.u32 s10, $0x1;
	s8 =	smul.u32 $0x2710, s8  }
0xa: {  	s10 =	ssub.s32 s10, s11;
	s11 =	simm.s32 $0x1;
	s9 =	sadd.s32 s9, s7  }
0xb: {  	v0 =	vimm.f32 $0.0e+00;
	s7 =	sadd.s32 $0x64EE2, s7;
	s10 =	smax.u32 s10, $0x1;
	s9 =	sadd.s32 $0xB5400, s9  }
.LBB2_1:
0xc: {  	[tilespmem:s2], [sflag:$0x1] =	stream.linear.gather [hbm4b:s4+s2], $0x2710, $0x38;
	[tilespmem:$0x9680] =	vst v63  }
0xd: {  	_ =	swait.ge [sflag:s11], $0x2710  }
0xe: {  	[sflag:s11] =	ssyncset.done $0x0  }
0xf: {  	[sflag:s11] =	ssyncadd.s32 $0xFFFFD8F0  }
0x10: {  	[tilespmem:s12], [sflag:$0x1] =	stream.linear.gather [hbm4b:s7+s2], $0x2710, $0x38;
	[tilespmem:$0x9680] =	vst v63  }
0x11: {  	_ =	swait.ge [sflag:s11], $0x2710  }
0x12: {  	[sflag:s11] =	ssyncset.done $0x0  }
0x13: {  	s19 =	simm.s32 $0x40;
	s20 =	simm.s32 $0x0;
	[sflag:s11] =	ssyncadd.s32 $0xFFFFD8F0  }
.LBB2_2:
0x14: {  	p0 =	sne.s32 s19, $0x9C00;
	[tilespmem:s20+$0x4F00] =	vst v0;
	s20 =	smov.u32 s19;
	s19 =	sadd.s32 $0x40, s19  }
.Ltmp0:
0x15: {  	(pc) =	sbr.rel @p0 .LBB2_2-.Ltmp0, $2  }
0x16: {  	_ =	sdelay $0x2  }
0x17: {  	s20 =	sshra.s32 s20, $0x2  }
0x18: {  	[tilespmem:s20+$0x4F00] =	vst v0;
	s19 =	simm.s32 $0x0;
	s20 =	simm.s32 $0x0  }
.LBB2_4:
0x19: {  	s21 =	smul.u32 $0x7D0, s20;
	_ =	sdelay $0x1  }
0x1a: {  	s21 =	sadd.s32 s8, s21  }
0x1b: {  	s21 =	sshrl.u32 s21, $0x3  }
0x1c: {  	s22 =	sadd.s32 s3, s21  }
0x1d: {  	[tilespmem:s13], [sflag:$0x1] =	stream.linear.gather [hbm4b:s22+s19], $0x7D0, $0x38;
	[tilespmem:$0x9680] =	vst v63  }
0x1e: {  	_ =	swait.ge [sflag:s11], $0x7D0  }
0x1f: {  	[sflag:s11] =	ssyncset.done $0x0  }
0x20: {  	s31 =	sadd.s32 s5, s21;
	[sflag:s11] =	ssyncadd.s32 $0xFFFFF830  }
0x21: {  	[tilespmem:s14], [sflag:$0x1] =	stream.linear.gather [hbm4b:s31+s19], $0x7D0, $0x38;
	[tilespmem:$0x9680] =	vst v63  }
0x22: {  	_ =	swait.ge [sflag:s11], $0x7D0  }
0x23: {  	[sflag:s11] =	ssyncset.done $0x0  }
0x24: {  	s22 =	sadd.s32 $0x9C40, s31;
	[sflag:s11] =	ssyncadd.s32 $0xFFFFF830  }
0x25: {  	[tilespmem:s15], [sflag:$0x1] =	stream.linear.gather [hbm4b:s22+s19], $0x7D0, $0x38;
	[tilespmem:$0x9680] =	vst v63  }
0x26: {  	_ =	swait.ge [sflag:s11], $0x7D0  }
0x27: {  	[sflag:s11] =	ssyncset.done $0x0  }
0x28: {  	s22 =	simm.s32 $0x0;
	[sflag:s11] =	ssyncadd.s32 $0xFFFFF830  }
0x29: {  	s23 =	simm.s32 $0x40;
	v1 =	vld [tilespmem:s22+$0x7E80]  }
.LBB2_5:
0x2a: {  	p0 =	sne.s32 s23, $0x1F00  }
0x2b: {  	v2 =	vld [tilespmem:s22+$0x8680];
	_ =	sdelay $0x5  }
0x2c: {  	v1 =	vld.idx.msk [tilespmem:v1+s2+$0x0], $0xffff  }
0x2d: {  	v3 =	vld [tilespmem:s22+$0x7680]  }
0x2e: {  	v4 =	vld.idx.msk [tilespmem:v2+s12+$0x0], $0xffff;
	_ =	sdelay $0x3  }
0x2f: {  	v1 =	vadd.f32 v3, v1;
	_ =	sdelay $0x1  }
0x30: {  	v1 =	vadd.f32 v1, v4;
	_ =	sdelay $0x1  }
0x31: {  	v1 =	vmax.f32 v1, $0.0e+00  }
0x32: {  	v1 =	vmul.f32 $1.442695020e+00, v1;
	_ =	sdelay $0x1  }
0x33: {  	(erf) = vpow2.f32 v1;
	_ =	sdelay $0x7  }
.Ltmp1:
0x34: {  	(pc) =	sbr.rel @p0 .LBB2_5-.Ltmp1, $4  }
0x35: {  	v1 =	vpop (erf)  }
0x36: {  	[tilespmem:s22+$0x8E80] =	vst v1  }
0x37: {  	s22 =	sshra.s32 s23, $0x2;
	[tilespmem:v2+s16+$0x0] =	vst.idx.add.f32.msk $0xffff, v1  }
0x38: {  	s23 =	sadd.s32 $0x40, s23;
	v1 =	vld [tilespmem:s22+$0x7E80]  }
0x39: {  	_ =	sdelay $0x1  }
0x3a: {  	v2 =	vld [tilespmem:s22+$0x8680];
	_ =	sdelay $0x4  }
0x3b: {  	v3 =	vld [tilespmem:s22+$0x7680]  }
0x3c: {  	v1 =	vld.idx.msk [tilespmem:v1+s2+$0x0], $0xffff;
	_ =	sdelay $0x1  }
0x3d: {  	v4 =	vld.idx.msk [tilespmem:v2+s12+$0x0], $0xffff;
	_ =	sdelay $0x2  }
0x3e: {  	v1 =	vadd.f32 v3, v1;
	_ =	sdelay $0x1  }
0x3f: {  	v1 =	vadd.f32 v1, v4;
	_ =	sdelay $0x1  }
0x40: {  	v1 =	vmax.f32 v1, $0.0e+00  }
0x41: {  	v1 =	vmul.f32 $1.442695020e+00, v1;
	_ =	sdelay $0x1  }
0x42: {  	(erf) = vpow2.f32 v1;
	_ =	sdelay $0x8  }
0x43: {  	s20 =	sadd.s32 $0x1, s20;
	v1 =	vpop (erf)  }
0x44: {  	p0 =	sne.s32 s20, $0x5;
	[tilespmem:s22+$0x8E80] =	vst v1  }
.Ltmp2:
0x45: {  	s21 =	sadd.s32 s6, s21;
	[tilespmem:v2+s16+$0x0] =	vst.idx.add.f32.msk $0xffff, v1;
	(pc) =	sbr.rel @p0 .LBB2_4-.Ltmp2, $4  }
0x46: {  	[hbm4b:s21+s2] =	stream.linear.scatter [tilespmem:s17], [sflag:$0x1], $0x7D0, $0x38;
	[tilespmem:$0x9680] =	vst v63  }
0x47: {  	_ =	swait.ge [sflag:s11], $0x7D0  }
0x48: {  	[sflag:s11] =	ssyncset.done $0x0  }
0x49: {  	[sflag:s11] =	ssyncadd.s32 $0xFFFFF830  }
0x4a: {  	s18 =	sadd.s32 $0x1, s18  }
0x4b: {  	p0 =	sne.s32 s18, s10  }
.Ltmp3:
0x4c: {  	_ = 	snop;
	(pc) =	sbr.rel @p0 .LBB2_1-.Ltmp3, $4  }
0x4d: {  	[hbm4b:s9+s2] =	stream.linear.scatter [tilespmem:s16], [sflag:$0x1], $0x2710, $0x38;
	[tilespmem:$0x9680] =	vst v63  }
0x4e: {  	_ =	swait.ge [sflag:s11], $0x2710  }
0x4f: {  	[sflag:s11] =	ssyncset.done $0x0  }
0x50: {  	[sflag:s11] =	ssyncadd.s32 $0xFFFFD8F0  }
0x51: {  	_ =	sfence.sel $0x180000  }
0x52: {  	[bflag:$0x0] =	sbarrier.arrive $0xFFFF  }
0x53: {  	p0 =	sne.s32 s1, $0x0;
	_ =	strace $0x90000047  }
0x54: {  	s0 =	sadd.s32 @!p0 $0x100000, s0;
	[bflag:$0x2] =	sbarrier.arrive $0xFFFF  }
0x55: {  	[sflag:s0] =	ssyncadd.tile.s32 @!p0 $0x1;
	_ =	shalt  }
.Lfunc_end2:
_tile_overlayer_lowered:
.L_overlay_start_2:
0x56: {  	(tag) =	ssettag $0x2  }
0x57: {  	s0 =	rddreg [dreg:$0x0];
	s2 =	stileid.u32  }
0x58: {  	s1 =	rddreg [dreg:$0x1];
	p0 =	sne.s32 s2, $0x0  }
0x59: {  	s3 =	rddreg [dreg:$0x2];
	[bflag:$0x3] =	sbarrier.arrive $0xFFFF;
	s2 =	simm.s32 @!p0 $0x1C01  }
0x5a: {  	[timem:s3], [sflag:s2] =	dma.local @!p0 [hbm:s0], s1  }
0x5b: {  	s0 =	simm.s32 @!p0 $0x1  }
0x5c: {  	_ =	swait.ge @!p0 [sflag:s0], s1  }
0x5d: {  	s1 =	ssub.s32 @!p0 $0x0, s1;
	[sflag:s0] =	ssyncset.done @!p0 $0x0  }
0x5e: {  	[sflag:s0] =	ssyncadd.s32 @!p0 s1  }
0x5f: {  	[bflag:$0x3] =	sbarrier.arrive $0xFFFF  }
0x60: {  	_ =	shalt  }

</sc_bundles>
